<compile_context>
chip_gen: v7x
topology: tpu7x:2x2x1
jax: 0.10.2.dev20260603
libtpu: 0.0.44.dev20260713+nightly
codegen_flags: <defaults>
</compile_context>

<pallas_src>
import functools

import jax
import jax.numpy as jnp
from jax import lax
from jax.experimental import pallas as pl
from jax.experimental.pallas import tpu as pltpu
from jax.experimental.pallas import tpu_sc as plsc

_G = 16
_CHUNK = 1024


def _make_kernel(M, L, C, B):
    info = plsc.get_sparse_core_info()
    NC, NS = info.num_cores, info.num_subcores
    NW = NC * NS
    assert M % NW == 0
    tpw = M // NW
    gpc = _CHUNK // _G
    nch = B // _CHUNK

    mesh = plsc.VectorSubcoreMesh(core_axis_name="c", subcore_axis_name="s")

    @functools.partial(
        pl.kernel,
        mesh=mesh,
        compiler_params=pltpu.CompilerParams(
            use_tc_tiling_on_sc=True, needs_layout_passes=False),
        out_type=jax.ShapeDtypeStruct((M, C, B), jnp.float32),
        scratch_types=[
            pltpu.VMEM((B,), jnp.int32),
            pltpu.VMEM((3, _G, C, 128), jnp.float32),
            pltpu.VMEM((C, _CHUNK), jnp.float32),
            pltpu.SemaphoreType.DMA((3,)),
        ],
    )
    def k(table_hbm, idx_hbm, out_hbm, idx_v, blk_v, out_v, sem):
        wid = lax.axis_index("s") * NC + lax.axis_index("c")
        ci = lax.iota(jnp.int32, C)

        def issue(t, g, buf):
            lv = idx_v[pl.ds(g * _G, _G)]
            for u in range(_G):
                li = lv[u]
                col0 = pl.multiple_of((li >> 7) << 7, 128)
                pltpu.async_copy(
                    table_hbm.at[t, :, pl.ds(col0, 128)],
                    blk_v.at[buf, u], sem.at[buf])
            return lv & 127

        def drain(t, buf):
            for u in range(_G):
                pltpu.make_async_copy(
                    table_hbm.at[t, :, pl.ds(0, 128)],
                    blk_v.at[buf, u], sem.at[buf]).wait()

        def process(buf, offv, lb):
            for u in range(_G):
                vals = plsc.load_gather(
                    blk_v,
                    [lax.broadcast(buf, (C,)),
                     jnp.full((C,), u, jnp.int32), ci,
                     lax.broadcast(offv[u], (C,))],
                )
                plsc.store_scatter(
                    out_v, [ci, lb + u + jnp.zeros((C,), jnp.int32)], vals)

        def tree_body(tl, carry):
            t = wid * tpw + tl
            pltpu.sync_copy(idx_hbm.at[t], idx_v)

            def chunk_body(ch, carry):
                g0 = ch * gpc
                glast = g0 + gpc - 1
                off0 = issue(t, g0, jnp.int32(0))
                off1 = issue(t, g0 + 1, jnp.int32(1))

                def grp_body(p, offs):
                    off_a, off_b = offs
                    r = lax.rem(p, 3)
                    r2 = lax.rem(p + 2, 3)
                    drain(t, r)
                    offn = issue(t, jnp.minimum(g0 + p + 2, glast), r2)
                    process(r, off_a, p * _G)
                    return (off_b, offn)

                lax.fori_loop(0, gpc, grp_body, (off0, off1))
                drain(t, lax.rem(jnp.int32(gpc), 3))
                drain(t, lax.rem(jnp.int32(gpc + 1), 3))
                pltpu.sync_copy(
                    out_v, out_hbm.at[t, :, pl.ds(ch * _CHUNK, _CHUNK)])
                return carry

            lax.fori_loop(0, nch, chunk_body, 0)
            return carry

        lax.fori_loop(0, tpw, tree_body, 0)

    return k


def kernel(x, idx, leafs):
    M, L, C = leafs.shape
    B = idx.shape[0]
    table = leafs.transpose(0, 2, 1)
    out_t = _make_kernel(M, L, C, B)(table, idx.T)
    return out_t.transpose(0, 2, 1)

# --- scband reference (transcript-rebuilt; emitter-appended) ---
"""Pipeline reference for scband-ncrandom-forest-classifier-24335284699674 (READ-ONLY COPY).

The authoritative reference and input builder live on the scoring server;
editing this copy changes nothing except your own understanding.
"""

import jax, jax.numpy as jnp
import numpy as np

M = 64       # number of trees in base_forest.estimators_
L = 100000   # leaves per tree (uniform for benchmarking)
C = 16       # number of classes
B = 4096     # batch size
D = 128      # feature dim (x is carried through forward signature but unused by the gather)


def setup_inputs(seed: int = 0) -> dict:
    key = jax.random.key(seed)
    k1, k2, k3 = jax.random.split(key, 3)
    x = jax.random.normal(k1, (B, D), dtype=jnp.float32)
    # idx[:, i] holds the leaf index reached in tree i for each example (tree.apply output)
    idx = jax.random.randint(k2, (B, M), 0, L, dtype=jnp.int32)
    # self.leafs: per-tree leaf class-probability tables, normalized like tree_.value / sum
    raw = jax.random.uniform(k3, (M, L, C), dtype=jnp.float32) + 1e-3
    leafs = raw / raw.sum(axis=-1, keepdims=True)
    return {"x": x, "idx": idx, "leafs": leafs}


def reference(x, idx, leafs):
    # Faithful translation of NCRandomForestClassifier.forward:
    #   pred = []
    #   for i in range(len(self.base_forest.estimators_)):
    #       pred.append(self.leafs[i][idx[:, i]])
    #   return torch.stack(pred)
    M_ = leafs.shape[0]
    pred = []
    for i in range(M_):
        pred.append(leafs[i][idx[:, i]])  # gather: (B, C)
    return jnp.stack(pred)  # (M, B, C)

if __name__ == "__main__":
    import jax
    _d = setup_inputs()
    print(jax.jit(kernel)(*tuple(_d.values())))

</pallas_src>

<mosaic_0001>
#map = affine_map<(d0, d1) -> (0, 0, 0)>
#map1 = affine_map<(d0, d1) -> (0, 0)>
module attributes {stable_mosaic.version = 14 : i64} {
  func.func @k(%arg0: i32, %arg1: i32, %arg2: memref<64x16x100000xf32, #tpu.memory_space<hbm>>, %arg3: memref<64x4096xi32, #tpu.memory_space<hbm>>, %arg4: memref<64x16x4096xf32, #tpu.memory_space<hbm>>, %arg5: memref<4096xi32, #tpu.memory_space<vmem>>, %arg6: memref<3x16x16x128xf32, #tpu.memory_space<vmem>>, %arg7: memref<16x1024xf32, #tpu.memory_space<vmem>>, %arg8: memref<3x!tpu.dma_semaphore, #tpu.memory_space<semaphore_mem>>) attributes {dimension_semantics = [#tpu.dimension_semantics<core_parallel>, #tpu.dimension_semantics<subcore_parallel>], iteration_bounds = array<i64: 2, 16>, scalar_prefetch = 0 : i64, scratch_operands = 4 : i64, tpu.core_type = #tpu.core_type<sc_vector_subcore>, window_params = [{transform_indices = #map}, {transform_indices = #map1}, {transform_indices = #map}]} {
    %mul3A = arith.constant 2 : i32
    %mul3A_0 = arith.muli %arg1, %mul3A : i32
    %add3A = arith.addi %mul3A_0, %arg0 : i32
    %iota3A = tpu.iota {dimensions = array<i32: 0>} : vector<16xi32>
    %scan3A = arith.constant 0 : i32
    %scan3A_1 = arith.constant 0 : i32
    %scan3A_2 = arith.constant 2 : i32
    %scan3A_3 = arith.addi %scan3A_1, %scan3A_2 : i32
    %scan3A_4 = arith.constant 1 : i32
    scf.for %scan3A_6 = %scan3A_1 to %scan3A_3 step %scan3A_4  : i32 {
      %mul3A_7 = arith.constant 2 : i32
      %mul3A_8 = arith.muli %add3A, %mul3A_7 : i32
      %add3A_9 = arith.addi %mul3A_8, %scan3A_6 : i32
      "tpu.region"() ({
        %run_scoped3A = tpu.sem_alloc : memref<!tpu.dma_semaphore, #tpu.memory_space<semaphore_mem>>
        %dma_start3A = arith.constant 0 : i32
        %dma_start3A_16 = tpu.memref_slice %arg3[%add3A_9, %dma_start3A] : memref<64x4096xi32, #tpu.memory_space<hbm>> -> memref<1x4096xi32, #tpu.memory_space<hbm>>
        %dma_start3A_17 = tpu.memref_squeeze %dma_start3A_16 : memref<1x4096xi32, #tpu.memory_space<hbm>> -> memref<4096xi32, #tpu.memory_space<hbm>>
        %dma_start3A_18 = arith.constant 0 : i32
        %dma_start3A_19 = tpu.memref_slice %arg3[%add3A_9, %dma_start3A_18] : memref<64x4096xi32, #tpu.memory_space<hbm>> -> memref<1x4096xi32, #tpu.memory_space<hbm>>
        %dma_start3A_20 = tpu.memref_squeeze %dma_start3A_19 : memref<1x4096xi32, #tpu.memory_space<hbm>> -> memref<4096xi32, #tpu.memory_space<hbm>>
        tpu.enqueue_dma source(%dma_start3A_20 : memref<4096xi32, #tpu.memory_space<hbm>>) target(%arg5 : memref<4096xi32, #tpu.memory_space<vmem>>) target_semaphore(%run_scoped3A : memref<!tpu.dma_semaphore, #tpu.memory_space<semaphore_mem>>)
        %dma_wait3A = arith.constant 0 : i32
        %dma_wait3A_21 = tpu.memref_slice %arg3[%add3A_9, %dma_wait3A] : memref<64x4096xi32, #tpu.memory_space<hbm>> -> memref<1x4096xi32, #tpu.memory_space<hbm>>
        %dma_wait3A_22 = tpu.memref_squeeze %dma_wait3A_21 : memref<1x4096xi32, #tpu.memory_space<hbm>> -> memref<4096xi32, #tpu.memory_space<hbm>>
        %dma_wait3A_23 = arith.constant 0 : i32
        %dma_wait3A_24 = tpu.memref_slice %arg3[%add3A_9, %dma_wait3A_23] : memref<64x4096xi32, #tpu.memory_space<hbm>> -> memref<1x4096xi32, #tpu.memory_space<hbm>>
        %dma_wait3A_25 = tpu.memref_squeeze %dma_wait3A_24 : memref<1x4096xi32, #tpu.memory_space<hbm>> -> memref<4096xi32, #tpu.memory_space<hbm>>
        tpu.wait_dma2 semaphore(%run_scoped3A : memref<!tpu.dma_semaphore, #tpu.memory_space<semaphore_mem>>) src(%dma_wait3A_25 : memref<4096xi32, #tpu.memory_space<hbm>>) dst(%arg5 : memref<4096xi32, #tpu.memory_space<vmem>>)
        tpu.yield
      }) : () -> ()
      %scan3A_10 = arith.constant 0 : i32
      %scan3A_11 = arith.constant 0 : i32
      %scan3A_12 = arith.constant 4 : i32
      %scan3A_13 = arith.addi %scan3A_11, %scan3A_12 : i32
      %scan3A_14 = arith.constant 1 : i32
      scf.for %scan3A_16 = %scan3A_11 to %scan3A_13 step %scan3A_14  : i32 {
        %mul3A_17 = arith.constant 64 : i32
        %mul3A_18 = arith.muli %scan3A_16, %mul3A_17 : i32
        %add3A_19 = arith.constant 64 : i32
        %add3A_20 = arith.addi %mul3A_18, %add3A_19 : i32
        %sub3A = arith.constant 1 : i32
        %sub3A_21 = arith.subi %add3A_20, %sub3A : i32
        %mul3A_22 = arith.constant 16 : i32
        %mul3A_23 = arith.muli %mul3A_18, %mul3A_22 : i32
        %get3A = arith.index_cast %mul3A_23 : i32 to index
        %get3A_24 = tpu.vector_load %arg5[%get3A] {strides = array<i32>} : memref<4096xi32, #tpu.memory_space<vmem>>, vector<16xi32>,
        %slice3A = vector.extract_strided_slice %get3A_24 {offsets = [0], sizes = [1], strides = [1]} : vector<16xi32> to vector<1xi32>
        %squeeze3A = vector.extract %slice3A[0] : i32 from vector<1xi32>
        %shift_right_arithmetic3A = arith.constant 7 : i32
        %shift_right_arithmetic3A_25 = arith.shrsi %squeeze3A, %shift_right_arithmetic3A : i32
        %shift_left3A = arith.constant 7 : i32
        %shift_left3A_26 = arith.shli %shift_right_arithmetic3A_25, %shift_left3A : i32
        %multiple_of3A = tpu.assume_multiple %shift_left3A_26, 128 : i32
        %dma_start3A = arith.constant 0 : i32
        %dma_start3A_27 = arith.constant 0 : i32
        %dma_start3A_28 = arith.constant 0 : i32
        %dma_start3A_29 = arith.constant 0 : i32
        %dma_start3A_30 = arith.constant 0 : i32
        %dma_start3A_31 = tpu.memref_slice %arg6[%dma_start3A, %dma_start3A_27, %dma_start3A_29, %dma_start3A_30] : memref<3x16x16x128xf32, #tpu.memory_space<vmem>> -> memref<1x1x16x128xf32, #tpu.memory_space<vmem>>
        %dma_start3A_32 = tpu.memref_squeeze %dma_start3A_31 : memref<1x1x16x128xf32, #tpu.memory_space<vmem>> -> memref<16x128xf32, #tpu.memory_space<vmem>>
        %dma_start3A_33 = arith.constant 0 : i32
        %dma_start3A_34 = tpu.memref_slice %arg2[%add3A_9, %dma_start3A_33, %multiple_of3A] : memref<64x16x100000xf32, #tpu.memory_space<hbm>> -> memref<1x16x128xf32, #tpu.memory_space<hbm>>
        %dma_start3A_35 = tpu.memref_squeeze %dma_start3A_34 : memref<1x16x128xf32, #tpu.memory_space<hbm>> -> memref<16x128xf32, #tpu.memory_space<hbm>>
        %dma_start3A_36 = tpu.memref_slice %arg8[%dma_start3A_28] : memref<3x!tpu.dma_semaphore, #tpu.memory_space<semaphore_mem>> -> memref<1x!tpu.dma_semaphore, #tpu.memory_space<semaphore_mem>>
        %dma_start3A_37 = tpu.memref_squeeze %dma_start3A_36 : memref<1x!tpu.dma_semaphore, #tpu.memory_space<semaphore_mem>> -> memref<!tpu.dma_semaphore, #tpu.memory_space<semaphore_mem>>
        %dma_start3A_38 = arith.constant 0 : i32
        %dma_start3A_39 = arith.constant 0 : i32
        %dma_start3A_40 = tpu.memref_slice %arg6[%dma_start3A, %dma_start3A_27, %dma_start3A_38, %dma_start3A_39] : memref<3x16x16x128xf32, #tpu.memory_space<vmem>> -> memref<1x1x16x128xf32, #tpu.memory_space<vmem>>
        %dma_start3A_41 = tpu.memref_squeeze %dma_start3A_40 : memref<1x1x16x128xf32, #tpu.memory_space<vmem>> -> memref<16x128xf32, #tpu.memory_space<vmem>>
        %dma_start3A_42 = arith.constant 0 : i32
        %dma_start3A_43 = tpu.memref_slice %arg2[%add3A_9, %dma_start3A_42, %multiple_of3A] : memref<64x16x100000xf32, #tpu.memory_space<hbm>> -> memref<1x16x128xf32, #tpu.memory_space<hbm>>
        %dma_start3A_44 = tpu.memref_squeeze %dma_start3A_43 : memref<1x16x128xf32, #tpu.memory_space<hbm>> -> memref<16x128xf32, #tpu.memory_space<hbm>>
        tpu.enqueue_dma source(%dma_start3A_44 : memref<16x128xf32, #tpu.memory_space<hbm>>) target(%dma_start3A_41 : memref<16x128xf32, #tpu.memory_space<vmem>>) target_semaphore(%dma_start3A_37 : memref<!tpu.dma_semaphore, #tpu.memory_space<semaphore_mem>>)
        %slice3A_45 = vector.extract_strided_slice %get3A_24 {offsets = [1], sizes = [1], strides = [1]} : vector<16xi32> to vector<1xi32>
        %squeeze3A_46 = vector.extract %slice3A_45[0] : i32 from vector<1xi32>
        %shift_right_arithmetic3A_47 = arith.constant 7 : i32
        %shift_right_arithmetic3A_48 = arith.shrsi %squeeze3A_46, %shift_right_arithmetic3A_47 : i32
        %shift_left3A_49 = arith.constant 7 : i32
        %shift_left3A_50 = arith.shli %shift_right_arithmetic3A_48, %shift_left3A_49 : i32
        %multiple_of3A_51 = tpu.assume_multiple %shift_left3A_50, 128 : i32
        %dma_start3A_52 = arith.constant 0 : i32
        %dma_start3A_53 = arith.constant 1 : i32
        %dma_start3A_54 = arith.constant 0 : i32
        %dma_start3A_55 = arith.constant 0 : i32
        %dma_start3A_56 = arith.constant 0 : i32
        %dma_start3A_57 = tpu.memref_slice %arg6[%dma_start3A_52, %dma_start3A_53, %dma_start3A_55, %dma_start3A_56] : memref<3x16x16x128xf32, #tpu.memory_space<vmem>> -> memref<1x1x16x128xf32, #tpu.memory_space<vmem>>
        %dma_start3A_58 = tpu.memref_squeeze %dma_start3A_57 : memref<1x1x16x128xf32, #tpu.memory_space<vmem>> -> memref<16x128xf32, #tpu.memory_space<vmem>>
        %dma_start3A_59 = arith.constant 0 : i32
        %dma_start3A_60 = tpu.memref_slice %arg2[%add3A_9, %dma_start3A_59, %multiple_of3A_51] : memref<64x16x100000xf32, #tpu.memory_space<hbm>> -> memref<1x16x128xf32, #tpu.memory_space<hbm>>
        %dma_start3A_61 = tpu.memref_squeeze %dma_start3A_60 : memref<1x16x128xf32, #tpu.memory_space<hbm>> -> memref<16x128xf32, #tpu.memory_space<hbm>>
        %dma_start3A_62 = tpu.memref_slice %arg8[%dma_start3A_54] : memref<3x!tpu.dma_semaphore, #tpu.memory_space<semaphore_mem>> -> memref<1x!tpu.dma_semaphore, #tpu.memory_space<semaphore_mem>>
        %dma_start3A_63 = tpu.memref_squeeze %dma_start3A_62 : memref<1x!tpu.dma_semaphore, #tpu.memory_space<semaphore_mem>> -> memref<!tpu.dma_semaphore, #tpu.memory_space<semaphore_mem>>
        %dma_start3A_64 = arith.constant 0 : i32
        %dma_start3A_65 = arith.constant 0 : i32
        %dma_start3A_66 = tpu.memref_slice %arg6[%dma_start3A_52, %dma_start3A_53, %dma_start3A_64, %dma_start3A_65] : memref<3x16x16x128xf32, #tpu.memory_space<vmem>> -> memref<1x1x16x128xf32, #tpu.memory_space<vmem>>
        %dma_start3A_67 = tpu.memref_squeeze %dma_start3A_66 : memref<1x1x16x128xf32, #tpu.memory_space<vmem>> -> memref<16x128xf32, #tpu.memory_space<vmem>>
        %dma_start3A_68 = arith.constant 0 : i32
        %dma_start3A_69 = tpu.memref_slice %arg2[%add3A_9, %dma_start3A_68, %multiple_of3A_51] : memref<64x16x100000xf32, #tpu.memory_space<hbm>> -> memref<1x16x128xf32, #tpu.memory_space<hbm>>
        %dma_start3A_70 = tpu.memref_squeeze %dma_start3A_69 : memref<1x16x128xf32, #tpu.memory_space<hbm>> -> memref<16x128xf32, #tpu.memory_space<hbm>>
        tpu.enqueue_dma source(%dma_start3A_70 : memref<16x128xf32, #tpu.memory_space<hbm>>) target(%dma_start3A_67 : memref<16x128xf32, #tpu.memory_space<vmem>>) target_semaphore(%dma_start3A_63 : memref<!tpu.dma_semaphore, #tpu.memory_space<semaphore_mem>>)
        %slice3A_71 = vector.extract_strided_slice %get3A_24 {offsets = [2], sizes = [1], strides = [1]} : vector<16xi32> to vector<1xi32>
        %squeeze3A_72 = vector.extract %slice3A_71[0] : i32 from vector<1xi32>
        %shift_right_arithmetic3A_73 = arith.constant 7 : i32
        %shift_right_arithmetic3A_74 = arith.shrsi %squeeze3A_72, %shift_right_arithmetic3A_73 : i32
        %shift_left3A_75 = arith.constant 7 : i32
        %shift_left3A_76 = arith.shli %shift_right_arithmetic3A_74, %shift_left3A_75 : i32
        %multiple_of3A_77 = tpu.assume_multiple %shift_left3A_76, 128 : i32
        %dma_start3A_78 = arith.constant 0 : i32
        %dma_start3A_79 = arith.constant 2 : i32
        %dma_start3A_80 = arith.constant 0 : i32
        %dma_start3A_81 = arith.constant 0 : i32
        %dma_start3A_82 = arith.constant 0 : i32
        %dma_start3A_83 = tpu.memref_slice %arg6[%dma_start3A_78, %dma_start3A_79, %dma_start3A_81, %dma_start3A_82] : memref<3x16x16x128xf32, #tpu.memory_space<vmem>> -> memref<1x1x16x128xf32, #tpu.memory_space<vmem>>
        %dma_start3A_84 = tpu.memref_squeeze %dma_start3A_83 : memref<1x1x16x128xf32, #tpu.memory_space<vmem>> -> memref<16x128xf32, #tpu.memory_space<vmem>>
        %dma_start3A_85 = arith.constant 0 : i32
        %dma_start3A_86 = tpu.memref_slice %arg2[%add3A_9, %dma_start3A_85, %multiple_of3A_77] : memref<64x16x100000xf32, #tpu.memory_space<hbm>> -> memref<1x16x128xf32, #tpu.memory_space<hbm>>
        %dma_start3A_87 = tpu.memref_squeeze %dma_start3A_86 : memref<1x16x128xf32, #tpu.memory_space<hbm>> -> memref<16x128xf32, #tpu.memory_space<hbm>>
        %dma_start3A_88 = tpu.memref_slice %arg8[%dma_start3A_80] : memref<3x!tpu.dma_semaphore, #tpu.memory_space<semaphore_mem>> -> memref<1x!tpu.dma_semaphore, #tpu.memory_space<semaphore_mem>>
        %dma_start3A_89 = tpu.memref_squeeze %dma_start3A_88 : memref<1x!tpu.dma_semaphore, #tpu.memory_space<semaphore_mem>> -> memref<!tpu.dma_semaphore, #tpu.memory_space<semaphore_mem>>
        %dma_start3A_90 = arith.constant 0 : i32
        %dma_start3A_91 = arith.constant 0 : i32
        %dma_start3A_92 = tpu.memref_slice %arg6[%dma_start3A_78, %dma_start3A_79, %dma_start3A_90, %dma_start3A_91] : memref<3x16x16x128xf32, #tpu.memory_space<vmem>> -> memref<1x1x16x128xf32, #tpu.memory_space<vmem>>
        %dma_start3A_93 = tpu.memref_squeeze %dma_start3A_92 : memref<1x1x16x128xf32, #tpu.memory_space<vmem>> -> memref<16x128xf32, #tpu.memory_space<vmem>>
        %dma_start3A_94 = arith.constant 0 : i32
        %dma_start3A_95 = tpu.memref_slice %arg2[%add3A_9, %dma_start3A_94, %multiple_of3A_77] : memref<64x16x100000xf32, #tpu.memory_space<hbm>> -> memref<1x16x128xf32, #tpu.memory_space<hbm>>
        %dma_start3A_96 = tpu.memref_squeeze %dma_start3A_95 : memref<1x16x128xf32, #tpu.memory_space<hbm>> -> memref<16x128xf32, #tpu.memory_space<hbm>>
        tpu.enqueue_dma source(%dma_start3A_96 : memref<16x128xf32, #tpu.memory_space<hbm>>) target(%dma_start3A_93 : memref<16x128xf32, #tpu.memory_space<vmem>>) target_semaphore(%dma_start3A_89 : memref<!tpu.dma_semaphore, #tpu.memory_space<semaphore_mem>>)
        %slice3A_97 = vector.extract_strided_slice %get3A_24 {offsets = [3], sizes = [1], strides = [1]} : vector<16xi32> to vector<1xi32>
        %squeeze3A_98 = vector.extract %slice3A_97[0] : i32 from vector<1xi32>
        %shift_right_arithmetic3A_99 = arith.constant 7 : i32
        %shift_right_arithmetic3A_100 = arith.shrsi %squeeze3A_98, %shift_right_arithmetic3A_99 : i32
        %shift_left3A_101 = arith.constant 7 : i32
        %shift_left3A_102 = arith.shli %shift_right_arithmetic3A_100, %shift_left3A_101 : i32
        %multiple_of3A_103 = tpu.assume_multiple %shift_left3A_102, 128 : i32
        %dma_start3A_104 = arith.constant 0 : i32
        %dma_start3A_105 = arith.constant 3 : i32
        %dma_start3A_106 = arith.constant 0 : i32
        %dma_start3A_107 = arith.constant 0 : i32
        %dma_start3A_108 = arith.constant 0 : i32
        %dma_start3A_109 = tpu.memref_slice %arg6[%dma_start3A_104, %dma_start3A_105, %dma_start3A_107, %dma_start3A_108] : memref<3x16x16x128xf32, #tpu.memory_space<vmem>> -> memref<1x1x16x128xf32, #tpu.memory_space<vmem>>
        %dma_start3A_110 = tpu.memref_squeeze %dma_start3A_109 : memref<1x1x16x128xf32, #tpu.memory_space<vmem>> -> memref<16x128xf32, #tpu.memory_space<vmem>>
        %dma_start3A_111 = arith.constant 0 : i32
        %dma_start3A_112 = tpu.memref_slice %arg2[%add3A_9, %dma_start3A_111, %multiple_of3A_103] : memref<64x16x100000xf32, #tpu.memory_space<hbm>> -> memref<1x16x128xf32, #tpu.memory_space<hbm>>
        %dma_start3A_113 = tpu.memref_squeeze %dma_start3A_112 : memref<1x16x128xf32, #tpu.memory_space<hbm>> -> memref<16x128xf32, #tpu.memory_space<hbm>>
        %dma_start3A_114 = tpu.memref_slice %arg8[%dma_start3A_106] : memref<3x!tpu.dma_semaphore, #tpu.memory_space<semaphore_mem>> -> memref<1x!tpu.dma_semaphore, #tpu.memory_space<semaphore_mem>>
        %dma_start3A_115 = tpu.memref_squeeze %dma_start3A_114 : memref<1x!tpu.dma_semaphore, #tpu.memory_space<semaphore_mem>> -> memref<!tpu.dma_semaphore, #tpu.memory_space<semaphore_mem>>
        %dma_start3A_116 = arith.constant 0 : i32
        %dma_start3A_117 = arith.constant 0 : i32
        %dma_start3A_118 = tpu.memref_slice %arg6[%dma_start3A_104, %dma_start3A_105, %dma_start3A_116, %dma_start3A_117] : memref<3x16x16x128xf32, #tpu.memory_space<vmem>> -> memref<1x1x16x128xf32, #tpu.memory_space<vmem>>
        %dma_start3A_119 = tpu.memref_squeeze %dma_start3A_118 : memref<1x1x16x128xf32, #tpu.memory_space<vmem>> -> memref<16x128xf32, #tpu.memory_space<vmem>>
        %dma_start3A_120 = arith.constant 0 : i32
        %dma_start3A_121 = tpu.memref_slice %arg2[%add3A_9, %dma_start3A_120, %multiple_of3A_103] : memref<64x16x100000xf32, #tpu.memory_space<hbm>> -> memref<1x16x128xf32, #tpu.memory_space<hbm>>
        %dma_start3A_122 = tpu.memref_squeeze %dma_start3A_121 : memref<1x16x128xf32, #tpu.memory_space<hbm>> -> memref<16x128xf32, #tpu.memory_space<hbm>>
        tpu.enqueue_dma source(%dma_start3A_122 : memref<16x128xf32, #tpu.memory_space<hbm>>) target(%dma_start3A_119 : memref<16x128xf32, #tpu.memory_space<vmem>>) target_semaphore(%dma_start3A_115 : memref<!tpu.dma_semaphore, #tpu.memory_space<semaphore_mem>>)
        %slice3A_123 = vector.extract_strided_slice %get3A_24 {offsets = [4], sizes = [1], strides = [1]} : vector<16xi32> to vector<1xi32>
        %squeeze3A_124 = vector.extract %slice3A_123[0] : i32 from vector<1xi32>
        %shift_right_arithmetic3A_125 = arith.constant 7 : i32
        %shift_right_arithmetic3A_126 = arith.shrsi %squeeze3A_124, %shift_right_arithmetic3A_125 : i32
        %shift_left3A_127 = arith.constant 7 : i32
        %shift_left3A_128 = arith.shli %shift_right_arithmetic3A_126, %shift_left3A_127 : i32
        %multiple_of3A_129 = tpu.assume_multiple %shift_left3A_128, 128 : i32
        %dma_start3A_130 = arith.constant 0 : i32
        %dma_start3A_131 = arith.constant 4 : i32
        %dma_start3A_132 = arith.constant 0 : i32
        %dma_start3A_133 = arith.constant 0 : i32
        %dma_start3A_134 = arith.constant 0 : i32
        %dma_start3A_135 = tpu.memref_slice %arg6[%dma_start3A_130, %dma_start3A_131, %dma_start3A_133, %dma_start3A_134] : memref<3x16x16x128xf32, #tpu.memory_space<vmem>> -> memref<1x1x16x128xf32, #tpu.memory_space<vmem>>
        %dma_start3A_136 = tpu.memref_squeeze %dma_start3A_135 : memref<1x1x16x128xf32, #tpu.memory_space<vmem>> -> memref<16x128xf32, #tpu.memory_space<vmem>>
        %dma_start3A_137 = arith.constant 0 : i32
        %dma_start3A_138 = tpu.memref_slice %arg2[%add3A_9, %dma_start3A_137, %multiple_of3A_129] : memref<64x16x100000xf32, #tpu.memory_space<hbm>> -> memref<1x16x128xf32, #tpu.memory_space<hbm>>
        %dma_start3A_139 = tpu.memref_squeeze %dma_start3A_138 : memref<1x16x128xf32, #tpu.memory_space<hbm>> -> memref<16x128xf32, #tpu.memory_space<hbm>>
        %dma_start3A_140 = tpu.memref_slice %arg8[%dma_start3A_132] : memref<3x!tpu.dma_semaphore, #tpu.memory_space<semaphore_mem>> -> memref<1x!tpu.dma_semaphore, #tpu.memory_space<semaphore_mem>>
        %dma_start3A_141 = tpu.memref_squeeze %dma_start3A_140 : memref<1x!tpu.dma_semaphore, #tpu.memory_space<semaphore_mem>> -> memref<!tpu.dma_semaphore, #tpu.memory_space<semaphore_mem>>
        %dma_start3A_142 = arith.constant 0 : i32
        %dma_start3A_143 = arith.constant 0 : i32
        %dma_start3A_144 = tpu.memref_slice %arg6[%dma_start3A_130, %dma_start3A_131, %dma_start3A_142, %dma_start3A_143] : memref<3x16x16x128xf32, #tpu.memory_space<vmem>> -> memref<1x1x16x128xf32, #tpu.memory_space<vmem>>
        %dma_start3A_145 = tpu.memref_squeeze %dma_start3A_144 : memref<1x1x16x128xf32, #tpu.memory_space<vmem>> -> memref<16x128xf32, #tpu.memory_space<vmem>>
        %dma_start3A_146 = arith.constant 0 : i32
        %dma_start3A_147 = tpu.memref_slice %arg2[%add3A_9, %dma_start3A_146, %multiple_of3A_129] : memref<64x16x100000xf32, #tpu.memory_space<hbm>> -> memref<1x16x128xf32, #tpu.memory_space<hbm>>
        %dma_start3A_148 = tpu.memref_squeeze %dma_start3A_147 : memref<1x16x128xf32, #tpu.memory_space<hbm>> -> memref<16x128xf32, #tpu.memory_space<hbm>>
        tpu.enqueue_dma source(%dma_start3A_148 : memref<16x128xf32, #tpu.memory_space<hbm>>) target(%dma_start3A_145 : memref<16x128xf32, #tpu.memory_space<vmem>>) target_semaphore(%dma_start3A_141 : memref<!tpu.dma_semaphore, #tpu.memory_space<semaphore_mem>>)
        %slice3A_149 = vector.extract_strided_slice %get3A_24 {offsets = [5], sizes = [1], strides = [1]} : vector<16xi32> to vector<1xi32>
        %squeeze3A_150 = vector.extract %slice3A_149[0] : i32 from vector<1xi32>
        %shift_right_arithmetic3A_151 = arith.constant 7 : i32
        %shift_right_arithmetic3A_152 = arith.shrsi %squeeze3A_150, %shift_right_arithmetic3A_151 : i32
        %shift_left3A_153 = arith.constant 7 : i32
        %shift_left3A_154 = arith.shli %shift_right_arithmetic3A_152, %shift_left3A_153 : i32
        %multiple_of3A_155 = tpu.assume_multiple %shift_left3A_154, 128 : i32
        %dma_start3A_156 = arith.constant 0 : i32
        %dma_start3A_157 = arith.constant 5 : i32
        %dma_start3A_158 = arith.constant 0 : i32
        %dma_start3A_159 = arith.constant 0 : i32
        %dma_start3A_160 = arith.constant 0 : i32
        %dma_start3A_161 = tpu.memref_slice %arg6[%dma_start3A_156, %dma_start3A_157, %dma_start3A_159, %dma_start3A_160] : memref<3x16x16x128xf32, #tpu.memory_space<vmem>> -> memref<1x1x16x128xf32, #tpu.memory_space<vmem>>
        %dma_start3A_162 = tpu.memref_squeeze %dma_start3A_161 : memref<1x1x16x128xf32, #tpu.memory_space<vmem>> -> memref<16x128xf32, #tpu.memory_space<vmem>>
        %dma_start3A_163 = arith.constant 0 : i32
        %dma_start3A_164 = tpu.memref_slice %arg2[%add3A_9, %dma_start3A_163, %multiple_of3A_155] : memref<64x16x100000xf32, #tpu.memory_space<hbm>> -> memref<1x16x128xf32, #tpu.memory_space<hbm>>
        %dma_start3A_165 = tpu.memref_squeeze %dma_start3A_164 : memref<1x16x128xf32, #tpu.memory_space<hbm>> -> memref<16x128xf32, #tpu.memory_space<hbm>>
        %dma_start3A_166 = tpu.memref_slice %arg8[%dma_start3A_158] : memref<3x!tpu.dma_semaphore, #tpu.memory_space<semaphore_mem>> -> memref<1x!tpu.dma_semaphore, #tpu.memory_space<semaphore_mem>>
        %dma_start3A_167 = tpu.memref_squeeze %dma_start3A_166 : memref<1x!tpu.dma_semaphore, #tpu.memory_space<semaphore_mem>> -> memref<!tpu.dma_semaphore, #tpu.memory_space<semaphore_mem>>
        %dma_start3A_168 = arith.constant 0 : i32
        %dma_start3A_169 = arith.constant 0 : i32
        %dma_start3A_170 = tpu.memref_slice %arg6[%dma_start3A_156, %dma_start3A_157, %dma_start3A_168, %dma_start3A_169] : memref<3x16x16x128xf32, #tpu.memory_space<vmem>> -> memref<1x1x16x128xf32, #tpu.memory_space<vmem>>
        %dma_start3A_171 = tpu.memref_squeeze %dma_start3A_170 : memref<1x1x16x128xf32, #tpu.memory_space<vmem>> -> memref<16x128xf32, #tpu.memory_space<vmem>>
        %dma_start3A_172 = arith.constant 0 : i32
        %dma_start3A_173 = tpu.memref_slice %arg2[%add3A_9, %dma_start3A_172, %multiple_of3A_155] : memref<64x16x100000xf32, #tpu.memory_space<hbm>> -> memref<1x16x128xf32, #tpu.memory_space<hbm>>
        %dma_start3A_174 = tpu.memref_squeeze %dma_start3A_173 : memref<1x16x128xf32, #tpu.memory_space<hbm>> -> memref<16x128xf32, #tpu.memory_space<hbm>>
        tpu.enqueue_dma source(%dma_start3A_174 : memref<16x128xf32, #tpu.memory_space<hbm>>) target(%dma_start3A_171 : memref<16x128xf32, #tpu.memory_space<vmem>>) target_semaphore(%dma_start3A_167 : memref<!tpu.dma_semaphore, #tpu.memory_space<semaphore_mem>>)
        %slice3A_175 = vector.extract_strided_slice %get3A_24 {offsets = [6], sizes = [1], strides = [1]} : vector<16xi32> to vector<1xi32>
        %squeeze3A_176 = vector.extract %slice3A_175[0] : i32 from vector<1xi32>
        %shift_right_arithmetic3A_177 = arith.constant 7 : i32
        %shift_right_arithmetic3A_178 = arith.shrsi %squeeze3A_176, %shift_right_arithmetic3A_177 : i32
        %shift_left3A_179 = arith.constant 7 : i32
        %shift_left3A_180 = arith.shli %shift_right_arithmetic3A_178, %shift_left3A_179 : i32
        %multiple_of3A_181 = tpu.assume_multiple %shift_left3A_180, 128 : i32
        %dma_start3A_182 = arith.constant 0 : i32
        %dma_start3A_183 = arith.constant 6 : i32
        %dma_start3A_184 = arith.constant 0 : i32
        %dma_start3A_185 = arith.constant 0 : i32
        %dma_start3A_186 = arith.constant 0 : i32
        %dma_start3A_187 = tpu.memref_slice %arg6[%dma_start3A_182, %dma_start3A_183, %dma_start3A_185, %dma_start3A_186] : memref<3x16x16x128xf32, #tpu.memory_space<vmem>> -> memref<1x1x16x128xf32, #tpu.memory_space<vmem>>
        %dma_start3A_188 = tpu.memref_squeeze %dma_start3A_187 : memref<1x1x16x128xf32, #tpu.memory_space<vmem>> -> memref<16x128xf32, #tpu.memory_space<vmem>>
        %dma_start3A_189 = arith.constant 0 : i32
        %dma_start3A_190 = tpu.memref_slice %arg2[%add3A_9, %dma_start3A_189, %multiple_of3A_181] : memref<64x16x100000xf32, #tpu.memory_space<hbm>> -> memref<1x16x128xf32, #tpu.memory_space<hbm>>
        %dma_start3A_191 = tpu.memref_squeeze %dma_start3A_190 : memref<1x16x128xf32, #tpu.memory_space<hbm>> -> memref<16x128xf32, #tpu.memory_space<hbm>>
        %dma_start3A_192 = tpu.memref_slice %arg8[%dma_start3A_184] : memref<3x!tpu.dma_semaphore, #tpu.memory_space<semaphore_mem>> -> memref<1x!tpu.dma_semaphore, #tpu.memory_space<semaphore_mem>>
        %dma_start3A_193 = tpu.memref_squeeze %dma_start3A_192 : memref<1x!tpu.dma_semaphore, #tpu.memory_space<semaphore_mem>> -> memref<!tpu.dma_semaphore, #tpu.memory_space<semaphore_mem>>
        %dma_start3A_194 = arith.constant 0 : i32
        %dma_start3A_195 = arith.constant 0 : i32
        %dma_start3A_196 = tpu.memref_slice %arg6[%dma_start3A_182, %dma_start3A_183, %dma_start3A_194, %dma_start3A_195] : memref<3x16x16x128xf32, #tpu.memory_space<vmem>> -> memref<1x1x16x128xf32, #tpu.memory_space<vmem>>
        %dma_start3A_197 = tpu.memref_squeeze %dma_start3A_196 : memref<1x1x16x128xf32, #tpu.memory_space<vmem>> -> memref<16x128xf32, #tpu.memory_space<vmem>>
        %dma_start3A_198 = arith.constant 0 : i32
        %dma_start3A_199 = tpu.memref_slice %arg2[%add3A_9, %dma_start3A_198, %multiple_of3A_181] : memref<64x16x100000xf32, #tpu.memory_space<hbm>> -> memref<1x16x128xf32, #tpu.memory_space<hbm>>
        %dma_start3A_200 = tpu.memref_squeeze %dma_start3A_199 : memref<1x16x128xf32, #tpu.memory_space<hbm>> -> memref<16x128xf32, #tpu.memory_space<hbm>>
        tpu.enqueue_dma source(%dma_start3A_200 : memref<16x128xf32, #tpu.memory_space<hbm>>) target(%dma_start3A_197 : memref<16x128xf32, #tpu.memory_space<vmem>>) target_semaphore(%dma_start3A_193 : memref<!tpu.dma_semaphore, #tpu.memory_space<semaphore_mem>>)
        %slice3A_201 = vector.extract_strided_slice %get3A_24 {offsets = [7], sizes = [1], strides = [1]} : vector<16xi32> to vector<1xi32>
        %squeeze3A_202 = vector.extract %slice3A_201[0] : i32 from vector<1xi32>
        %shift_right_arithmetic3A_203 = arith.constant 7 : i32
        %shift_right_arithmetic3A_204 = arith.shrsi %squeeze3A_202, %shift_right_arithmetic3A_203 : i32
        %shift_left3A_205 = arith.constant 7 : i32
        %shift_left3A_206 = arith.shli %shift_right_arithmetic3A_204, %shift_left3A_205 : i32
        %multiple_of3A_207 = tpu.assume_multiple %shift_left3A_206, 128 : i32
        %dma_start3A_208 = arith.constant 0 : i32
        %dma_start3A_209 = arith.constant 7 : i32
        %dma_start3A_210 = arith.constant 0 : i32
        %dma_start3A_211 = arith.constant 0 : i32
        %dma_start3A_212 = arith.constant 0 : i32
        %dma_start3A_213 = tpu.memref_slice %arg6[%dma_start3A_208, %dma_start3A_209, %dma_start3A_211, %dma_start3A_212] : memref<3x16x16x128xf32, #tpu.memory_space<vmem>> -> memref<1x1x16x128xf32, #tpu.memory_space<vmem>>
        %dma_start3A_214 = tpu.memref_squeeze %dma_start3A_213 : memref<1x1x16x128xf32, #tpu.memory_space<vmem>> -> memref<16x128xf32, #tpu.memory_space<vmem>>
        %dma_start3A_215 = arith.constant 0 : i32
        %dma_start3A_216 = tpu.memref_slice %arg2[%add3A_9, %dma_start3A_215, %multiple_of3A_207] : memref<64x16x100000xf32, #tpu.memory_space<hbm>> -> memref<1x16x128xf32, #tpu.memory_space<hbm>>
        %dma_start3A_217 = tpu.memref_squeeze %dma_start3A_216 : memref<1x16x128xf32, #tpu.memory_space<hbm>> -> memref<16x128xf32, #tpu.memory_space<hbm>>
        %dma_start3A_218 = tpu.memref_slice %arg8[%dma_start3A_210] : memref<3x!tpu.dma_semaphore, #tpu.memory_space<semaphore_mem>> -> memref<1x!tpu.dma_semaphore, #tpu.memory_space<semaphore_mem>>
        %dma_start3A_219 = tpu.memref_squeeze %dma_start3A_218 : memref<1x!tpu.dma_semaphore, #tpu.memory_space<semaphore_mem>> -> memref<!tpu.dma_semaphore, #tpu.memory_space<semaphore_mem>>
        %dma_start3A_220 = arith.constant 0 : i32
        %dma_start3A_221 = arith.constant 0 : i32
        %dma_start3A_222 = tpu.memref_slice %arg6[%dma_start3A_208, %dma_start3A_209, %dma_start3A_220, %dma_start3A_221] : memref<3x16x16x128xf32, #tpu.memory_space<vmem>> -> memref<1x1x16x128xf32, #tpu.memory_space<vmem>>
        %dma_start3A_223 = tpu.memref_squeeze %dma_start3A_222 : memref<1x1x16x128xf32, #tpu.memory_space<vmem>> -> memref<16x128xf32, #tpu.memory_space<vmem>>
        %dma_start3A_224 = arith.constant 0 : i32
        %dma_start3A_225 = tpu.memref_slice %arg2[%add3A_9, %dma_start3A_224, %multiple_of3A_207] : memref<64x16x100000xf32, #tpu.memory_space<hbm>> -> memref<1x16x128xf32, #tpu.memory_space<hbm>>
        %dma_start3A_226 = tpu.memref_squeeze %dma_start3A_225 : memref<1x16x128xf32, #tpu.memory_space<hbm>> -> memref<16x128xf32, #tpu.memory_space<hbm>>
        tpu.enqueue_dma source(%dma_start3A_226 : memref<16x128xf32, #tpu.memory_space<hbm>>) target(%dma_start3A_223 : memref<16x128xf32, #tpu.memory_space<vmem>>) target_semaphore(%dma_start3A_219 : memref<!tpu.dma_semaphore, #tpu.memory_space<semaphore_mem>>)
        %slice3A_227 = vector.extract_strided_slice %get3A_24 {offsets = [8], sizes = [1], strides = [1]} : vector<16xi32> to vector<1xi32>
        %squeeze3A_228 = vector.extract %slice3A_227[0] : i32 from vector<1xi32>
        %shift_right_arithmetic3A_229 = arith.constant 7 : i32
        %shift_right_arithmetic3A_230 = arith.shrsi %squeeze3A_228, %shift_right_arithmetic3A_229 : i32
        %shift_left3A_231 = arith.constant 7 : i32
        %shift_left3A_232 = arith.shli %shift_right_arithmetic3A_230, %shift_left3A_231 : i32
        %multiple_of3A_233 = tpu.assume_multiple %shift_left3A_232, 128 : i32
        %dma_start3A_234 = arith.constant 0 : i32
        %dma_start3A_235 = arith.constant 8 : i32
        %dma_start3A_236 = arith.constant 0 : i32
        %dma_start3A_237 = arith.constant 0 : i32
        %dma_start3A_238 = arith.constant 0 : i32
        %dma_start3A_239 = tpu.memref_slice %arg6[%dma_start3A_234, %dma_start3A_235, %dma_start3A_237, %dma_start3A_238] : memref<3x16x16x128xf32, #tpu.memory_space<vmem>> -> memref<1x1x16x128xf32, #tpu.memory_space<vmem>>
        %dma_start3A_240 = tpu.memref_squeeze %dma_start3A_239 : memref<1x1x16x128xf32, #tpu.memory_space<vmem>> -> memref<16x128xf32, #tpu.memory_space<vmem>>
        %dma_start3A_241 = arith.constant 0 : i32
        %dma_start3A_242 = tpu.memref_slice %arg2[%add3A_9, %dma_start3A_241, %multiple_of3A_233] : memref<64x16x100000xf32, #tpu.memory_space<hbm>> -> memref<1x16x128xf32, #tpu.memory_space<hbm>>
        %dma_start3A_243 = tpu.memref_squeeze %dma_start3A_242 : memref<1x16x128xf32, #tpu.memory_space<hbm>> -> memref<16x128xf32, #tpu.memory_space<hbm>>
        %dma_start3A_244 = tpu.memref_slice %arg8[%dma_start3A_236] : memref<3x!tpu.dma_semaphore, #tpu.memory_space<semaphore_mem>> -> memref<1x!tpu.dma_semaphore, #tpu.memory_space<semaphore_mem>>
        %dma_start3A_245 = tpu.memref_squeeze %dma_start3A_244 : memref<1x!tpu.dma_semaphore, #tpu.memory_space<semaphore_mem>> -> memref<!tpu.dma_semaphore, #tpu.memory_space<semaphore_mem>>
        %dma_start3A_246 = arith.constant 0 : i32
        %dma_start3A_247 = arith.constant 0 : i32
        %dma_start3A_248 = tpu.memref_slice %arg6[%dma_start3A_234, %dma_start3A_235, %dma_start3A_246, %dma_start3A_247] : memref<3x16x16x128xf32, #tpu.memory_space<vmem>> -> memref<1x1x16x128xf32, #tpu.memory_space<vmem>>
        %dma_start3A_249 = tpu.memref_squeeze %dma_start3A_248 : memref<1x1x16x128xf32, #tpu.memory_space<vmem>> -> memref<16x128xf32, #tpu.memory_space<vmem>>
        %dma_start3A_250 = arith.constant 0 : i32
        %dma_start3A_251 = tpu.memref_slice %arg2[%add3A_9, %dma_start3A_250, %multiple_of3A_233] : memref<64x16x100000xf32, #tpu.memory_space<hbm>> -> memref<1x16x128xf32, #tpu.memory_space<hbm>>
        %dma_start3A_252 = tpu.memref_squeeze %dma_start3A_251 : memref<1x16x128xf32, #tpu.memory_space<hbm>> -> memref<16x128xf32, #tpu.memory_space<hbm>>
        tpu.enqueue_dma source(%dma_start3A_252 : memref<16x128xf32, #tpu.memory_space<hbm>>) target(%dma_start3A_249 : memref<16x128xf32, #tpu.memory_space<vmem>>) target_semaphore(%dma_start3A_245 : memref<!tpu.dma_semaphore, #tpu.memory_space<semaphore_mem>>)
        %slice3A_253 = vector.extract_strided_slice %get3A_24 {offsets = [9], sizes = [1], strides = [1]} : vector<16xi32> to vector<1xi32>
        %squeeze3A_254 = vector.extract %slice3A_253[0] : i32 from vector<1xi32>
        %shift_right_arithmetic3A_255 = arith.constant 7 : i32
        %shift_right_arithmetic3A_256 = arith.shrsi %squeeze3A_254, %shift_right_arithmetic3A_255 : i32
        %shift_left3A_257 = arith.constant 7 : i32
        %shift_left3A_258 = arith.shli %shift_right_arithmetic3A_256, %shift_left3A_257 : i32
        %multiple_of3A_259 = tpu.assume_multiple %shift_left3A_258, 128 : i32
        %dma_start3A_260 = arith.constant 0 : i32
        %dma_start3A_261 = arith.constant 9 : i32
        %dma_start3A_262 = arith.constant 0 : i32
        %dma_start3A_263 = arith.constant 0 : i32
        %dma_start3A_264 = arith.constant 0 : i32
        %dma_start3A_265 = tpu.memref_slice %arg6[%dma_start3A_260, %dma_start3A_261, %dma_start3A_263, %dma_start3A_264] : memref<3x16x16x128xf32, #tpu.memory_space<vmem>> -> memref<1x1x16x128xf32, #tpu.memory_space<vmem>>
        %dma_start3A_266 = tpu.memref_squeeze %dma_start3A_265 : memref<1x1x16x128xf32, #tpu.memory_space<vmem>> -> memref<16x128xf32, #tpu.memory_space<vmem>>
        %dma_start3A_267 = arith.constant 0 : i32
        %dma_start3A_268 = tpu.memref_slice %arg2[%add3A_9, %dma_start3A_267, %multiple_of3A_259] : memref<64x16x100000xf32, #tpu.memory_space<hbm>> -> memref<1x16x128xf32, #tpu.memory_space<hbm>>
        %dma_start3A_269 = tpu.memref_squeeze %dma_start3A_268 : memref<1x16x128xf32, #tpu.memory_space<hbm>> -> memref<16x128xf32, #tpu.memory_space<hbm>>
        %dma_start3A_270 = tpu.memref_slice %arg8[%dma_start3A_262] : memref<3x!tpu.dma_semaphore, #tpu.memory_space<semaphore_mem>> -> memref<1x!tpu.dma_semaphore, #tpu.memory_space<semaphore_mem>>
        %dma_start3A_271 = tpu.memref_squeeze %dma_start3A_270 : memref<1x!tpu.dma_semaphore, #tpu.memory_space<semaphore_mem>> -> memref<!tpu.dma_semaphore, #tpu.memory_space<semaphore_mem>>
        %dma_start3A_272 = arith.constant 0 : i32
        %dma_start3A_273 = arith.constant 0 : i32
        %dma_start3A_274 = tpu.memref_slice %arg6[%dma_start3A_260, %dma_start3A_261, %dma_start3A_272, %dma_start3A_273] : memref<3x16x16x128xf32, #tpu.memory_space<vmem>> -> memref<1x1x16x128xf32, #tpu.memory_space<vmem>>
        %dma_start3A_275 = tpu.memref_squeeze %dma_start3A_274 : memref<1x1x16x128xf32, #tpu.memory_space<vmem>> -> memref<16x128xf32, #tpu.memory_space<vmem>>
        %dma_start3A_276 = arith.constant 0 : i32
        %dma_start3A_277 = tpu.memref_slice %arg2[%add3A_9, %dma_start3A_276, %multiple_of3A_259] : memref<64x16x100000xf32, #tpu.memory_space<hbm>> -> memref<1x16x128xf32, #tpu.memory_space<hbm>>
        %dma_start3A_278 = tpu.memref_squeeze %dma_start3A_277 : memref<1x16x128xf32, #tpu.memory_space<hbm>> -> memref<16x128xf32, #tpu.memory_space<hbm>>
        tpu.enqueue_dma source(%dma_start3A_278 : memref<16x128xf32, #tpu.memory_space<hbm>>) target(%dma_start3A_275 : memref<16x128xf32, #tpu.memory_space<vmem>>) target_semaphore(%dma_start3A_271 : memref<!tpu.dma_semaphore, #tpu.memory_space<semaphore_mem>>)
        %slice3A_279 = vector.extract_strided_slice %get3A_24 {offsets = [10], sizes = [1], strides = [1]} : vector<16xi32> to vector<1xi32>
        %squeeze3A_280 = vector.extract %slice3A_279[0] : i32 from vector<1xi32>
        %shift_right_arithmetic3A_281 = arith.constant 7 : i32
        %shift_right_arithmetic3A_282 = arith.shrsi %squeeze3A_280, %shift_right_arithmetic3A_281 : i32
        %shift_left3A_283 = arith.constant 7 : i32
        %shift_left3A_284 = arith.shli %shift_right_arithmetic3A_282, %shift_left3A_283 : i32
        %multiple_of3A_285 = tpu.assume_multiple %shift_left3A_284, 128 : i32
        %dma_start3A_286 = arith.constant 0 : i32
        %dma_start3A_287 = arith.constant 10 : i32
        %dma_start3A_288 = arith.constant 0 : i32
        %dma_start3A_289 = arith.constant 0 : i32
        %dma_start3A_290 = arith.constant 0 : i32
        %dma_start3A_291 = tpu.memref_slice %arg6[%dma_start3A_286, %dma_start3A_287, %dma_start3A_289, %dma_start3A_290] : memref<3x16x16x128xf32, #tpu.memory_space<vmem>> -> memref<1x1x16x128xf32, #tpu.memory_space<vmem>>
        %dma_start3A_292 = tpu.memref_squeeze %dma_start3A_291 : memref<1x1x16x128xf32, #tpu.memory_space<vmem>> -> memref<16x128xf32, #tpu.memory_space<vmem>>
        %dma_start3A_293 = arith.constant 0 : i32
        %dma_start3A_294 = tpu.memref_slice %arg2[%add3A_9, %dma_start3A_293, %multiple_of3A_285] : memref<64x16x100000xf32, #tpu.memory_space<hbm>> -> memref<1x16x128xf32, #tpu.memory_space<hbm>>
        %dma_start3A_295 = tpu.memref_squeeze %dma_start3A_294 : memref<1x16x128xf32, #tpu.memory_space<hbm>> -> memref<16x128xf32, #tpu.memory_space<hbm>>
        %dma_start3A_296 = tpu.memref_slice %arg8[%dma_start3A_288] : memref<3x!tpu.dma_semaphore, #tpu.memory_space<semaphore_mem>> -> memref<1x!tpu.dma_semaphore, #tpu.memory_space<semaphore_mem>>
        %dma_start3A_297 = tpu.memref_squeeze %dma_start3A_296 : memref<1x!tpu.dma_semaphore, #tpu.memory_space<semaphore_mem>> -> memref<!tpu.dma_semaphore, #tpu.memory_space<semaphore_mem>>
        %dma_start3A_298 = arith.constant 0 : i32
        %dma_start3A_299 = arith.constant 0 : i32
        %dma_start3A_300 = tpu.memref_slice %arg6[%dma_start3A_286, %dma_start3A_287, %dma_start3A_298, %dma_start3A_299] : memref<3x16x16x128xf32, #tpu.memory_space<vmem>> -> memref<1x1x16x128xf32, #tpu.memory_space<vmem>>
        %dma_start3A_301 = tpu.memref_squeeze %dma_start3A_300 : memref<1x1x16x128xf32, #tpu.memory_space<vmem>> -> memref<16x128xf32, #tpu.memory_space<vmem>>
        %dma_start3A_302 = arith.constant 0 : i32
        %dma_start3A_303 = tpu.memref_slice %arg2[%add3A_9, %dma_start3A_302, %multiple_of3A_285] : memref<64x16x100000xf32, #tpu.memory_space<hbm>> -> memref<1x16x128xf32, #tpu.memory_space<hbm>>
        %dma_start3A_304 = tpu.memref_squeeze %dma_start3A_303 : memref<1x16x128xf32, #tpu.memory_space<hbm>> -> memref<16x128xf32, #tpu.memory_space<hbm>>
        tpu.enqueue_dma source(%dma_start3A_304 : memref<16x128xf32, #tpu.memory_space<hbm>>) target(%dma_start3A_301 : memref<16x128xf32, #tpu.memory_space<vmem>>) target_semaphore(%dma_start3A_297 : memref<!tpu.dma_semaphore, #tpu.memory_space<semaphore_mem>>)
        %slice3A_305 = vector.extract_strided_slice %get3A_24 {offsets = [11], sizes = [1], strides = [1]} : vector<16xi32> to vector<1xi32>
        %squeeze3A_306 = vector.extract %slice3A_305[0] : i32 from vector<1xi32>
        %shift_right_arithmetic3A_307 = arith.constant 7 : i32
        %shift_right_arithmetic3A_308 = arith.shrsi %squeeze3A_306, %shift_right_arithmetic3A_307 : i32
        %shift_left3A_309 = arith.constant 7 : i32
        %shift_left3A_310 = arith.shli %shift_right_arithmetic3A_308, %shift_left3A_309 : i32
        %multiple_of3A_311 = tpu.assume_multiple %shift_left3A_310, 128 : i32
        %dma_start3A_312 = arith.constant 0 : i32
        %dma_start3A_313 = arith.constant 11 : i32
        %dma_start3A_314 = arith.constant 0 : i32
        %dma_start3A_315 = arith.constant 0 : i32
        %dma_start3A_316 = arith.constant 0 : i32
        %dma_start3A_317 = tpu.memref_slice %arg6[%dma_start3A_312, %dma_start3A_313, %dma_start3A_315, %dma_start3A_316] : memref<3x16x16x128xf32, #tpu.memory_space<vmem>> -> memref<1x1x16x128xf32, #tpu.memory_space<vmem>>
        %dma_start3A_318 = tpu.memref_squeeze %dma_start3A_317 : memref<1x1x16x128xf32, #tpu.memory_space<vmem>> -> memref<16x128xf32, #tpu.memory_space<vmem>>
        %dma_start3A_319 = arith.constant 0 : i32
        %dma_start3A_320 = tpu.memref_slice %arg2[%add3A_9, %dma_start3A_319, %multiple_of3A_311] : memref<64x16x100000xf32, #tpu.memory_space<hbm>> -> memref<1x16x128xf32, #tpu.memory_space<hbm>>
        %dma_start3A_321 = tpu.memref_squeeze %dma_start3A_320 : memref<1x16x128xf32, #tpu.memory_space<hbm>> -> memref<16x128xf32, #tpu.memory_space<hbm>>
        %dma_start3A_322 = tpu.memref_slice %arg8[%dma_start3A_314] : memref<3x!tpu.dma_semaphore, #tpu.memory_space<semaphore_mem>> -> memref<1x!tpu.dma_semaphore, #tpu.memory_space<semaphore_mem>>
        %dma_start3A_323 = tpu.memref_squeeze %dma_start3A_322 : memref<1x!tpu.dma_semaphore, #tpu.memory_space<semaphore_mem>> -> memref<!tpu.dma_semaphore, #tpu.memory_space<semaphore_mem>>
        %dma_start3A_324 = arith.constant 0 : i32
        %dma_start3A_325 = arith.constant 0 : i32
        %dma_start3A_326 = tpu.memref_slice %arg6[%dma_start3A_312, %dma_start3A_313, %dma_start3A_324, %dma_start3A_325] : memref<3x16x16x128xf32, #tpu.memory_space<vmem>> -> memref<1x1x16x128xf32, #tpu.memory_space<vmem>>
        %dma_start3A_327 = tpu.memref_squeeze %dma_start3A_326 : memref<1x1x16x128xf32, #tpu.memory_space<vmem>> -> memref<16x128xf32, #tpu.memory_space<vmem>>
        %dma_start3A_328 = arith.constant 0 : i32
        %dma_start3A_329 = tpu.memref_slice %arg2[%add3A_9, %dma_start3A_328, %multiple_of3A_311] : memref<64x16x100000xf32, #tpu.memory_space<hbm>> -> memref<1x16x128xf32, #tpu.memory_space<hbm>>
        %dma_start3A_330 = tpu.memref_squeeze %dma_start3A_329 : memref<1x16x128xf32, #tpu.memory_space<hbm>> -> memref<16x128xf32, #tpu.memory_space<hbm>>
        tpu.enqueue_dma source(%dma_start3A_330 : memref<16x128xf32, #tpu.memory_space<hbm>>) target(%dma_start3A_327 : memref<16x128xf32, #tpu.memory_space<vmem>>) target_semaphore(%dma_start3A_323 : memref<!tpu.dma_semaphore, #tpu.memory_space<semaphore_mem>>)
        %slice3A_331 = vector.extract_strided_slice %get3A_24 {offsets = [12], sizes = [1], strides = [1]} : vector<16xi32> to vector<1xi32>
        %squeeze3A_332 = vector.extract %slice3A_331[0] : i32 from vector<1xi32>
        %shift_right_arithmetic3A_333 = arith.constant 7 : i32
        %shift_right_arithmetic3A_334 = arith.shrsi %squeeze3A_332, %shift_right_arithmetic3A_333 : i32
        %shift_left3A_335 = arith.constant 7 : i32
        %shift_left3A_336 = arith.shli %shift_right_arithmetic3A_334, %shift_left3A_335 : i32
        %multiple_of3A_337 = tpu.assume_multiple %shift_left3A_336, 128 : i32
        %dma_start3A_338 = arith.constant 0 : i32
        %dma_start3A_339 = arith.constant 12 : i32
        %dma_start3A_340 = arith.constant 0 : i32
        %dma_start3A_341 = arith.constant 0 : i32
        %dma_start3A_342 = arith.constant 0 : i32
        %dma_start3A_343 = tpu.memref_slice %arg6[%dma_start3A_338, %dma_start3A_339, %dma_start3A_341, %dma_start3A_342] : memref<3x16x16x128xf32, #tpu.memory_space<vmem>> -> memref<1x1x16x128xf32, #tpu.memory_space<vmem>>
        %dma_start3A_344 = tpu.memref_squeeze %dma_start3A_343 : memref<1x1x16x128xf32, #tpu.memory_space<vmem>> -> memref<16x128xf32, #tpu.memory_space<vmem>>
        %dma_start3A_345 = arith.constant 0 : i32
        %dma_start3A_346 = tpu.memref_slice %arg2[%add3A_9, %dma_start3A_345, %multiple_of3A_337] : memref<64x16x100000xf32, #tpu.memory_space<hbm>> -> memref<1x16x128xf32, #tpu.memory_space<hbm>>
        %dma_start3A_347 = tpu.memref_squeeze %dma_start3A_346 : memref<1x16x128xf32, #tpu.memory_space<hbm>> -> memref<16x128xf32, #tpu.memory_space<hbm>>
        %dma_start3A_348 = tpu.memref_slice %arg8[%dma_start3A_340] : memref<3x!tpu.dma_semaphore, #tpu.memory_space<semaphore_mem>> -> memref<1x!tpu.dma_semaphore, #tpu.memory_space<semaphore_mem>>
        %dma_start3A_349 = tpu.memref_squeeze %dma_start3A_348 : memref<1x!tpu.dma_semaphore, #tpu.memory_space<semaphore_mem>> -> memref<!tpu.dma_semaphore, #tpu.memory_space<semaphore_mem>>
        %dma_start3A_350 = arith.constant 0 : i32
        %dma_start3A_351 = arith.constant 0 : i32
        %dma_start3A_352 = tpu.memref_slice %arg6[%dma_start3A_338, %dma_start3A_339, %dma_start3A_350, %dma_start3A_351] : memref<3x16x16x128xf32, #tpu.memory_space<vmem>> -> memref<1x1x16x128xf32, #tpu.memory_space<vmem>>
        %dma_start3A_353 = tpu.memref_squeeze %dma_start3A_352 : memref<1x1x16x128xf32, #tpu.memory_space<vmem>> -> memref<16x128xf32, #tpu.memory_space<vmem>>
        %dma_start3A_354 = arith.constant 0 : i32
        %dma_start3A_355 = tpu.memref_slice %arg2[%add3A_9, %dma_start3A_354, %multiple_of3A_337] : memref<64x16x100000xf32, #tpu.memory_space<hbm>> -> memref<1x16x128xf32, #tpu.memory_space<hbm>>
        %dma_start3A_356 = tpu.memref_squeeze %dma_start3A_355 : memref<1x16x128xf32, #tpu.memory_space<hbm>> -> memref<16x128xf32, #tpu.memory_space<hbm>>
        tpu.enqueue_dma source(%dma_start3A_356 : memref<16x128xf32, #tpu.memory_space<hbm>>) target(%dma_start3A_353 : memref<16x128xf32, #tpu.memory_space<vmem>>) target_semaphore(%dma_start3A_349 : memref<!tpu.dma_semaphore, #tpu.memory_space<semaphore_mem>>)
        %slice3A_357 = vector.extract_strided_slice %get3A_24 {offsets = [13], sizes = [1], strides = [1]} : vector<16xi32> to vector<1xi32>
        %squeeze3A_358 = vector.extract %slice3A_357[0] : i32 from vector<1xi32>
        %shift_right_arithmetic3A_359 = arith.constant 7 : i32
        %shift_right_arithmetic3A_360 = arith.shrsi %squeeze3A_358, %shift_right_arithmetic3A_359 : i32
        %shift_left3A_361 = arith.constant 7 : i32
        %shift_left3A_362 = arith.shli %shift_right_arithmetic3A_360, %shift_left3A_361 : i32
        %multiple_of3A_363 = tpu.assume_multiple %shift_left3A_362, 128 : i32
        %dma_start3A_364 = arith.constant 0 : i32
        %dma_start3A_365 = arith.constant 13 : i32
        %dma_start3A_366 = arith.constant 0 : i32
        %dma_start3A_367 = arith.constant 0 : i32
        %dma_start3A_368 = arith.constant 0 : i32
        %dma_start3A_369 = tpu.memref_slice %arg6[%dma_start3A_364, %dma_start3A_365, %dma_start3A_367, %dma_start3A_368] : memref<3x16x16x128xf32, #tpu.memory_space<vmem>> -> memref<1x1x16x128xf32, #tpu.memory_space<vmem>>
        %dma_start3A_370 = tpu.memref_squeeze %dma_start3A_369 : memref<1x1x16x128xf32, #tpu.memory_space<vmem>> -> memref<16x128xf32, #tpu.memory_space<vmem>>
        %dma_start3A_371 = arith.constant 0 : i32
        %dma_start3A_372 = tpu.memref_slice %arg2[%add3A_9, %dma_start3A_371, %multiple_of3A_363] : memref<64x16x100000xf32, #tpu.memory_space<hbm>> -> memref<1x16x128xf32, #tpu.memory_space<hbm>>
        %dma_start3A_373 = tpu.memref_squeeze %dma_start3A_372 : memref<1x16x128xf32, #tpu.memory_space<hbm>> -> memref<16x128xf32, #tpu.memory_space<hbm>>
        %dma_start3A_374 = tpu.memref_slice %arg8[%dma_start3A_366] : memref<3x!tpu.dma_semaphore, #tpu.memory_space<semaphore_mem>> -> memref<1x!tpu.dma_semaphore, #tpu.memory_space<semaphore_mem>>
        %dma_start3A_375 = tpu.memref_squeeze %dma_start3A_374 : memref<1x!tpu.dma_semaphore, #tpu.memory_space<semaphore_mem>> -> memref<!tpu.dma_semaphore, #tpu.memory_space<semaphore_mem>>
        %dma_start3A_376 = arith.constant 0 : i32
        %dma_start3A_377 = arith.constant 0 : i32
        %dma_start3A_378 = tpu.memref_slice %arg6[%dma_start3A_364, %dma_start3A_365, %dma_start3A_376, %dma_start3A_377] : memref<3x16x16x128xf32, #tpu.memory_space<vmem>> -> memref<1x1x16x128xf32, #tpu.memory_space<vmem>>
        %dma_start3A_379 = tpu.memref_squeeze %dma_start3A_378 : memref<1x1x16x128xf32, #tpu.memory_space<vmem>> -> memref<16x128xf32, #tpu.memory_space<vmem>>
        %dma_start3A_380 = arith.constant 0 : i32
        %dma_start3A_381 = tpu.memref_slice %arg2[%add3A_9, %dma_start3A_380, %multiple_of3A_363] : memref<64x16x100000xf32, #tpu.memory_space<hbm>> -> memref<1x16x128xf32, #tpu.memory_space<hbm>>
        %dma_start3A_382 = tpu.memref_squeeze %dma_start3A_381 : memref<1x16x128xf32, #tpu.memory_space<hbm>> -> memref<16x128xf32, #tpu.memory_space<hbm>>
        tpu.enqueue_dma source(%dma_start3A_382 : memref<16x128xf32, #tpu.memory_space<hbm>>) target(%dma_start3A_379 : memref<16x128xf32, #tpu.memory_space<vmem>>) target_semaphore(%dma_start3A_375 : memref<!tpu.dma_semaphore, #tpu.memory_space<semaphore_mem>>)
        %slice3A_383 = vector.extract_strided_slice %get3A_24 {offsets = [14], sizes = [1], strides = [1]} : vector<16xi32> to vector<1xi32>
        %squeeze3A_384 = vector.extract %slice3A_383[0] : i32 from vector<1xi32>
        %shift_right_arithmetic3A_385 = arith.constant 7 : i32
        %shift_right_arithmetic3A_386 = arith.shrsi %squeeze3A_384, %shift_right_arithmetic3A_385 : i32
        %shift_left3A_387 = arith.constant 7 : i32
        %shift_left3A_388 = arith.shli %shift_right_arithmetic3A_386, %shift_left3A_387 : i32
        %multiple_of3A_389 = tpu.assume_multiple %shift_left3A_388, 128 : i32
        %dma_start3A_390 = arith.constant 0 : i32
        %dma_start3A_391 = arith.constant 14 : i32
        %dma_start3A_392 = arith.constant 0 : i32
        %dma_start3A_393 = arith.constant 0 : i32
        %dma_start3A_394 = arith.constant 0 : i32
        %dma_start3A_395 = tpu.memref_slice %arg6[%dma_start3A_390, %dma_start3A_391, %dma_start3A_393, %dma_start3A_394] : memref<3x16x16x128xf32, #tpu.memory_space<vmem>> -> memref<1x1x16x128xf32, #tpu.memory_space<vmem>>
        %dma_start3A_396 = tpu.memref_squeeze %dma_start3A_395 : memref<1x1x16x128xf32, #tpu.memory_space<vmem>> -> memref<16x128xf32, #tpu.memory_space<vmem>>
        %dma_start3A_397 = arith.constant 0 : i32
        %dma_start3A_398 = tpu.memref_slice %arg2[%add3A_9, %dma_start3A_397, %multiple_of3A_389] : memref<64x16x100000xf32, #tpu.memory_space<hbm>> -> memref<1x16x128xf32, #tpu.memory_space<hbm>>
        %dma_start3A_399 = tpu.memref_squeeze %dma_start3A_398 : memref<1x16x128xf32, #tpu.memory_space<hbm>> -> memref<16x128xf32, #tpu.memory_space<hbm>>
        %dma_start3A_400 = tpu.memref_slice %arg8[%dma_start3A_392] : memref<3x!tpu.dma_semaphore, #tpu.memory_space<semaphore_mem>> -> memref<1x!tpu.dma_semaphore, #tpu.memory_space<semaphore_mem>>
        %dma_start3A_401 = tpu.memref_squeeze %dma_start3A_400 : memref<1x!tpu.dma_semaphore, #tpu.memory_space<semaphore_mem>> -> memref<!tpu.dma_semaphore, #tpu.memory_space<semaphore_mem>>
        %dma_start3A_402 = arith.constant 0 : i32
        %dma_start3A_403 = arith.constant 0 : i32
        %dma_start3A_404 = tpu.memref_slice %arg6[%dma_start3A_390, %dma_start3A_391, %dma_start3A_402, %dma_start3A_403] : memref<3x16x16x128xf32, #tpu.memory_space<vmem>> -> memref<1x1x16x128xf32, #tpu.memory_space<vmem>>
        %dma_start3A_405 = tpu.memref_squeeze %dma_start3A_404 : memref<1x1x16x128xf32, #tpu.memory_space<vmem>> -> memref<16x128xf32, #tpu.memory_space<vmem>>
        %dma_start3A_406 = arith.constant 0 : i32
        %dma_start3A_407 = tpu.memref_slice %arg2[%add3A_9, %dma_start3A_406, %multiple_of3A_389] : memref<64x16x100000xf32, #tpu.memory_space<hbm>> -> memref<1x16x128xf32, #tpu.memory_space<hbm>>
        %dma_start3A_408 = tpu.memref_squeeze %dma_start3A_407 : memref<1x16x128xf32, #tpu.memory_space<hbm>> -> memref<16x128xf32, #tpu.memory_space<hbm>>
        tpu.enqueue_dma source(%dma_start3A_408 : memref<16x128xf32, #tpu.memory_space<hbm>>) target(%dma_start3A_405 : memref<16x128xf32, #tpu.memory_space<vmem>>) target_semaphore(%dma_start3A_401 : memref<!tpu.dma_semaphore, #tpu.memory_space<semaphore_mem>>)
        %slice3A_409 = vector.extract_strided_slice %get3A_24 {offsets = [15], sizes = [1], strides = [1]} : vector<16xi32> to vector<1xi32>
        %squeeze3A_410 = vector.extract %slice3A_409[0] : i32 from vector<1xi32>
        %shift_right_arithmetic3A_411 = arith.constant 7 : i32
        %shift_right_arithmetic3A_412 = arith.shrsi %squeeze3A_410, %shift_right_arithmetic3A_411 : i32
        %shift_left3A_413 = arith.constant 7 : i32
        %shift_left3A_414 = arith.shli %shift_right_arithmetic3A_412, %shift_left3A_413 : i32
        %multiple_of3A_415 = tpu.assume_multiple %shift_left3A_414, 128 : i32
        %dma_start3A_416 = arith.constant 0 : i32
        %dma_start3A_417 = arith.constant 15 : i32
        %dma_start3A_418 = arith.constant 0 : i32
        %dma_start3A_419 = arith.constant 0 : i32
        %dma_start3A_420 = arith.constant 0 : i32
        %dma_start3A_421 = tpu.memref_slice %arg6[%dma_start3A_416, %dma_start3A_417, %dma_start3A_419, %dma_start3A_420] : memref<3x16x16x128xf32, #tpu.memory_space<vmem>> -> memref<1x1x16x128xf32, #tpu.memory_space<vmem>>
        %dma_start3A_422 = tpu.memref_squeeze %dma_start3A_421 : memref<1x1x16x128xf32, #tpu.memory_space<vmem>> -> memref<16x128xf32, #tpu.memory_space<vmem>>
        %dma_start3A_423 = arith.constant 0 : i32
        %dma_start3A_424 = tpu.memref_slice %arg2[%add3A_9, %dma_start3A_423, %multiple_of3A_415] : memref<64x16x100000xf32, #tpu.memory_space<hbm>> -> memref<1x16x128xf32, #tpu.memory_space<hbm>>
        %dma_start3A_425 = tpu.memref_squeeze %dma_start3A_424 : memref<1x16x128xf32, #tpu.memory_space<hbm>> -> memref<16x128xf32, #tpu.memory_space<hbm>>
        %dma_start3A_426 = tpu.memref_slice %arg8[%dma_start3A_418] : memref<3x!tpu.dma_semaphore, #tpu.memory_space<semaphore_mem>> -> memref<1x!tpu.dma_semaphore, #tpu.memory_space<semaphore_mem>>
        %dma_start3A_427 = tpu.memref_squeeze %dma_start3A_426 : memref<1x!tpu.dma_semaphore, #tpu.memory_space<semaphore_mem>> -> memref<!tpu.dma_semaphore, #tpu.memory_space<semaphore_mem>>
        %dma_start3A_428 = arith.constant 0 : i32
        %dma_start3A_429 = arith.constant 0 : i32
        %dma_start3A_430 = tpu.memref_slice %arg6[%dma_start3A_416, %dma_start3A_417, %dma_start3A_428, %dma_start3A_429] : memref<3x16x16x128xf32, #tpu.memory_space<vmem>> -> memref<1x1x16x128xf32, #tpu.memory_space<vmem>>
        %dma_start3A_431 = tpu.memref_squeeze %dma_start3A_430 : memref<1x1x16x128xf32, #tpu.memory_space<vmem>> -> memref<16x128xf32, #tpu.memory_space<vmem>>
        %dma_start3A_432 = arith.constant 0 : i32
        %dma_start3A_433 = tpu.memref_slice %arg2[%add3A_9, %dma_start3A_432, %multiple_of3A_415] : memref<64x16x100000xf32, #tpu.memory_space<hbm>> -> memref<1x16x128xf32, #tpu.memory_space<hbm>>
        %dma_start3A_434 = tpu.memref_squeeze %dma_start3A_433 : memref<1x16x128xf32, #tpu.memory_space<hbm>> -> memref<16x128xf32, #tpu.memory_space<hbm>>
        tpu.enqueue_dma source(%dma_start3A_434 : memref<16x128xf32, #tpu.memory_space<hbm>>) target(%dma_start3A_431 : memref<16x128xf32, #tpu.memory_space<vmem>>) target_semaphore(%dma_start3A_427 : memref<!tpu.dma_semaphore, #tpu.memory_space<semaphore_mem>>)
        %and3A = arith.constant 127 : i32
        %and3A_435 = vector.broadcast %and3A : i32 to vector<16xi32>
        %and3A_436 = arith.andi %get3A_24, %and3A_435 : vector<16xi32>
        %add3A_437 = arith.constant 1 : i32
        %add3A_438 = arith.addi %mul3A_18, %add3A_437 : i32
        %mul3A_439 = arith.constant 16 : i32
        %mul3A_440 = arith.muli %add3A_438, %mul3A_439 : i32
        %get3A_441 = arith.index_cast %mul3A_440 : i32 to index
        %get3A_442 = tpu.vector_load %arg5[%get3A_441] {strides = array<i32>} : memref<4096xi32, #tpu.memory_space<vmem>>, vector<16xi32>,
        %slice3A_443 = vector.extract_strided_slice %get3A_442 {offsets = [0], sizes = [1], strides = [1]} : vector<16xi32> to vector<1xi32>
        %squeeze3A_444 = vector.extract %slice3A_443[0] : i32 from vector<1xi32>
        %shift_right_arithmetic3A_445 = arith.constant 7 : i32
        %shift_right_arithmetic3A_446 = arith.shrsi %squeeze3A_444, %shift_right_arithmetic3A_445 : i32
        %shift_left3A_447 = arith.constant 7 : i32
        %shift_left3A_448 = arith.shli %shift_right_arithmetic3A_446, %shift_left3A_447 : i32
        %multiple_of3A_449 = tpu.assume_multiple %shift_left3A_448, 128 : i32
        %dma_start3A_450 = arith.constant 1 : i32
        %dma_start3A_451 = arith.constant 0 : i32
        %dma_start3A_452 = arith.constant 1 : i32
        %dma_start3A_453 = arith.constant 0 : i32
        %dma_start3A_454 = arith.constant 0 : i32
        %dma_start3A_455 = tpu.memref_slice %arg6[%dma_start3A_450, %dma_start3A_451, %dma_start3A_453, %dma_start3A_454] : memref<3x16x16x128xf32, #tpu.memory_space<vmem>> -> memref<1x1x16x128xf32, #tpu.memory_space<vmem>>
        %dma_start3A_456 = tpu.memref_squeeze %dma_start3A_455 : memref<1x1x16x128xf32, #tpu.memory_space<vmem>> -> memref<16x128xf32, #tpu.memory_space<vmem>>
        %dma_start3A_457 = arith.constant 0 : i32
        %dma_start3A_458 = tpu.memref_slice %arg2[%add3A_9, %dma_start3A_457, %multiple_of3A_449] : memref<64x16x100000xf32, #tpu.memory_space<hbm>> -> memref<1x16x128xf32, #tpu.memory_space<hbm>>
        %dma_start3A_459 = tpu.memref_squeeze %dma_start3A_458 : memref<1x16x128xf32, #tpu.memory_space<hbm>> -> memref<16x128xf32, #tpu.memory_space<hbm>>
        %dma_start3A_460 = tpu.memref_slice %arg8[%dma_start3A_452] : memref<3x!tpu.dma_semaphore, #tpu.memory_space<semaphore_mem>> -> memref<1x!tpu.dma_semaphore, #tpu.memory_space<semaphore_mem>>
        %dma_start3A_461 = tpu.memref_squeeze %dma_start3A_460 : memref<1x!tpu.dma_semaphore, #tpu.memory_space<semaphore_mem>> -> memref<!tpu.dma_semaphore, #tpu.memory_space<semaphore_mem>>
        %dma_start3A_462 = arith.constant 0 : i32
        %dma_start3A_463 = arith.constant 0 : i32
        %dma_start3A_464 = tpu.memref_slice %arg6[%dma_start3A_450, %dma_start3A_451, %dma_start3A_462, %dma_start3A_463] : memref<3x16x16x128xf32, #tpu.memory_space<vmem>> -> memref<1x1x16x128xf32, #tpu.memory_space<vmem>>
        %dma_start3A_465 = tpu.memref_squeeze %dma_start3A_464 : memref<1x1x16x128xf32, #tpu.memory_space<vmem>> -> memref<16x128xf32, #tpu.memory_space<vmem>>
        %dma_start3A_466 = arith.constant 0 : i32
        %dma_start3A_467 = tpu.memref_slice %arg2[%add3A_9, %dma_start3A_466, %multiple_of3A_449] : memref<64x16x100000xf32, #tpu.memory_space<hbm>> -> memref<1x16x128xf32, #tpu.memory_space<hbm>>
        %dma_start3A_468 = tpu.memref_squeeze %dma_start3A_467 : memref<1x16x128xf32, #tpu.memory_space<hbm>> -> memref<16x128xf32, #tpu.memory_space<hbm>>
        tpu.enqueue_dma source(%dma_start3A_468 : memref<16x128xf32, #tpu.memory_space<hbm>>) target(%dma_start3A_465 : memref<16x128xf32, #tpu.memory_space<vmem>>) target_semaphore(%dma_start3A_461 : memref<!tpu.dma_semaphore, #tpu.memory_space<semaphore_mem>>)
        %slice3A_469 = vector.extract_strided_slice %get3A_442 {offsets = [1], sizes = [1], strides = [1]} : vector<16xi32> to vector<1xi32>
        %squeeze3A_470 = vector.extract %slice3A_469[0] : i32 from vector<1xi32>
        %shift_right_arithmetic3A_471 = arith.constant 7 : i32
        %shift_right_arithmetic3A_472 = arith.shrsi %squeeze3A_470, %shift_right_arithmetic3A_471 : i32
        %shift_left3A_473 = arith.constant 7 : i32
        %shift_left3A_474 = arith.shli %shift_right_arithmetic3A_472, %shift_left3A_473 : i32
        %multiple_of3A_475 = tpu.assume_multiple %shift_left3A_474, 128 : i32
        %dma_start3A_476 = arith.constant 1 : i32
        %dma_start3A_477 = arith.constant 1 : i32
        %dma_start3A_478 = arith.constant 1 : i32
        %dma_start3A_479 = arith.constant 0 : i32
        %dma_start3A_480 = arith.constant 0 : i32
        %dma_start3A_481 = tpu.memref_slice %arg6[%dma_start3A_476, %dma_start3A_477, %dma_start3A_479, %dma_start3A_480] : memref<3x16x16x128xf32, #tpu.memory_space<vmem>> -> memref<1x1x16x128xf32, #tpu.memory_space<vmem>>
        %dma_start3A_482 = tpu.memref_squeeze %dma_start3A_481 : memref<1x1x16x128xf32, #tpu.memory_space<vmem>> -> memref<16x128xf32, #tpu.memory_space<vmem>>
        %dma_start3A_483 = arith.constant 0 : i32
        %dma_start3A_484 = tpu.memref_slice %arg2[%add3A_9, %dma_start3A_483, %multiple_of3A_475] : memref<64x16x100000xf32, #tpu.memory_space<hbm>> -> memref<1x16x128xf32, #tpu.memory_space<hbm>>
        %dma_start3A_485 = tpu.memref_squeeze %dma_start3A_484 : memref<1x16x128xf32, #tpu.memory_space<hbm>> -> memref<16x128xf32, #tpu.memory_space<hbm>>
        %dma_start3A_486 = tpu.memref_slice %arg8[%dma_start3A_478] : memref<3x!tpu.dma_semaphore, #tpu.memory_space<semaphore_mem>> -> memref<1x!tpu.dma_semaphore, #tpu.memory_space<semaphore_mem>>
        %dma_start3A_487 = tpu.memref_squeeze %dma_start3A_486 : memref<1x!tpu.dma_semaphore, #tpu.memory_space<semaphore_mem>> -> memref<!tpu.dma_semaphore, #tpu.memory_space<semaphore_mem>>
        %dma_start3A_488 = arith.constant 0 : i32
        %dma_start3A_489 = arith.constant 0 : i32
        %dma_start3A_490 = tpu.memref_slice %arg6[%dma_start3A_476, %dma_start3A_477, %dma_start3A_488, %dma_start3A_489] : memref<3x16x16x128xf32, #tpu.memory_space<vmem>> -> memref<1x1x16x128xf32, #tpu.memory_space<vmem>>
        %dma_start3A_491 = tpu.memref_squeeze %dma_start3A_490 : memref<1x1x16x128xf32, #tpu.memory_space<vmem>> -> memref<16x128xf32, #tpu.memory_space<vmem>>
        %dma_start3A_492 = arith.constant 0 : i32
        %dma_start3A_493 = tpu.memref_slice %arg2[%add3A_9, %dma_start3A_492, %multiple_of3A_475] : memref<64x16x100000xf32, #tpu.memory_space<hbm>> -> memref<1x16x128xf32, #tpu.memory_space<hbm>>
        %dma_start3A_494 = tpu.memref_squeeze %dma_start3A_493 : memref<1x16x128xf32, #tpu.memory_space<hbm>> -> memref<16x128xf32, #tpu.memory_space<hbm>>
        tpu.enqueue_dma source(%dma_start3A_494 : memref<16x128xf32, #tpu.memory_space<hbm>>) target(%dma_start3A_491 : memref<16x128xf32, #tpu.memory_space<vmem>>) target_semaphore(%dma_start3A_487 : memref<!tpu.dma_semaphore, #tpu.memory_space<semaphore_mem>>)
        %slice3A_495 = vector.extract_strided_slice %get3A_442 {offsets = [2], sizes = [1], strides = [1]} : vector<16xi32> to vector<1xi32>
        %squeeze3A_496 = vector.extract %slice3A_495[0] : i32 from vector<1xi32>
        %shift_right_arithmetic3A_497 = arith.constant 7 : i32
        %shift_right_arithmetic3A_498 = arith.shrsi %squeeze3A_496, %shift_right_arithmetic3A_497 : i32
        %shift_left3A_499 = arith.constant 7 : i32
        %shift_left3A_500 = arith.shli %shift_right_arithmetic3A_498, %shift_left3A_499 : i32
        %multiple_of3A_501 = tpu.assume_multiple %shift_left3A_500, 128 : i32
        %dma_start3A_502 = arith.constant 1 : i32
        %dma_start3A_503 = arith.constant 2 : i32
        %dma_start3A_504 = arith.constant 1 : i32
        %dma_start3A_505 = arith.constant 0 : i32
        %dma_start3A_506 = arith.constant 0 : i32
        %dma_start3A_507 = tpu.memref_slice %arg6[%dma_start3A_502, %dma_start3A_503, %dma_start3A_505, %dma_start3A_506] : memref<3x16x16x128xf32, #tpu.memory_space<vmem>> -> memref<1x1x16x128xf32, #tpu.memory_space<vmem>>
        %dma_start3A_508 = tpu.memref_squeeze %dma_start3A_507 : memref<1x1x16x128xf32, #tpu.memory_space<vmem>> -> memref<16x128xf32, #tpu.memory_space<vmem>>
        %dma_start3A_509 = arith.constant 0 : i32
        %dma_start3A_510 = tpu.memref_slice %arg2[%add3A_9, %dma_start3A_509, %multiple_of3A_501] : memref<64x16x100000xf32, #tpu.memory_space<hbm>> -> memref<1x16x128xf32, #tpu.memory_space<hbm>>
        %dma_start3A_511 = tpu.memref_squeeze %dma_start3A_510 : memref<1x16x128xf32, #tpu.memory_space<hbm>> -> memref<16x128xf32, #tpu.memory_space<hbm>>
        %dma_start3A_512 = tpu.memref_slice %arg8[%dma_start3A_504] : memref<3x!tpu.dma_semaphore, #tpu.memory_space<semaphore_mem>> -> memref<1x!tpu.dma_semaphore, #tpu.memory_space<semaphore_mem>>
        %dma_start3A_513 = tpu.memref_squeeze %dma_start3A_512 : memref<1x!tpu.dma_semaphore, #tpu.memory_space<semaphore_mem>> -> memref<!tpu.dma_semaphore, #tpu.memory_space<semaphore_mem>>
        %dma_start3A_514 = arith.constant 0 : i32
        %dma_start3A_515 = arith.constant 0 : i32
        %dma_start3A_516 = tpu.memref_slice %arg6[%dma_start3A_502, %dma_start3A_503, %dma_start3A_514, %dma_start3A_515] : memref<3x16x16x128xf32, #tpu.memory_space<vmem>> -> memref<1x1x16x128xf32, #tpu.memory_space<vmem>>
        %dma_start3A_517 = tpu.memref_squeeze %dma_start3A_516 : memref<1x1x16x128xf32, #tpu.memory_space<vmem>> -> memref<16x128xf32, #tpu.memory_space<vmem>>
        %dma_start3A_518 = arith.constant 0 : i32
        %dma_start3A_519 = tpu.memref_slice %arg2[%add3A_9, %dma_start3A_518, %multiple_of3A_501] : memref<64x16x100000xf32, #tpu.memory_space<hbm>> -> memref<1x16x128xf32, #tpu.memory_space<hbm>>
        %dma_start3A_520 = tpu.memref_squeeze %dma_start3A_519 : memref<1x16x128xf32, #tpu.memory_space<hbm>> -> memref<16x128xf32, #tpu.memory_space<hbm>>
        tpu.enqueue_dma source(%dma_start3A_520 : memref<16x128xf32, #tpu.memory_space<hbm>>) target(%dma_start3A_517 : memref<16x128xf32, #tpu.memory_space<vmem>>) target_semaphore(%dma_start3A_513 : memref<!tpu.dma_semaphore, #tpu.memory_space<semaphore_mem>>)
        %slice3A_521 = vector.extract_strided_slice %get3A_442 {offsets = [3], sizes = [1], strides = [1]} : vector<16xi32> to vector<1xi32>
        %squeeze3A_522 = vector.extract %slice3A_521[0] : i32 from vector<1xi32>
        %shift_right_arithmetic3A_523 = arith.constant 7 : i32
        %shift_right_arithmetic3A_524 = arith.shrsi %squeeze3A_522, %shift_right_arithmetic3A_523 : i32
        %shift_left3A_525 = arith.constant 7 : i32
        %shift_left3A_526 = arith.shli %shift_right_arithmetic3A_524, %shift_left3A_525 : i32
        %multiple_of3A_527 = tpu.assume_multiple %shift_left3A_526, 128 : i32
        %dma_start3A_528 = arith.constant 1 : i32
        %dma_start3A_529 = arith.constant 3 : i32
        %dma_start3A_530 = arith.constant 1 : i32
        %dma_start3A_531 = arith.constant 0 : i32
        %dma_start3A_532 = arith.constant 0 : i32
        %dma_start3A_533 = tpu.memref_slice %arg6[%dma_start3A_528, %dma_start3A_529, %dma_start3A_531, %dma_start3A_532] : memref<3x16x16x128xf32, #tpu.memory_space<vmem>> -> memref<1x1x16x128xf32, #tpu.memory_space<vmem>>
        %dma_start3A_534 = tpu.memref_squeeze %dma_start3A_533 : memref<1x1x16x128xf32, #tpu.memory_space<vmem>> -> memref<16x128xf32, #tpu.memory_space<vmem>>
        %dma_start3A_535 = arith.constant 0 : i32
        %dma_start3A_536 = tpu.memref_slice %arg2[%add3A_9, %dma_start3A_535, %multiple_of3A_527] : memref<64x16x100000xf32, #tpu.memory_space<hbm>> -> memref<1x16x128xf32, #tpu.memory_space<hbm>>
        %dma_start3A_537 = tpu.memref_squeeze %dma_start3A_536 : memref<1x16x128xf32, #tpu.memory_space<hbm>> -> memref<16x128xf32, #tpu.memory_space<hbm>>
        %dma_start3A_538 = tpu.memref_slice %arg8[%dma_start3A_530] : memref<3x!tpu.dma_semaphore, #tpu.memory_space<semaphore_mem>> -> memref<1x!tpu.dma_semaphore, #tpu.memory_space<semaphore_mem>>
        %dma_start3A_539 = tpu.memref_squeeze %dma_start3A_538 : memref<1x!tpu.dma_semaphore, #tpu.memory_space<semaphore_mem>> -> memref<!tpu.dma_semaphore, #tpu.memory_space<semaphore_mem>>
        %dma_start3A_540 = arith.constant 0 : i32
        %dma_start3A_541 = arith.constant 0 : i32
        %dma_start3A_542 = tpu.memref_slice %arg6[%dma_start3A_528, %dma_start3A_529, %dma_start3A_540, %dma_start3A_541] : memref<3x16x16x128xf32, #tpu.memory_space<vmem>> -> memref<1x1x16x128xf32, #tpu.memory_space<vmem>>
        %dma_start3A_543 = tpu.memref_squeeze %dma_start3A_542 : memref<1x1x16x128xf32, #tpu.memory_space<vmem>> -> memref<16x128xf32, #tpu.memory_space<vmem>>
        %dma_start3A_544 = arith.constant 0 : i32
        %dma_start3A_545 = tpu.memref_slice %arg2[%add3A_9, %dma_start3A_544, %multiple_of3A_527] : memref<64x16x100000xf32, #tpu.memory_space<hbm>> -> memref<1x16x128xf32, #tpu.memory_space<hbm>>
        %dma_start3A_546 = tpu.memref_squeeze %dma_start3A_545 : memref<1x16x128xf32, #tpu.memory_space<hbm>> -> memref<16x128xf32, #tpu.memory_space<hbm>>
        tpu.enqueue_dma source(%dma_start3A_546 : memref<16x128xf32, #tpu.memory_space<hbm>>) target(%dma_start3A_543 : memref<16x128xf32, #tpu.memory_space<vmem>>) target_semaphore(%dma_start3A_539 : memref<!tpu.dma_semaphore, #tpu.memory_space<semaphore_mem>>)
        %slice3A_547 = vector.extract_strided_slice %get3A_442 {offsets = [4], sizes = [1], strides = [1]} : vector<16xi32> to vector<1xi32>
        %squeeze3A_548 = vector.extract %slice3A_547[0] : i32 from vector<1xi32>
        %shift_right_arithmetic3A_549 = arith.constant 7 : i32
        %shift_right_arithmetic3A_550 = arith.shrsi %squeeze3A_548, %shift_right_arithmetic3A_549 : i32
        %shift_left3A_551 = arith.constant 7 : i32
        %shift_left3A_552 = arith.shli %shift_right_arithmetic3A_550, %shift_left3A_551 : i32
        %multiple_of3A_553 = tpu.assume_multiple %shift_left3A_552, 128 : i32
        %dma_start3A_554 = arith.constant 1 : i32
        %dma_start3A_555 = arith.constant 4 : i32
        %dma_start3A_556 = arith.constant 1 : i32
        %dma_start3A_557 = arith.constant 0 : i32
        %dma_start3A_558 = arith.constant 0 : i32
        %dma_start3A_559 = tpu.memref_slice %arg6[%dma_start3A_554, %dma_start3A_555, %dma_start3A_557, %dma_start3A_558] : memref<3x16x16x128xf32, #tpu.memory_space<vmem>> -> memref<1x1x16x128xf32, #tpu.memory_space<vmem>>
        %dma_start3A_560 = tpu.memref_squeeze %dma_start3A_559 : memref<1x1x16x128xf32, #tpu.memory_space<vmem>> -> memref<16x128xf32, #tpu.memory_space<vmem>>
        %dma_start3A_561 = arith.constant 0 : i32
        %dma_start3A_562 = tpu.memref_slice %arg2[%add3A_9, %dma_start3A_561, %multiple_of3A_553] : memref<64x16x100000xf32, #tpu.memory_space<hbm>> -> memref<1x16x128xf32, #tpu.memory_space<hbm>>
        %dma_start3A_563 = tpu.memref_squeeze %dma_start3A_562 : memref<1x16x128xf32, #tpu.memory_space<hbm>> -> memref<16x128xf32, #tpu.memory_space<hbm>>
        %dma_start3A_564 = tpu.memref_slice %arg8[%dma_start3A_556] : memref<3x!tpu.dma_semaphore, #tpu.memory_space<semaphore_mem>> -> memref<1x!tpu.dma_semaphore, #tpu.memory_space<semaphore_mem>>
        %dma_start3A_565 = tpu.memref_squeeze %dma_start3A_564 : memref<1x!tpu.dma_semaphore, #tpu.memory_space<semaphore_mem>> -> memref<!tpu.dma_semaphore, #tpu.memory_space<semaphore_mem>>
        %dma_start3A_566 = arith.constant 0 : i32
        %dma_start3A_567 = arith.constant 0 : i32
        %dma_start3A_568 = tpu.memref_slice %arg6[%dma_start3A_554, %dma_start3A_555, %dma_start3A_566, %dma_start3A_567] : memref<3x16x16x128xf32, #tpu.memory_space<vmem>> -> memref<1x1x16x128xf32, #tpu.memory_space<vmem>>
        %dma_start3A_569 = tpu.memref_squeeze %dma_start3A_568 : memref<1x1x16x128xf32, #tpu.memory_space<vmem>> -> memref<16x128xf32, #tpu.memory_space<vmem>>
        %dma_start3A_570 = arith.constant 0 : i32
        %dma_start3A_571 = tpu.memref_slice %arg2[%add3A_9, %dma_start3A_570, %multiple_of3A_553] : memref<64x16x100000xf32, #tpu.memory_space<hbm>> -> memref<1x16x128xf32, #tpu.memory_space<hbm>>
        %dma_start3A_572 = tpu.memref_squeeze %dma_start3A_571 : memref<1x16x128xf32, #tpu.memory_space<hbm>> -> memref<16x128xf32, #tpu.memory_space<hbm>>
        tpu.enqueue_dma source(%dma_start3A_572 : memref<16x128xf32, #tpu.memory_space<hbm>>) target(%dma_start3A_569 : memref<16x128xf32, #tpu.memory_space<vmem>>) target_semaphore(%dma_start3A_565 : memref<!tpu.dma_semaphore, #tpu.memory_space<semaphore_mem>>)
        %slice3A_573 = vector.extract_strided_slice %get3A_442 {offsets = [5], sizes = [1], strides = [1]} : vector<16xi32> to vector<1xi32>
        %squeeze3A_574 = vector.extract %slice3A_573[0] : i32 from vector<1xi32>
        %shift_right_arithmetic3A_575 = arith.constant 7 : i32
        %shift_right_arithmetic3A_576 = arith.shrsi %squeeze3A_574, %shift_right_arithmetic3A_575 : i32
        %shift_left3A_577 = arith.constant 7 : i32
        %shift_left3A_578 = arith.shli %shift_right_arithmetic3A_576, %shift_left3A_577 : i32
        %multiple_of3A_579 = tpu.assume_multiple %shift_left3A_578, 128 : i32
        %dma_start3A_580 = arith.constant 1 : i32
        %dma_start3A_581 = arith.constant 5 : i32
        %dma_start3A_582 = arith.constant 1 : i32
        %dma_start3A_583 = arith.constant 0 : i32
        %dma_start3A_584 = arith.constant 0 : i32
        %dma_start3A_585 = tpu.memref_slice %arg6[%dma_start3A_580, %dma_start3A_581, %dma_start3A_583, %dma_start3A_584] : memref<3x16x16x128xf32, #tpu.memory_space<vmem>> -> memref<1x1x16x128xf32, #tpu.memory_space<vmem>>
        %dma_start3A_586 = tpu.memref_squeeze %dma_start3A_585 : memref<1x1x16x128xf32, #tpu.memory_space<vmem>> -> memref<16x128xf32, #tpu.memory_space<vmem>>
        %dma_start3A_587 = arith.constant 0 : i32
        %dma_start3A_588 = tpu.memref_slice %arg2[%add3A_9, %dma_start3A_587, %multiple_of3A_579] : memref<64x16x100000xf32, #tpu.memory_space<hbm>> -> memref<1x16x128xf32, #tpu.memory_space<hbm>>
        %dma_start3A_589 = tpu.memref_squeeze %dma_start3A_588 : memref<1x16x128xf32, #tpu.memory_space<hbm>> -> memref<16x128xf32, #tpu.memory_space<hbm>>
        %dma_start3A_590 = tpu.memref_slice %arg8[%dma_start3A_582] : memref<3x!tpu.dma_semaphore, #tpu.memory_space<semaphore_mem>> -> memref<1x!tpu.dma_semaphore, #tpu.memory_space<semaphore_mem>>
        %dma_start3A_591 = tpu.memref_squeeze %dma_start3A_590 : memref<1x!tpu.dma_semaphore, #tpu.memory_space<semaphore_mem>> -> memref<!tpu.dma_semaphore, #tpu.memory_space<semaphore_mem>>
        %dma_start3A_592 = arith.constant 0 : i32
        %dma_start3A_593 = arith.constant 0 : i32
        %dma_start3A_594 = tpu.memref_slice %arg6[%dma_start3A_580, %dma_start3A_581, %dma_start3A_592, %dma_start3A_593] : memref<3x16x16x128xf32, #tpu.memory_space<vmem>> -> memref<1x1x16x128xf32, #tpu.memory_space<vmem>>
        %dma_start3A_595 = tpu.memref_squeeze %dma_start3A_594 : memref<1x1x16x128xf32, #tpu.memory_space<vmem>> -> memref<16x128xf32, #tpu.memory_space<vmem>>
        %dma_start3A_596 = arith.constant 0 : i32
        %dma_start3A_597 = tpu.memref_slice %arg2[%add3A_9, %dma_start3A_596, %multiple_of3A_579] : memref<64x16x100000xf32, #tpu.memory_space<hbm>> -> memref<1x16x128xf32, #tpu.memory_space<hbm>>
        %dma_start3A_598 = tpu.memref_squeeze %dma_start3A_597 : memref<1x16x128xf32, #tpu.memory_space<hbm>> -> memref<16x128xf32, #tpu.memory_space<hbm>>
        tpu.enqueue_dma source(%dma_start3A_598 : memref<16x128xf32, #tpu.memory_space<hbm>>) target(%dma_start3A_595 : memref<16x128xf32, #tpu.memory_space<vmem>>) target_semaphore(%dma_start3A_591 : memref<!tpu.dma_semaphore, #tpu.memory_space<semaphore_mem>>)
        %slice3A_599 = vector.extract_strided_slice %get3A_442 {offsets = [6], sizes = [1], strides = [1]} : vector<16xi32> to vector<1xi32>
        %squeeze3A_600 = vector.extract %slice3A_599[0] : i32 from vector<1xi32>
        %shift_right_arithmetic3A_601 = arith.constant 7 : i32
        %shift_right_arithmetic3A_602 = arith.shrsi %squeeze3A_600, %shift_right_arithmetic3A_601 : i32
        %shift_left3A_603 = arith.constant 7 : i32
        %shift_left3A_604 = arith.shli %shift_right_arithmetic3A_602, %shift_left3A_603 : i32
        %multiple_of3A_605 = tpu.assume_multiple %shift_left3A_604, 128 : i32
        %dma_start3A_606 = arith.constant 1 : i32
        %dma_start3A_607 = arith.constant 6 : i32
        %dma_start3A_608 = arith.constant 1 : i32
        %dma_start3A_609 = arith.constant 0 : i32
        %dma_start3A_610 = arith.constant 0 : i32
        %dma_start3A_611 = tpu.memref_slice %arg6[%dma_start3A_606, %dma_start3A_607, %dma_start3A_609, %dma_start3A_610] : memref<3x16x16x128xf32, #tpu.memory_space<vmem>> -> memref<1x1x16x128xf32, #tpu.memory_space<vmem>>
        %dma_start3A_612 = tpu.memref_squeeze %dma_start3A_611 : memref<1x1x16x128xf32, #tpu.memory_space<vmem>> -> memref<16x128xf32, #tpu.memory_space<vmem>>
        %dma_start3A_613 = arith.constant 0 : i32
        %dma_start3A_614 = tpu.memref_slice %arg2[%add3A_9, %dma_start3A_613, %multiple_of3A_605] : memref<64x16x100000xf32, #tpu.memory_space<hbm>> -> memref<1x16x128xf32, #tpu.memory_space<hbm>>
        %dma_start3A_615 = tpu.memref_squeeze %dma_start3A_614 : memref<1x16x128xf32, #tpu.memory_space<hbm>> -> memref<16x128xf32, #tpu.memory_space<hbm>>
        %dma_start3A_616 = tpu.memref_slice %arg8[%dma_start3A_608] : memref<3x!tpu.dma_semaphore, #tpu.memory_space<semaphore_mem>> -> memref<1x!tpu.dma_semaphore, #tpu.memory_space<semaphore_mem>>
        %dma_start3A_617 = tpu.memref_squeeze %dma_start3A_616 : memref<1x!tpu.dma_semaphore, #tpu.memory_space<semaphore_mem>> -> memref<!tpu.dma_semaphore, #tpu.memory_space<semaphore_mem>>
        %dma_start3A_618 = arith.constant 0 : i32
        %dma_start3A_619 = arith.constant 0 : i32
        %dma_start3A_620 = tpu.memref_slice %arg6[%dma_start3A_606, %dma_start3A_607, %dma_start3A_618, %dma_start3A_619] : memref<3x16x16x128xf32, #tpu.memory_space<vmem>> -> memref<1x1x16x128xf32, #tpu.memory_space<vmem>>
        %dma_start3A_621 = tpu.memref_squeeze %dma_start3A_620 : memref<1x1x16x128xf32, #tpu.memory_space<vmem>> -> memref<16x128xf32, #tpu.memory_space<vmem>>
        %dma_start3A_622 = arith.constant 0 : i32
        %dma_start3A_623 = tpu.memref_slice %arg2[%add3A_9, %dma_start3A_622, %multiple_of3A_605] : memref<64x16x100000xf32, #tpu.memory_space<hbm>> -> memref<1x16x128xf32, #tpu.memory_space<hbm>>
        %dma_start3A_624 = tpu.memref_squeeze %dma_start3A_623 : memref<1x16x128xf32, #tpu.memory_space<hbm>> -> memref<16x128xf32, #tpu.memory_space<hbm>>
        tpu.enqueue_dma source(%dma_start3A_624 : memref<16x128xf32, #tpu.memory_space<hbm>>) target(%dma_start3A_621 : memref<16x128xf32, #tpu.memory_space<vmem>>) target_semaphore(%dma_start3A_617 : memref<!tpu.dma_semaphore, #tpu.memory_space<semaphore_mem>>)
        %slice3A_625 = vector.extract_strided_slice %get3A_442 {offsets = [7], sizes = [1], strides = [1]} : vector<16xi32> to vector<1xi32>
        %squeeze3A_626 = vector.extract %slice3A_625[0] : i32 from vector<1xi32>
        %shift_right_arithmetic3A_627 = arith.constant 7 : i32
        %shift_right_arithmetic3A_628 = arith.shrsi %squeeze3A_626, %shift_right_arithmetic3A_627 : i32
        %shift_left3A_629 = arith.constant 7 : i32
        %shift_left3A_630 = arith.shli %shift_right_arithmetic3A_628, %shift_left3A_629 : i32
        %multiple_of3A_631 = tpu.assume_multiple %shift_left3A_630, 128 : i32
        %dma_start3A_632 = arith.constant 1 : i32
        %dma_start3A_633 = arith.constant 7 : i32
        %dma_start3A_634 = arith.constant 1 : i32
        %dma_start3A_635 = arith.constant 0 : i32
        %dma_start3A_636 = arith.constant 0 : i32
        %dma_start3A_637 = tpu.memref_slice %arg6[%dma_start3A_632, %dma_start3A_633, %dma_start3A_635, %dma_start3A_636] : memref<3x16x16x128xf32, #tpu.memory_space<vmem>> -> memref<1x1x16x128xf32, #tpu.memory_space<vmem>>
        %dma_start3A_638 = tpu.memref_squeeze %dma_start3A_637 : memref<1x1x16x128xf32, #tpu.memory_space<vmem>> -> memref<16x128xf32, #tpu.memory_space<vmem>>
        %dma_start3A_639 = arith.constant 0 : i32
        %dma_start3A_640 = tpu.memref_slice %arg2[%add3A_9, %dma_start3A_639, %multiple_of3A_631] : memref<64x16x100000xf32, #tpu.memory_space<hbm>> -> memref<1x16x128xf32, #tpu.memory_space<hbm>>
        %dma_start3A_641 = tpu.memref_squeeze %dma_start3A_640 : memref<1x16x128xf32, #tpu.memory_space<hbm>> -> memref<16x128xf32, #tpu.memory_space<hbm>>
        %dma_start3A_642 = tpu.memref_slice %arg8[%dma_start3A_634] : memref<3x!tpu.dma_semaphore, #tpu.memory_space<semaphore_mem>> -> memref<1x!tpu.dma_semaphore, #tpu.memory_space<semaphore_mem>>
        %dma_start3A_643 = tpu.memref_squeeze %dma_start3A_642 : memref<1x!tpu.dma_semaphore, #tpu.memory_space<semaphore_mem>> -> memref<!tpu.dma_semaphore, #tpu.memory_space<semaphore_mem>>
        %dma_start3A_644 = arith.constant 0 : i32
        %dma_start3A_645 = arith.constant 0 : i32
        %dma_start3A_646 = tpu.memref_slice %arg6[%dma_start3A_632, %dma_start3A_633, %dma_start3A_644, %dma_start3A_645] : memref<3x16x16x128xf32, #tpu.memory_space<vmem>> -> memref<1x1x16x128xf32, #tpu.memory_space<vmem>>
        %dma_start3A_647 = tpu.memref_squeeze %dma_start3A_646 : memref<1x1x16x128xf32, #tpu.memory_space<vmem>> -> memref<16x128xf32, #tpu.memory_space<vmem>>
        %dma_start3A_648 = arith.constant 0 : i32
        %dma_start3A_649 = tpu.memref_slice %arg2[%add3A_9, %dma_start3A_648, %multiple_of3A_631] : memref<64x16x100000xf32, #tpu.memory_space<hbm>> -> memref<1x16x128xf32, #tpu.memory_space<hbm>>
        %dma_start3A_650 = tpu.memref_squeeze %dma_start3A_649 : memref<1x16x128xf32, #tpu.memory_space<hbm>> -> memref<16x128xf32, #tpu.memory_space<hbm>>
        tpu.enqueue_dma source(%dma_start3A_650 : memref<16x128xf32, #tpu.memory_space<hbm>>) target(%dma_start3A_647 : memref<16x128xf32, #tpu.memory_space<vmem>>) target_semaphore(%dma_start3A_643 : memref<!tpu.dma_semaphore, #tpu.memory_space<semaphore_mem>>)
        %slice3A_651 = vector.extract_strided_slice %get3A_442 {offsets = [8], sizes = [1], strides = [1]} : vector<16xi32> to vector<1xi32>
        %squeeze3A_652 = vector.extract %slice3A_651[0] : i32 from vector<1xi32>
        %shift_right_arithmetic3A_653 = arith.constant 7 : i32
        %shift_right_arithmetic3A_654 = arith.shrsi %squeeze3A_652, %shift_right_arithmetic3A_653 : i32
        %shift_left3A_655 = arith.constant 7 : i32
        %shift_left3A_656 = arith.shli %shift_right_arithmetic3A_654, %shift_left3A_655 : i32
        %multiple_of3A_657 = tpu.assume_multiple %shift_left3A_656, 128 : i32
        %dma_start3A_658 = arith.constant 1 : i32
        %dma_start3A_659 = arith.constant 8 : i32
        %dma_start3A_660 = arith.constant 1 : i32
        %dma_start3A_661 = arith.constant 0 : i32
        %dma_start3A_662 = arith.constant 0 : i32
        %dma_start3A_663 = tpu.memref_slice %arg6[%dma_start3A_658, %dma_start3A_659, %dma_start3A_661, %dma_start3A_662] : memref<3x16x16x128xf32, #tpu.memory_space<vmem>> -> memref<1x1x16x128xf32, #tpu.memory_space<vmem>>
        %dma_start3A_664 = tpu.memref_squeeze %dma_start3A_663 : memref<1x1x16x128xf32, #tpu.memory_space<vmem>> -> memref<16x128xf32, #tpu.memory_space<vmem>>
        %dma_start3A_665 = arith.constant 0 : i32
        %dma_start3A_666 = tpu.memref_slice %arg2[%add3A_9, %dma_start3A_665, %multiple_of3A_657] : memref<64x16x100000xf32, #tpu.memory_space<hbm>> -> memref<1x16x128xf32, #tpu.memory_space<hbm>>
        %dma_start3A_667 = tpu.memref_squeeze %dma_start3A_666 : memref<1x16x128xf32, #tpu.memory_space<hbm>> -> memref<16x128xf32, #tpu.memory_space<hbm>>
        %dma_start3A_668 = tpu.memref_slice %arg8[%dma_start3A_660] : memref<3x!tpu.dma_semaphore, #tpu.memory_space<semaphore_mem>> -> memref<1x!tpu.dma_semaphore, #tpu.memory_space<semaphore_mem>>
        %dma_start3A_669 = tpu.memref_squeeze %dma_start3A_668 : memref<1x!tpu.dma_semaphore, #tpu.memory_space<semaphore_mem>> -> memref<!tpu.dma_semaphore, #tpu.memory_space<semaphore_mem>>
        %dma_start3A_670 = arith.constant 0 : i32
        %dma_start3A_671 = arith.constant 0 : i32
        %dma_start3A_672 = tpu.memref_slice %arg6[%dma_start3A_658, %dma_start3A_659, %dma_start3A_670, %dma_start3A_671] : memref<3x16x16x128xf32, #tpu.memory_space<vmem>> -> memref<1x1x16x128xf32, #tpu.memory_space<vmem>>
        %dma_start3A_673 = tpu.memref_squeeze %dma_start3A_672 : memref<1x1x16x128xf32, #tpu.memory_space<vmem>> -> memref<16x128xf32, #tpu.memory_space<vmem>>
        %dma_start3A_674 = arith.constant 0 : i32
        %dma_start3A_675 = tpu.memref_slice %arg2[%add3A_9, %dma_start3A_674, %multiple_of3A_657] : memref<64x16x100000xf32, #tpu.memory_space<hbm>> -> memref<1x16x128xf32, #tpu.memory_space<hbm>>
        %dma_start3A_676 = tpu.memref_squeeze %dma_start3A_675 : memref<1x16x128xf32, #tpu.memory_space<hbm>> -> memref<16x128xf32, #tpu.memory_space<hbm>>
        tpu.enqueue_dma source(%dma_start3A_676 : memref<16x128xf32, #tpu.memory_space<hbm>>) target(%dma_start3A_673 : memref<16x128xf32, #tpu.memory_space<vmem>>) target_semaphore(%dma_start3A_669 : memref<!tpu.dma_semaphore, #tpu.memory_space<semaphore_mem>>)
        %slice3A_677 = vector.extract_strided_slice %get3A_442 {offsets = [9], sizes = [1], strides = [1]} : vector<16xi32> to vector<1xi32>
        %squeeze3A_678 = vector.extract %slice3A_677[0] : i32 from vector<1xi32>
        %shift_right_arithmetic3A_679 = arith.constant 7 : i32
        %shift_right_arithmetic3A_680 = arith.shrsi %squeeze3A_678, %shift_right_arithmetic3A_679 : i32
        %shift_left3A_681 = arith.constant 7 : i32
        %shift_left3A_682 = arith.shli %shift_right_arithmetic3A_680, %shift_left3A_681 : i32
        %multiple_of3A_683 = tpu.assume_multiple %shift_left3A_682, 128 : i32
        %dma_start3A_684 = arith.constant 1 : i32
        %dma_start3A_685 = arith.constant 9 : i32
        %dma_start3A_686 = arith.constant 1 : i32
        %dma_start3A_687 = arith.constant 0 : i32
        %dma_start3A_688 = arith.constant 0 : i32
        %dma_start3A_689 = tpu.memref_slice %arg6[%dma_start3A_684, %dma_start3A_685, %dma_start3A_687, %dma_start3A_688] : memref<3x16x16x128xf32, #tpu.memory_space<vmem>> -> memref<1x1x16x128xf32, #tpu.memory_space<vmem>>
        %dma_start3A_690 = tpu.memref_squeeze %dma_start3A_689 : memref<1x1x16x128xf32, #tpu.memory_space<vmem>> -> memref<16x128xf32, #tpu.memory_space<vmem>>
        %dma_start3A_691 = arith.constant 0 : i32
        %dma_start3A_692 = tpu.memref_slice %arg2[%add3A_9, %dma_start3A_691, %multiple_of3A_683] : memref<64x16x100000xf32, #tpu.memory_space<hbm>> -> memref<1x16x128xf32, #tpu.memory_space<hbm>>
        %dma_start3A_693 = tpu.memref_squeeze %dma_start3A_692 : memref<1x16x128xf32, #tpu.memory_space<hbm>> -> memref<16x128xf32, #tpu.memory_space<hbm>>
        %dma_start3A_694 = tpu.memref_slice %arg8[%dma_start3A_686] : memref<3x!tpu.dma_semaphore, #tpu.memory_space<semaphore_mem>> -> memref<1x!tpu.dma_semaphore, #tpu.memory_space<semaphore_mem>>
        %dma_start3A_695 = tpu.memref_squeeze %dma_start3A_694 : memref<1x!tpu.dma_semaphore, #tpu.memory_space<semaphore_mem>> -> memref<!tpu.dma_semaphore, #tpu.memory_space<semaphore_mem>>
        %dma_start3A_696 = arith.constant 0 : i32
        %dma_start3A_697 = arith.constant 0 : i32
        %dma_start3A_698 = tpu.memref_slice %arg6[%dma_start3A_684, %dma_start3A_685, %dma_start3A_696, %dma_start3A_697] : memref<3x16x16x128xf32, #tpu.memory_space<vmem>> -> memref<1x1x16x128xf32, #tpu.memory_space<vmem>>
        %dma_start3A_699 = tpu.memref_squeeze %dma_start3A_698 : memref<1x1x16x128xf32, #tpu.memory_space<vmem>> -> memref<16x128xf32, #tpu.memory_space<vmem>>
        %dma_start3A_700 = arith.constant 0 : i32
        %dma_start3A_701 = tpu.memref_slice %arg2[%add3A_9, %dma_start3A_700, %multiple_of3A_683] : memref<64x16x100000xf32, #tpu.memory_space<hbm>> -> memref<1x16x128xf32, #tpu.memory_space<hbm>>
        %dma_start3A_702 = tpu.memref_squeeze %dma_start3A_701 : memref<1x16x128xf32, #tpu.memory_space<hbm>> -> memref<16x128xf32, #tpu.memory_space<hbm>>
        tpu.enqueue_dma source(%dma_start3A_702 : memref<16x128xf32, #tpu.memory_space<hbm>>) target(%dma_start3A_699 : memref<16x128xf32, #tpu.memory_space<vmem>>) target_semaphore(%dma_start3A_695 : memref<!tpu.dma_semaphore, #tpu.memory_space<semaphore_mem>>)
        %slice3A_703 = vector.extract_strided_slice %get3A_442 {offsets = [10], sizes = [1], strides = [1]} : vector<16xi32> to vector<1xi32>
        %squeeze3A_704 = vector.extract %slice3A_703[0] : i32 from vector<1xi32>
        %shift_right_arithmetic3A_705 = arith.constant 7 : i32
        %shift_right_arithmetic3A_706 = arith.shrsi %squeeze3A_704, %shift_right_arithmetic3A_705 : i32
        %shift_left3A_707 = arith.constant 7 : i32
        %shift_left3A_708 = arith.shli %shift_right_arithmetic3A_706, %shift_left3A_707 : i32
        %multiple_of3A_709 = tpu.assume_multiple %shift_left3A_708, 128 : i32
        %dma_start3A_710 = arith.constant 1 : i32
        %dma_start3A_711 = arith.constant 10 : i32
        %dma_start3A_712 = arith.constant 1 : i32
        %dma_start3A_713 = arith.constant 0 : i32
        %dma_start3A_714 = arith.constant 0 : i32
        %dma_start3A_715 = tpu.memref_slice %arg6[%dma_start3A_710, %dma_start3A_711, %dma_start3A_713, %dma_start3A_714] : memref<3x16x16x128xf32, #tpu.memory_space<vmem>> -> memref<1x1x16x128xf32, #tpu.memory_space<vmem>>
        %dma_start3A_716 = tpu.memref_squeeze %dma_start3A_715 : memref<1x1x16x128xf32, #tpu.memory_space<vmem>> -> memref<16x128xf32, #tpu.memory_space<vmem>>
        %dma_start3A_717 = arith.constant 0 : i32
        %dma_start3A_718 = tpu.memref_slice %arg2[%add3A_9, %dma_start3A_717, %multiple_of3A_709] : memref<64x16x100000xf32, #tpu.memory_space<hbm>> -> memref<1x16x128xf32, #tpu.memory_space<hbm>>
        %dma_start3A_719 = tpu.memref_squeeze %dma_start3A_718 : memref<1x16x128xf32, #tpu.memory_space<hbm>> -> memref<16x128xf32, #tpu.memory_space<hbm>>
        %dma_start3A_720 = tpu.memref_slice %arg8[%dma_start3A_712] : memref<3x!tpu.dma_semaphore, #tpu.memory_space<semaphore_mem>> -> memref<1x!tpu.dma_semaphore, #tpu.memory_space<semaphore_mem>>
        %dma_start3A_721 = tpu.memref_squeeze %dma_start3A_720 : memref<1x!tpu.dma_semaphore, #tpu.memory_space<semaphore_mem>> -> memref<!tpu.dma_semaphore, #tpu.memory_space<semaphore_mem>>
        %dma_start3A_722 = arith.constant 0 : i32
        %dma_start3A_723 = arith.constant 0 : i32
        %dma_start3A_724 = tpu.memref_slice %arg6[%dma_start3A_710, %dma_start3A_711, %dma_start3A_722, %dma_start3A_723] : memref<3x16x16x128xf32, #tpu.memory_space<vmem>> -> memref<1x1x16x128xf32, #tpu.memory_space<vmem>>
        %dma_start3A_725 = tpu.memref_squeeze %dma_start3A_724 : memref<1x1x16x128xf32, #tpu.memory_space<vmem>> -> memref<16x128xf32, #tpu.memory_space<vmem>>
        %dma_start3A_726 = arith.constant 0 : i32
        %dma_start3A_727 = tpu.memref_slice %arg2[%add3A_9, %dma_start3A_726, %multiple_of3A_709] : memref<64x16x100000xf32, #tpu.memory_space<hbm>> -> memref<1x16x128xf32, #tpu.memory_space<hbm>>
        %dma_start3A_728 = tpu.memref_squeeze %dma_start3A_727 : memref<1x16x128xf32, #tpu.memory_space<hbm>> -> memref<16x128xf32, #tpu.memory_space<hbm>>
        tpu.enqueue_dma source(%dma_start3A_728 : memref<16x128xf32, #tpu.memory_space<hbm>>) target(%dma_start3A_725 : memref<16x128xf32, #tpu.memory_space<vmem>>) target_semaphore(%dma_start3A_721 : memref<!tpu.dma_semaphore, #tpu.memory_space<semaphore_mem>>)
        %slice3A_729 = vector.extract_strided_slice %get3A_442 {offsets = [11], sizes = [1], strides = [1]} : vector<16xi32> to vector<1xi32>
        %squeeze3A_730 = vector.extract %slice3A_729[0] : i32 from vector<1xi32>
        %shift_right_arithmetic3A_731 = arith.constant 7 : i32
        %shift_right_arithmetic3A_732 = arith.shrsi %squeeze3A_730, %shift_right_arithmetic3A_731 : i32
        %shift_left3A_733 = arith.constant 7 : i32
        %shift_left3A_734 = arith.shli %shift_right_arithmetic3A_732, %shift_left3A_733 : i32
        %multiple_of3A_735 = tpu.assume_multiple %shift_left3A_734, 128 : i32
        %dma_start3A_736 = arith.constant 1 : i32
        %dma_start3A_737 = arith.constant 11 : i32
        %dma_start3A_738 = arith.constant 1 : i32
        %dma_start3A_739 = arith.constant 0 : i32
        %dma_start3A_740 = arith.constant 0 : i32
        %dma_start3A_741 = tpu.memref_slice %arg6[%dma_start3A_736, %dma_start3A_737, %dma_start3A_739, %dma_start3A_740] : memref<3x16x16x128xf32, #tpu.memory_space<vmem>> -> memref<1x1x16x128xf32, #tpu.memory_space<vmem>>
        %dma_start3A_742 = tpu.memref_squeeze %dma_start3A_741 : memref<1x1x16x128xf32, #tpu.memory_space<vmem>> -> memref<16x128xf32, #tpu.memory_space<vmem>>
        %dma_start3A_743 = arith.constant 0 : i32
        %dma_start3A_744 = tpu.memref_slice %arg2[%add3A_9, %dma_start3A_743, %multiple_of3A_735] : memref<64x16x100000xf32, #tpu.memory_space<hbm>> -> memref<1x16x128xf32, #tpu.memory_space<hbm>>
        %dma_start3A_745 = tpu.memref_squeeze %dma_start3A_744 : memref<1x16x128xf32, #tpu.memory_space<hbm>> -> memref<16x128xf32, #tpu.memory_space<hbm>>
        %dma_start3A_746 = tpu.memref_slice %arg8[%dma_start3A_738] : memref<3x!tpu.dma_semaphore, #tpu.memory_space<semaphore_mem>> -> memref<1x!tpu.dma_semaphore, #tpu.memory_space<semaphore_mem>>
        %dma_start3A_747 = tpu.memref_squeeze %dma_start3A_746 : memref<1x!tpu.dma_semaphore, #tpu.memory_space<semaphore_mem>> -> memref<!tpu.dma_semaphore, #tpu.memory_space<semaphore_mem>>
        %dma_start3A_748 = arith.constant 0 : i32
        %dma_start3A_749 = arith.constant 0 : i32
        %dma_start3A_750 = tpu.memref_slice %arg6[%dma_start3A_736, %dma_start3A_737, %dma_start3A_748, %dma_start3A_749] : memref<3x16x16x128xf32, #tpu.memory_space<vmem>> -> memref<1x1x16x128xf32, #tpu.memory_space<vmem>>
        %dma_start3A_751 = tpu.memref_squeeze %dma_start3A_750 : memref<1x1x16x128xf32, #tpu.memory_space<vmem>> -> memref<16x128xf32, #tpu.memory_space<vmem>>
        %dma_start3A_752 = arith.constant 0 : i32
        %dma_start3A_753 = tpu.memref_slice %arg2[%add3A_9, %dma_start3A_752, %multiple_of3A_735] : memref<64x16x100000xf32, #tpu.memory_space<hbm>> -> memref<1x16x128xf32, #tpu.memory_space<hbm>>
        %dma_start3A_754 = tpu.memref_squeeze %dma_start3A_753 : memref<1x16x128xf32, #tpu.memory_space<hbm>> -> memref<16x128xf32, #tpu.memory_space<hbm>>
        tpu.enqueue_dma source(%dma_start3A_754 : memref<16x128xf32, #tpu.memory_space<hbm>>) target(%dma_start3A_751 : memref<16x128xf32, #tpu.memory_space<vmem>>) target_semaphore(%dma_start3A_747 : memref<!tpu.dma_semaphore, #tpu.memory_space<semaphore_mem>>)
        %slice3A_755 = vector.extract_strided_slice %get3A_442 {offsets = [12], sizes = [1], strides = [1]} : vector<16xi32> to vector<1xi32>
        %squeeze3A_756 = vector.extract %slice3A_755[0] : i32 from vector<1xi32>
        %shift_right_arithmetic3A_757 = arith.constant 7 : i32
        %shift_right_arithmetic3A_758 = arith.shrsi %squeeze3A_756, %shift_right_arithmetic3A_757 : i32
        %shift_left3A_759 = arith.constant 7 : i32
        %shift_left3A_760 = arith.shli %shift_right_arithmetic3A_758, %shift_left3A_759 : i32
        %multiple_of3A_761 = tpu.assume_multiple %shift_left3A_760, 128 : i32
        %dma_start3A_762 = arith.constant 1 : i32
        %dma_start3A_763 = arith.constant 12 : i32
        %dma_start3A_764 = arith.constant 1 : i32
        %dma_start3A_765 = arith.constant 0 : i32
        %dma_start3A_766 = arith.constant 0 : i32
        %dma_start3A_767 = tpu.memref_slice %arg6[%dma_start3A_762, %dma_start3A_763, %dma_start3A_765, %dma_start3A_766] : memref<3x16x16x128xf32, #tpu.memory_space<vmem>> -> memref<1x1x16x128xf32, #tpu.memory_space<vmem>>
        %dma_start3A_768 = tpu.memref_squeeze %dma_start3A_767 : memref<1x1x16x128xf32, #tpu.memory_space<vmem>> -> memref<16x128xf32, #tpu.memory_space<vmem>>
        %dma_start3A_769 = arith.constant 0 : i32
        %dma_start3A_770 = tpu.memref_slice %arg2[%add3A_9, %dma_start3A_769, %multiple_of3A_761] : memref<64x16x100000xf32, #tpu.memory_space<hbm>> -> memref<1x16x128xf32, #tpu.memory_space<hbm>>
        %dma_start3A_771 = tpu.memref_squeeze %dma_start3A_770 : memref<1x16x128xf32, #tpu.memory_space<hbm>> -> memref<16x128xf32, #tpu.memory_space<hbm>>
        %dma_start3A_772 = tpu.memref_slice %arg8[%dma_start3A_764] : memref<3x!tpu.dma_semaphore, #tpu.memory_space<semaphore_mem>> -> memref<1x!tpu.dma_semaphore, #tpu.memory_space<semaphore_mem>>
        %dma_start3A_773 = tpu.memref_squeeze %dma_start3A_772 : memref<1x!tpu.dma_semaphore, #tpu.memory_space<semaphore_mem>> -> memref<!tpu.dma_semaphore, #tpu.memory_space<semaphore_mem>>
        %dma_start3A_774 = arith.constant 0 : i32
        %dma_start3A_775 = arith.constant 0 : i32
        %dma_start3A_776 = tpu.memref_slice %arg6[%dma_start3A_762, %dma_start3A_763, %dma_start3A_774, %dma_start3A_775] : memref<3x16x16x128xf32, #tpu.memory_space<vmem>> -> memref<1x1x16x128xf32, #tpu.memory_space<vmem>>
        %dma_start3A_777 = tpu.memref_squeeze %dma_start3A_776 : memref<1x1x16x128xf32, #tpu.memory_space<vmem>> -> memref<16x128xf32, #tpu.memory_space<vmem>>
        %dma_start3A_778 = arith.constant 0 : i32
        %dma_start3A_779 = tpu.memref_slice %arg2[%add3A_9, %dma_start3A_778, %multiple_of3A_761] : memref<64x16x100000xf32, #tpu.memory_space<hbm>> -> memref<1x16x128xf32, #tpu.memory_space<hbm>>
        %dma_start3A_780 = tpu.memref_squeeze %dma_start3A_779 : memref<1x16x128xf32, #tpu.memory_space<hbm>> -> memref<16x128xf32, #tpu.memory_space<hbm>>
        tpu.enqueue_dma source(%dma_start3A_780 : memref<16x128xf32, #tpu.memory_space<hbm>>) target(%dma_start3A_777 : memref<16x128xf32, #tpu.memory_space<vmem>>) target_semaphore(%dma_start3A_773 : memref<!tpu.dma_semaphore, #tpu.memory_space<semaphore_mem>>)
        %slice3A_781 = vector.extract_strided_slice %get3A_442 {offsets = [13], sizes = [1], strides = [1]} : vector<16xi32> to vector<1xi32>
        %squeeze3A_782 = vector.extract %slice3A_781[0] : i32 from vector<1xi32>
        %shift_right_arithmetic3A_783 = arith.constant 7 : i32
        %shift_right_arithmetic3A_784 = arith.shrsi %squeeze3A_782, %shift_right_arithmetic3A_783 : i32
        %shift_left3A_785 = arith.constant 7 : i32
        %shift_left3A_786 = arith.shli %shift_right_arithmetic3A_784, %shift_left3A_785 : i32
        %multiple_of3A_787 = tpu.assume_multiple %shift_left3A_786, 128 : i32
        %dma_start3A_788 = arith.constant 1 : i32
        %dma_start3A_789 = arith.constant 13 : i32
        %dma_start3A_790 = arith.constant 1 : i32
        %dma_start3A_791 = arith.constant 0 : i32
        %dma_start3A_792 = arith.constant 0 : i32
        %dma_start3A_793 = tpu.memref_slice %arg6[%dma_start3A_788, %dma_start3A_789, %dma_start3A_791, %dma_start3A_792] : memref<3x16x16x128xf32, #tpu.memory_space<vmem>> -> memref<1x1x16x128xf32, #tpu.memory_space<vmem>>
        %dma_start3A_794 = tpu.memref_squeeze %dma_start3A_793 : memref<1x1x16x128xf32, #tpu.memory_space<vmem>> -> memref<16x128xf32, #tpu.memory_space<vmem>>
        %dma_start3A_795 = arith.constant 0 : i32
        %dma_start3A_796 = tpu.memref_slice %arg2[%add3A_9, %dma_start3A_795, %multiple_of3A_787] : memref<64x16x100000xf32, #tpu.memory_space<hbm>> -> memref<1x16x128xf32, #tpu.memory_space<hbm>>
        %dma_start3A_797 = tpu.memref_squeeze %dma_start3A_796 : memref<1x16x128xf32, #tpu.memory_space<hbm>> -> memref<16x128xf32, #tpu.memory_space<hbm>>
        %dma_start3A_798 = tpu.memref_slice %arg8[%dma_start3A_790] : memref<3x!tpu.dma_semaphore, #tpu.memory_space<semaphore_mem>> -> memref<1x!tpu.dma_semaphore, #tpu.memory_space<semaphore_mem>>
        %dma_start3A_799 = tpu.memref_squeeze %dma_start3A_798 : memref<1x!tpu.dma_semaphore, #tpu.memory_space<semaphore_mem>> -> memref<!tpu.dma_semaphore, #tpu.memory_space<semaphore_mem>>
        %dma_start3A_800 = arith.constant 0 : i32
        %dma_start3A_801 = arith.constant 0 : i32
        %dma_start3A_802 = tpu.memref_slice %arg6[%dma_start3A_788, %dma_start3A_789, %dma_start3A_800, %dma_start3A_801] : memref<3x16x16x128xf32, #tpu.memory_space<vmem>> -> memref<1x1x16x128xf32, #tpu.memory_space<vmem>>
        %dma_start3A_803 = tpu.memref_squeeze %dma_start3A_802 : memref<1x1x16x128xf32, #tpu.memory_space<vmem>> -> memref<16x128xf32, #tpu.memory_space<vmem>>
        %dma_start3A_804 = arith.constant 0 : i32
        %dma_start3A_805 = tpu.memref_slice %arg2[%add3A_9, %dma_start3A_804, %multiple_of3A_787] : memref<64x16x100000xf32, #tpu.memory_space<hbm>> -> memref<1x16x128xf32, #tpu.memory_space<hbm>>
        %dma_start3A_806 = tpu.memref_squeeze %dma_start3A_805 : memref<1x16x128xf32, #tpu.memory_space<hbm>> -> memref<16x128xf32, #tpu.memory_space<hbm>>
        tpu.enqueue_dma source(%dma_start3A_806 : memref<16x128xf32, #tpu.memory_space<hbm>>) target(%dma_start3A_803 : memref<16x128xf32, #tpu.memory_space<vmem>>) target_semaphore(%dma_start3A_799 : memref<!tpu.dma_semaphore, #tpu.memory_space<semaphore_mem>>)
        %slice3A_807 = vector.extract_strided_slice %get3A_442 {offsets = [14], sizes = [1], strides = [1]} : vector<16xi32> to vector<1xi32>
        %squeeze3A_808 = vector.extract %slice3A_807[0] : i32 from vector<1xi32>
        %shift_right_arithmetic3A_809 = arith.constant 7 : i32
        %shift_right_arithmetic3A_810 = arith.shrsi %squeeze3A_808, %shift_right_arithmetic3A_809 : i32
        %shift_left3A_811 = arith.constant 7 : i32
        %shift_left3A_812 = arith.shli %shift_right_arithmetic3A_810, %shift_left3A_811 : i32
        %multiple_of3A_813 = tpu.assume_multiple %shift_left3A_812, 128 : i32
        %dma_start3A_814 = arith.constant 1 : i32
        %dma_start3A_815 = arith.constant 14 : i32
        %dma_start3A_816 = arith.constant 1 : i32
        %dma_start3A_817 = arith.constant 0 : i32
        %dma_start3A_818 = arith.constant 0 : i32
        %dma_start3A_819 = tpu.memref_slice %arg6[%dma_start3A_814, %dma_start3A_815, %dma_start3A_817, %dma_start3A_818] : memref<3x16x16x128xf32, #tpu.memory_space<vmem>> -> memref<1x1x16x128xf32, #tpu.memory_space<vmem>>
        %dma_start3A_820 = tpu.memref_squeeze %dma_start3A_819 : memref<1x1x16x128xf32, #tpu.memory_space<vmem>> -> memref<16x128xf32, #tpu.memory_space<vmem>>
        %dma_start3A_821 = arith.constant 0 : i32
        %dma_start3A_822 = tpu.memref_slice %arg2[%add3A_9, %dma_start3A_821, %multiple_of3A_813] : memref<64x16x100000xf32, #tpu.memory_space<hbm>> -> memref<1x16x128xf32, #tpu.memory_space<hbm>>
        %dma_start3A_823 = tpu.memref_squeeze %dma_start3A_822 : memref<1x16x128xf32, #tpu.memory_space<hbm>> -> memref<16x128xf32, #tpu.memory_space<hbm>>
        %dma_start3A_824 = tpu.memref_slice %arg8[%dma_start3A_816] : memref<3x!tpu.dma_semaphore, #tpu.memory_space<semaphore_mem>> -> memref<1x!tpu.dma_semaphore, #tpu.memory_space<semaphore_mem>>
        %dma_start3A_825 = tpu.memref_squeeze %dma_start3A_824 : memref<1x!tpu.dma_semaphore, #tpu.memory_space<semaphore_mem>> -> memref<!tpu.dma_semaphore, #tpu.memory_space<semaphore_mem>>
        %dma_start3A_826 = arith.constant 0 : i32
        %dma_start3A_827 = arith.constant 0 : i32
        %dma_start3A_828 = tpu.memref_slice %arg6[%dma_start3A_814, %dma_start3A_815, %dma_start3A_826, %dma_start3A_827] : memref<3x16x16x128xf32, #tpu.memory_space<vmem>> -> memref<1x1x16x128xf32, #tpu.memory_space<vmem>>
        %dma_start3A_829 = tpu.memref_squeeze %dma_start3A_828 : memref<1x1x16x128xf32, #tpu.memory_space<vmem>> -> memref<16x128xf32, #tpu.memory_space<vmem>>
        %dma_start3A_830 = arith.constant 0 : i32
        %dma_start3A_831 = tpu.memref_slice %arg2[%add3A_9, %dma_start3A_830, %multiple_of3A_813] : memref<64x16x100000xf32, #tpu.memory_space<hbm>> -> memref<1x16x128xf32, #tpu.memory_space<hbm>>
        %dma_start3A_832 = tpu.memref_squeeze %dma_start3A_831 : memref<1x16x128xf32, #tpu.memory_space<hbm>> -> memref<16x128xf32, #tpu.memory_space<hbm>>
        tpu.enqueue_dma source(%dma_start3A_832 : memref<16x128xf32, #tpu.memory_space<hbm>>) target(%dma_start3A_829 : memref<16x128xf32, #tpu.memory_space<vmem>>) target_semaphore(%dma_start3A_825 : memref<!tpu.dma_semaphore, #tpu.memory_space<semaphore_mem>>)
        %slice3A_833 = vector.extract_strided_slice %get3A_442 {offsets = [15], sizes = [1], strides = [1]} : vector<16xi32> to vector<1xi32>
        %squeeze3A_834 = vector.extract %slice3A_833[0] : i32 from vector<1xi32>
        %shift_right_arithmetic3A_835 = arith.constant 7 : i32
        %shift_right_arithmetic3A_836 = arith.shrsi %squeeze3A_834, %shift_right_arithmetic3A_835 : i32
        %shift_left3A_837 = arith.constant 7 : i32
        %shift_left3A_838 = arith.shli %shift_right_arithmetic3A_836, %shift_left3A_837 : i32
        %multiple_of3A_839 = tpu.assume_multiple %shift_left3A_838, 128 : i32
        %dma_start3A_840 = arith.constant 1 : i32
        %dma_start3A_841 = arith.constant 15 : i32
        %dma_start3A_842 = arith.constant 1 : i32
        %dma_start3A_843 = arith.constant 0 : i32
        %dma_start3A_844 = arith.constant 0 : i32
        %dma_start3A_845 = tpu.memref_slice %arg6[%dma_start3A_840, %dma_start3A_841, %dma_start3A_843, %dma_start3A_844] : memref<3x16x16x128xf32, #tpu.memory_space<vmem>> -> memref<1x1x16x128xf32, #tpu.memory_space<vmem>>
        %dma_start3A_846 = tpu.memref_squeeze %dma_start3A_845 : memref<1x1x16x128xf32, #tpu.memory_space<vmem>> -> memref<16x128xf32, #tpu.memory_space<vmem>>
        %dma_start3A_847 = arith.constant 0 : i32
        %dma_start3A_848 = tpu.memref_slice %arg2[%add3A_9, %dma_start3A_847, %multiple_of3A_839] : memref<64x16x100000xf32, #tpu.memory_space<hbm>> -> memref<1x16x128xf32, #tpu.memory_space<hbm>>
        %dma_start3A_849 = tpu.memref_squeeze %dma_start3A_848 : memref<1x16x128xf32, #tpu.memory_space<hbm>> -> memref<16x128xf32, #tpu.memory_space<hbm>>
        %dma_start3A_850 = tpu.memref_slice %arg8[%dma_start3A_842] : memref<3x!tpu.dma_semaphore, #tpu.memory_space<semaphore_mem>> -> memref<1x!tpu.dma_semaphore, #tpu.memory_space<semaphore_mem>>
        %dma_start3A_851 = tpu.memref_squeeze %dma_start3A_850 : memref<1x!tpu.dma_semaphore, #tpu.memory_space<semaphore_mem>> -> memref<!tpu.dma_semaphore, #tpu.memory_space<semaphore_mem>>
        %dma_start3A_852 = arith.constant 0 : i32
        %dma_start3A_853 = arith.constant 0 : i32
        %dma_start3A_854 = tpu.memref_slice %arg6[%dma_start3A_840, %dma_start3A_841, %dma_start3A_852, %dma_start3A_853] : memref<3x16x16x128xf32, #tpu.memory_space<vmem>> -> memref<1x1x16x128xf32, #tpu.memory_space<vmem>>
        %dma_start3A_855 = tpu.memref_squeeze %dma_start3A_854 : memref<1x1x16x128xf32, #tpu.memory_space<vmem>> -> memref<16x128xf32, #tpu.memory_space<vmem>>
        %dma_start3A_856 = arith.constant 0 : i32
        %dma_start3A_857 = tpu.memref_slice %arg2[%add3A_9, %dma_start3A_856, %multiple_of3A_839] : memref<64x16x100000xf32, #tpu.memory_space<hbm>> -> memref<1x16x128xf32, #tpu.memory_space<hbm>>
        %dma_start3A_858 = tpu.memref_squeeze %dma_start3A_857 : memref<1x16x128xf32, #tpu.memory_space<hbm>> -> memref<16x128xf32, #tpu.memory_space<hbm>>
        tpu.enqueue_dma source(%dma_start3A_858 : memref<16x128xf32, #tpu.memory_space<hbm>>) target(%dma_start3A_855 : memref<16x128xf32, #tpu.memory_space<vmem>>) target_semaphore(%dma_start3A_851 : memref<!tpu.dma_semaphore, #tpu.memory_space<semaphore_mem>>)
        %and3A_859 = arith.constant 127 : i32
        %and3A_860 = vector.broadcast %and3A_859 : i32 to vector<16xi32>
        %and3A_861 = arith.andi %get3A_442, %and3A_860 : vector<16xi32>
        %scan3A_862 = arith.constant 0 : i32
        %scan3A_863 = arith.constant 64 : i32
        %scan3A_864 = arith.addi %scan3A_862, %scan3A_863 : i32
        %scan3A_865 = arith.constant 1 : i32
        %scan3A_866:2 = scf.for %scan3A_1482 = %scan3A_862 to %scan3A_864 step %scan3A_865 iter_args(%scan3A_1483 = %and3A_436, %scan3A_1484 = %and3A_861) -> (vector<16xi32>, vector<16xi32>)  : i32 {
          %rem3A_1485 = arith.constant 3 : i32
          %rem3A_1486 = arith.remsi %scan3A_1482, %rem3A_1485 : i32
          %add3A_1487 = arith.constant 2 : i32
          %add3A_1488 = arith.addi %scan3A_1482, %add3A_1487 : i32
          %rem3A_1489 = arith.constant 3 : i32
          %rem3A_1490 = arith.remsi %add3A_1488, %rem3A_1489 : i32
          %dma_wait3A_1491 = arith.constant 0 : i32
          %dma_wait3A_1492 = arith.constant 0 : i32
          %dma_wait3A_1493 = arith.constant 0 : i32
          %dma_wait3A_1494 = tpu.memref_slice %arg6[%rem3A_1486, %dma_wait3A_1491, %dma_wait3A_1492, %dma_wait3A_1493] : memref<3x16x16x128xf32, #tpu.memory_space<vmem>> -> memref<1x1x16x128xf32, #tpu.memory_space<vmem>>
          %dma_wait3A_1495 = tpu.memref_squeeze %dma_wait3A_1494 : memref<1x1x16x128xf32, #tpu.memory_space<vmem>> -> memref<16x128xf32, #tpu.memory_space<vmem>>
          %dma_wait3A_1496 = arith.constant 0 : i32
          %dma_wait3A_1497 = arith.constant 0 : i32
          %dma_wait3A_1498 = tpu.memref_slice %arg2[%add3A_9, %dma_wait3A_1496, %dma_wait3A_1497] : memref<64x16x100000xf32, #tpu.memory_space<hbm>> -> memref<1x16x128xf32, #tpu.memory_space<hbm>>
          %dma_wait3A_1499 = tpu.memref_squeeze %dma_wait3A_1498 : memref<1x16x128xf32, #tpu.memory_space<hbm>> -> memref<16x128xf32, #tpu.memory_space<hbm>>
          %dma_wait3A_1500 = tpu.memref_slice %arg8[%rem3A_1486] : memref<3x!tpu.dma_semaphore, #tpu.memory_space<semaphore_mem>> -> memref<1x!tpu.dma_semaphore, #tpu.memory_space<semaphore_mem>>
          %dma_wait3A_1501 = tpu.memref_squeeze %dma_wait3A_1500 : memref<1x!tpu.dma_semaphore, #tpu.memory_space<semaphore_mem>> -> memref<!tpu.dma_semaphore, #tpu.memory_space<semaphore_mem>>
          %dma_wait3A_1502 = arith.constant 0 : i32
          %dma_wait3A_1503 = arith.constant 0 : i32
          %dma_wait3A_1504 = tpu.memref_slice %arg6[%rem3A_1486, %dma_wait3A_1491, %dma_wait3A_1502, %dma_wait3A_1503] : memref<3x16x16x128xf32, #tpu.memory_space<vmem>> -> memref<1x1x16x128xf32, #tpu.memory_space<vmem>>
          %dma_wait3A_1505 = tpu.memref_squeeze %dma_wait3A_1504 : memref<1x1x16x128xf32, #tpu.memory_space<vmem>> -> memref<16x128xf32, #tpu.memory_space<vmem>>
          %dma_wait3A_1506 = arith.constant 0 : i32
          %dma_wait3A_1507 = arith.constant 0 : i32
          %dma_wait3A_1508 = tpu.memref_slice %arg2[%add3A_9, %dma_wait3A_1506, %dma_wait3A_1507] : memref<64x16x100000xf32, #tpu.memory_space<hbm>> -> memref<1x16x128xf32, #tpu.memory_space<hbm>>
          %dma_wait3A_1509 = tpu.memref_squeeze %dma_wait3A_1508 : memref<1x16x128xf32, #tpu.memory_space<hbm>> -> memref<16x128xf32, #tpu.memory_space<hbm>>
          tpu.wait_dma2 semaphore(%dma_wait3A_1501 : memref<!tpu.dma_semaphore, #tpu.memory_space<semaphore_mem>>) src(%dma_wait3A_1509 : memref<16x128xf32, #tpu.memory_space<hbm>>) dst(%dma_wait3A_1505 : memref<16x128xf32, #tpu.memory_space<vmem>>)
          %dma_wait3A_1510 = arith.constant 1 : i32
          %dma_wait3A_1511 = arith.constant 0 : i32
          %dma_wait3A_1512 = arith.constant 0 : i32
          %dma_wait3A_1513 = tpu.memref_slice %arg6[%rem3A_1486, %dma_wait3A_1510, %dma_wait3A_1511, %dma_wait3A_1512] : memref<3x16x16x128xf32, #tpu.memory_space<vmem>> -> memref<1x1x16x128xf32, #tpu.memory_space<vmem>>
          %dma_wait3A_1514 = tpu.memref_squeeze %dma_wait3A_1513 : memref<1x1x16x128xf32, #tpu.memory_space<vmem>> -> memref<16x128xf32, #tpu.memory_space<vmem>>
          %dma_wait3A_1515 = arith.constant 0 : i32
          %dma_wait3A_1516 = arith.constant 0 : i32
          %dma_wait3A_1517 = tpu.memref_slice %arg2[%add3A_9, %dma_wait3A_1515, %dma_wait3A_1516] : memref<64x16x100000xf32, #tpu.memory_space<hbm>> -> memref<1x16x128xf32, #tpu.memory_space<hbm>>
          %dma_wait3A_1518 = tpu.memref_squeeze %dma_wait3A_1517 : memref<1x16x128xf32, #tpu.memory_space<hbm>> -> memref<16x128xf32, #tpu.memory_space<hbm>>
          %dma_wait3A_1519 = tpu.memref_slice %arg8[%rem3A_1486] : memref<3x!tpu.dma_semaphore, #tpu.memory_space<semaphore_mem>> -> memref<1x!tpu.dma_semaphore, #tpu.memory_space<semaphore_mem>>
          %dma_wait3A_1520 = tpu.memref_squeeze %dma_wait3A_1519 : memref<1x!tpu.dma_semaphore, #tpu.memory_space<semaphore_mem>> -> memref<!tpu.dma_semaphore, #tpu.memory_space<semaphore_mem>>
          %dma_wait3A_1521 = arith.constant 0 : i32
          %dma_wait3A_1522 = arith.constant 0 : i32
          %dma_wait3A_1523 = tpu.memref_slice %arg6[%rem3A_1486, %dma_wait3A_1510, %dma_wait3A_1521, %dma_wait3A_1522] : memref<3x16x16x128xf32, #tpu.memory_space<vmem>> -> memref<1x1x16x128xf32, #tpu.memory_space<vmem>>
          %dma_wait3A_1524 = tpu.memref_squeeze %dma_wait3A_1523 : memref<1x1x16x128xf32, #tpu.memory_space<vmem>> -> memref<16x128xf32, #tpu.memory_space<vmem>>
          %dma_wait3A_1525 = arith.constant 0 : i32
          %dma_wait3A_1526 = arith.constant 0 : i32
          %dma_wait3A_1527 = tpu.memref_slice %arg2[%add3A_9, %dma_wait3A_1525, %dma_wait3A_1526] : memref<64x16x100000xf32, #tpu.memory_space<hbm>> -> memref<1x16x128xf32, #tpu.memory_space<hbm>>
          %dma_wait3A_1528 = tpu.memref_squeeze %dma_wait3A_1527 : memref<1x16x128xf32, #tpu.memory_space<hbm>> -> memref<16x128xf32, #tpu.memory_space<hbm>>
          tpu.wait_dma2 semaphore(%dma_wait3A_1520 : memref<!tpu.dma_semaphore, #tpu.memory_space<semaphore_mem>>) src(%dma_wait3A_1528 : memref<16x128xf32, #tpu.memory_space<hbm>>) dst(%dma_wait3A_1524 : memref<16x128xf32, #tpu.memory_space<vmem>>)
          %dma_wait3A_1529 = arith.constant 2 : i32
          %dma_wait3A_1530 = arith.constant 0 : i32
          %dma_wait3A_1531 = arith.constant 0 : i32
          %dma_wait3A_1532 = tpu.memref_slice %arg6[%rem3A_1486, %dma_wait3A_1529, %dma_wait3A_1530, %dma_wait3A_1531] : memref<3x16x16x128xf32, #tpu.memory_space<vmem>> -> memref<1x1x16x128xf32, #tpu.memory_space<vmem>>
          %dma_wait3A_1533 = tpu.memref_squeeze %dma_wait3A_1532 : memref<1x1x16x128xf32, #tpu.memory_space<vmem>> -> memref<16x128xf32, #tpu.memory_space<vmem>>
          %dma_wait3A_1534 = arith.constant 0 : i32
          %dma_wait3A_1535 = arith.constant 0 : i32
          %dma_wait3A_1536 = tpu.memref_slice %arg2[%add3A_9, %dma_wait3A_1534, %dma_wait3A_1535] : memref<64x16x100000xf32, #tpu.memory_space<hbm>> -> memref<1x16x128xf32, #tpu.memory_space<hbm>>
          %dma_wait3A_1537 = tpu.memref_squeeze %dma_wait3A_1536 : memref<1x16x128xf32, #tpu.memory_space<hbm>> -> memref<16x128xf32, #tpu.memory_space<hbm>>
          %dma_wait3A_1538 = tpu.memref_slice %arg8[%rem3A_1486] : memref<3x!tpu.dma_semaphore, #tpu.memory_space<semaphore_mem>> -> memref<1x!tpu.dma_semaphore, #tpu.memory_space<semaphore_mem>>
          %dma_wait3A_1539 = tpu.memref_squeeze %dma_wait3A_1538 : memref<1x!tpu.dma_semaphore, #tpu.memory_space<semaphore_mem>> -> memref<!tpu.dma_semaphore, #tpu.memory_space<semaphore_mem>>
          %dma_wait3A_1540 = arith.constant 0 : i32
          %dma_wait3A_1541 = arith.constant 0 : i32
          %dma_wait3A_1542 = tpu.memref_slice %arg6[%rem3A_1486, %dma_wait3A_1529, %dma_wait3A_1540, %dma_wait3A_1541] : memref<3x16x16x128xf32, #tpu.memory_space<vmem>> -> memref<1x1x16x128xf32, #tpu.memory_space<vmem>>
          %dma_wait3A_1543 = tpu.memref_squeeze %dma_wait3A_1542 : memref<1x1x16x128xf32, #tpu.memory_space<vmem>> -> memref<16x128xf32, #tpu.memory_space<vmem>>
          %dma_wait3A_1544 = arith.constant 0 : i32
          %dma_wait3A_1545 = arith.constant 0 : i32
          %dma_wait3A_1546 = tpu.memref_slice %arg2[%add3A_9, %dma_wait3A_1544, %dma_wait3A_1545] : memref<64x16x100000xf32, #tpu.memory_space<hbm>> -> memref<1x16x128xf32, #tpu.memory_space<hbm>>
          %dma_wait3A_1547 = tpu.memref_squeeze %dma_wait3A_1546 : memref<1x16x128xf32, #tpu.memory_space<hbm>> -> memref<16x128xf32, #tpu.memory_space<hbm>>
          tpu.wait_dma2 semaphore(%dma_wait3A_1539 : memref<!tpu.dma_semaphore, #tpu.memory_space<semaphore_mem>>) src(%dma_wait3A_1547 : memref<16x128xf32, #tpu.memory_space<hbm>>) dst(%dma_wait3A_1543 : memref<16x128xf32, #tpu.memory_space<vmem>>)
          %dma_wait3A_1548 = arith.constant 3 : i32
          %dma_wait3A_1549 = arith.constant 0 : i32
          %dma_wait3A_1550 = arith.constant 0 : i32
          %dma_wait3A_1551 = tpu.memref_slice %arg6[%rem3A_1486, %dma_wait3A_1548, %dma_wait3A_1549, %dma_wait3A_1550] : memref<3x16x16x128xf32, #tpu.memory_space<vmem>> -> memref<1x1x16x128xf32, #tpu.memory_space<vmem>>
          %dma_wait3A_1552 = tpu.memref_squeeze %dma_wait3A_1551 : memref<1x1x16x128xf32, #tpu.memory_space<vmem>> -> memref<16x128xf32, #tpu.memory_space<vmem>>
          %dma_wait3A_1553 = arith.constant 0 : i32
          %dma_wait3A_1554 = arith.constant 0 : i32
          %dma_wait3A_1555 = tpu.memref_slice %arg2[%add3A_9, %dma_wait3A_1553, %dma_wait3A_1554] : memref<64x16x100000xf32, #tpu.memory_space<hbm>> -> memref<1x16x128xf32, #tpu.memory_space<hbm>>
          %dma_wait3A_1556 = tpu.memref_squeeze %dma_wait3A_1555 : memref<1x16x128xf32, #tpu.memory_space<hbm>> -> memref<16x128xf32, #tpu.memory_space<hbm>>
          %dma_wait3A_1557 = tpu.memref_slice %arg8[%rem3A_1486] : memref<3x!tpu.dma_semaphore, #tpu.memory_space<semaphore_mem>> -> memref<1x!tpu.dma_semaphore, #tpu.memory_space<semaphore_mem>>
          %dma_wait3A_1558 = tpu.memref_squeeze %dma_wait3A_1557 : memref<1x!tpu.dma_semaphore, #tpu.memory_space<semaphore_mem>> -> memref<!tpu.dma_semaphore, #tpu.memory_space<semaphore_mem>>
          %dma_wait3A_1559 = arith.constant 0 : i32
          %dma_wait3A_1560 = arith.constant 0 : i32
          %dma_wait3A_1561 = tpu.memref_slice %arg6[%rem3A_1486, %dma_wait3A_1548, %dma_wait3A_1559, %dma_wait3A_1560] : memref<3x16x16x128xf32, #tpu.memory_space<vmem>> -> memref<1x1x16x128xf32, #tpu.memory_space<vmem>>
          %dma_wait3A_1562 = tpu.memref_squeeze %dma_wait3A_1561 : memref<1x1x16x128xf32, #tpu.memory_space<vmem>> -> memref<16x128xf32, #tpu.memory_space<vmem>>
          %dma_wait3A_1563 = arith.constant 0 : i32
          %dma_wait3A_1564 = arith.constant 0 : i32
          %dma_wait3A_1565 = tpu.memref_slice %arg2[%add3A_9, %dma_wait3A_1563, %dma_wait3A_1564] : memref<64x16x100000xf32, #tpu.memory_space<hbm>> -> memref<1x16x128xf32, #tpu.memory_space<hbm>>
          %dma_wait3A_1566 = tpu.memref_squeeze %dma_wait3A_1565 : memref<1x16x128xf32, #tpu.memory_space<hbm>> -> memref<16x128xf32, #tpu.memory_space<hbm>>
          tpu.wait_dma2 semaphore(%dma_wait3A_1558 : memref<!tpu.dma_semaphore, #tpu.memory_space<semaphore_mem>>) src(%dma_wait3A_1566 : memref<16x128xf32, #tpu.memory_space<hbm>>) dst(%dma_wait3A_1562 : memref<16x128xf32, #tpu.memory_space<vmem>>)
          %dma_wait3A_1567 = arith.constant 4 : i32
          %dma_wait3A_1568 = arith.constant 0 : i32
          %dma_wait3A_1569 = arith.constant 0 : i32
          %dma_wait3A_1570 = tpu.memref_slice %arg6[%rem3A_1486, %dma_wait3A_1567, %dma_wait3A_1568, %dma_wait3A_1569] : memref<3x16x16x128xf32, #tpu.memory_space<vmem>> -> memref<1x1x16x128xf32, #tpu.memory_space<vmem>>
          %dma_wait3A_1571 = tpu.memref_squeeze %dma_wait3A_1570 : memref<1x1x16x128xf32, #tpu.memory_space<vmem>> -> memref<16x128xf32, #tpu.memory_space<vmem>>
          %dma_wait3A_1572 = arith.constant 0 : i32
          %dma_wait3A_1573 = arith.constant 0 : i32
          %dma_wait3A_1574 = tpu.memref_slice %arg2[%add3A_9, %dma_wait3A_1572, %dma_wait3A_1573] : memref<64x16x100000xf32, #tpu.memory_space<hbm>> -> memref<1x16x128xf32, #tpu.memory_space<hbm>>
          %dma_wait3A_1575 = tpu.memref_squeeze %dma_wait3A_1574 : memref<1x16x128xf32, #tpu.memory_space<hbm>> -> memref<16x128xf32, #tpu.memory_space<hbm>>
          %dma_wait3A_1576 = tpu.memref_slice %arg8[%rem3A_1486] : memref<3x!tpu.dma_semaphore, #tpu.memory_space<semaphore_mem>> -> memref<1x!tpu.dma_semaphore, #tpu.memory_space<semaphore_mem>>
          %dma_wait3A_1577 = tpu.memref_squeeze %dma_wait3A_1576 : memref<1x!tpu.dma_semaphore, #tpu.memory_space<semaphore_mem>> -> memref<!tpu.dma_semaphore, #tpu.memory_space<semaphore_mem>>
          %dma_wait3A_1578 = arith.constant 0 : i32
          %dma_wait3A_1579 = arith.constant 0 : i32
          %dma_wait3A_1580 = tpu.memref_slice %arg6[%rem3A_1486, %dma_wait3A_1567, %dma_wait3A_1578, %dma_wait3A_1579] : memref<3x16x16x128xf32, #tpu.memory_space<vmem>> -> memref<1x1x16x128xf32, #tpu.memory_space<vmem>>
          %dma_wait3A_1581 = tpu.memref_squeeze %dma_wait3A_1580 : memref<1x1x16x128xf32, #tpu.memory_space<vmem>> -> memref<16x128xf32, #tpu.memory_space<vmem>>
          %dma_wait3A_1582 = arith.constant 0 : i32
          %dma_wait3A_1583 = arith.constant 0 : i32
          %dma_wait3A_1584 = tpu.memref_slice %arg2[%add3A_9, %dma_wait3A_1582, %dma_wait3A_1583] : memref<64x16x100000xf32, #tpu.memory_space<hbm>> -> memref<1x16x128xf32, #tpu.memory_space<hbm>>
          %dma_wait3A_1585 = tpu.memref_squeeze %dma_wait3A_1584 : memref<1x16x128xf32, #tpu.memory_space<hbm>> -> memref<16x128xf32, #tpu.memory_space<hbm>>
          tpu.wait_dma2 semaphore(%dma_wait3A_1577 : memref<!tpu.dma_semaphore, #tpu.memory_space<semaphore_mem>>) src(%dma_wait3A_1585 : memref<16x128xf32, #tpu.memory_space<hbm>>) dst(%dma_wait3A_1581 : memref<16x128xf32, #tpu.memory_space<vmem>>)
          %dma_wait3A_1586 = arith.constant 5 : i32
          %dma_wait3A_1587 = arith.constant 0 : i32
          %dma_wait3A_1588 = arith.constant 0 : i32
          %dma_wait3A_1589 = tpu.memref_slice %arg6[%rem3A_1486, %dma_wait3A_1586, %dma_wait3A_1587, %dma_wait3A_1588] : memref<3x16x16x128xf32, #tpu.memory_space<vmem>> -> memref<1x1x16x128xf32, #tpu.memory_space<vmem>>
          %dma_wait3A_1590 = tpu.memref_squeeze %dma_wait3A_1589 : memref<1x1x16x128xf32, #tpu.memory_space<vmem>> -> memref<16x128xf32, #tpu.memory_space<vmem>>
          %dma_wait3A_1591 = arith.constant 0 : i32
          %dma_wait3A_1592 = arith.constant 0 : i32
          %dma_wait3A_1593 = tpu.memref_slice %arg2[%add3A_9, %dma_wait3A_1591, %dma_wait3A_1592] : memref<64x16x100000xf32, #tpu.memory_space<hbm>> -> memref<1x16x128xf32, #tpu.memory_space<hbm>>
          %dma_wait3A_1594 = tpu.memref_squeeze %dma_wait3A_1593 : memref<1x16x128xf32, #tpu.memory_space<hbm>> -> memref<16x128xf32, #tpu.memory_space<hbm>>
          %dma_wait3A_1595 = tpu.memref_slice %arg8[%rem3A_1486] : memref<3x!tpu.dma_semaphore, #tpu.memory_space<semaphore_mem>> -> memref<1x!tpu.dma_semaphore, #tpu.memory_space<semaphore_mem>>
          %dma_wait3A_1596 = tpu.memref_squeeze %dma_wait3A_1595 : memref<1x!tpu.dma_semaphore, #tpu.memory_space<semaphore_mem>> -> memref<!tpu.dma_semaphore, #tpu.memory_space<semaphore_mem>>
          %dma_wait3A_1597 = arith.constant 0 : i32
          %dma_wait3A_1598 = arith.constant 0 : i32
          %dma_wait3A_1599 = tpu.memref_slice %arg6[%rem3A_1486, %dma_wait3A_1586, %dma_wait3A_1597, %dma_wait3A_1598] : memref<3x16x16x128xf32, #tpu.memory_space<vmem>> -> memref<1x1x16x128xf32, #tpu.memory_space<vmem>>
          %dma_wait3A_1600 = tpu.memref_squeeze %dma_wait3A_1599 : memref<1x1x16x128xf32, #tpu.memory_space<vmem>> -> memref<16x128xf32, #tpu.memory_space<vmem>>
          %dma_wait3A_1601 = arith.constant 0 : i32
          %dma_wait3A_1602 = arith.constant 0 : i32
          %dma_wait3A_1603 = tpu.memref_slice %arg2[%add3A_9, %dma_wait3A_1601, %dma_wait3A_1602] : memref<64x16x100000xf32, #tpu.memory_space<hbm>> -> memref<1x16x128xf32, #tpu.memory_space<hbm>>
          %dma_wait3A_1604 = tpu.memref_squeeze %dma_wait3A_1603 : memref<1x16x128xf32, #tpu.memory_space<hbm>> -> memref<16x128xf32, #tpu.memory_space<hbm>>
          tpu.wait_dma2 semaphore(%dma_wait3A_1596 : memref<!tpu.dma_semaphore, #tpu.memory_space<semaphore_mem>>) src(%dma_wait3A_1604 : memref<16x128xf32, #tpu.memory_space<hbm>>) dst(%dma_wait3A_1600 : memref<16x128xf32, #tpu.memory_space<vmem>>)
          %dma_wait3A_1605 = arith.constant 6 : i32
          %dma_wait3A_1606 = arith.constant 0 : i32
          %dma_wait3A_1607 = arith.constant 0 : i32
          %dma_wait3A_1608 = tpu.memref_slice %arg6[%rem3A_1486, %dma_wait3A_1605, %dma_wait3A_1606, %dma_wait3A_1607] : memref<3x16x16x128xf32, #tpu.memory_space<vmem>> -> memref<1x1x16x128xf32, #tpu.memory_space<vmem>>
          %dma_wait3A_1609 = tpu.memref_squeeze %dma_wait3A_1608 : memref<1x1x16x128xf32, #tpu.memory_space<vmem>> -> memref<16x128xf32, #tpu.memory_space<vmem>>
          %dma_wait3A_1610 = arith.constant 0 : i32
          %dma_wait3A_1611 = arith.constant 0 : i32
          %dma_wait3A_1612 = tpu.memref_slice %arg2[%add3A_9, %dma_wait3A_1610, %dma_wait3A_1611] : memref<64x16x100000xf32, #tpu.memory_space<hbm>> -> memref<1x16x128xf32, #tpu.memory_space<hbm>>
          %dma_wait3A_1613 = tpu.memref_squeeze %dma_wait3A_1612 : memref<1x16x128xf32, #tpu.memory_space<hbm>> -> memref<16x128xf32, #tpu.memory_space<hbm>>
          %dma_wait3A_1614 = tpu.memref_slice %arg8[%rem3A_1486] : memref<3x!tpu.dma_semaphore, #tpu.memory_space<semaphore_mem>> -> memref<1x!tpu.dma_semaphore, #tpu.memory_space<semaphore_mem>>
          %dma_wait3A_1615 = tpu.memref_squeeze %dma_wait3A_1614 : memref<1x!tpu.dma_semaphore, #tpu.memory_space<semaphore_mem>> -> memref<!tpu.dma_semaphore, #tpu.memory_space<semaphore_mem>>
          %dma_wait3A_1616 = arith.constant 0 : i32
          %dma_wait3A_1617 = arith.constant 0 : i32
          %dma_wait3A_1618 = tpu.memref_slice %arg6[%rem3A_1486, %dma_wait3A_1605, %dma_wait3A_1616, %dma_wait3A_1617] : memref<3x16x16x128xf32, #tpu.memory_space<vmem>> -> memref<1x1x16x128xf32, #tpu.memory_space<vmem>>
          %dma_wait3A_1619 = tpu.memref_squeeze %dma_wait3A_1618 : memref<1x1x16x128xf32, #tpu.memory_space<vmem>> -> memref<16x128xf32, #tpu.memory_space<vmem>>
          %dma_wait3A_1620 = arith.constant 0 : i32
          %dma_wait3A_1621 = arith.constant 0 : i32
          %dma_wait3A_1622 = tpu.memref_slice %arg2[%add3A_9, %dma_wait3A_1620, %dma_wait3A_1621] : memref<64x16x100000xf32, #tpu.memory_space<hbm>> -> memref<1x16x128xf32, #tpu.memory_space<hbm>>
          %dma_wait3A_1623 = tpu.memref_squeeze %dma_wait3A_1622 : memref<1x16x128xf32, #tpu.memory_space<hbm>> -> memref<16x128xf32, #tpu.memory_space<hbm>>
          tpu.wait_dma2 semaphore(%dma_wait3A_1615 : memref<!tpu.dma_semaphore, #tpu.memory_space<semaphore_mem>>) src(%dma_wait3A_1623 : memref<16x128xf32, #tpu.memory_space<hbm>>) dst(%dma_wait3A_1619 : memref<16x128xf32, #tpu.memory_space<vmem>>)
          %dma_wait3A_1624 = arith.constant 7 : i32
          %dma_wait3A_1625 = arith.constant 0 : i32
          %dma_wait3A_1626 = arith.constant 0 : i32
          %dma_wait3A_1627 = tpu.memref_slice %arg6[%rem3A_1486, %dma_wait3A_1624, %dma_wait3A_1625, %dma_wait3A_1626] : memref<3x16x16x128xf32, #tpu.memory_space<vmem>> -> memref<1x1x16x128xf32, #tpu.memory_space<vmem>>
          %dma_wait3A_1628 = tpu.memref_squeeze %dma_wait3A_1627 : memref<1x1x16x128xf32, #tpu.memory_space<vmem>> -> memref<16x128xf32, #tpu.memory_space<vmem>>
          %dma_wait3A_1629 = arith.constant 0 : i32
          %dma_wait3A_1630 = arith.constant 0 : i32
          %dma_wait3A_1631 = tpu.memref_slice %arg2[%add3A_9, %dma_wait3A_1629, %dma_wait3A_1630] : memref<64x16x100000xf32, #tpu.memory_space<hbm>> -> memref<1x16x128xf32, #tpu.memory_space<hbm>>
          %dma_wait3A_1632 = tpu.memref_squeeze %dma_wait3A_1631 : memref<1x16x128xf32, #tpu.memory_space<hbm>> -> memref<16x128xf32, #tpu.memory_space<hbm>>
          %dma_wait3A_1633 = tpu.memref_slice %arg8[%rem3A_1486] : memref<3x!tpu.dma_semaphore, #tpu.memory_space<semaphore_mem>> -> memref<1x!tpu.dma_semaphore, #tpu.memory_space<semaphore_mem>>
          %dma_wait3A_1634 = tpu.memref_squeeze %dma_wait3A_1633 : memref<1x!tpu.dma_semaphore, #tpu.memory_space<semaphore_mem>> -> memref<!tpu.dma_semaphore, #tpu.memory_space<semaphore_mem>>
          %dma_wait3A_1635 = arith.constant 0 : i32
          %dma_wait3A_1636 = arith.constant 0 : i32
          %dma_wait3A_1637 = tpu.memref_slice %arg6[%rem3A_1486, %dma_wait3A_1624, %dma_wait3A_1635, %dma_wait3A_1636] : memref<3x16x16x128xf32, #tpu.memory_space<vmem>> -> memref<1x1x16x128xf32, #tpu.memory_space<vmem>>
          %dma_wait3A_1638 = tpu.memref_squeeze %dma_wait3A_1637 : memref<1x1x16x128xf32, #tpu.memory_space<vmem>> -> memref<16x128xf32, #tpu.memory_space<vmem>>
          %dma_wait3A_1639 = arith.constant 0 : i32
          %dma_wait3A_1640 = arith.constant 0 : i32
          %dma_wait3A_1641 = tpu.memref_slice %arg2[%add3A_9, %dma_wait3A_1639, %dma_wait3A_1640] : memref<64x16x100000xf32, #tpu.memory_space<hbm>> -> memref<1x16x128xf32, #tpu.memory_space<hbm>>
          %dma_wait3A_1642 = tpu.memref_squeeze %dma_wait3A_1641 : memref<1x16x128xf32, #tpu.memory_space<hbm>> -> memref<16x128xf32, #tpu.memory_space<hbm>>
          tpu.wait_dma2 semaphore(%dma_wait3A_1634 : memref<!tpu.dma_semaphore, #tpu.memory_space<semaphore_mem>>) src(%dma_wait3A_1642 : memref<16x128xf32, #tpu.memory_space<hbm>>) dst(%dma_wait3A_1638 : memref<16x128xf32, #tpu.memory_space<vmem>>)
          %dma_wait3A_1643 = arith.constant 8 : i32
          %dma_wait3A_1644 = arith.constant 0 : i32
          %dma_wait3A_1645 = arith.constant 0 : i32
          %dma_wait3A_1646 = tpu.memref_slice %arg6[%rem3A_1486, %dma_wait3A_1643, %dma_wait3A_1644, %dma_wait3A_1645] : memref<3x16x16x128xf32, #tpu.memory_space<vmem>> -> memref<1x1x16x128xf32, #tpu.memory_space<vmem>>
          %dma_wait3A_1647 = tpu.memref_squeeze %dma_wait3A_1646 : memref<1x1x16x128xf32, #tpu.memory_space<vmem>> -> memref<16x128xf32, #tpu.memory_space<vmem>>
          %dma_wait3A_1648 = arith.constant 0 : i32
          %dma_wait3A_1649 = arith.constant 0 : i32
          %dma_wait3A_1650 = tpu.memref_slice %arg2[%add3A_9, %dma_wait3A_1648, %dma_wait3A_1649] : memref<64x16x100000xf32, #tpu.memory_space<hbm>> -> memref<1x16x128xf32, #tpu.memory_space<hbm>>
          %dma_wait3A_1651 = tpu.memref_squeeze %dma_wait3A_1650 : memref<1x16x128xf32, #tpu.memory_space<hbm>> -> memref<16x128xf32, #tpu.memory_space<hbm>>
          %dma_wait3A_1652 = tpu.memref_slice %arg8[%rem3A_1486] : memref<3x!tpu.dma_semaphore, #tpu.memory_space<semaphore_mem>> -> memref<1x!tpu.dma_semaphore, #tpu.memory_space<semaphore_mem>>
          %dma_wait3A_1653 = tpu.memref_squeeze %dma_wait3A_1652 : memref<1x!tpu.dma_semaphore, #tpu.memory_space<semaphore_mem>> -> memref<!tpu.dma_semaphore, #tpu.memory_space<semaphore_mem>>
          %dma_wait3A_1654 = arith.constant 0 : i32
          %dma_wait3A_1655 = arith.constant 0 : i32
          %dma_wait3A_1656 = tpu.memref_slice %arg6[%rem3A_1486, %dma_wait3A_1643, %dma_wait3A_1654, %dma_wait3A_1655] : memref<3x16x16x128xf32, #tpu.memory_space<vmem>> -> memref<1x1x16x128xf32, #tpu.memory_space<vmem>>
          %dma_wait3A_1657 = tpu.memref_squeeze %dma_wait3A_1656 : memref<1x1x16x128xf32, #tpu.memory_space<vmem>> -> memref<16x128xf32, #tpu.memory_space<vmem>>
          %dma_wait3A_1658 = arith.constant 0 : i32
          %dma_wait3A_1659 = arith.constant 0 : i32
          %dma_wait3A_1660 = tpu.memref_slice %arg2[%add3A_9, %dma_wait3A_1658, %dma_wait3A_1659] : memref<64x16x100000xf32, #tpu.memory_space<hbm>> -> memref<1x16x128xf32, #tpu.memory_space<hbm>>
          %dma_wait3A_1661 = tpu.memref_squeeze %dma_wait3A_1660 : memref<1x16x128xf32, #tpu.memory_space<hbm>> -> memref<16x128xf32, #tpu.memory_space<hbm>>
          tpu.wait_dma2 semaphore(%dma_wait3A_1653 : memref<!tpu.dma_semaphore, #tpu.memory_space<semaphore_mem>>) src(%dma_wait3A_1661 : memref<16x128xf32, #tpu.memory_space<hbm>>) dst(%dma_wait3A_1657 : memref<16x128xf32, #tpu.memory_space<vmem>>)
          %dma_wait3A_1662 = arith.constant 9 : i32
          %dma_wait3A_1663 = arith.constant 0 : i32
          %dma_wait3A_1664 = arith.constant 0 : i32
          %dma_wait3A_1665 = tpu.memref_slice %arg6[%rem3A_1486, %dma_wait3A_1662, %dma_wait3A_1663, %dma_wait3A_1664] : memref<3x16x16x128xf32, #tpu.memory_space<vmem>> -> memref<1x1x16x128xf32, #tpu.memory_space<vmem>>
          %dma_wait3A_1666 = tpu.memref_squeeze %dma_wait3A_1665 : memref<1x1x16x128xf32, #tpu.memory_space<vmem>> -> memref<16x128xf32, #tpu.memory_space<vmem>>
          %dma_wait3A_1667 = arith.constant 0 : i32
          %dma_wait3A_1668 = arith.constant 0 : i32
          %dma_wait3A_1669 = tpu.memref_slice %arg2[%add3A_9, %dma_wait3A_1667, %dma_wait3A_1668] : memref<64x16x100000xf32, #tpu.memory_space<hbm>> -> memref<1x16x128xf32, #tpu.memory_space<hbm>>
          %dma_wait3A_1670 = tpu.memref_squeeze %dma_wait3A_1669 : memref<1x16x128xf32, #tpu.memory_space<hbm>> -> memref<16x128xf32, #tpu.memory_space<hbm>>
          %dma_wait3A_1671 = tpu.memref_slice %arg8[%rem3A_1486] : memref<3x!tpu.dma_semaphore, #tpu.memory_space<semaphore_mem>> -> memref<1x!tpu.dma_semaphore, #tpu.memory_space<semaphore_mem>>
          %dma_wait3A_1672 = tpu.memref_squeeze %dma_wait3A_1671 : memref<1x!tpu.dma_semaphore, #tpu.memory_space<semaphore_mem>> -> memref<!tpu.dma_semaphore, #tpu.memory_space<semaphore_mem>>
          %dma_wait3A_1673 = arith.constant 0 : i32
          %dma_wait3A_1674 = arith.constant 0 : i32
          %dma_wait3A_1675 = tpu.memref_slice %arg6[%rem3A_1486, %dma_wait3A_1662, %dma_wait3A_1673, %dma_wait3A_1674] : memref<3x16x16x128xf32, #tpu.memory_space<vmem>> -> memref<1x1x16x128xf32, #tpu.memory_space<vmem>>
          %dma_wait3A_1676 = tpu.memref_squeeze %dma_wait3A_1675 : memref<1x1x16x128xf32, #tpu.memory_space<vmem>> -> memref<16x128xf32, #tpu.memory_space<vmem>>
          %dma_wait3A_1677 = arith.constant 0 : i32
          %dma_wait3A_1678 = arith.constant 0 : i32
          %dma_wait3A_1679 = tpu.memref_slice %arg2[%add3A_9, %dma_wait3A_1677, %dma_wait3A_1678] : memref<64x16x100000xf32, #tpu.memory_space<hbm>> -> memref<1x16x128xf32, #tpu.memory_space<hbm>>
          %dma_wait3A_1680 = tpu.memref_squeeze %dma_wait3A_1679 : memref<1x16x128xf32, #tpu.memory_space<hbm>> -> memref<16x128xf32, #tpu.memory_space<hbm>>
          tpu.wait_dma2 semaphore(%dma_wait3A_1672 : memref<!tpu.dma_semaphore, #tpu.memory_space<semaphore_mem>>) src(%dma_wait3A_1680 : memref<16x128xf32, #tpu.memory_space<hbm>>) dst(%dma_wait3A_1676 : memref<16x128xf32, #tpu.memory_space<vmem>>)
          %dma_wait3A_1681 = arith.constant 10 : i32
          %dma_wait3A_1682 = arith.constant 0 : i32
          %dma_wait3A_1683 = arith.constant 0 : i32
          %dma_wait3A_1684 = tpu.memref_slice %arg6[%rem3A_1486, %dma_wait3A_1681, %dma_wait3A_1682, %dma_wait3A_1683] : memref<3x16x16x128xf32, #tpu.memory_space<vmem>> -> memref<1x1x16x128xf32, #tpu.memory_space<vmem>>
          %dma_wait3A_1685 = tpu.memref_squeeze %dma_wait3A_1684 : memref<1x1x16x128xf32, #tpu.memory_space<vmem>> -> memref<16x128xf32, #tpu.memory_space<vmem>>
          %dma_wait3A_1686 = arith.constant 0 : i32
          %dma_wait3A_1687 = arith.constant 0 : i32
          %dma_wait3A_1688 = tpu.memref_slice %arg2[%add3A_9, %dma_wait3A_1686, %dma_wait3A_1687] : memref<64x16x100000xf32, #tpu.memory_space<hbm>> -> memref<1x16x128xf32, #tpu.memory_space<hbm>>
          %dma_wait3A_1689 = tpu.memref_squeeze %dma_wait3A_1688 : memref<1x16x128xf32, #tpu.memory_space<hbm>> -> memref<16x128xf32, #tpu.memory_space<hbm>>
          %dma_wait3A_1690 = tpu.memref_slice %arg8[%rem3A_1486] : memref<3x!tpu.dma_semaphore, #tpu.memory_space<semaphore_mem>> -> memref<1x!tpu.dma_semaphore, #tpu.memory_space<semaphore_mem>>
          %dma_wait3A_1691 = tpu.memref_squeeze %dma_wait3A_1690 : memref<1x!tpu.dma_semaphore, #tpu.memory_space<semaphore_mem>> -> memref<!tpu.dma_semaphore, #tpu.memory_space<semaphore_mem>>
          %dma_wait3A_1692 = arith.constant 0 : i32
          %dma_wait3A_1693 = arith.constant 0 : i32
          %dma_wait3A_1694 = tpu.memref_slice %arg6[%rem3A_1486, %dma_wait3A_1681, %dma_wait3A_1692, %dma_wait3A_1693] : memref<3x16x16x128xf32, #tpu.memory_space<vmem>> -> memref<1x1x16x128xf32, #tpu.memory_space<vmem>>
          %dma_wait3A_1695 = tpu.memref_squeeze %dma_wait3A_1694 : memref<1x1x16x128xf32, #tpu.memory_space<vmem>> -> memref<16x128xf32, #tpu.memory_space<vmem>>
          %dma_wait3A_1696 = arith.constant 0 : i32
          %dma_wait3A_1697 = arith.constant 0 : i32
          %dma_wait3A_1698 = tpu.memref_slice %arg2[%add3A_9, %dma_wait3A_1696, %dma_wait3A_1697] : memref<64x16x100000xf32, #tpu.memory_space<hbm>> -> memref<1x16x128xf32, #tpu.memory_space<hbm>>
          %dma_wait3A_1699 = tpu.memref_squeeze %dma_wait3A_1698 : memref<1x16x128xf32, #tpu.memory_space<hbm>> -> memref<16x128xf32, #tpu.memory_space<hbm>>
          tpu.wait_dma2 semaphore(%dma_wait3A_1691 : memref<!tpu.dma_semaphore, #tpu.memory_space<semaphore_mem>>) src(%dma_wait3A_1699 : memref<16x128xf32, #tpu.memory_space<hbm>>) dst(%dma_wait3A_1695 : memref<16x128xf32, #tpu.memory_space<vmem>>)
          %dma_wait3A_1700 = arith.constant 11 : i32
          %dma_wait3A_1701 = arith.constant 0 : i32
          %dma_wait3A_1702 = arith.constant 0 : i32
          %dma_wait3A_1703 = tpu.memref_slice %arg6[%rem3A_1486, %dma_wait3A_1700, %dma_wait3A_1701, %dma_wait3A_1702] : memref<3x16x16x128xf32, #tpu.memory_space<vmem>> -> memref<1x1x16x128xf32, #tpu.memory_space<vmem>>
          %dma_wait3A_1704 = tpu.memref_squeeze %dma_wait3A_1703 : memref<1x1x16x128xf32, #tpu.memory_space<vmem>> -> memref<16x128xf32, #tpu.memory_space<vmem>>
          %dma_wait3A_1705 = arith.constant 0 : i32
          %dma_wait3A_1706 = arith.constant 0 : i32
          %dma_wait3A_1707 = tpu.memref_slice %arg2[%add3A_9, %dma_wait3A_1705, %dma_wait3A_1706] : memref<64x16x100000xf32, #tpu.memory_space<hbm>> -> memref<1x16x128xf32, #tpu.memory_space<hbm>>
          %dma_wait3A_1708 = tpu.memref_squeeze %dma_wait3A_1707 : memref<1x16x128xf32, #tpu.memory_space<hbm>> -> memref<16x128xf32, #tpu.memory_space<hbm>>
          %dma_wait3A_1709 = tpu.memref_slice %arg8[%rem3A_1486] : memref<3x!tpu.dma_semaphore, #tpu.memory_space<semaphore_mem>> -> memref<1x!tpu.dma_semaphore, #tpu.memory_space<semaphore_mem>>
          %dma_wait3A_1710 = tpu.memref_squeeze %dma_wait3A_1709 : memref<1x!tpu.dma_semaphore, #tpu.memory_space<semaphore_mem>> -> memref<!tpu.dma_semaphore, #tpu.memory_space<semaphore_mem>>
          %dma_wait3A_1711 = arith.constant 0 : i32
          %dma_wait3A_1712 = arith.constant 0 : i32
          %dma_wait3A_1713 = tpu.memref_slice %arg6[%rem3A_1486, %dma_wait3A_1700, %dma_wait3A_1711, %dma_wait3A_1712] : memref<3x16x16x128xf32, #tpu.memory_space<vmem>> -> memref<1x1x16x128xf32, #tpu.memory_space<vmem>>
          %dma_wait3A_1714 = tpu.memref_squeeze %dma_wait3A_1713 : memref<1x1x16x128xf32, #tpu.memory_space<vmem>> -> memref<16x128xf32, #tpu.memory_space<vmem>>
          %dma_wait3A_1715 = arith.constant 0 : i32
          %dma_wait3A_1716 = arith.constant 0 : i32
          %dma_wait3A_1717 = tpu.memref_slice %arg2[%add3A_9, %dma_wait3A_1715, %dma_wait3A_1716] : memref<64x16x100000xf32, #tpu.memory_space<hbm>> -> memref<1x16x128xf32, #tpu.memory_space<hbm>>
          %dma_wait3A_1718 = tpu.memref_squeeze %dma_wait3A_1717 : memref<1x16x128xf32, #tpu.memory_space<hbm>> -> memref<16x128xf32, #tpu.memory_space<hbm>>
          tpu.wait_dma2 semaphore(%dma_wait3A_1710 : memref<!tpu.dma_semaphore, #tpu.memory_space<semaphore_mem>>) src(%dma_wait3A_1718 : memref<16x128xf32, #tpu.memory_space<hbm>>) dst(%dma_wait3A_1714 : memref<16x128xf32, #tpu.memory_space<vmem>>)
          %dma_wait3A_1719 = arith.constant 12 : i32
          %dma_wait3A_1720 = arith.constant 0 : i32
          %dma_wait3A_1721 = arith.constant 0 : i32
          %dma_wait3A_1722 = tpu.memref_slice %arg6[%rem3A_1486, %dma_wait3A_1719, %dma_wait3A_1720, %dma_wait3A_1721] : memref<3x16x16x128xf32, #tpu.memory_space<vmem>> -> memref<1x1x16x128xf32, #tpu.memory_space<vmem>>
          %dma_wait3A_1723 = tpu.memref_squeeze %dma_wait3A_1722 : memref<1x1x16x128xf32, #tpu.memory_space<vmem>> -> memref<16x128xf32, #tpu.memory_space<vmem>>
          %dma_wait3A_1724 = arith.constant 0 : i32
          %dma_wait3A_1725 = arith.constant 0 : i32
          %dma_wait3A_1726 = tpu.memref_slice %arg2[%add3A_9, %dma_wait3A_1724, %dma_wait3A_1725] : memref<64x16x100000xf32, #tpu.memory_space<hbm>> -> memref<1x16x128xf32, #tpu.memory_space<hbm>>
          %dma_wait3A_1727 = tpu.memref_squeeze %dma_wait3A_1726 : memref<1x16x128xf32, #tpu.memory_space<hbm>> -> memref<16x128xf32, #tpu.memory_space<hbm>>
          %dma_wait3A_1728 = tpu.memref_slice %arg8[%rem3A_1486] : memref<3x!tpu.dma_semaphore, #tpu.memory_space<semaphore_mem>> -> memref<1x!tpu.dma_semaphore, #tpu.memory_space<semaphore_mem>>
          %dma_wait3A_1729 = tpu.memref_squeeze %dma_wait3A_1728 : memref<1x!tpu.dma_semaphore, #tpu.memory_space<semaphore_mem>> -> memref<!tpu.dma_semaphore, #tpu.memory_space<semaphore_mem>>
          %dma_wait3A_1730 = arith.constant 0 : i32
          %dma_wait3A_1731 = arith.constant 0 : i32
          %dma_wait3A_1732 = tpu.memref_slice %arg6[%rem3A_1486, %dma_wait3A_1719, %dma_wait3A_1730, %dma_wait3A_1731] : memref<3x16x16x128xf32, #tpu.memory_space<vmem>> -> memref<1x1x16x128xf32, #tpu.memory_space<vmem>>
          %dma_wait3A_1733 = tpu.memref_squeeze %dma_wait3A_1732 : memref<1x1x16x128xf32, #tpu.memory_space<vmem>> -> memref<16x128xf32, #tpu.memory_space<vmem>>
          %dma_wait3A_1734 = arith.constant 0 : i32
          %dma_wait3A_1735 = arith.constant 0 : i32
          %dma_wait3A_1736 = tpu.memref_slice %arg2[%add3A_9, %dma_wait3A_1734, %dma_wait3A_1735] : memref<64x16x100000xf32, #tpu.memory_space<hbm>> -> memref<1x16x128xf32, #tpu.memory_space<hbm>>
          %dma_wait3A_1737 = tpu.memref_squeeze %dma_wait3A_1736 : memref<1x16x128xf32, #tpu.memory_space<hbm>> -> memref<16x128xf32, #tpu.memory_space<hbm>>
          tpu.wait_dma2 semaphore(%dma_wait3A_1729 : memref<!tpu.dma_semaphore, #tpu.memory_space<semaphore_mem>>) src(%dma_wait3A_1737 : memref<16x128xf32, #tpu.memory_space<hbm>>) dst(%dma_wait3A_1733 : memref<16x128xf32, #tpu.memory_space<vmem>>)
          %dma_wait3A_1738 = arith.constant 13 : i32
          %dma_wait3A_1739 = arith.constant 0 : i32
          %dma_wait3A_1740 = arith.constant 0 : i32
          %dma_wait3A_1741 = tpu.memref_slice %arg6[%rem3A_1486, %dma_wait3A_1738, %dma_wait3A_1739, %dma_wait3A_1740] : memref<3x16x16x128xf32, #tpu.memory_space<vmem>> -> memref<1x1x16x128xf32, #tpu.memory_space<vmem>>
          %dma_wait3A_1742 = tpu.memref_squeeze %dma_wait3A_1741 : memref<1x1x16x128xf32, #tpu.memory_space<vmem>> -> memref<16x128xf32, #tpu.memory_space<vmem>>
          %dma_wait3A_1743 = arith.constant 0 : i32
          %dma_wait3A_1744 = arith.constant 0 : i32
          %dma_wait3A_1745 = tpu.memref_slice %arg2[%add3A_9, %dma_wait3A_1743, %dma_wait3A_1744] : memref<64x16x100000xf32, #tpu.memory_space<hbm>> -> memref<1x16x128xf32, #tpu.memory_space<hbm>>
          %dma_wait3A_1746 = tpu.memref_squeeze %dma_wait3A_1745 : memref<1x16x128xf32, #tpu.memory_space<hbm>> -> memref<16x128xf32, #tpu.memory_space<hbm>>
          %dma_wait3A_1747 = tpu.memref_slice %arg8[%rem3A_1486] : memref<3x!tpu.dma_semaphore, #tpu.memory_space<semaphore_mem>> -> memref<1x!tpu.dma_semaphore, #tpu.memory_space<semaphore_mem>>
          %dma_wait3A_1748 = tpu.memref_squeeze %dma_wait3A_1747 : memref<1x!tpu.dma_semaphore, #tpu.memory_space<semaphore_mem>> -> memref<!tpu.dma_semaphore, #tpu.memory_space<semaphore_mem>>
          %dma_wait3A_1749 = arith.constant 0 : i32
          %dma_wait3A_1750 = arith.constant 0 : i32
          %dma_wait3A_1751 = tpu.memref_slice %arg6[%rem3A_1486, %dma_wait3A_1738, %dma_wait3A_1749, %dma_wait3A_1750] : memref<3x16x16x128xf32, #tpu.memory_space<vmem>> -> memref<1x1x16x128xf32, #tpu.memory_space<vmem>>
          %dma_wait3A_1752 = tpu.memref_squeeze %dma_wait3A_1751 : memref<1x1x16x128xf32, #tpu.memory_space<vmem>> -> memref<16x128xf32, #tpu.memory_space<vmem>>
          %dma_wait3A_1753 = arith.constant 0 : i32
          %dma_wait3A_1754 = arith.constant 0 : i32
          %dma_wait3A_1755 = tpu.memref_slice %arg2[%add3A_9, %dma_wait3A_1753, %dma_wait3A_1754] : memref<64x16x100000xf32, #tpu.memory_space<hbm>> -> memref<1x16x128xf32, #tpu.memory_space<hbm>>
          %dma_wait3A_1756 = tpu.memref_squeeze %dma_wait3A_1755 : memref<1x16x128xf32, #tpu.memory_space<hbm>> -> memref<16x128xf32, #tpu.memory_space<hbm>>
          tpu.wait_dma2 semaphore(%dma_wait3A_1748 : memref<!tpu.dma_semaphore, #tpu.memory_space<semaphore_mem>>) src(%dma_wait3A_1756 : memref<16x128xf32, #tpu.memory_space<hbm>>) dst(%dma_wait3A_1752 : memref<16x128xf32, #tpu.memory_space<vmem>>)
          %dma_wait3A_1757 = arith.constant 14 : i32
          %dma_wait3A_1758 = arith.constant 0 : i32
          %dma_wait3A_1759 = arith.constant 0 : i32
          %dma_wait3A_1760 = tpu.memref_slice %arg6[%rem3A_1486, %dma_wait3A_1757, %dma_wait3A_1758, %dma_wait3A_1759] : memref<3x16x16x128xf32, #tpu.memory_space<vmem>> -> memref<1x1x16x128xf32, #tpu.memory_space<vmem>>
          %dma_wait3A_1761 = tpu.memref_squeeze %dma_wait3A_1760 : memref<1x1x16x128xf32, #tpu.memory_space<vmem>> -> memref<16x128xf32, #tpu.memory_space<vmem>>
          %dma_wait3A_1762 = arith.constant 0 : i32
          %dma_wait3A_1763 = arith.constant 0 : i32
          %dma_wait3A_1764 = tpu.memref_slice %arg2[%add3A_9, %dma_wait3A_1762, %dma_wait3A_1763] : memref<64x16x100000xf32, #tpu.memory_space<hbm>> -> memref<1x16x128xf32, #tpu.memory_space<hbm>>
          %dma_wait3A_1765 = tpu.memref_squeeze %dma_wait3A_1764 : memref<1x16x128xf32, #tpu.memory_space<hbm>> -> memref<16x128xf32, #tpu.memory_space<hbm>>
          %dma_wait3A_1766 = tpu.memref_slice %arg8[%rem3A_1486] : memref<3x!tpu.dma_semaphore, #tpu.memory_space<semaphore_mem>> -> memref<1x!tpu.dma_semaphore, #tpu.memory_space<semaphore_mem>>
          %dma_wait3A_1767 = tpu.memref_squeeze %dma_wait3A_1766 : memref<1x!tpu.dma_semaphore, #tpu.memory_space<semaphore_mem>> -> memref<!tpu.dma_semaphore, #tpu.memory_space<semaphore_mem>>
          %dma_wait3A_1768 = arith.constant 0 : i32
          %dma_wait3A_1769 = arith.constant 0 : i32
          %dma_wait3A_1770 = tpu.memref_slice %arg6[%rem3A_1486, %dma_wait3A_1757, %dma_wait3A_1768, %dma_wait3A_1769] : memref<3x16x16x128xf32, #tpu.memory_space<vmem>> -> memref<1x1x16x128xf32, #tpu.memory_space<vmem>>
          %dma_wait3A_1771 = tpu.memref_squeeze %dma_wait3A_1770 : memref<1x1x16x128xf32, #tpu.memory_space<vmem>> -> memref<16x128xf32, #tpu.memory_space<vmem>>
          %dma_wait3A_1772 = arith.constant 0 : i32
          %dma_wait3A_1773 = arith.constant 0 : i32
          %dma_wait3A_1774 = tpu.memref_slice %arg2[%add3A_9, %dma_wait3A_1772, %dma_wait3A_1773] : memref<64x16x100000xf32, #tpu.memory_space<hbm>> -> memref<1x16x128xf32, #tpu.memory_space<hbm>>
          %dma_wait3A_1775 = tpu.memref_squeeze %dma_wait3A_1774 : memref<1x16x128xf32, #tpu.memory_space<hbm>> -> memref<16x128xf32, #tpu.memory_space<hbm>>
          tpu.wait_dma2 semaphore(%dma_wait3A_1767 : memref<!tpu.dma_semaphore, #tpu.memory_space<semaphore_mem>>) src(%dma_wait3A_1775 : memref<16x128xf32, #tpu.memory_space<hbm>>) dst(%dma_wait3A_1771 : memref<16x128xf32, #tpu.memory_space<vmem>>)
          %dma_wait3A_1776 = arith.constant 15 : i32
          %dma_wait3A_1777 = arith.constant 0 : i32
          %dma_wait3A_1778 = arith.constant 0 : i32
          %dma_wait3A_1779 = tpu.memref_slice %arg6[%rem3A_1486, %dma_wait3A_1776, %dma_wait3A_1777, %dma_wait3A_1778] : memref<3x16x16x128xf32, #tpu.memory_space<vmem>> -> memref<1x1x16x128xf32, #tpu.memory_space<vmem>>
          %dma_wait3A_1780 = tpu.memref_squeeze %dma_wait3A_1779 : memref<1x1x16x128xf32, #tpu.memory_space<vmem>> -> memref<16x128xf32, #tpu.memory_space<vmem>>
          %dma_wait3A_1781 = arith.constant 0 : i32
          %dma_wait3A_1782 = arith.constant 0 : i32
          %dma_wait3A_1783 = tpu.memref_slice %arg2[%add3A_9, %dma_wait3A_1781, %dma_wait3A_1782] : memref<64x16x100000xf32, #tpu.memory_space<hbm>> -> memref<1x16x128xf32, #tpu.memory_space<hbm>>
          %dma_wait3A_1784 = tpu.memref_squeeze %dma_wait3A_1783 : memref<1x16x128xf32, #tpu.memory_space<hbm>> -> memref<16x128xf32, #tpu.memory_space<hbm>>
          %dma_wait3A_1785 = tpu.memref_slice %arg8[%rem3A_1486] : memref<3x!tpu.dma_semaphore, #tpu.memory_space<semaphore_mem>> -> memref<1x!tpu.dma_semaphore, #tpu.memory_space<semaphore_mem>>
          %dma_wait3A_1786 = tpu.memref_squeeze %dma_wait3A_1785 : memref<1x!tpu.dma_semaphore, #tpu.memory_space<semaphore_mem>> -> memref<!tpu.dma_semaphore, #tpu.memory_space<semaphore_mem>>
          %dma_wait3A_1787 = arith.constant 0 : i32
          %dma_wait3A_1788 = arith.constant 0 : i32
          %dma_wait3A_1789 = tpu.memref_slice %arg6[%rem3A_1486, %dma_wait3A_1776, %dma_wait3A_1787, %dma_wait3A_1788] : memref<3x16x16x128xf32, #tpu.memory_space<vmem>> -> memref<1x1x16x128xf32, #tpu.memory_space<vmem>>
          %dma_wait3A_1790 = tpu.memref_squeeze %dma_wait3A_1789 : memref<1x1x16x128xf32, #tpu.memory_space<vmem>> -> memref<16x128xf32, #tpu.memory_space<vmem>>
          %dma_wait3A_1791 = arith.constant 0 : i32
          %dma_wait3A_1792 = arith.constant 0 : i32
          %dma_wait3A_1793 = tpu.memref_slice %arg2[%add3A_9, %dma_wait3A_1791, %dma_wait3A_1792] : memref<64x16x100000xf32, #tpu.memory_space<hbm>> -> memref<1x16x128xf32, #tpu.memory_space<hbm>>
          %dma_wait3A_1794 = tpu.memref_squeeze %dma_wait3A_1793 : memref<1x16x128xf32, #tpu.memory_space<hbm>> -> memref<16x128xf32, #tpu.memory_space<hbm>>
          tpu.wait_dma2 semaphore(%dma_wait3A_1786 : memref<!tpu.dma_semaphore, #tpu.memory_space<semaphore_mem>>) src(%dma_wait3A_1794 : memref<16x128xf32, #tpu.memory_space<hbm>>) dst(%dma_wait3A_1790 : memref<16x128xf32, #tpu.memory_space<vmem>>)
          %add3A_1795 = arith.addi %mul3A_18, %scan3A_1482 : i32
          %add3A_1796 = arith.constant 2 : i32
          %add3A_1797 = arith.addi %add3A_1795, %add3A_1796 : i32
          %min3A = arith.minsi %add3A_1797, %sub3A_21 : i32
          %mul3A_1798 = arith.constant 16 : i32
          %mul3A_1799 = arith.muli %min3A, %mul3A_1798 : i32
          %get3A_1800 = arith.index_cast %mul3A_1799 : i32 to index
          %get3A_1801 = tpu.vector_load %arg5[%get3A_1800] {strides = array<i32>} : memref<4096xi32, #tpu.memory_space<vmem>>, vector<16xi32>,
          %slice3A_1802 = vector.extract_strided_slice %get3A_1801 {offsets = [0], sizes = [1], strides = [1]} : vector<16xi32> to vector<1xi32>
          %squeeze3A_1803 = vector.extract %slice3A_1802[0] : i32 from vector<1xi32>
          %shift_right_arithmetic3A_1804 = arith.constant 7 : i32
          %shift_right_arithmetic3A_1805 = arith.shrsi %squeeze3A_1803, %shift_right_arithmetic3A_1804 : i32
          %shift_left3A_1806 = arith.constant 7 : i32
          %shift_left3A_1807 = arith.shli %shift_right_arithmetic3A_1805, %shift_left3A_1806 : i32
          %multiple_of3A_1808 = tpu.assume_multiple %shift_left3A_1807, 128 : i32
          %dma_start3A_1809 = arith.constant 0 : i32
          %dma_start3A_1810 = arith.constant 0 : i32
          %dma_start3A_1811 = arith.constant 0 : i32
          %dma_start3A_1812 = tpu.memref_slice %arg6[%rem3A_1490, %dma_start3A_1809, %dma_start3A_1810, %dma_start3A_1811] : memref<3x16x16x128xf32, #tpu.memory_space<vmem>> -> memref<1x1x16x128xf32, #tpu.memory_space<vmem>>
          %dma_start3A_1813 = tpu.memref_squeeze %dma_start3A_1812 : memref<1x1x16x128xf32, #tpu.memory_space<vmem>> -> memref<16x128xf32, #tpu.memory_space<vmem>>
          %dma_start3A_1814 = arith.constant 0 : i32
          %dma_start3A_1815 = tpu.memref_slice %arg2[%add3A_9, %dma_start3A_1814, %multiple_of3A_1808] : memref<64x16x100000xf32, #tpu.memory_space<hbm>> -> memref<1x16x128xf32, #tpu.memory_space<hbm>>
          %dma_start3A_1816 = tpu.memref_squeeze %dma_start3A_1815 : memref<1x16x128xf32, #tpu.memory_space<hbm>> -> memref<16x128xf32, #tpu.memory_space<hbm>>
          %dma_start3A_1817 = tpu.memref_slice %arg8[%rem3A_1490] : memref<3x!tpu.dma_semaphore, #tpu.memory_space<semaphore_mem>> -> memref<1x!tpu.dma_semaphore, #tpu.memory_space<semaphore_mem>>
          %dma_start3A_1818 = tpu.memref_squeeze %dma_start3A_1817 : memref<1x!tpu.dma_semaphore, #tpu.memory_space<semaphore_mem>> -> memref<!tpu.dma_semaphore, #tpu.memory_space<semaphore_mem>>
          %dma_start3A_1819 = arith.constant 0 : i32
          %dma_start3A_1820 = arith.constant 0 : i32
          %dma_start3A_1821 = tpu.memref_slice %arg6[%rem3A_1490, %dma_start3A_1809, %dma_start3A_1819, %dma_start3A_1820] : memref<3x16x16x128xf32, #tpu.memory_space<vmem>> -> memref<1x1x16x128xf32, #tpu.memory_space<vmem>>
          %dma_start3A_1822 = tpu.memref_squeeze %dma_start3A_1821 : memref<1x1x16x128xf32, #tpu.memory_space<vmem>> -> memref<16x128xf32, #tpu.memory_space<vmem>>
          %dma_start3A_1823 = arith.constant 0 : i32
          %dma_start3A_1824 = tpu.memref_slice %arg2[%add3A_9, %dma_start3A_1823, %multiple_of3A_1808] : memref<64x16x100000xf32, #tpu.memory_space<hbm>> -> memref<1x16x128xf32, #tpu.memory_space<hbm>>
          %dma_start3A_1825 = tpu.memref_squeeze %dma_start3A_1824 : memref<1x16x128xf32, #tpu.memory_space<hbm>> -> memref<16x128xf32, #tpu.memory_space<hbm>>
          tpu.enqueue_dma source(%dma_start3A_1825 : memref<16x128xf32, #tpu.memory_space<hbm>>) target(%dma_start3A_1822 : memref<16x128xf32, #tpu.memory_space<vmem>>) target_semaphore(%dma_start3A_1818 : memref<!tpu.dma_semaphore, #tpu.memory_space<semaphore_mem>>)
          %slice3A_1826 = vector.extract_strided_slice %get3A_1801 {offsets = [1], sizes = [1], strides = [1]} : vector<16xi32> to vector<1xi32>
          %squeeze3A_1827 = vector.extract %slice3A_1826[0] : i32 from vector<1xi32>
          %shift_right_arithmetic3A_1828 = arith.constant 7 : i32
          %shift_right_arithmetic3A_1829 = arith.shrsi %squeeze3A_1827, %shift_right_arithmetic3A_1828 : i32
          %shift_left3A_1830 = arith.constant 7 : i32
          %shift_left3A_1831 = arith.shli %shift_right_arithmetic3A_1829, %shift_left3A_1830 : i32
          %multiple_of3A_1832 = tpu.assume_multiple %shift_left3A_1831, 128 : i32
          %dma_start3A_1833 = arith.constant 1 : i32
          %dma_start3A_1834 = arith.constant 0 : i32
          %dma_start3A_1835 = arith.constant 0 : i32
          %dma_start3A_1836 = tpu.memref_slice %arg6[%rem3A_1490, %dma_start3A_1833, %dma_start3A_1834, %dma_start3A_1835] : memref<3x16x16x128xf32, #tpu.memory_space<vmem>> -> memref<1x1x16x128xf32, #tpu.memory_space<vmem>>
          %dma_start3A_1837 = tpu.memref_squeeze %dma_start3A_1836 : memref<1x1x16x128xf32, #tpu.memory_space<vmem>> -> memref<16x128xf32, #tpu.memory_space<vmem>>
          %dma_start3A_1838 = arith.constant 0 : i32
          %dma_start3A_1839 = tpu.memref_slice %arg2[%add3A_9, %dma_start3A_1838, %multiple_of3A_1832] : memref<64x16x100000xf32, #tpu.memory_space<hbm>> -> memref<1x16x128xf32, #tpu.memory_space<hbm>>
          %dma_start3A_1840 = tpu.memref_squeeze %dma_start3A_1839 : memref<1x16x128xf32, #tpu.memory_space<hbm>> -> memref<16x128xf32, #tpu.memory_space<hbm>>
          %dma_start3A_1841 = tpu.memref_slice %arg8[%rem3A_1490] : memref<3x!tpu.dma_semaphore, #tpu.memory_space<semaphore_mem>> -> memref<1x!tpu.dma_semaphore, #tpu.memory_space<semaphore_mem>>
          %dma_start3A_1842 = tpu.memref_squeeze %dma_start3A_1841 : memref<1x!tpu.dma_semaphore, #tpu.memory_space<semaphore_mem>> -> memref<!tpu.dma_semaphore, #tpu.memory_space<semaphore_mem>>
          %dma_start3A_1843 = arith.constant 0 : i32
          %dma_start3A_1844 = arith.constant 0 : i32
          %dma_start3A_1845 = tpu.memref_slice %arg6[%rem3A_1490, %dma_start3A_1833, %dma_start3A_1843, %dma_start3A_1844] : memref<3x16x16x128xf32, #tpu.memory_space<vmem>> -> memref<1x1x16x128xf32, #tpu.memory_space<vmem>>
          %dma_start3A_1846 = tpu.memref_squeeze %dma_start3A_1845 : memref<1x1x16x128xf32, #tpu.memory_space<vmem>> -> memref<16x128xf32, #tpu.memory_space<vmem>>
          %dma_start3A_1847 = arith.constant 0 : i32
          %dma_start3A_1848 = tpu.memref_slice %arg2[%add3A_9, %dma_start3A_1847, %multiple_of3A_1832] : memref<64x16x100000xf32, #tpu.memory_space<hbm>> -> memref<1x16x128xf32, #tpu.memory_space<hbm>>
          %dma_start3A_1849 = tpu.memref_squeeze %dma_start3A_1848 : memref<1x16x128xf32, #tpu.memory_space<hbm>> -> memref<16x128xf32, #tpu.memory_space<hbm>>
          tpu.enqueue_dma source(%dma_start3A_1849 : memref<16x128xf32, #tpu.memory_space<hbm>>) target(%dma_start3A_1846 : memref<16x128xf32, #tpu.memory_space<vmem>>) target_semaphore(%dma_start3A_1842 : memref<!tpu.dma_semaphore, #tpu.memory_space<semaphore_mem>>)
          %slice3A_1850 = vector.extract_strided_slice %get3A_1801 {offsets = [2], sizes = [1], strides = [1]} : vector<16xi32> to vector<1xi32>
          %squeeze3A_1851 = vector.extract %slice3A_1850[0] : i32 from vector<1xi32>
          %shift_right_arithmetic3A_1852 = arith.constant 7 : i32
          %shift_right_arithmetic3A_1853 = arith.shrsi %squeeze3A_1851, %shift_right_arithmetic3A_1852 : i32
          %shift_left3A_1854 = arith.constant 7 : i32
          %shift_left3A_1855 = arith.shli %shift_right_arithmetic3A_1853, %shift_left3A_1854 : i32
          %multiple_of3A_1856 = tpu.assume_multiple %shift_left3A_1855, 128 : i32
          %dma_start3A_1857 = arith.constant 2 : i32
          %dma_start3A_1858 = arith.constant 0 : i32
          %dma_start3A_1859 = arith.constant 0 : i32
          %dma_start3A_1860 = tpu.memref_slice %arg6[%rem3A_1490, %dma_start3A_1857, %dma_start3A_1858, %dma_start3A_1859] : memref<3x16x16x128xf32, #tpu.memory_space<vmem>> -> memref<1x1x16x128xf32, #tpu.memory_space<vmem>>
          %dma_start3A_1861 = tpu.memref_squeeze %dma_start3A_1860 : memref<1x1x16x128xf32, #tpu.memory_space<vmem>> -> memref<16x128xf32, #tpu.memory_space<vmem>>
          %dma_start3A_1862 = arith.constant 0 : i32
          %dma_start3A_1863 = tpu.memref_slice %arg2[%add3A_9, %dma_start3A_1862, %multiple_of3A_1856] : memref<64x16x100000xf32, #tpu.memory_space<hbm>> -> memref<1x16x128xf32, #tpu.memory_space<hbm>>
          %dma_start3A_1864 = tpu.memref_squeeze %dma_start3A_1863 : memref<1x16x128xf32, #tpu.memory_space<hbm>> -> memref<16x128xf32, #tpu.memory_space<hbm>>
          %dma_start3A_1865 = tpu.memref_slice %arg8[%rem3A_1490] : memref<3x!tpu.dma_semaphore, #tpu.memory_space<semaphore_mem>> -> memref<1x!tpu.dma_semaphore, #tpu.memory_space<semaphore_mem>>
          %dma_start3A_1866 = tpu.memref_squeeze %dma_start3A_1865 : memref<1x!tpu.dma_semaphore, #tpu.memory_space<semaphore_mem>> -> memref<!tpu.dma_semaphore, #tpu.memory_space<semaphore_mem>>
          %dma_start3A_1867 = arith.constant 0 : i32
          %dma_start3A_1868 = arith.constant 0 : i32
          %dma_start3A_1869 = tpu.memref_slice %arg6[%rem3A_1490, %dma_start3A_1857, %dma_start3A_1867, %dma_start3A_1868] : memref<3x16x16x128xf32, #tpu.memory_space<vmem>> -> memref<1x1x16x128xf32, #tpu.memory_space<vmem>>
          %dma_start3A_1870 = tpu.memref_squeeze %dma_start3A_1869 : memref<1x1x16x128xf32, #tpu.memory_space<vmem>> -> memref<16x128xf32, #tpu.memory_space<vmem>>
          %dma_start3A_1871 = arith.constant 0 : i32
          %dma_start3A_1872 = tpu.memref_slice %arg2[%add3A_9, %dma_start3A_1871, %multiple_of3A_1856] : memref<64x16x100000xf32, #tpu.memory_space<hbm>> -> memref<1x16x128xf32, #tpu.memory_space<hbm>>
          %dma_start3A_1873 = tpu.memref_squeeze %dma_start3A_1872 : memref<1x16x128xf32, #tpu.memory_space<hbm>> -> memref<16x128xf32, #tpu.memory_space<hbm>>
          tpu.enqueue_dma source(%dma_start3A_1873 : memref<16x128xf32, #tpu.memory_space<hbm>>) target(%dma_start3A_1870 : memref<16x128xf32, #tpu.memory_space<vmem>>) target_semaphore(%dma_start3A_1866 : memref<!tpu.dma_semaphore, #tpu.memory_space<semaphore_mem>>)
          %slice3A_1874 = vector.extract_strided_slice %get3A_1801 {offsets = [3], sizes = [1], strides = [1]} : vector<16xi32> to vector<1xi32>
          %squeeze3A_1875 = vector.extract %slice3A_1874[0] : i32 from vector<1xi32>
          %shift_right_arithmetic3A_1876 = arith.constant 7 : i32
          %shift_right_arithmetic3A_1877 = arith.shrsi %squeeze3A_1875, %shift_right_arithmetic3A_1876 : i32
          %shift_left3A_1878 = arith.constant 7 : i32
          %shift_left3A_1879 = arith.shli %shift_right_arithmetic3A_1877, %shift_left3A_1878 : i32
          %multiple_of3A_1880 = tpu.assume_multiple %shift_left3A_1879, 128 : i32
          %dma_start3A_1881 = arith.constant 3 : i32
          %dma_start3A_1882 = arith.constant 0 : i32
          %dma_start3A_1883 = arith.constant 0 : i32
          %dma_start3A_1884 = tpu.memref_slice %arg6[%rem3A_1490, %dma_start3A_1881, %dma_start3A_1882, %dma_start3A_1883] : memref<3x16x16x128xf32, #tpu.memory_space<vmem>> -> memref<1x1x16x128xf32, #tpu.memory_space<vmem>>
          %dma_start3A_1885 = tpu.memref_squeeze %dma_start3A_1884 : memref<1x1x16x128xf32, #tpu.memory_space<vmem>> -> memref<16x128xf32, #tpu.memory_space<vmem>>
          %dma_start3A_1886 = arith.constant 0 : i32
          %dma_start3A_1887 = tpu.memref_slice %arg2[%add3A_9, %dma_start3A_1886, %multiple_of3A_1880] : memref<64x16x100000xf32, #tpu.memory_space<hbm>> -> memref<1x16x128xf32, #tpu.memory_space<hbm>>
          %dma_start3A_1888 = tpu.memref_squeeze %dma_start3A_1887 : memref<1x16x128xf32, #tpu.memory_space<hbm>> -> memref<16x128xf32, #tpu.memory_space<hbm>>
          %dma_start3A_1889 = tpu.memref_slice %arg8[%rem3A_1490] : memref<3x!tpu.dma_semaphore, #tpu.memory_space<semaphore_mem>> -> memref<1x!tpu.dma_semaphore, #tpu.memory_space<semaphore_mem>>
          %dma_start3A_1890 = tpu.memref_squeeze %dma_start3A_1889 : memref<1x!tpu.dma_semaphore, #tpu.memory_space<semaphore_mem>> -> memref<!tpu.dma_semaphore, #tpu.memory_space<semaphore_mem>>
          %dma_start3A_1891 = arith.constant 0 : i32
          %dma_start3A_1892 = arith.constant 0 : i32
          %dma_start3A_1893 = tpu.memref_slice %arg6[%rem3A_1490, %dma_start3A_1881, %dma_start3A_1891, %dma_start3A_1892] : memref<3x16x16x128xf32, #tpu.memory_space<vmem>> -> memref<1x1x16x128xf32, #tpu.memory_space<vmem>>
          %dma_start3A_1894 = tpu.memref_squeeze %dma_start3A_1893 : memref<1x1x16x128xf32, #tpu.memory_space<vmem>> -> memref<16x128xf32, #tpu.memory_space<vmem>>
          %dma_start3A_1895 = arith.constant 0 : i32
          %dma_start3A_1896 = tpu.memref_slice %arg2[%add3A_9, %dma_start3A_1895, %multiple_of3A_1880] : memref<64x16x100000xf32, #tpu.memory_space<hbm>> -> memref<1x16x128xf32, #tpu.memory_space<hbm>>
          %dma_start3A_1897 = tpu.memref_squeeze %dma_start3A_1896 : memref<1x16x128xf32, #tpu.memory_space<hbm>> -> memref<16x128xf32, #tpu.memory_space<hbm>>
          tpu.enqueue_dma source(%dma_start3A_1897 : memref<16x128xf32, #tpu.memory_space<hbm>>) target(%dma_start3A_1894 : memref<16x128xf32, #tpu.memory_space<vmem>>) target_semaphore(%dma_start3A_1890 : memref<!tpu.dma_semaphore, #tpu.memory_space<semaphore_mem>>)
          %slice3A_1898 = vector.extract_strided_slice %get3A_1801 {offsets = [4], sizes = [1], strides = [1]} : vector<16xi32> to vector<1xi32>
          %squeeze3A_1899 = vector.extract %slice3A_1898[0] : i32 from vector<1xi32>
          %shift_right_arithmetic3A_1900 = arith.constant 7 : i32
          %shift_right_arithmetic3A_1901 = arith.shrsi %squeeze3A_1899, %shift_right_arithmetic3A_1900 : i32
          %shift_left3A_1902 = arith.constant 7 : i32
          %shift_left3A_1903 = arith.shli %shift_right_arithmetic3A_1901, %shift_left3A_1902 : i32
          %multiple_of3A_1904 = tpu.assume_multiple %shift_left3A_1903, 128 : i32
          %dma_start3A_1905 = arith.constant 4 : i32
          %dma_start3A_1906 = arith.constant 0 : i32
          %dma_start3A_1907 = arith.constant 0 : i32
          %dma_start3A_1908 = tpu.memref_slice %arg6[%rem3A_1490, %dma_start3A_1905, %dma_start3A_1906, %dma_start3A_1907] : memref<3x16x16x128xf32, #tpu.memory_space<vmem>> -> memref<1x1x16x128xf32, #tpu.memory_space<vmem>>
          %dma_start3A_1909 = tpu.memref_squeeze %dma_start3A_1908 : memref<1x1x16x128xf32, #tpu.memory_space<vmem>> -> memref<16x128xf32, #tpu.memory_space<vmem>>
          %dma_start3A_1910 = arith.constant 0 : i32
          %dma_start3A_1911 = tpu.memref_slice %arg2[%add3A_9, %dma_start3A_1910, %multiple_of3A_1904] : memref<64x16x100000xf32, #tpu.memory_space<hbm>> -> memref<1x16x128xf32, #tpu.memory_space<hbm>>
          %dma_start3A_1912 = tpu.memref_squeeze %dma_start3A_1911 : memref<1x16x128xf32, #tpu.memory_space<hbm>> -> memref<16x128xf32, #tpu.memory_space<hbm>>
          %dma_start3A_1913 = tpu.memref_slice %arg8[%rem3A_1490] : memref<3x!tpu.dma_semaphore, #tpu.memory_space<semaphore_mem>> -> memref<1x!tpu.dma_semaphore, #tpu.memory_space<semaphore_mem>>
          %dma_start3A_1914 = tpu.memref_squeeze %dma_start3A_1913 : memref<1x!tpu.dma_semaphore, #tpu.memory_space<semaphore_mem>> -> memref<!tpu.dma_semaphore, #tpu.memory_space<semaphore_mem>>
          %dma_start3A_1915 = arith.constant 0 : i32
          %dma_start3A_1916 = arith.constant 0 : i32
          %dma_start3A_1917 = tpu.memref_slice %arg6[%rem3A_1490, %dma_start3A_1905, %dma_start3A_1915, %dma_start3A_1916] : memref<3x16x16x128xf32, #tpu.memory_space<vmem>> -> memref<1x1x16x128xf32, #tpu.memory_space<vmem>>
          %dma_start3A_1918 = tpu.memref_squeeze %dma_start3A_1917 : memref<1x1x16x128xf32, #tpu.memory_space<vmem>> -> memref<16x128xf32, #tpu.memory_space<vmem>>
          %dma_start3A_1919 = arith.constant 0 : i32
          %dma_start3A_1920 = tpu.memref_slice %arg2[%add3A_9, %dma_start3A_1919, %multiple_of3A_1904] : memref<64x16x100000xf32, #tpu.memory_space<hbm>> -> memref<1x16x128xf32, #tpu.memory_space<hbm>>
          %dma_start3A_1921 = tpu.memref_squeeze %dma_start3A_1920 : memref<1x16x128xf32, #tpu.memory_space<hbm>> -> memref<16x128xf32, #tpu.memory_space<hbm>>
          tpu.enqueue_dma source(%dma_start3A_1921 : memref<16x128xf32, #tpu.memory_space<hbm>>) target(%dma_start3A_1918 : memref<16x128xf32, #tpu.memory_space<vmem>>) target_semaphore(%dma_start3A_1914 : memref<!tpu.dma_semaphore, #tpu.memory_space<semaphore_mem>>)
          %slice3A_1922 = vector.extract_strided_slice %get3A_1801 {offsets = [5], sizes = [1], strides = [1]} : vector<16xi32> to vector<1xi32>
          %squeeze3A_1923 = vector.extract %slice3A_1922[0] : i32 from vector<1xi32>
          %shift_right_arithmetic3A_1924 = arith.constant 7 : i32
          %shift_right_arithmetic3A_1925 = arith.shrsi %squeeze3A_1923, %shift_right_arithmetic3A_1924 : i32
          %shift_left3A_1926 = arith.constant 7 : i32
          %shift_left3A_1927 = arith.shli %shift_right_arithmetic3A_1925, %shift_left3A_1926 : i32
          %multiple_of3A_1928 = tpu.assume_multiple %shift_left3A_1927, 128 : i32
          %dma_start3A_1929 = arith.constant 5 : i32
          %dma_start3A_1930 = arith.constant 0 : i32
          %dma_start3A_1931 = arith.constant 0 : i32
          %dma_start3A_1932 = tpu.memref_slice %arg6[%rem3A_1490, %dma_start3A_1929, %dma_start3A_1930, %dma_start3A_1931] : memref<3x16x16x128xf32, #tpu.memory_space<vmem>> -> memref<1x1x16x128xf32, #tpu.memory_space<vmem>>
          %dma_start3A_1933 = tpu.memref_squeeze %dma_start3A_1932 : memref<1x1x16x128xf32, #tpu.memory_space<vmem>> -> memref<16x128xf32, #tpu.memory_space<vmem>>
          %dma_start3A_1934 = arith.constant 0 : i32
          %dma_start3A_1935 = tpu.memref_slice %arg2[%add3A_9, %dma_start3A_1934, %multiple_of3A_1928] : memref<64x16x100000xf32, #tpu.memory_space<hbm>> -> memref<1x16x128xf32, #tpu.memory_space<hbm>>
          %dma_start3A_1936 = tpu.memref_squeeze %dma_start3A_1935 : memref<1x16x128xf32, #tpu.memory_space<hbm>> -> memref<16x128xf32, #tpu.memory_space<hbm>>
          %dma_start3A_1937 = tpu.memref_slice %arg8[%rem3A_1490] : memref<3x!tpu.dma_semaphore, #tpu.memory_space<semaphore_mem>> -> memref<1x!tpu.dma_semaphore, #tpu.memory_space<semaphore_mem>>
          %dma_start3A_1938 = tpu.memref_squeeze %dma_start3A_1937 : memref<1x!tpu.dma_semaphore, #tpu.memory_space<semaphore_mem>> -> memref<!tpu.dma_semaphore, #tpu.memory_space<semaphore_mem>>
          %dma_start3A_1939 = arith.constant 0 : i32
          %dma_start3A_1940 = arith.constant 0 : i32
          %dma_start3A_1941 = tpu.memref_slice %arg6[%rem3A_1490, %dma_start3A_1929, %dma_start3A_1939, %dma_start3A_1940] : memref<3x16x16x128xf32, #tpu.memory_space<vmem>> -> memref<1x1x16x128xf32, #tpu.memory_space<vmem>>
          %dma_start3A_1942 = tpu.memref_squeeze %dma_start3A_1941 : memref<1x1x16x128xf32, #tpu.memory_space<vmem>> -> memref<16x128xf32, #tpu.memory_space<vmem>>
          %dma_start3A_1943 = arith.constant 0 : i32
          %dma_start3A_1944 = tpu.memref_slice %arg2[%add3A_9, %dma_start3A_1943, %multiple_of3A_1928] : memref<64x16x100000xf32, #tpu.memory_space<hbm>> -> memref<1x16x128xf32, #tpu.memory_space<hbm>>
          %dma_start3A_1945 = tpu.memref_squeeze %dma_start3A_1944 : memref<1x16x128xf32, #tpu.memory_space<hbm>> -> memref<16x128xf32, #tpu.memory_space<hbm>>
          tpu.enqueue_dma source(%dma_start3A_1945 : memref<16x128xf32, #tpu.memory_space<hbm>>) target(%dma_start3A_1942 : memref<16x128xf32, #tpu.memory_space<vmem>>) target_semaphore(%dma_start3A_1938 : memref<!tpu.dma_semaphore, #tpu.memory_space<semaphore_mem>>)
          %slice3A_1946 = vector.extract_strided_slice %get3A_1801 {offsets = [6], sizes = [1], strides = [1]} : vector<16xi32> to vector<1xi32>
          %squeeze3A_1947 = vector.extract %slice3A_1946[0] : i32 from vector<1xi32>
          %shift_right_arithmetic3A_1948 = arith.constant 7 : i32
          %shift_right_arithmetic3A_1949 = arith.shrsi %squeeze3A_1947, %shift_right_arithmetic3A_1948 : i32
          %shift_left3A_1950 = arith.constant 7 : i32
          %shift_left3A_1951 = arith.shli %shift_right_arithmetic3A_1949, %shift_left3A_1950 : i32
          %multiple_of3A_1952 = tpu.assume_multiple %shift_left3A_1951, 128 : i32
          %dma_start3A_1953 = arith.constant 6 : i32
          %dma_start3A_1954 = arith.constant 0 : i32
          %dma_start3A_1955 = arith.constant 0 : i32
          %dma_start3A_1956 = tpu.memref_slice %arg6[%rem3A_1490, %dma_start3A_1953, %dma_start3A_1954, %dma_start3A_1955] : memref<3x16x16x128xf32, #tpu.memory_space<vmem>> -> memref<1x1x16x128xf32, #tpu.memory_space<vmem>>
          %dma_start3A_1957 = tpu.memref_squeeze %dma_start3A_1956 : memref<1x1x16x128xf32, #tpu.memory_space<vmem>> -> memref<16x128xf32, #tpu.memory_space<vmem>>
          %dma_start3A_1958 = arith.constant 0 : i32
          %dma_start3A_1959 = tpu.memref_slice %arg2[%add3A_9, %dma_start3A_1958, %multiple_of3A_1952] : memref<64x16x100000xf32, #tpu.memory_space<hbm>> -> memref<1x16x128xf32, #tpu.memory_space<hbm>>
          %dma_start3A_1960 = tpu.memref_squeeze %dma_start3A_1959 : memref<1x16x128xf32, #tpu.memory_space<hbm>> -> memref<16x128xf32, #tpu.memory_space<hbm>>
          %dma_start3A_1961 = tpu.memref_slice %arg8[%rem3A_1490] : memref<3x!tpu.dma_semaphore, #tpu.memory_space<semaphore_mem>> -> memref<1x!tpu.dma_semaphore, #tpu.memory_space<semaphore_mem>>
          %dma_start3A_1962 = tpu.memref_squeeze %dma_start3A_1961 : memref<1x!tpu.dma_semaphore, #tpu.memory_space<semaphore_mem>> -> memref<!tpu.dma_semaphore, #tpu.memory_space<semaphore_mem>>
          %dma_start3A_1963 = arith.constant 0 : i32
          %dma_start3A_1964 = arith.constant 0 : i32
          %dma_start3A_1965 = tpu.memref_slice %arg6[%rem3A_1490, %dma_start3A_1953, %dma_start3A_1963, %dma_start3A_1964] : memref<3x16x16x128xf32, #tpu.memory_space<vmem>> -> memref<1x1x16x128xf32, #tpu.memory_space<vmem>>
          %dma_start3A_1966 = tpu.memref_squeeze %dma_start3A_1965 : memref<1x1x16x128xf32, #tpu.memory_space<vmem>> -> memref<16x128xf32, #tpu.memory_space<vmem>>
          %dma_start3A_1967 = arith.constant 0 : i32
          %dma_start3A_1968 = tpu.memref_slice %arg2[%add3A_9, %dma_start3A_1967, %multiple_of3A_1952] : memref<64x16x100000xf32, #tpu.memory_space<hbm>> -> memref<1x16x128xf32, #tpu.memory_space<hbm>>
          %dma_start3A_1969 = tpu.memref_squeeze %dma_start3A_1968 : memref<1x16x128xf32, #tpu.memory_space<hbm>> -> memref<16x128xf32, #tpu.memory_space<hbm>>
          tpu.enqueue_dma source(%dma_start3A_1969 : memref<16x128xf32, #tpu.memory_space<hbm>>) target(%dma_start3A_1966 : memref<16x128xf32, #tpu.memory_space<vmem>>) target_semaphore(%dma_start3A_1962 : memref<!tpu.dma_semaphore, #tpu.memory_space<semaphore_mem>>)
          %slice3A_1970 = vector.extract_strided_slice %get3A_1801 {offsets = [7], sizes = [1], strides = [1]} : vector<16xi32> to vector<1xi32>
          %squeeze3A_1971 = vector.extract %slice3A_1970[0] : i32 from vector<1xi32>
          %shift_right_arithmetic3A_1972 = arith.constant 7 : i32
          %shift_right_arithmetic3A_1973 = arith.shrsi %squeeze3A_1971, %shift_right_arithmetic3A_1972 : i32
          %shift_left3A_1974 = arith.constant 7 : i32
          %shift_left3A_1975 = arith.shli %shift_right_arithmetic3A_1973, %shift_left3A_1974 : i32
          %multiple_of3A_1976 = tpu.assume_multiple %shift_left3A_1975, 128 : i32
          %dma_start3A_1977 = arith.constant 7 : i32
          %dma_start3A_1978 = arith.constant 0 : i32
          %dma_start3A_1979 = arith.constant 0 : i32
          %dma_start3A_1980 = tpu.memref_slice %arg6[%rem3A_1490, %dma_start3A_1977, %dma_start3A_1978, %dma_start3A_1979] : memref<3x16x16x128xf32, #tpu.memory_space<vmem>> -> memref<1x1x16x128xf32, #tpu.memory_space<vmem>>
          %dma_start3A_1981 = tpu.memref_squeeze %dma_start3A_1980 : memref<1x1x16x128xf32, #tpu.memory_space<vmem>> -> memref<16x128xf32, #tpu.memory_space<vmem>>
          %dma_start3A_1982 = arith.constant 0 : i32
          %dma_start3A_1983 = tpu.memref_slice %arg2[%add3A_9, %dma_start3A_1982, %multiple_of3A_1976] : memref<64x16x100000xf32, #tpu.memory_space<hbm>> -> memref<1x16x128xf32, #tpu.memory_space<hbm>>
          %dma_start3A_1984 = tpu.memref_squeeze %dma_start3A_1983 : memref<1x16x128xf32, #tpu.memory_space<hbm>> -> memref<16x128xf32, #tpu.memory_space<hbm>>
          %dma_start3A_1985 = tpu.memref_slice %arg8[%rem3A_1490] : memref<3x!tpu.dma_semaphore, #tpu.memory_space<semaphore_mem>> -> memref<1x!tpu.dma_semaphore, #tpu.memory_space<semaphore_mem>>
          %dma_start3A_1986 = tpu.memref_squeeze %dma_start3A_1985 : memref<1x!tpu.dma_semaphore, #tpu.memory_space<semaphore_mem>> -> memref<!tpu.dma_semaphore, #tpu.memory_space<semaphore_mem>>
          %dma_start3A_1987 = arith.constant 0 : i32
          %dma_start3A_1988 = arith.constant 0 : i32
          %dma_start3A_1989 = tpu.memref_slice %arg6[%rem3A_1490, %dma_start3A_1977, %dma_start3A_1987, %dma_start3A_1988] : memref<3x16x16x128xf32, #tpu.memory_space<vmem>> -> memref<1x1x16x128xf32, #tpu.memory_space<vmem>>
          %dma_start3A_1990 = tpu.memref_squeeze %dma_start3A_1989 : memref<1x1x16x128xf32, #tpu.memory_space<vmem>> -> memref<16x128xf32, #tpu.memory_space<vmem>>
          %dma_start3A_1991 = arith.constant 0 : i32
          %dma_start3A_1992 = tpu.memref_slice %arg2[%add3A_9, %dma_start3A_1991, %multiple_of3A_1976] : memref<64x16x100000xf32, #tpu.memory_space<hbm>> -> memref<1x16x128xf32, #tpu.memory_space<hbm>>
          %dma_start3A_1993 = tpu.memref_squeeze %dma_start3A_1992 : memref<1x16x128xf32, #tpu.memory_space<hbm>> -> memref<16x128xf32, #tpu.memory_space<hbm>>
          tpu.enqueue_dma source(%dma_start3A_1993 : memref<16x128xf32, #tpu.memory_space<hbm>>) target(%dma_start3A_1990 : memref<16x128xf32, #tpu.memory_space<vmem>>) target_semaphore(%dma_start3A_1986 : memref<!tpu.dma_semaphore, #tpu.memory_space<semaphore_mem>>)
          %slice3A_1994 = vector.extract_strided_slice %get3A_1801 {offsets = [8], sizes = [1], strides = [1]} : vector<16xi32> to vector<1xi32>
          %squeeze3A_1995 = vector.extract %slice3A_1994[0] : i32 from vector<1xi32>
          %shift_right_arithmetic3A_1996 = arith.constant 7 : i32
          %shift_right_arithmetic3A_1997 = arith.shrsi %squeeze3A_1995, %shift_right_arithmetic3A_1996 : i32
          %shift_left3A_1998 = arith.constant 7 : i32
          %shift_left3A_1999 = arith.shli %shift_right_arithmetic3A_1997, %shift_left3A_1998 : i32
          %multiple_of3A_2000 = tpu.assume_multiple %shift_left3A_1999, 128 : i32
          %dma_start3A_2001 = arith.constant 8 : i32
          %dma_start3A_2002 = arith.constant 0 : i32
          %dma_start3A_2003 = arith.constant 0 : i32
          %dma_start3A_2004 = tpu.memref_slice %arg6[%rem3A_1490, %dma_start3A_2001, %dma_start3A_2002, %dma_start3A_2003] : memref<3x16x16x128xf32, #tpu.memory_space<vmem>> -> memref<1x1x16x128xf32, #tpu.memory_space<vmem>>
          %dma_start3A_2005 = tpu.memref_squeeze %dma_start3A_2004 : memref<1x1x16x128xf32, #tpu.memory_space<vmem>> -> memref<16x128xf32, #tpu.memory_space<vmem>>
          %dma_start3A_2006 = arith.constant 0 : i32
          %dma_start3A_2007 = tpu.memref_slice %arg2[%add3A_9, %dma_start3A_2006, %multiple_of3A_2000] : memref<64x16x100000xf32, #tpu.memory_space<hbm>> -> memref<1x16x128xf32, #tpu.memory_space<hbm>>
          %dma_start3A_2008 = tpu.memref_squeeze %dma_start3A_2007 : memref<1x16x128xf32, #tpu.memory_space<hbm>> -> memref<16x128xf32, #tpu.memory_space<hbm>>
          %dma_start3A_2009 = tpu.memref_slice %arg8[%rem3A_1490] : memref<3x!tpu.dma_semaphore, #tpu.memory_space<semaphore_mem>> -> memref<1x!tpu.dma_semaphore, #tpu.memory_space<semaphore_mem>>
          %dma_start3A_2010 = tpu.memref_squeeze %dma_start3A_2009 : memref<1x!tpu.dma_semaphore, #tpu.memory_space<semaphore_mem>> -> memref<!tpu.dma_semaphore, #tpu.memory_space<semaphore_mem>>
          %dma_start3A_2011 = arith.constant 0 : i32
          %dma_start3A_2012 = arith.constant 0 : i32
          %dma_start3A_2013 = tpu.memref_slice %arg6[%rem3A_1490, %dma_start3A_2001, %dma_start3A_2011, %dma_start3A_2012] : memref<3x16x16x128xf32, #tpu.memory_space<vmem>> -> memref<1x1x16x128xf32, #tpu.memory_space<vmem>>
          %dma_start3A_2014 = tpu.memref_squeeze %dma_start3A_2013 : memref<1x1x16x128xf32, #tpu.memory_space<vmem>> -> memref<16x128xf32, #tpu.memory_space<vmem>>
          %dma_start3A_2015 = arith.constant 0 : i32
          %dma_start3A_2016 = tpu.memref_slice %arg2[%add3A_9, %dma_start3A_2015, %multiple_of3A_2000] : memref<64x16x100000xf32, #tpu.memory_space<hbm>> -> memref<1x16x128xf32, #tpu.memory_space<hbm>>
          %dma_start3A_2017 = tpu.memref_squeeze %dma_start3A_2016 : memref<1x16x128xf32, #tpu.memory_space<hbm>> -> memref<16x128xf32, #tpu.memory_space<hbm>>
          tpu.enqueue_dma source(%dma_start3A_2017 : memref<16x128xf32, #tpu.memory_space<hbm>>) target(%dma_start3A_2014 : memref<16x128xf32, #tpu.memory_space<vmem>>) target_semaphore(%dma_start3A_2010 : memref<!tpu.dma_semaphore, #tpu.memory_space<semaphore_mem>>)
          %slice3A_2018 = vector.extract_strided_slice %get3A_1801 {offsets = [9], sizes = [1], strides = [1]} : vector<16xi32> to vector<1xi32>
          %squeeze3A_2019 = vector.extract %slice3A_2018[0] : i32 from vector<1xi32>
          %shift_right_arithmetic3A_2020 = arith.constant 7 : i32
          %shift_right_arithmetic3A_2021 = arith.shrsi %squeeze3A_2019, %shift_right_arithmetic3A_2020 : i32
          %shift_left3A_2022 = arith.constant 7 : i32
          %shift_left3A_2023 = arith.shli %shift_right_arithmetic3A_2021, %shift_left3A_2022 : i32
          %multiple_of3A_2024 = tpu.assume_multiple %shift_left3A_2023, 128 : i32
          %dma_start3A_2025 = arith.constant 9 : i32
          %dma_start3A_2026 = arith.constant 0 : i32
          %dma_start3A_2027 = arith.constant 0 : i32
          %dma_start3A_2028 = tpu.memref_slice %arg6[%rem3A_1490, %dma_start3A_2025, %dma_start3A_2026, %dma_start3A_2027] : memref<3x16x16x128xf32, #tpu.memory_space<vmem>> -> memref<1x1x16x128xf32, #tpu.memory_space<vmem>>
          %dma_start3A_2029 = tpu.memref_squeeze %dma_start3A_2028 : memref<1x1x16x128xf32, #tpu.memory_space<vmem>> -> memref<16x128xf32, #tpu.memory_space<vmem>>
          %dma_start3A_2030 = arith.constant 0 : i32
          %dma_start3A_2031 = tpu.memref_slice %arg2[%add3A_9, %dma_start3A_2030, %multiple_of3A_2024] : memref<64x16x100000xf32, #tpu.memory_space<hbm>> -> memref<1x16x128xf32, #tpu.memory_space<hbm>>
          %dma_start3A_2032 = tpu.memref_squeeze %dma_start3A_2031 : memref<1x16x128xf32, #tpu.memory_space<hbm>> -> memref<16x128xf32, #tpu.memory_space<hbm>>
          %dma_start3A_2033 = tpu.memref_slice %arg8[%rem3A_1490] : memref<3x!tpu.dma_semaphore, #tpu.memory_space<semaphore_mem>> -> memref<1x!tpu.dma_semaphore, #tpu.memory_space<semaphore_mem>>
          %dma_start3A_2034 = tpu.memref_squeeze %dma_start3A_2033 : memref<1x!tpu.dma_semaphore, #tpu.memory_space<semaphore_mem>> -> memref<!tpu.dma_semaphore, #tpu.memory_space<semaphore_mem>>
          %dma_start3A_2035 = arith.constant 0 : i32
          %dma_start3A_2036 = arith.constant 0 : i32
          %dma_start3A_2037 = tpu.memref_slice %arg6[%rem3A_1490, %dma_start3A_2025, %dma_start3A_2035, %dma_start3A_2036] : memref<3x16x16x128xf32, #tpu.memory_space<vmem>> -> memref<1x1x16x128xf32, #tpu.memory_space<vmem>>
          %dma_start3A_2038 = tpu.memref_squeeze %dma_start3A_2037 : memref<1x1x16x128xf32, #tpu.memory_space<vmem>> -> memref<16x128xf32, #tpu.memory_space<vmem>>
          %dma_start3A_2039 = arith.constant 0 : i32
          %dma_start3A_2040 = tpu.memref_slice %arg2[%add3A_9, %dma_start3A_2039, %multiple_of3A_2024] : memref<64x16x100000xf32, #tpu.memory_space<hbm>> -> memref<1x16x128xf32, #tpu.memory_space<hbm>>
          %dma_start3A_2041 = tpu.memref_squeeze %dma_start3A_2040 : memref<1x16x128xf32, #tpu.memory_space<hbm>> -> memref<16x128xf32, #tpu.memory_space<hbm>>
          tpu.enqueue_dma source(%dma_start3A_2041 : memref<16x128xf32, #tpu.memory_space<hbm>>) target(%dma_start3A_2038 : memref<16x128xf32, #tpu.memory_space<vmem>>) target_semaphore(%dma_start3A_2034 : memref<!tpu.dma_semaphore, #tpu.memory_space<semaphore_mem>>)
          %slice3A_2042 = vector.extract_strided_slice %get3A_1801 {offsets = [10], sizes = [1], strides = [1]} : vector<16xi32> to vector<1xi32>
          %squeeze3A_2043 = vector.extract %slice3A_2042[0] : i32 from vector<1xi32>
          %shift_right_arithmetic3A_2044 = arith.constant 7 : i32
          %shift_right_arithmetic3A_2045 = arith.shrsi %squeeze3A_2043, %shift_right_arithmetic3A_2044 : i32
          %shift_left3A_2046 = arith.constant 7 : i32
          %shift_left3A_2047 = arith.shli %shift_right_arithmetic3A_2045, %shift_left3A_2046 : i32
          %multiple_of3A_2048 = tpu.assume_multiple %shift_left3A_2047, 128 : i32
          %dma_start3A_2049 = arith.constant 10 : i32
          %dma_start3A_2050 = arith.constant 0 : i32
          %dma_start3A_2051 = arith.constant 0 : i32
          %dma_start3A_2052 = tpu.memref_slice %arg6[%rem3A_1490, %dma_start3A_2049, %dma_start3A_2050, %dma_start3A_2051] : memref<3x16x16x128xf32, #tpu.memory_space<vmem>> -> memref<1x1x16x128xf32, #tpu.memory_space<vmem>>
          %dma_start3A_2053 = tpu.memref_squeeze %dma_start3A_2052 : memref<1x1x16x128xf32, #tpu.memory_space<vmem>> -> memref<16x128xf32, #tpu.memory_space<vmem>>
          %dma_start3A_2054 = arith.constant 0 : i32
          %dma_start3A_2055 = tpu.memref_slice %arg2[%add3A_9, %dma_start3A_2054, %multiple_of3A_2048] : memref<64x16x100000xf32, #tpu.memory_space<hbm>> -> memref<1x16x128xf32, #tpu.memory_space<hbm>>
          %dma_start3A_2056 = tpu.memref_squeeze %dma_start3A_2055 : memref<1x16x128xf32, #tpu.memory_space<hbm>> -> memref<16x128xf32, #tpu.memory_space<hbm>>
          %dma_start3A_2057 = tpu.memref_slice %arg8[%rem3A_1490] : memref<3x!tpu.dma_semaphore, #tpu.memory_space<semaphore_mem>> -> memref<1x!tpu.dma_semaphore, #tpu.memory_space<semaphore_mem>>
          %dma_start3A_2058 = tpu.memref_squeeze %dma_start3A_2057 : memref<1x!tpu.dma_semaphore, #tpu.memory_space<semaphore_mem>> -> memref<!tpu.dma_semaphore, #tpu.memory_space<semaphore_mem>>
          %dma_start3A_2059 = arith.constant 0 : i32
          %dma_start3A_2060 = arith.constant 0 : i32
          %dma_start3A_2061 = tpu.memref_slice %arg6[%rem3A_1490, %dma_start3A_2049, %dma_start3A_2059, %dma_start3A_2060] : memref<3x16x16x128xf32, #tpu.memory_space<vmem>> -> memref<1x1x16x128xf32, #tpu.memory_space<vmem>>
          %dma_start3A_2062 = tpu.memref_squeeze %dma_start3A_2061 : memref<1x1x16x128xf32, #tpu.memory_space<vmem>> -> memref<16x128xf32, #tpu.memory_space<vmem>>
          %dma_start3A_2063 = arith.constant 0 : i32
          %dma_start3A_2064 = tpu.memref_slice %arg2[%add3A_9, %dma_start3A_2063, %multiple_of3A_2048] : memref<64x16x100000xf32, #tpu.memory_space<hbm>> -> memref<1x16x128xf32, #tpu.memory_space<hbm>>
          %dma_start3A_2065 = tpu.memref_squeeze %dma_start3A_2064 : memref<1x16x128xf32, #tpu.memory_space<hbm>> -> memref<16x128xf32, #tpu.memory_space<hbm>>
          tpu.enqueue_dma source(%dma_start3A_2065 : memref<16x128xf32, #tpu.memory_space<hbm>>) target(%dma_start3A_2062 : memref<16x128xf32, #tpu.memory_space<vmem>>) target_semaphore(%dma_start3A_2058 : memref<!tpu.dma_semaphore, #tpu.memory_space<semaphore_mem>>)
          %slice3A_2066 = vector.extract_strided_slice %get3A_1801 {offsets = [11], sizes = [1], strides = [1]} : vector<16xi32> to vector<1xi32>
          %squeeze3A_2067 = vector.extract %slice3A_2066[0] : i32 from vector<1xi32>
          %shift_right_arithmetic3A_2068 = arith.constant 7 : i32
          %shift_right_arithmetic3A_2069 = arith.shrsi %squeeze3A_2067, %shift_right_arithmetic3A_2068 : i32
          %shift_left3A_2070 = arith.constant 7 : i32
          %shift_left3A_2071 = arith.shli %shift_right_arithmetic3A_2069, %shift_left3A_2070 : i32
          %multiple_of3A_2072 = tpu.assume_multiple %shift_left3A_2071, 128 : i32
          %dma_start3A_2073 = arith.constant 11 : i32
          %dma_start3A_2074 = arith.constant 0 : i32
          %dma_start3A_2075 = arith.constant 0 : i32
          %dma_start3A_2076 = tpu.memref_slice %arg6[%rem3A_1490, %dma_start3A_2073, %dma_start3A_2074, %dma_start3A_2075] : memref<3x16x16x128xf32, #tpu.memory_space<vmem>> -> memref<1x1x16x128xf32, #tpu.memory_space<vmem>>
          %dma_start3A_2077 = tpu.memref_squeeze %dma_start3A_2076 : memref<1x1x16x128xf32, #tpu.memory_space<vmem>> -> memref<16x128xf32, #tpu.memory_space<vmem>>
          %dma_start3A_2078 = arith.constant 0 : i32
          %dma_start3A_2079 = tpu.memref_slice %arg2[%add3A_9, %dma_start3A_2078, %multiple_of3A_2072] : memref<64x16x100000xf32, #tpu.memory_space<hbm>> -> memref<1x16x128xf32, #tpu.memory_space<hbm>>
          %dma_start3A_2080 = tpu.memref_squeeze %dma_start3A_2079 : memref<1x16x128xf32, #tpu.memory_space<hbm>> -> memref<16x128xf32, #tpu.memory_space<hbm>>
          %dma_start3A_2081 = tpu.memref_slice %arg8[%rem3A_1490] : memref<3x!tpu.dma_semaphore, #tpu.memory_space<semaphore_mem>> -> memref<1x!tpu.dma_semaphore, #tpu.memory_space<semaphore_mem>>
          %dma_start3A_2082 = tpu.memref_squeeze %dma_start3A_2081 : memref<1x!tpu.dma_semaphore, #tpu.memory_space<semaphore_mem>> -> memref<!tpu.dma_semaphore, #tpu.memory_space<semaphore_mem>>
          %dma_start3A_2083 = arith.constant 0 : i32
          %dma_start3A_2084 = arith.constant 0 : i32
          %dma_start3A_2085 = tpu.memref_slice %arg6[%rem3A_1490, %dma_start3A_2073, %dma_start3A_2083, %dma_start3A_2084] : memref<3x16x16x128xf32, #tpu.memory_space<vmem>> -> memref<1x1x16x128xf32, #tpu.memory_space<vmem>>
          %dma_start3A_2086 = tpu.memref_squeeze %dma_start3A_2085 : memref<1x1x16x128xf32, #tpu.memory_space<vmem>> -> memref<16x128xf32, #tpu.memory_space<vmem>>
          %dma_start3A_2087 = arith.constant 0 : i32
          %dma_start3A_2088 = tpu.memref_slice %arg2[%add3A_9, %dma_start3A_2087, %multiple_of3A_2072] : memref<64x16x100000xf32, #tpu.memory_space<hbm>> -> memref<1x16x128xf32, #tpu.memory_space<hbm>>
          %dma_start3A_2089 = tpu.memref_squeeze %dma_start3A_2088 : memref<1x16x128xf32, #tpu.memory_space<hbm>> -> memref<16x128xf32, #tpu.memory_space<hbm>>
          tpu.enqueue_dma source(%dma_start3A_2089 : memref<16x128xf32, #tpu.memory_space<hbm>>) target(%dma_start3A_2086 : memref<16x128xf32, #tpu.memory_space<vmem>>) target_semaphore(%dma_start3A_2082 : memref<!tpu.dma_semaphore, #tpu.memory_space<semaphore_mem>>)
          %slice3A_2090 = vector.extract_strided_slice %get3A_1801 {offsets = [12], sizes = [1], strides = [1]} : vector<16xi32> to vector<1xi32>
          %squeeze3A_2091 = vector.extract %slice3A_2090[0] : i32 from vector<1xi32>
          %shift_right_arithmetic3A_2092 = arith.constant 7 : i32
          %shift_right_arithmetic3A_2093 = arith.shrsi %squeeze3A_2091, %shift_right_arithmetic3A_2092 : i32
          %shift_left3A_2094 = arith.constant 7 : i32
          %shift_left3A_2095 = arith.shli %shift_right_arithmetic3A_2093, %shift_left3A_2094 : i32
          %multiple_of3A_2096 = tpu.assume_multiple %shift_left3A_2095, 128 : i32
          %dma_start3A_2097 = arith.constant 12 : i32
          %dma_start3A_2098 = arith.constant 0 : i32
          %dma_start3A_2099 = arith.constant 0 : i32
          %dma_start3A_2100 = tpu.memref_slice %arg6[%rem3A_1490, %dma_start3A_2097, %dma_start3A_2098, %dma_start3A_2099] : memref<3x16x16x128xf32, #tpu.memory_space<vmem>> -> memref<1x1x16x128xf32, #tpu.memory_space<vmem>>
          %dma_start3A_2101 = tpu.memref_squeeze %dma_start3A_2100 : memref<1x1x16x128xf32, #tpu.memory_space<vmem>> -> memref<16x128xf32, #tpu.memory_space<vmem>>
          %dma_start3A_2102 = arith.constant 0 : i32
          %dma_start3A_2103 = tpu.memref_slice %arg2[%add3A_9, %dma_start3A_2102, %multiple_of3A_2096] : memref<64x16x100000xf32, #tpu.memory_space<hbm>> -> memref<1x16x128xf32, #tpu.memory_space<hbm>>
          %dma_start3A_2104 = tpu.memref_squeeze %dma_start3A_2103 : memref<1x16x128xf32, #tpu.memory_space<hbm>> -> memref<16x128xf32, #tpu.memory_space<hbm>>
          %dma_start3A_2105 = tpu.memref_slice %arg8[%rem3A_1490] : memref<3x!tpu.dma_semaphore, #tpu.memory_space<semaphore_mem>> -> memref<1x!tpu.dma_semaphore, #tpu.memory_space<semaphore_mem>>
          %dma_start3A_2106 = tpu.memref_squeeze %dma_start3A_2105 : memref<1x!tpu.dma_semaphore, #tpu.memory_space<semaphore_mem>> -> memref<!tpu.dma_semaphore, #tpu.memory_space<semaphore_mem>>
          %dma_start3A_2107 = arith.constant 0 : i32
          %dma_start3A_2108 = arith.constant 0 : i32
          %dma_start3A_2109 = tpu.memref_slice %arg6[%rem3A_1490, %dma_start3A_2097, %dma_start3A_2107, %dma_start3A_2108] : memref<3x16x16x128xf32, #tpu.memory_space<vmem>> -> memref<1x1x16x128xf32, #tpu.memory_space<vmem>>
          %dma_start3A_2110 = tpu.memref_squeeze %dma_start3A_2109 : memref<1x1x16x128xf32, #tpu.memory_space<vmem>> -> memref<16x128xf32, #tpu.memory_space<vmem>>
          %dma_start3A_2111 = arith.constant 0 : i32
          %dma_start3A_2112 = tpu.memref_slice %arg2[%add3A_9, %dma_start3A_2111, %multiple_of3A_2096] : memref<64x16x100000xf32, #tpu.memory_space<hbm>> -> memref<1x16x128xf32, #tpu.memory_space<hbm>>
          %dma_start3A_2113 = tpu.memref_squeeze %dma_start3A_2112 : memref<1x16x128xf32, #tpu.memory_space<hbm>> -> memref<16x128xf32, #tpu.memory_space<hbm>>
          tpu.enqueue_dma source(%dma_start3A_2113 : memref<16x128xf32, #tpu.memory_space<hbm>>) target(%dma_start3A_2110 : memref<16x128xf32, #tpu.memory_space<vmem>>) target_semaphore(%dma_start3A_2106 : memref<!tpu.dma_semaphore, #tpu.memory_space<semaphore_mem>>)
          %slice3A_2114 = vector.extract_strided_slice %get3A_1801 {offsets = [13], sizes = [1], strides = [1]} : vector<16xi32> to vector<1xi32>
          %squeeze3A_2115 = vector.extract %slice3A_2114[0] : i32 from vector<1xi32>
          %shift_right_arithmetic3A_2116 = arith.constant 7 : i32
          %shift_right_arithmetic3A_2117 = arith.shrsi %squeeze3A_2115, %shift_right_arithmetic3A_2116 : i32
          %shift_left3A_2118 = arith.constant 7 : i32
          %shift_left3A_2119 = arith.shli %shift_right_arithmetic3A_2117, %shift_left3A_2118 : i32
          %multiple_of3A_2120 = tpu.assume_multiple %shift_left3A_2119, 128 : i32
          %dma_start3A_2121 = arith.constant 13 : i32
          %dma_start3A_2122 = arith.constant 0 : i32
          %dma_start3A_2123 = arith.constant 0 : i32
          %dma_start3A_2124 = tpu.memref_slice %arg6[%rem3A_1490, %dma_start3A_2121, %dma_start3A_2122, %dma_start3A_2123] : memref<3x16x16x128xf32, #tpu.memory_space<vmem>> -> memref<1x1x16x128xf32, #tpu.memory_space<vmem>>
          %dma_start3A_2125 = tpu.memref_squeeze %dma_start3A_2124 : memref<1x1x16x128xf32, #tpu.memory_space<vmem>> -> memref<16x128xf32, #tpu.memory_space<vmem>>
          %dma_start3A_2126 = arith.constant 0 : i32
          %dma_start3A_2127 = tpu.memref_slice %arg2[%add3A_9, %dma_start3A_2126, %multiple_of3A_2120] : memref<64x16x100000xf32, #tpu.memory_space<hbm>> -> memref<1x16x128xf32, #tpu.memory_space<hbm>>
          %dma_start3A_2128 = tpu.memref_squeeze %dma_start3A_2127 : memref<1x16x128xf32, #tpu.memory_space<hbm>> -> memref<16x128xf32, #tpu.memory_space<hbm>>
          %dma_start3A_2129 = tpu.memref_slice %arg8[%rem3A_1490] : memref<3x!tpu.dma_semaphore, #tpu.memory_space<semaphore_mem>> -> memref<1x!tpu.dma_semaphore, #tpu.memory_space<semaphore_mem>>
          %dma_start3A_2130 = tpu.memref_squeeze %dma_start3A_2129 : memref<1x!tpu.dma_semaphore, #tpu.memory_space<semaphore_mem>> -> memref<!tpu.dma_semaphore, #tpu.memory_space<semaphore_mem>>
          %dma_start3A_2131 = arith.constant 0 : i32
          %dma_start3A_2132 = arith.constant 0 : i32
          %dma_start3A_2133 = tpu.memref_slice %arg6[%rem3A_1490, %dma_start3A_2121, %dma_start3A_2131, %dma_start3A_2132] : memref<3x16x16x128xf32, #tpu.memory_space<vmem>> -> memref<1x1x16x128xf32, #tpu.memory_space<vmem>>
          %dma_start3A_2134 = tpu.memref_squeeze %dma_start3A_2133 : memref<1x1x16x128xf32, #tpu.memory_space<vmem>> -> memref<16x128xf32, #tpu.memory_space<vmem>>
          %dma_start3A_2135 = arith.constant 0 : i32
          %dma_start3A_2136 = tpu.memref_slice %arg2[%add3A_9, %dma_start3A_2135, %multiple_of3A_2120] : memref<64x16x100000xf32, #tpu.memory_space<hbm>> -> memref<1x16x128xf32, #tpu.memory_space<hbm>>
          %dma_start3A_2137 = tpu.memref_squeeze %dma_start3A_2136 : memref<1x16x128xf32, #tpu.memory_space<hbm>> -> memref<16x128xf32, #tpu.memory_space<hbm>>
          tpu.enqueue_dma source(%dma_start3A_2137 : memref<16x128xf32, #tpu.memory_space<hbm>>) target(%dma_start3A_2134 : memref<16x128xf32, #tpu.memory_space<vmem>>) target_semaphore(%dma_start3A_2130 : memref<!tpu.dma_semaphore, #tpu.memory_space<semaphore_mem>>)
          %slice3A_2138 = vector.extract_strided_slice %get3A_1801 {offsets = [14], sizes = [1], strides = [1]} : vector<16xi32> to vector<1xi32>
          %squeeze3A_2139 = vector.extract %slice3A_2138[0] : i32 from vector<1xi32>
          %shift_right_arithmetic3A_2140 = arith.constant 7 : i32
          %shift_right_arithmetic3A_2141 = arith.shrsi %squeeze3A_2139, %shift_right_arithmetic3A_2140 : i32
          %shift_left3A_2142 = arith.constant 7 : i32
          %shift_left3A_2143 = arith.shli %shift_right_arithmetic3A_2141, %shift_left3A_2142 : i32
          %multiple_of3A_2144 = tpu.assume_multiple %shift_left3A_2143, 128 : i32
          %dma_start3A_2145 = arith.constant 14 : i32
          %dma_start3A_2146 = arith.constant 0 : i32
          %dma_start3A_2147 = arith.constant 0 : i32
          %dma_start3A_2148 = tpu.memref_slice %arg6[%rem3A_1490, %dma_start3A_2145, %dma_start3A_2146, %dma_start3A_2147] : memref<3x16x16x128xf32, #tpu.memory_space<vmem>> -> memref<1x1x16x128xf32, #tpu.memory_space<vmem>>
          %dma_start3A_2149 = tpu.memref_squeeze %dma_start3A_2148 : memref<1x1x16x128xf32, #tpu.memory_space<vmem>> -> memref<16x128xf32, #tpu.memory_space<vmem>>
          %dma_start3A_2150 = arith.constant 0 : i32
          %dma_start3A_2151 = tpu.memref_slice %arg2[%add3A_9, %dma_start3A_2150, %multiple_of3A_2144] : memref<64x16x100000xf32, #tpu.memory_space<hbm>> -> memref<1x16x128xf32, #tpu.memory_space<hbm>>
          %dma_start3A_2152 = tpu.memref_squeeze %dma_start3A_2151 : memref<1x16x128xf32, #tpu.memory_space<hbm>> -> memref<16x128xf32, #tpu.memory_space<hbm>>
          %dma_start3A_2153 = tpu.memref_slice %arg8[%rem3A_1490] : memref<3x!tpu.dma_semaphore, #tpu.memory_space<semaphore_mem>> -> memref<1x!tpu.dma_semaphore, #tpu.memory_space<semaphore_mem>>
          %dma_start3A_2154 = tpu.memref_squeeze %dma_start3A_2153 : memref<1x!tpu.dma_semaphore, #tpu.memory_space<semaphore_mem>> -> memref<!tpu.dma_semaphore, #tpu.memory_space<semaphore_mem>>
          %dma_start3A_2155 = arith.constant 0 : i32
          %dma_start3A_2156 = arith.constant 0 : i32
          %dma_start3A_2157 = tpu.memref_slice %arg6[%rem3A_1490, %dma_start3A_2145, %dma_start3A_2155, %dma_start3A_2156] : memref<3x16x16x128xf32, #tpu.memory_space<vmem>> -> memref<1x1x16x128xf32, #tpu.memory_space<vmem>>
          %dma_start3A_2158 = tpu.memref_squeeze %dma_start3A_2157 : memref<1x1x16x128xf32, #tpu.memory_space<vmem>> -> memref<16x128xf32, #tpu.memory_space<vmem>>
          %dma_start3A_2159 = arith.constant 0 : i32
          %dma_start3A_2160 = tpu.memref_slice %arg2[%add3A_9, %dma_start3A_2159, %multiple_of3A_2144] : memref<64x16x100000xf32, #tpu.memory_space<hbm>> -> memref<1x16x128xf32, #tpu.memory_space<hbm>>
          %dma_start3A_2161 = tpu.memref_squeeze %dma_start3A_2160 : memref<1x16x128xf32, #tpu.memory_space<hbm>> -> memref<16x128xf32, #tpu.memory_space<hbm>>
          tpu.enqueue_dma source(%dma_start3A_2161 : memref<16x128xf32, #tpu.memory_space<hbm>>) target(%dma_start3A_2158 : memref<16x128xf32, #tpu.memory_space<vmem>>) target_semaphore(%dma_start3A_2154 : memref<!tpu.dma_semaphore, #tpu.memory_space<semaphore_mem>>)
          %slice3A_2162 = vector.extract_strided_slice %get3A_1801 {offsets = [15], sizes = [1], strides = [1]} : vector<16xi32> to vector<1xi32>
          %squeeze3A_2163 = vector.extract %slice3A_2162[0] : i32 from vector<1xi32>
          %shift_right_arithmetic3A_2164 = arith.constant 7 : i32
          %shift_right_arithmetic3A_2165 = arith.shrsi %squeeze3A_2163, %shift_right_arithmetic3A_2164 : i32
          %shift_left3A_2166 = arith.constant 7 : i32
          %shift_left3A_2167 = arith.shli %shift_right_arithmetic3A_2165, %shift_left3A_2166 : i32
          %multiple_of3A_2168 = tpu.assume_multiple %shift_left3A_2167, 128 : i32
          %dma_start3A_2169 = arith.constant 15 : i32
          %dma_start3A_2170 = arith.constant 0 : i32
          %dma_start3A_2171 = arith.constant 0 : i32
          %dma_start3A_2172 = tpu.memref_slice %arg6[%rem3A_1490, %dma_start3A_2169, %dma_start3A_2170, %dma_start3A_2171] : memref<3x16x16x128xf32, #tpu.memory_space<vmem>> -> memref<1x1x16x128xf32, #tpu.memory_space<vmem>>
          %dma_start3A_2173 = tpu.memref_squeeze %dma_start3A_2172 : memref<1x1x16x128xf32, #tpu.memory_space<vmem>> -> memref<16x128xf32, #tpu.memory_space<vmem>>
          %dma_start3A_2174 = arith.constant 0 : i32
          %dma_start3A_2175 = tpu.memref_slice %arg2[%add3A_9, %dma_start3A_2174, %multiple_of3A_2168] : memref<64x16x100000xf32, #tpu.memory_space<hbm>> -> memref<1x16x128xf32, #tpu.memory_space<hbm>>
          %dma_start3A_2176 = tpu.memref_squeeze %dma_start3A_2175 : memref<1x16x128xf32, #tpu.memory_space<hbm>> -> memref<16x128xf32, #tpu.memory_space<hbm>>
          %dma_start3A_2177 = tpu.memref_slice %arg8[%rem3A_1490] : memref<3x!tpu.dma_semaphore, #tpu.memory_space<semaphore_mem>> -> memref<1x!tpu.dma_semaphore, #tpu.memory_space<semaphore_mem>>
          %dma_start3A_2178 = tpu.memref_squeeze %dma_start3A_2177 : memref<1x!tpu.dma_semaphore, #tpu.memory_space<semaphore_mem>> -> memref<!tpu.dma_semaphore, #tpu.memory_space<semaphore_mem>>
          %dma_start3A_2179 = arith.constant 0 : i32
          %dma_start3A_2180 = arith.constant 0 : i32
          %dma_start3A_2181 = tpu.memref_slice %arg6[%rem3A_1490, %dma_start3A_2169, %dma_start3A_2179, %dma_start3A_2180] : memref<3x16x16x128xf32, #tpu.memory_space<vmem>> -> memref<1x1x16x128xf32, #tpu.memory_space<vmem>>
          %dma_start3A_2182 = tpu.memref_squeeze %dma_start3A_2181 : memref<1x1x16x128xf32, #tpu.memory_space<vmem>> -> memref<16x128xf32, #tpu.memory_space<vmem>>
          %dma_start3A_2183 = arith.constant 0 : i32
          %dma_start3A_2184 = tpu.memref_slice %arg2[%add3A_9, %dma_start3A_2183, %multiple_of3A_2168] : memref<64x16x100000xf32, #tpu.memory_space<hbm>> -> memref<1x16x128xf32, #tpu.memory_space<hbm>>
          %dma_start3A_2185 = tpu.memref_squeeze %dma_start3A_2184 : memref<1x16x128xf32, #tpu.memory_space<hbm>> -> memref<16x128xf32, #tpu.memory_space<hbm>>
          tpu.enqueue_dma source(%dma_start3A_2185 : memref<16x128xf32, #tpu.memory_space<hbm>>) target(%dma_start3A_2182 : memref<16x128xf32, #tpu.memory_space<vmem>>) target_semaphore(%dma_start3A_2178 : memref<!tpu.dma_semaphore, #tpu.memory_space<semaphore_mem>>)
          %and3A_2186 = arith.constant 127 : i32
          %and3A_2187 = vector.broadcast %and3A_2186 : i32 to vector<16xi32>
          %and3A_2188 = arith.andi %get3A_1801, %and3A_2187 : vector<16xi32>
          %mul3A_2189 = arith.constant 16 : i32
          %mul3A_2190 = arith.muli %scan3A_1482, %mul3A_2189 : i32
          %broadcast_in_dim3A = vector.broadcast %rem3A_1486 : i32 to vector<16xi32>
          %broadcast_in_dim3A_2191 = arith.constant 0 : i32
          %broadcast_in_dim3A_2192 = vector.broadcast %broadcast_in_dim3A_2191 : i32 to vector<16xi32>
          %slice3A_2193 = vector.extract_strided_slice %scan3A_1483 {offsets = [0], sizes = [1], strides = [1]} : vector<16xi32> to vector<1xi32>
          %squeeze3A_2194 = vector.extract %slice3A_2193[0] : i32 from vector<1xi32>
          %broadcast_in_dim3A_2195 = vector.broadcast %squeeze3A_2194 : i32 to vector<16xi32>
          %gather3A = tpu.vector_load_idx %arg6[%broadcast_in_dim3A, %broadcast_in_dim3A_2192, %iota3A, %broadcast_in_dim3A_2195] : memref<3x16x16x128xf32, #tpu.memory_space<vmem>>[vector<16xi32>, vector<16xi32>, vector<16xi32>, vector<16xi32>], vector<16xf32>,
          %add3A_2196 = arith.constant 0 : i32
          %add3A_2197 = arith.addi %mul3A_2190, %add3A_2196 : i32
          %broadcast_in_dim3A_2198 = arith.constant 0 : i32
          %broadcast_in_dim3A_2199 = vector.broadcast %broadcast_in_dim3A_2198 : i32 to vector<16xi32>
          %add3A_2200 = vector.broadcast %add3A_2197 : i32 to vector<16xi32>
          %add3A_2201 = arith.addi %add3A_2200, %broadcast_in_dim3A_2199 : vector<16xi32>
          tpu.vector_store_idx %arg7[%iota3A, %add3A_2201], %gather3A : memref<16x1024xf32, #tpu.memory_space<vmem>>[vector<16xi32>, vector<16xi32>], vector<16xf32>,
          %broadcast_in_dim3A_2202 = vector.broadcast %rem3A_1486 : i32 to vector<16xi32>
          %broadcast_in_dim3A_2203 = arith.constant 1 : i32
          %broadcast_in_dim3A_2204 = vector.broadcast %broadcast_in_dim3A_2203 : i32 to vector<16xi32>
          %slice3A_2205 = vector.extract_strided_slice %scan3A_1483 {offsets = [1], sizes = [1], strides = [1]} : vector<16xi32> to vector<1xi32>
          %squeeze3A_2206 = vector.extract %slice3A_2205[0] : i32 from vector<1xi32>
          %broadcast_in_dim3A_2207 = vector.broadcast %squeeze3A_2206 : i32 to vector<16xi32>
          %gather3A_2208 = tpu.vector_load_idx %arg6[%broadcast_in_dim3A_2202, %broadcast_in_dim3A_2204, %iota3A, %broadcast_in_dim3A_2207] : memref<3x16x16x128xf32, #tpu.memory_space<vmem>>[vector<16xi32>, vector<16xi32>, vector<16xi32>, vector<16xi32>], vector<16xf32>,
          %add3A_2209 = arith.constant 1 : i32
          %add3A_2210 = arith.addi %mul3A_2190, %add3A_2209 : i32
          %broadcast_in_dim3A_2211 = arith.constant 0 : i32
          %broadcast_in_dim3A_2212 = vector.broadcast %broadcast_in_dim3A_2211 : i32 to vector<16xi32>
          %add3A_2213 = vector.broadcast %add3A_2210 : i32 to vector<16xi32>
          %add3A_2214 = arith.addi %add3A_2213, %broadcast_in_dim3A_2212 : vector<16xi32>
          tpu.vector_store_idx %arg7[%iota3A, %add3A_2214], %gather3A_2208 : memref<16x1024xf32, #tpu.memory_space<vmem>>[vector<16xi32>, vector<16xi32>], vector<16xf32>,
          %broadcast_in_dim3A_2215 = vector.broadcast %rem3A_1486 : i32 to vector<16xi32>
          %broadcast_in_dim3A_2216 = arith.constant 2 : i32
          %broadcast_in_dim3A_2217 = vector.broadcast %broadcast_in_dim3A_2216 : i32 to vector<16xi32>
          %slice3A_2218 = vector.extract_strided_slice %scan3A_1483 {offsets = [2], sizes = [1], strides = [1]} : vector<16xi32> to vector<1xi32>
          %squeeze3A_2219 = vector.extract %slice3A_2218[0] : i32 from vector<1xi32>
          %broadcast_in_dim3A_2220 = vector.broadcast %squeeze3A_2219 : i32 to vector<16xi32>
          %gather3A_2221 = tpu.vector_load_idx %arg6[%broadcast_in_dim3A_2215, %broadcast_in_dim3A_2217, %iota3A, %broadcast_in_dim3A_2220] : memref<3x16x16x128xf32, #tpu.memory_space<vmem>>[vector<16xi32>, vector<16xi32>, vector<16xi32>, vector<16xi32>], vector<16xf32>,
          %add3A_2222 = arith.constant 2 : i32
          %add3A_2223 = arith.addi %mul3A_2190, %add3A_2222 : i32
          %broadcast_in_dim3A_2224 = arith.constant 0 : i32
          %broadcast_in_dim3A_2225 = vector.broadcast %broadcast_in_dim3A_2224 : i32 to vector<16xi32>
          %add3A_2226 = vector.broadcast %add3A_2223 : i32 to vector<16xi32>
          %add3A_2227 = arith.addi %add3A_2226, %broadcast_in_dim3A_2225 : vector<16xi32>
          tpu.vector_store_idx %arg7[%iota3A, %add3A_2227], %gather3A_2221 : memref<16x1024xf32, #tpu.memory_space<vmem>>[vector<16xi32>, vector<16xi32>], vector<16xf32>,
          %broadcast_in_dim3A_2228 = vector.broadcast %rem3A_1486 : i32 to vector<16xi32>
          %broadcast_in_dim3A_2229 = arith.constant 3 : i32
          %broadcast_in_dim3A_2230 = vector.broadcast %broadcast_in_dim3A_2229 : i32 to vector<16xi32>
          %slice3A_2231 = vector.extract_strided_slice %scan3A_1483 {offsets = [3], sizes = [1], strides = [1]} : vector<16xi32> to vector<1xi32>
          %squeeze3A_2232 = vector.extract %slice3A_2231[0] : i32 from vector<1xi32>
          %broadcast_in_dim3A_2233 = vector.broadcast %squeeze3A_2232 : i32 to vector<16xi32>
          %gather3A_2234 = tpu.vector_load_idx %arg6[%broadcast_in_dim3A_2228, %broadcast_in_dim3A_2230, %iota3A, %broadcast_in_dim3A_2233] : memref<3x16x16x128xf32, #tpu.memory_space<vmem>>[vector<16xi32>, vector<16xi32>, vector<16xi32>, vector<16xi32>], vector<16xf32>,
          %add3A_2235 = arith.constant 3 : i32
          %add3A_2236 = arith.addi %mul3A_2190, %add3A_2235 : i32
          %broadcast_in_dim3A_2237 = arith.constant 0 : i32
          %broadcast_in_dim3A_2238 = vector.broadcast %broadcast_in_dim3A_2237 : i32 to vector<16xi32>
          %add3A_2239 = vector.broadcast %add3A_2236 : i32 to vector<16xi32>
          %add3A_2240 = arith.addi %add3A_2239, %broadcast_in_dim3A_2238 : vector<16xi32>
          tpu.vector_store_idx %arg7[%iota3A, %add3A_2240], %gather3A_2234 : memref<16x1024xf32, #tpu.memory_space<vmem>>[vector<16xi32>, vector<16xi32>], vector<16xf32>,
          %broadcast_in_dim3A_2241 = vector.broadcast %rem3A_1486 : i32 to vector<16xi32>
          %broadcast_in_dim3A_2242 = arith.constant 4 : i32
          %broadcast_in_dim3A_2243 = vector.broadcast %broadcast_in_dim3A_2242 : i32 to vector<16xi32>
          %slice3A_2244 = vector.extract_strided_slice %scan3A_1483 {offsets = [4], sizes = [1], strides = [1]} : vector<16xi32> to vector<1xi32>
          %squeeze3A_2245 = vector.extract %slice3A_2244[0] : i32 from vector<1xi32>
          %broadcast_in_dim3A_2246 = vector.broadcast %squeeze3A_2245 : i32 to vector<16xi32>
          %gather3A_2247 = tpu.vector_load_idx %arg6[%broadcast_in_dim3A_2241, %broadcast_in_dim3A_2243, %iota3A, %broadcast_in_dim3A_2246] : memref<3x16x16x128xf32, #tpu.memory_space<vmem>>[vector<16xi32>, vector<16xi32>, vector<16xi32>, vector<16xi32>], vector<16xf32>,
          %add3A_2248 = arith.constant 4 : i32
          %add3A_2249 = arith.addi %mul3A_2190, %add3A_2248 : i32
          %broadcast_in_dim3A_2250 = arith.constant 0 : i32
          %broadcast_in_dim3A_2251 = vector.broadcast %broadcast_in_dim3A_2250 : i32 to vector<16xi32>
          %add3A_2252 = vector.broadcast %add3A_2249 : i32 to vector<16xi32>
          %add3A_2253 = arith.addi %add3A_2252, %broadcast_in_dim3A_2251 : vector<16xi32>
          tpu.vector_store_idx %arg7[%iota3A, %add3A_2253], %gather3A_2247 : memref<16x1024xf32, #tpu.memory_space<vmem>>[vector<16xi32>, vector<16xi32>], vector<16xf32>,
          %broadcast_in_dim3A_2254 = vector.broadcast %rem3A_1486 : i32 to vector<16xi32>
          %broadcast_in_dim3A_2255 = arith.constant 5 : i32
          %broadcast_in_dim3A_2256 = vector.broadcast %broadcast_in_dim3A_2255 : i32 to vector<16xi32>
          %slice3A_2257 = vector.extract_strided_slice %scan3A_1483 {offsets = [5], sizes = [1], strides = [1]} : vector<16xi32> to vector<1xi32>
          %squeeze3A_2258 = vector.extract %slice3A_2257[0] : i32 from vector<1xi32>
          %broadcast_in_dim3A_2259 = vector.broadcast %squeeze3A_2258 : i32 to vector<16xi32>
          %gather3A_2260 = tpu.vector_load_idx %arg6[%broadcast_in_dim3A_2254, %broadcast_in_dim3A_2256, %iota3A, %broadcast_in_dim3A_2259] : memref<3x16x16x128xf32, #tpu.memory_space<vmem>>[vector<16xi32>, vector<16xi32>, vector<16xi32>, vector<16xi32>], vector<16xf32>,
          %add3A_2261 = arith.constant 5 : i32
          %add3A_2262 = arith.addi %mul3A_2190, %add3A_2261 : i32
          %broadcast_in_dim3A_2263 = arith.constant 0 : i32
          %broadcast_in_dim3A_2264 = vector.broadcast %broadcast_in_dim3A_2263 : i32 to vector<16xi32>
          %add3A_2265 = vector.broadcast %add3A_2262 : i32 to vector<16xi32>
          %add3A_2266 = arith.addi %add3A_2265, %broadcast_in_dim3A_2264 : vector<16xi32>
          tpu.vector_store_idx %arg7[%iota3A, %add3A_2266], %gather3A_2260 : memref<16x1024xf32, #tpu.memory_space<vmem>>[vector<16xi32>, vector<16xi32>], vector<16xf32>,
          %broadcast_in_dim3A_2267 = vector.broadcast %rem3A_1486 : i32 to vector<16xi32>
          %broadcast_in_dim3A_2268 = arith.constant 6 : i32
          %broadcast_in_dim3A_2269 = vector.broadcast %broadcast_in_dim3A_2268 : i32 to vector<16xi32>
          %slice3A_2270 = vector.extract_strided_slice %scan3A_1483 {offsets = [6], sizes = [1], strides = [1]} : vector<16xi32> to vector<1xi32>
          %squeeze3A_2271 = vector.extract %slice3A_2270[0] : i32 from vector<1xi32>
          %broadcast_in_dim3A_2272 = vector.broadcast %squeeze3A_2271 : i32 to vector<16xi32>
          %gather3A_2273 = tpu.vector_load_idx %arg6[%broadcast_in_dim3A_2267, %broadcast_in_dim3A_2269, %iota3A, %broadcast_in_dim3A_2272] : memref<3x16x16x128xf32, #tpu.memory_space<vmem>>[vector<16xi32>, vector<16xi32>, vector<16xi32>, vector<16xi32>], vector<16xf32>,
          %add3A_2274 = arith.constant 6 : i32
          %add3A_2275 = arith.addi %mul3A_2190, %add3A_2274 : i32
          %broadcast_in_dim3A_2276 = arith.constant 0 : i32
          %broadcast_in_dim3A_2277 = vector.broadcast %broadcast_in_dim3A_2276 : i32 to vector<16xi32>
          %add3A_2278 = vector.broadcast %add3A_2275 : i32 to vector<16xi32>
          %add3A_2279 = arith.addi %add3A_2278, %broadcast_in_dim3A_2277 : vector<16xi32>
          tpu.vector_store_idx %arg7[%iota3A, %add3A_2279], %gather3A_2273 : memref<16x1024xf32, #tpu.memory_space<vmem>>[vector<16xi32>, vector<16xi32>], vector<16xf32>,
          %broadcast_in_dim3A_2280 = vector.broadcast %rem3A_1486 : i32 to vector<16xi32>
          %broadcast_in_dim3A_2281 = arith.constant 7 : i32
          %broadcast_in_dim3A_2282 = vector.broadcast %broadcast_in_dim3A_2281 : i32 to vector<16xi32>
          %slice3A_2283 = vector.extract_strided_slice %scan3A_1483 {offsets = [7], sizes = [1], strides = [1]} : vector<16xi32> to vector<1xi32>
          %squeeze3A_2284 = vector.extract %slice3A_2283[0] : i32 from vector<1xi32>
          %broadcast_in_dim3A_2285 = vector.broadcast %squeeze3A_2284 : i32 to vector<16xi32>
          %gather3A_2286 = tpu.vector_load_idx %arg6[%broadcast_in_dim3A_2280, %broadcast_in_dim3A_2282, %iota3A, %broadcast_in_dim3A_2285] : memref<3x16x16x128xf32, #tpu.memory_space<vmem>>[vector<16xi32>, vector<16xi32>, vector<16xi32>, vector<16xi32>], vector<16xf32>,
          %add3A_2287 = arith.constant 7 : i32
          %add3A_2288 = arith.addi %mul3A_2190, %add3A_2287 : i32
          %broadcast_in_dim3A_2289 = arith.constant 0 : i32
          %broadcast_in_dim3A_2290 = vector.broadcast %broadcast_in_dim3A_2289 : i32 to vector<16xi32>
          %add3A_2291 = vector.broadcast %add3A_2288 : i32 to vector<16xi32>
          %add3A_2292 = arith.addi %add3A_2291, %broadcast_in_dim3A_2290 : vector<16xi32>
          tpu.vector_store_idx %arg7[%iota3A, %add3A_2292], %gather3A_2286 : memref<16x1024xf32, #tpu.memory_space<vmem>>[vector<16xi32>, vector<16xi32>], vector<16xf32>,
          %broadcast_in_dim3A_2293 = vector.broadcast %rem3A_1486 : i32 to vector<16xi32>
          %broadcast_in_dim3A_2294 = arith.constant 8 : i32
          %broadcast_in_dim3A_2295 = vector.broadcast %broadcast_in_dim3A_2294 : i32 to vector<16xi32>
          %slice3A_2296 = vector.extract_strided_slice %scan3A_1483 {offsets = [8], sizes = [1], strides = [1]} : vector<16xi32> to vector<1xi32>
          %squeeze3A_2297 = vector.extract %slice3A_2296[0] : i32 from vector<1xi32>
          %broadcast_in_dim3A_2298 = vector.broadcast %squeeze3A_2297 : i32 to vector<16xi32>
          %gather3A_2299 = tpu.vector_load_idx %arg6[%broadcast_in_dim3A_2293, %broadcast_in_dim3A_2295, %iota3A, %broadcast_in_dim3A_2298] : memref<3x16x16x128xf32, #tpu.memory_space<vmem>>[vector<16xi32>, vector<16xi32>, vector<16xi32>, vector<16xi32>], vector<16xf32>,
          %add3A_2300 = arith.constant 8 : i32
          %add3A_2301 = arith.addi %mul3A_2190, %add3A_2300 : i32
          %broadcast_in_dim3A_2302 = arith.constant 0 : i32
          %broadcast_in_dim3A_2303 = vector.broadcast %broadcast_in_dim3A_2302 : i32 to vector<16xi32>
          %add3A_2304 = vector.broadcast %add3A_2301 : i32 to vector<16xi32>
          %add3A_2305 = arith.addi %add3A_2304, %broadcast_in_dim3A_2303 : vector<16xi32>
          tpu.vector_store_idx %arg7[%iota3A, %add3A_2305], %gather3A_2299 : memref<16x1024xf32, #tpu.memory_space<vmem>>[vector<16xi32>, vector<16xi32>], vector<16xf32>,
          %broadcast_in_dim3A_2306 = vector.broadcast %rem3A_1486 : i32 to vector<16xi32>
          %broadcast_in_dim3A_2307 = arith.constant 9 : i32
          %broadcast_in_dim3A_2308 = vector.broadcast %broadcast_in_dim3A_2307 : i32 to vector<16xi32>
          %slice3A_2309 = vector.extract_strided_slice %scan3A_1483 {offsets = [9], sizes = [1], strides = [1]} : vector<16xi32> to vector<1xi32>
          %squeeze3A_2310 = vector.extract %slice3A_2309[0] : i32 from vector<1xi32>
          %broadcast_in_dim3A_2311 = vector.broadcast %squeeze3A_2310 : i32 to vector<16xi32>
          %gather3A_2312 = tpu.vector_load_idx %arg6[%broadcast_in_dim3A_2306, %broadcast_in_dim3A_2308, %iota3A, %broadcast_in_dim3A_2311] : memref<3x16x16x128xf32, #tpu.memory_space<vmem>>[vector<16xi32>, vector<16xi32>, vector<16xi32>, vector<16xi32>], vector<16xf32>,
          %add3A_2313 = arith.constant 9 : i32
          %add3A_2314 = arith.addi %mul3A_2190, %add3A_2313 : i32
          %broadcast_in_dim3A_2315 = arith.constant 0 : i32
          %broadcast_in_dim3A_2316 = vector.broadcast %broadcast_in_dim3A_2315 : i32 to vector<16xi32>
          %add3A_2317 = vector.broadcast %add3A_2314 : i32 to vector<16xi32>
          %add3A_2318 = arith.addi %add3A_2317, %broadcast_in_dim3A_2316 : vector<16xi32>
          tpu.vector_store_idx %arg7[%iota3A, %add3A_2318], %gather3A_2312 : memref<16x1024xf32, #tpu.memory_space<vmem>>[vector<16xi32>, vector<16xi32>], vector<16xf32>,
          %broadcast_in_dim3A_2319 = vector.broadcast %rem3A_1486 : i32 to vector<16xi32>
          %broadcast_in_dim3A_2320 = arith.constant 10 : i32
          %broadcast_in_dim3A_2321 = vector.broadcast %broadcast_in_dim3A_2320 : i32 to vector<16xi32>
          %slice3A_2322 = vector.extract_strided_slice %scan3A_1483 {offsets = [10], sizes = [1], strides = [1]} : vector<16xi32> to vector<1xi32>
          %squeeze3A_2323 = vector.extract %slice3A_2322[0] : i32 from vector<1xi32>
          %broadcast_in_dim3A_2324 = vector.broadcast %squeeze3A_2323 : i32 to vector<16xi32>
          %gather3A_2325 = tpu.vector_load_idx %arg6[%broadcast_in_dim3A_2319, %broadcast_in_dim3A_2321, %iota3A, %broadcast_in_dim3A_2324] : memref<3x16x16x128xf32, #tpu.memory_space<vmem>>[vector<16xi32>, vector<16xi32>, vector<16xi32>, vector<16xi32>], vector<16xf32>,
          %add3A_2326 = arith.constant 10 : i32
          %add3A_2327 = arith.addi %mul3A_2190, %add3A_2326 : i32
          %broadcast_in_dim3A_2328 = arith.constant 0 : i32
          %broadcast_in_dim3A_2329 = vector.broadcast %broadcast_in_dim3A_2328 : i32 to vector<16xi32>
          %add3A_2330 = vector.broadcast %add3A_2327 : i32 to vector<16xi32>
          %add3A_2331 = arith.addi %add3A_2330, %broadcast_in_dim3A_2329 : vector<16xi32>
          tpu.vector_store_idx %arg7[%iota3A, %add3A_2331], %gather3A_2325 : memref<16x1024xf32, #tpu.memory_space<vmem>>[vector<16xi32>, vector<16xi32>], vector<16xf32>,
          %broadcast_in_dim3A_2332 = vector.broadcast %rem3A_1486 : i32 to vector<16xi32>
          %broadcast_in_dim3A_2333 = arith.constant 11 : i32
          %broadcast_in_dim3A_2334 = vector.broadcast %broadcast_in_dim3A_2333 : i32 to vector<16xi32>
          %slice3A_2335 = vector.extract_strided_slice %scan3A_1483 {offsets = [11], sizes = [1], strides = [1]} : vector<16xi32> to vector<1xi32>
          %squeeze3A_2336 = vector.extract %slice3A_2335[0] : i32 from vector<1xi32>
          %broadcast_in_dim3A_2337 = vector.broadcast %squeeze3A_2336 : i32 to vector<16xi32>
          %gather3A_2338 = tpu.vector_load_idx %arg6[%broadcast_in_dim3A_2332, %broadcast_in_dim3A_2334, %iota3A, %broadcast_in_dim3A_2337] : memref<3x16x16x128xf32, #tpu.memory_space<vmem>>[vector<16xi32>, vector<16xi32>, vector<16xi32>, vector<16xi32>], vector<16xf32>,
          %add3A_2339 = arith.constant 11 : i32
          %add3A_2340 = arith.addi %mul3A_2190, %add3A_2339 : i32
          %broadcast_in_dim3A_2341 = arith.constant 0 : i32
          %broadcast_in_dim3A_2342 = vector.broadcast %broadcast_in_dim3A_2341 : i32 to vector<16xi32>
          %add3A_2343 = vector.broadcast %add3A_2340 : i32 to vector<16xi32>
          %add3A_2344 = arith.addi %add3A_2343, %broadcast_in_dim3A_2342 : vector<16xi32>
          tpu.vector_store_idx %arg7[%iota3A, %add3A_2344], %gather3A_2338 : memref<16x1024xf32, #tpu.memory_space<vmem>>[vector<16xi32>, vector<16xi32>], vector<16xf32>,
          %broadcast_in_dim3A_2345 = vector.broadcast %rem3A_1486 : i32 to vector<16xi32>
          %broadcast_in_dim3A_2346 = arith.constant 12 : i32
          %broadcast_in_dim3A_2347 = vector.broadcast %broadcast_in_dim3A_2346 : i32 to vector<16xi32>
          %slice3A_2348 = vector.extract_strided_slice %scan3A_1483 {offsets = [12], sizes = [1], strides = [1]} : vector<16xi32> to vector<1xi32>
          %squeeze3A_2349 = vector.extract %slice3A_2348[0] : i32 from vector<1xi32>
          %broadcast_in_dim3A_2350 = vector.broadcast %squeeze3A_2349 : i32 to vector<16xi32>
          %gather3A_2351 = tpu.vector_load_idx %arg6[%broadcast_in_dim3A_2345, %broadcast_in_dim3A_2347, %iota3A, %broadcast_in_dim3A_2350] : memref<3x16x16x128xf32, #tpu.memory_space<vmem>>[vector<16xi32>, vector<16xi32>, vector<16xi32>, vector<16xi32>], vector<16xf32>,
          %add3A_2352 = arith.constant 12 : i32
          %add3A_2353 = arith.addi %mul3A_2190, %add3A_2352 : i32
          %broadcast_in_dim3A_2354 = arith.constant 0 : i32
          %broadcast_in_dim3A_2355 = vector.broadcast %broadcast_in_dim3A_2354 : i32 to vector<16xi32>
          %add3A_2356 = vector.broadcast %add3A_2353 : i32 to vector<16xi32>
          %add3A_2357 = arith.addi %add3A_2356, %broadcast_in_dim3A_2355 : vector<16xi32>
          tpu.vector_store_idx %arg7[%iota3A, %add3A_2357], %gather3A_2351 : memref<16x1024xf32, #tpu.memory_space<vmem>>[vector<16xi32>, vector<16xi32>], vector<16xf32>,
          %broadcast_in_dim3A_2358 = vector.broadcast %rem3A_1486 : i32 to vector<16xi32>
          %broadcast_in_dim3A_2359 = arith.constant 13 : i32
          %broadcast_in_dim3A_2360 = vector.broadcast %broadcast_in_dim3A_2359 : i32 to vector<16xi32>
          %slice3A_2361 = vector.extract_strided_slice %scan3A_1483 {offsets = [13], sizes = [1], strides = [1]} : vector<16xi32> to vector<1xi32>
          %squeeze3A_2362 = vector.extract %slice3A_2361[0] : i32 from vector<1xi32>
          %broadcast_in_dim3A_2363 = vector.broadcast %squeeze3A_2362 : i32 to vector<16xi32>
          %gather3A_2364 = tpu.vector_load_idx %arg6[%broadcast_in_dim3A_2358, %broadcast_in_dim3A_2360, %iota3A, %broadcast_in_dim3A_2363] : memref<3x16x16x128xf32, #tpu.memory_space<vmem>>[vector<16xi32>, vector<16xi32>, vector<16xi32>, vector<16xi32>], vector<16xf32>,
          %add3A_2365 = arith.constant 13 : i32
          %add3A_2366 = arith.addi %mul3A_2190, %add3A_2365 : i32
          %broadcast_in_dim3A_2367 = arith.constant 0 : i32
          %broadcast_in_dim3A_2368 = vector.broadcast %broadcast_in_dim3A_2367 : i32 to vector<16xi32>
          %add3A_2369 = vector.broadcast %add3A_2366 : i32 to vector<16xi32>
          %add3A_2370 = arith.addi %add3A_2369, %broadcast_in_dim3A_2368 : vector<16xi32>
          tpu.vector_store_idx %arg7[%iota3A, %add3A_2370], %gather3A_2364 : memref<16x1024xf32, #tpu.memory_space<vmem>>[vector<16xi32>, vector<16xi32>], vector<16xf32>,
          %broadcast_in_dim3A_2371 = vector.broadcast %rem3A_1486 : i32 to vector<16xi32>
          %broadcast_in_dim3A_2372 = arith.constant 14 : i32
          %broadcast_in_dim3A_2373 = vector.broadcast %broadcast_in_dim3A_2372 : i32 to vector<16xi32>
          %slice3A_2374 = vector.extract_strided_slice %scan3A_1483 {offsets = [14], sizes = [1], strides = [1]} : vector<16xi32> to vector<1xi32>
          %squeeze3A_2375 = vector.extract %slice3A_2374[0] : i32 from vector<1xi32>
          %broadcast_in_dim3A_2376 = vector.broadcast %squeeze3A_2375 : i32 to vector<16xi32>
          %gather3A_2377 = tpu.vector_load_idx %arg6[%broadcast_in_dim3A_2371, %broadcast_in_dim3A_2373, %iota3A, %broadcast_in_dim3A_2376] : memref<3x16x16x128xf32, #tpu.memory_space<vmem>>[vector<16xi32>, vector<16xi32>, vector<16xi32>, vector<16xi32>], vector<16xf32>,
          %add3A_2378 = arith.constant 14 : i32
          %add3A_2379 = arith.addi %mul3A_2190, %add3A_2378 : i32
          %broadcast_in_dim3A_2380 = arith.constant 0 : i32
          %broadcast_in_dim3A_2381 = vector.broadcast %broadcast_in_dim3A_2380 : i32 to vector<16xi32>
          %add3A_2382 = vector.broadcast %add3A_2379 : i32 to vector<16xi32>
          %add3A_2383 = arith.addi %add3A_2382, %broadcast_in_dim3A_2381 : vector<16xi32>
          tpu.vector_store_idx %arg7[%iota3A, %add3A_2383], %gather3A_2377 : memref<16x1024xf32, #tpu.memory_space<vmem>>[vector<16xi32>, vector<16xi32>], vector<16xf32>,
          %broadcast_in_dim3A_2384 = vector.broadcast %rem3A_1486 : i32 to vector<16xi32>
          %broadcast_in_dim3A_2385 = arith.constant 15 : i32
          %broadcast_in_dim3A_2386 = vector.broadcast %broadcast_in_dim3A_2385 : i32 to vector<16xi32>
          %slice3A_2387 = vector.extract_strided_slice %scan3A_1483 {offsets = [15], sizes = [1], strides = [1]} : vector<16xi32> to vector<1xi32>
          %squeeze3A_2388 = vector.extract %slice3A_2387[0] : i32 from vector<1xi32>
          %broadcast_in_dim3A_2389 = vector.broadcast %squeeze3A_2388 : i32 to vector<16xi32>
          %gather3A_2390 = tpu.vector_load_idx %arg6[%broadcast_in_dim3A_2384, %broadcast_in_dim3A_2386, %iota3A, %broadcast_in_dim3A_2389] : memref<3x16x16x128xf32, #tpu.memory_space<vmem>>[vector<16xi32>, vector<16xi32>, vector<16xi32>, vector<16xi32>], vector<16xf32>,
          %add3A_2391 = arith.constant 15 : i32
          %add3A_2392 = arith.addi %mul3A_2190, %add3A_2391 : i32
          %broadcast_in_dim3A_2393 = arith.constant 0 : i32
          %broadcast_in_dim3A_2394 = vector.broadcast %broadcast_in_dim3A_2393 : i32 to vector<16xi32>
          %add3A_2395 = vector.broadcast %add3A_2392 : i32 to vector<16xi32>
          %add3A_2396 = arith.addi %add3A_2395, %broadcast_in_dim3A_2394 : vector<16xi32>
          tpu.vector_store_idx %arg7[%iota3A, %add3A_2396], %gather3A_2390 : memref<16x1024xf32, #tpu.memory_space<vmem>>[vector<16xi32>, vector<16xi32>], vector<16xf32>,
          scf.yield %scan3A_1484, %and3A_2188 : vector<16xi32>, vector<16xi32>
        }
        %scan3A_867 = arith.constant 64 : i32
        %rem3A = arith.constant 64 : i32
        %rem3A_868 = arith.constant 3 : i32
        %rem3A_869 = arith.remsi %rem3A, %rem3A_868 : i32
        %dma_wait3A = arith.constant 0 : i32
        %dma_wait3A_870 = arith.constant 0 : i32
        %dma_wait3A_871 = arith.constant 0 : i32
        %dma_wait3A_872 = tpu.memref_slice %arg6[%rem3A_869, %dma_wait3A, %dma_wait3A_870, %dma_wait3A_871] : memref<3x16x16x128xf32, #tpu.memory_space<vmem>> -> memref<1x1x16x128xf32, #tpu.memory_space<vmem>>
        %dma_wait3A_873 = tpu.memref_squeeze %dma_wait3A_872 : memref<1x1x16x128xf32, #tpu.memory_space<vmem>> -> memref<16x128xf32, #tpu.memory_space<vmem>>
        %dma_wait3A_874 = arith.constant 0 : i32
        %dma_wait3A_875 = arith.constant 0 : i32
        %dma_wait3A_876 = tpu.memref_slice %arg2[%add3A_9, %dma_wait3A_874, %dma_wait3A_875] : memref<64x16x100000xf32, #tpu.memory_space<hbm>> -> memref<1x16x128xf32, #tpu.memory_space<hbm>>
        %dma_wait3A_877 = tpu.memref_squeeze %dma_wait3A_876 : memref<1x16x128xf32, #tpu.memory_space<hbm>> -> memref<16x128xf32, #tpu.memory_space<hbm>>
        %dma_wait3A_878 = tpu.memref_slice %arg8[%rem3A_869] : memref<3x!tpu.dma_semaphore, #tpu.memory_space<semaphore_mem>> -> memref<1x!tpu.dma_semaphore, #tpu.memory_space<semaphore_mem>>
        %dma_wait3A_879 = tpu.memref_squeeze %dma_wait3A_878 : memref<1x!tpu.dma_semaphore, #tpu.memory_space<semaphore_mem>> -> memref<!tpu.dma_semaphore, #tpu.memory_space<semaphore_mem>>
        %dma_wait3A_880 = arith.constant 0 : i32
        %dma_wait3A_881 = arith.constant 0 : i32
        %dma_wait3A_882 = tpu.memref_slice %arg6[%rem3A_869, %dma_wait3A, %dma_wait3A_880, %dma_wait3A_881] : memref<3x16x16x128xf32, #tpu.memory_space<vmem>> -> memref<1x1x16x128xf32, #tpu.memory_space<vmem>>
        %dma_wait3A_883 = tpu.memref_squeeze %dma_wait3A_882 : memref<1x1x16x128xf32, #tpu.memory_space<vmem>> -> memref<16x128xf32, #tpu.memory_space<vmem>>
        %dma_wait3A_884 = arith.constant 0 : i32
        %dma_wait3A_885 = arith.constant 0 : i32
        %dma_wait3A_886 = tpu.memref_slice %arg2[%add3A_9, %dma_wait3A_884, %dma_wait3A_885] : memref<64x16x100000xf32, #tpu.memory_space<hbm>> -> memref<1x16x128xf32, #tpu.memory_space<hbm>>
        %dma_wait3A_887 = tpu.memref_squeeze %dma_wait3A_886 : memref<1x16x128xf32, #tpu.memory_space<hbm>> -> memref<16x128xf32, #tpu.memory_space<hbm>>
        tpu.wait_dma2 semaphore(%dma_wait3A_879 : memref<!tpu.dma_semaphore, #tpu.memory_space<semaphore_mem>>) src(%dma_wait3A_887 : memref<16x128xf32, #tpu.memory_space<hbm>>) dst(%dma_wait3A_883 : memref<16x128xf32, #tpu.memory_space<vmem>>)
        %dma_wait3A_888 = arith.constant 1 : i32
        %dma_wait3A_889 = arith.constant 0 : i32
        %dma_wait3A_890 = arith.constant 0 : i32
        %dma_wait3A_891 = tpu.memref_slice %arg6[%rem3A_869, %dma_wait3A_888, %dma_wait3A_889, %dma_wait3A_890] : memref<3x16x16x128xf32, #tpu.memory_space<vmem>> -> memref<1x1x16x128xf32, #tpu.memory_space<vmem>>
        %dma_wait3A_892 = tpu.memref_squeeze %dma_wait3A_891 : memref<1x1x16x128xf32, #tpu.memory_space<vmem>> -> memref<16x128xf32, #tpu.memory_space<vmem>>
        %dma_wait3A_893 = arith.constant 0 : i32
        %dma_wait3A_894 = arith.constant 0 : i32
        %dma_wait3A_895 = tpu.memref_slice %arg2[%add3A_9, %dma_wait3A_893, %dma_wait3A_894] : memref<64x16x100000xf32, #tpu.memory_space<hbm>> -> memref<1x16x128xf32, #tpu.memory_space<hbm>>
        %dma_wait3A_896 = tpu.memref_squeeze %dma_wait3A_895 : memref<1x16x128xf32, #tpu.memory_space<hbm>> -> memref<16x128xf32, #tpu.memory_space<hbm>>
        %dma_wait3A_897 = tpu.memref_slice %arg8[%rem3A_869] : memref<3x!tpu.dma_semaphore, #tpu.memory_space<semaphore_mem>> -> memref<1x!tpu.dma_semaphore, #tpu.memory_space<semaphore_mem>>
        %dma_wait3A_898 = tpu.memref_squeeze %dma_wait3A_897 : memref<1x!tpu.dma_semaphore, #tpu.memory_space<semaphore_mem>> -> memref<!tpu.dma_semaphore, #tpu.memory_space<semaphore_mem>>
        %dma_wait3A_899 = arith.constant 0 : i32
        %dma_wait3A_900 = arith.constant 0 : i32
        %dma_wait3A_901 = tpu.memref_slice %arg6[%rem3A_869, %dma_wait3A_888, %dma_wait3A_899, %dma_wait3A_900] : memref<3x16x16x128xf32, #tpu.memory_space<vmem>> -> memref<1x1x16x128xf32, #tpu.memory_space<vmem>>
        %dma_wait3A_902 = tpu.memref_squeeze %dma_wait3A_901 : memref<1x1x16x128xf32, #tpu.memory_space<vmem>> -> memref<16x128xf32, #tpu.memory_space<vmem>>
        %dma_wait3A_903 = arith.constant 0 : i32
        %dma_wait3A_904 = arith.constant 0 : i32
        %dma_wait3A_905 = tpu.memref_slice %arg2[%add3A_9, %dma_wait3A_903, %dma_wait3A_904] : memref<64x16x100000xf32, #tpu.memory_space<hbm>> -> memref<1x16x128xf32, #tpu.memory_space<hbm>>
        %dma_wait3A_906 = tpu.memref_squeeze %dma_wait3A_905 : memref<1x16x128xf32, #tpu.memory_space<hbm>> -> memref<16x128xf32, #tpu.memory_space<hbm>>
        tpu.wait_dma2 semaphore(%dma_wait3A_898 : memref<!tpu.dma_semaphore, #tpu.memory_space<semaphore_mem>>) src(%dma_wait3A_906 : memref<16x128xf32, #tpu.memory_space<hbm>>) dst(%dma_wait3A_902 : memref<16x128xf32, #tpu.memory_space<vmem>>)
        %dma_wait3A_907 = arith.constant 2 : i32
        %dma_wait3A_908 = arith.constant 0 : i32
        %dma_wait3A_909 = arith.constant 0 : i32
        %dma_wait3A_910 = tpu.memref_slice %arg6[%rem3A_869, %dma_wait3A_907, %dma_wait3A_908, %dma_wait3A_909] : memref<3x16x16x128xf32, #tpu.memory_space<vmem>> -> memref<1x1x16x128xf32, #tpu.memory_space<vmem>>
        %dma_wait3A_911 = tpu.memref_squeeze %dma_wait3A_910 : memref<1x1x16x128xf32, #tpu.memory_space<vmem>> -> memref<16x128xf32, #tpu.memory_space<vmem>>
        %dma_wait3A_912 = arith.constant 0 : i32
        %dma_wait3A_913 = arith.constant 0 : i32
        %dma_wait3A_914 = tpu.memref_slice %arg2[%add3A_9, %dma_wait3A_912, %dma_wait3A_913] : memref<64x16x100000xf32, #tpu.memory_space<hbm>> -> memref<1x16x128xf32, #tpu.memory_space<hbm>>
        %dma_wait3A_915 = tpu.memref_squeeze %dma_wait3A_914 : memref<1x16x128xf32, #tpu.memory_space<hbm>> -> memref<16x128xf32, #tpu.memory_space<hbm>>
        %dma_wait3A_916 = tpu.memref_slice %arg8[%rem3A_869] : memref<3x!tpu.dma_semaphore, #tpu.memory_space<semaphore_mem>> -> memref<1x!tpu.dma_semaphore, #tpu.memory_space<semaphore_mem>>
        %dma_wait3A_917 = tpu.memref_squeeze %dma_wait3A_916 : memref<1x!tpu.dma_semaphore, #tpu.memory_space<semaphore_mem>> -> memref<!tpu.dma_semaphore, #tpu.memory_space<semaphore_mem>>
        %dma_wait3A_918 = arith.constant 0 : i32
        %dma_wait3A_919 = arith.constant 0 : i32
        %dma_wait3A_920 = tpu.memref_slice %arg6[%rem3A_869, %dma_wait3A_907, %dma_wait3A_918, %dma_wait3A_919] : memref<3x16x16x128xf32, #tpu.memory_space<vmem>> -> memref<1x1x16x128xf32, #tpu.memory_space<vmem>>
        %dma_wait3A_921 = tpu.memref_squeeze %dma_wait3A_920 : memref<1x1x16x128xf32, #tpu.memory_space<vmem>> -> memref<16x128xf32, #tpu.memory_space<vmem>>
        %dma_wait3A_922 = arith.constant 0 : i32
        %dma_wait3A_923 = arith.constant 0 : i32
        %dma_wait3A_924 = tpu.memref_slice %arg2[%add3A_9, %dma_wait3A_922, %dma_wait3A_923] : memref<64x16x100000xf32, #tpu.memory_space<hbm>> -> memref<1x16x128xf32, #tpu.memory_space<hbm>>
        %dma_wait3A_925 = tpu.memref_squeeze %dma_wait3A_924 : memref<1x16x128xf32, #tpu.memory_space<hbm>> -> memref<16x128xf32, #tpu.memory_space<hbm>>
        tpu.wait_dma2 semaphore(%dma_wait3A_917 : memref<!tpu.dma_semaphore, #tpu.memory_space<semaphore_mem>>) src(%dma_wait3A_925 : memref<16x128xf32, #tpu.memory_space<hbm>>) dst(%dma_wait3A_921 : memref<16x128xf32, #tpu.memory_space<vmem>>)
        %dma_wait3A_926 = arith.constant 3 : i32
        %dma_wait3A_927 = arith.constant 0 : i32
        %dma_wait3A_928 = arith.constant 0 : i32
        %dma_wait3A_929 = tpu.memref_slice %arg6[%rem3A_869, %dma_wait3A_926, %dma_wait3A_927, %dma_wait3A_928] : memref<3x16x16x128xf32, #tpu.memory_space<vmem>> -> memref<1x1x16x128xf32, #tpu.memory_space<vmem>>
        %dma_wait3A_930 = tpu.memref_squeeze %dma_wait3A_929 : memref<1x1x16x128xf32, #tpu.memory_space<vmem>> -> memref<16x128xf32, #tpu.memory_space<vmem>>
        %dma_wait3A_931 = arith.constant 0 : i32
        %dma_wait3A_932 = arith.constant 0 : i32
        %dma_wait3A_933 = tpu.memref_slice %arg2[%add3A_9, %dma_wait3A_931, %dma_wait3A_932] : memref<64x16x100000xf32, #tpu.memory_space<hbm>> -> memref<1x16x128xf32, #tpu.memory_space<hbm>>
        %dma_wait3A_934 = tpu.memref_squeeze %dma_wait3A_933 : memref<1x16x128xf32, #tpu.memory_space<hbm>> -> memref<16x128xf32, #tpu.memory_space<hbm>>
        %dma_wait3A_935 = tpu.memref_slice %arg8[%rem3A_869] : memref<3x!tpu.dma_semaphore, #tpu.memory_space<semaphore_mem>> -> memref<1x!tpu.dma_semaphore, #tpu.memory_space<semaphore_mem>>
        %dma_wait3A_936 = tpu.memref_squeeze %dma_wait3A_935 : memref<1x!tpu.dma_semaphore, #tpu.memory_space<semaphore_mem>> -> memref<!tpu.dma_semaphore, #tpu.memory_space<semaphore_mem>>
        %dma_wait3A_937 = arith.constant 0 : i32
        %dma_wait3A_938 = arith.constant 0 : i32
        %dma_wait3A_939 = tpu.memref_slice %arg6[%rem3A_869, %dma_wait3A_926, %dma_wait3A_937, %dma_wait3A_938] : memref<3x16x16x128xf32, #tpu.memory_space<vmem>> -> memref<1x1x16x128xf32, #tpu.memory_space<vmem>>
        %dma_wait3A_940 = tpu.memref_squeeze %dma_wait3A_939 : memref<1x1x16x128xf32, #tpu.memory_space<vmem>> -> memref<16x128xf32, #tpu.memory_space<vmem>>
        %dma_wait3A_941 = arith.constant 0 : i32
        %dma_wait3A_942 = arith.constant 0 : i32
        %dma_wait3A_943 = tpu.memref_slice %arg2[%add3A_9, %dma_wait3A_941, %dma_wait3A_942] : memref<64x16x100000xf32, #tpu.memory_space<hbm>> -> memref<1x16x128xf32, #tpu.memory_space<hbm>>
        %dma_wait3A_944 = tpu.memref_squeeze %dma_wait3A_943 : memref<1x16x128xf32, #tpu.memory_space<hbm>> -> memref<16x128xf32, #tpu.memory_space<hbm>>
        tpu.wait_dma2 semaphore(%dma_wait3A_936 : memref<!tpu.dma_semaphore, #tpu.memory_space<semaphore_mem>>) src(%dma_wait3A_944 : memref<16x128xf32, #tpu.memory_space<hbm>>) dst(%dma_wait3A_940 : memref<16x128xf32, #tpu.memory_space<vmem>>)
        %dma_wait3A_945 = arith.constant 4 : i32
        %dma_wait3A_946 = arith.constant 0 : i32
        %dma_wait3A_947 = arith.constant 0 : i32
        %dma_wait3A_948 = tpu.memref_slice %arg6[%rem3A_869, %dma_wait3A_945, %dma_wait3A_946, %dma_wait3A_947] : memref<3x16x16x128xf32, #tpu.memory_space<vmem>> -> memref<1x1x16x128xf32, #tpu.memory_space<vmem>>
        %dma_wait3A_949 = tpu.memref_squeeze %dma_wait3A_948 : memref<1x1x16x128xf32, #tpu.memory_space<vmem>> -> memref<16x128xf32, #tpu.memory_space<vmem>>
        %dma_wait3A_950 = arith.constant 0 : i32
        %dma_wait3A_951 = arith.constant 0 : i32
        %dma_wait3A_952 = tpu.memref_slice %arg2[%add3A_9, %dma_wait3A_950, %dma_wait3A_951] : memref<64x16x100000xf32, #tpu.memory_space<hbm>> -> memref<1x16x128xf32, #tpu.memory_space<hbm>>
        %dma_wait3A_953 = tpu.memref_squeeze %dma_wait3A_952 : memref<1x16x128xf32, #tpu.memory_space<hbm>> -> memref<16x128xf32, #tpu.memory_space<hbm>>
        %dma_wait3A_954 = tpu.memref_slice %arg8[%rem3A_869] : memref<3x!tpu.dma_semaphore, #tpu.memory_space<semaphore_mem>> -> memref<1x!tpu.dma_semaphore, #tpu.memory_space<semaphore_mem>>
        %dma_wait3A_955 = tpu.memref_squeeze %dma_wait3A_954 : memref<1x!tpu.dma_semaphore, #tpu.memory_space<semaphore_mem>> -> memref<!tpu.dma_semaphore, #tpu.memory_space<semaphore_mem>>
        %dma_wait3A_956 = arith.constant 0 : i32
        %dma_wait3A_957 = arith.constant 0 : i32
        %dma_wait3A_958 = tpu.memref_slice %arg6[%rem3A_869, %dma_wait3A_945, %dma_wait3A_956, %dma_wait3A_957] : memref<3x16x16x128xf32, #tpu.memory_space<vmem>> -> memref<1x1x16x128xf32, #tpu.memory_space<vmem>>
        %dma_wait3A_959 = tpu.memref_squeeze %dma_wait3A_958 : memref<1x1x16x128xf32, #tpu.memory_space<vmem>> -> memref<16x128xf32, #tpu.memory_space<vmem>>
        %dma_wait3A_960 = arith.constant 0 : i32
        %dma_wait3A_961 = arith.constant 0 : i32
        %dma_wait3A_962 = tpu.memref_slice %arg2[%add3A_9, %dma_wait3A_960, %dma_wait3A_961] : memref<64x16x100000xf32, #tpu.memory_space<hbm>> -> memref<1x16x128xf32, #tpu.memory_space<hbm>>
        %dma_wait3A_963 = tpu.memref_squeeze %dma_wait3A_962 : memref<1x16x128xf32, #tpu.memory_space<hbm>> -> memref<16x128xf32, #tpu.memory_space<hbm>>
        tpu.wait_dma2 semaphore(%dma_wait3A_955 : memref<!tpu.dma_semaphore, #tpu.memory_space<semaphore_mem>>) src(%dma_wait3A_963 : memref<16x128xf32, #tpu.memory_space<hbm>>) dst(%dma_wait3A_959 : memref<16x128xf32, #tpu.memory_space<vmem>>)
        %dma_wait3A_964 = arith.constant 5 : i32
        %dma_wait3A_965 = arith.constant 0 : i32
        %dma_wait3A_966 = arith.constant 0 : i32
        %dma_wait3A_967 = tpu.memref_slice %arg6[%rem3A_869, %dma_wait3A_964, %dma_wait3A_965, %dma_wait3A_966] : memref<3x16x16x128xf32, #tpu.memory_space<vmem>> -> memref<1x1x16x128xf32, #tpu.memory_space<vmem>>
        %dma_wait3A_968 = tpu.memref_squeeze %dma_wait3A_967 : memref<1x1x16x128xf32, #tpu.memory_space<vmem>> -> memref<16x128xf32, #tpu.memory_space<vmem>>
        %dma_wait3A_969 = arith.constant 0 : i32
        %dma_wait3A_970 = arith.constant 0 : i32
        %dma_wait3A_971 = tpu.memref_slice %arg2[%add3A_9, %dma_wait3A_969, %dma_wait3A_970] : memref<64x16x100000xf32, #tpu.memory_space<hbm>> -> memref<1x16x128xf32, #tpu.memory_space<hbm>>
        %dma_wait3A_972 = tpu.memref_squeeze %dma_wait3A_971 : memref<1x16x128xf32, #tpu.memory_space<hbm>> -> memref<16x128xf32, #tpu.memory_space<hbm>>
        %dma_wait3A_973 = tpu.memref_slice %arg8[%rem3A_869] : memref<3x!tpu.dma_semaphore, #tpu.memory_space<semaphore_mem>> -> memref<1x!tpu.dma_semaphore, #tpu.memory_space<semaphore_mem>>
        %dma_wait3A_974 = tpu.memref_squeeze %dma_wait3A_973 : memref<1x!tpu.dma_semaphore, #tpu.memory_space<semaphore_mem>> -> memref<!tpu.dma_semaphore, #tpu.memory_space<semaphore_mem>>
        %dma_wait3A_975 = arith.constant 0 : i32
        %dma_wait3A_976 = arith.constant 0 : i32
        %dma_wait3A_977 = tpu.memref_slice %arg6[%rem3A_869, %dma_wait3A_964, %dma_wait3A_975, %dma_wait3A_976] : memref<3x16x16x128xf32, #tpu.memory_space<vmem>> -> memref<1x1x16x128xf32, #tpu.memory_space<vmem>>
        %dma_wait3A_978 = tpu.memref_squeeze %dma_wait3A_977 : memref<1x1x16x128xf32, #tpu.memory_space<vmem>> -> memref<16x128xf32, #tpu.memory_space<vmem>>
        %dma_wait3A_979 = arith.constant 0 : i32
        %dma_wait3A_980 = arith.constant 0 : i32
        %dma_wait3A_981 = tpu.memref_slice %arg2[%add3A_9, %dma_wait3A_979, %dma_wait3A_980] : memref<64x16x100000xf32, #tpu.memory_space<hbm>> -> memref<1x16x128xf32, #tpu.memory_space<hbm>>
        %dma_wait3A_982 = tpu.memref_squeeze %dma_wait3A_981 : memref<1x16x128xf32, #tpu.memory_space<hbm>> -> memref<16x128xf32, #tpu.memory_space<hbm>>
        tpu.wait_dma2 semaphore(%dma_wait3A_974 : memref<!tpu.dma_semaphore, #tpu.memory_space<semaphore_mem>>) src(%dma_wait3A_982 : memref<16x128xf32, #tpu.memory_space<hbm>>) dst(%dma_wait3A_978 : memref<16x128xf32, #tpu.memory_space<vmem>>)
        %dma_wait3A_983 = arith.constant 6 : i32
        %dma_wait3A_984 = arith.constant 0 : i32
        %dma_wait3A_985 = arith.constant 0 : i32
        %dma_wait3A_986 = tpu.memref_slice %arg6[%rem3A_869, %dma_wait3A_983, %dma_wait3A_984, %dma_wait3A_985] : memref<3x16x16x128xf32, #tpu.memory_space<vmem>> -> memref<1x1x16x128xf32, #tpu.memory_space<vmem>>
        %dma_wait3A_987 = tpu.memref_squeeze %dma_wait3A_986 : memref<1x1x16x128xf32, #tpu.memory_space<vmem>> -> memref<16x128xf32, #tpu.memory_space<vmem>>
        %dma_wait3A_988 = arith.constant 0 : i32
        %dma_wait3A_989 = arith.constant 0 : i32
        %dma_wait3A_990 = tpu.memref_slice %arg2[%add3A_9, %dma_wait3A_988, %dma_wait3A_989] : memref<64x16x100000xf32, #tpu.memory_space<hbm>> -> memref<1x16x128xf32, #tpu.memory_space<hbm>>
        %dma_wait3A_991 = tpu.memref_squeeze %dma_wait3A_990 : memref<1x16x128xf32, #tpu.memory_space<hbm>> -> memref<16x128xf32, #tpu.memory_space<hbm>>
        %dma_wait3A_992 = tpu.memref_slice %arg8[%rem3A_869] : memref<3x!tpu.dma_semaphore, #tpu.memory_space<semaphore_mem>> -> memref<1x!tpu.dma_semaphore, #tpu.memory_space<semaphore_mem>>
        %dma_wait3A_993 = tpu.memref_squeeze %dma_wait3A_992 : memref<1x!tpu.dma_semaphore, #tpu.memory_space<semaphore_mem>> -> memref<!tpu.dma_semaphore, #tpu.memory_space<semaphore_mem>>
        %dma_wait3A_994 = arith.constant 0 : i32
        %dma_wait3A_995 = arith.constant 0 : i32
        %dma_wait3A_996 = tpu.memref_slice %arg6[%rem3A_869, %dma_wait3A_983, %dma_wait3A_994, %dma_wait3A_995] : memref<3x16x16x128xf32, #tpu.memory_space<vmem>> -> memref<1x1x16x128xf32, #tpu.memory_space<vmem>>
        %dma_wait3A_997 = tpu.memref_squeeze %dma_wait3A_996 : memref<1x1x16x128xf32, #tpu.memory_space<vmem>> -> memref<16x128xf32, #tpu.memory_space<vmem>>
        %dma_wait3A_998 = arith.constant 0 : i32
        %dma_wait3A_999 = arith.constant 0 : i32
        %dma_wait3A_1000 = tpu.memref_slice %arg2[%add3A_9, %dma_wait3A_998, %dma_wait3A_999] : memref<64x16x100000xf32, #tpu.memory_space<hbm>> -> memref<1x16x128xf32, #tpu.memory_space<hbm>>
        %dma_wait3A_1001 = tpu.memref_squeeze %dma_wait3A_1000 : memref<1x16x128xf32, #tpu.memory_space<hbm>> -> memref<16x128xf32, #tpu.memory_space<hbm>>
        tpu.wait_dma2 semaphore(%dma_wait3A_993 : memref<!tpu.dma_semaphore, #tpu.memory_space<semaphore_mem>>) src(%dma_wait3A_1001 : memref<16x128xf32, #tpu.memory_space<hbm>>) dst(%dma_wait3A_997 : memref<16x128xf32, #tpu.memory_space<vmem>>)
        %dma_wait3A_1002 = arith.constant 7 : i32
        %dma_wait3A_1003 = arith.constant 0 : i32
        %dma_wait3A_1004 = arith.constant 0 : i32
        %dma_wait3A_1005 = tpu.memref_slice %arg6[%rem3A_869, %dma_wait3A_1002, %dma_wait3A_1003, %dma_wait3A_1004] : memref<3x16x16x128xf32, #tpu.memory_space<vmem>> -> memref<1x1x16x128xf32, #tpu.memory_space<vmem>>
        %dma_wait3A_1006 = tpu.memref_squeeze %dma_wait3A_1005 : memref<1x1x16x128xf32, #tpu.memory_space<vmem>> -> memref<16x128xf32, #tpu.memory_space<vmem>>
        %dma_wait3A_1007 = arith.constant 0 : i32
        %dma_wait3A_1008 = arith.constant 0 : i32
        %dma_wait3A_1009 = tpu.memref_slice %arg2[%add3A_9, %dma_wait3A_1007, %dma_wait3A_1008] : memref<64x16x100000xf32, #tpu.memory_space<hbm>> -> memref<1x16x128xf32, #tpu.memory_space<hbm>>
        %dma_wait3A_1010 = tpu.memref_squeeze %dma_wait3A_1009 : memref<1x16x128xf32, #tpu.memory_space<hbm>> -> memref<16x128xf32, #tpu.memory_space<hbm>>
        %dma_wait3A_1011 = tpu.memref_slice %arg8[%rem3A_869] : memref<3x!tpu.dma_semaphore, #tpu.memory_space<semaphore_mem>> -> memref<1x!tpu.dma_semaphore, #tpu.memory_space<semaphore_mem>>
        %dma_wait3A_1012 = tpu.memref_squeeze %dma_wait3A_1011 : memref<1x!tpu.dma_semaphore, #tpu.memory_space<semaphore_mem>> -> memref<!tpu.dma_semaphore, #tpu.memory_space<semaphore_mem>>
        %dma_wait3A_1013 = arith.constant 0 : i32
        %dma_wait3A_1014 = arith.constant 0 : i32
        %dma_wait3A_1015 = tpu.memref_slice %arg6[%rem3A_869, %dma_wait3A_1002, %dma_wait3A_1013, %dma_wait3A_1014] : memref<3x16x16x128xf32, #tpu.memory_space<vmem>> -> memref<1x1x16x128xf32, #tpu.memory_space<vmem>>
        %dma_wait3A_1016 = tpu.memref_squeeze %dma_wait3A_1015 : memref<1x1x16x128xf32, #tpu.memory_space<vmem>> -> memref<16x128xf32, #tpu.memory_space<vmem>>
        %dma_wait3A_1017 = arith.constant 0 : i32
        %dma_wait3A_1018 = arith.constant 0 : i32
        %dma_wait3A_1019 = tpu.memref_slice %arg2[%add3A_9, %dma_wait3A_1017, %dma_wait3A_1018] : memref<64x16x100000xf32, #tpu.memory_space<hbm>> -> memref<1x16x128xf32, #tpu.memory_space<hbm>>
        %dma_wait3A_1020 = tpu.memref_squeeze %dma_wait3A_1019 : memref<1x16x128xf32, #tpu.memory_space<hbm>> -> memref<16x128xf32, #tpu.memory_space<hbm>>
        tpu.wait_dma2 semaphore(%dma_wait3A_1012 : memref<!tpu.dma_semaphore, #tpu.memory_space<semaphore_mem>>) src(%dma_wait3A_1020 : memref<16x128xf32, #tpu.memory_space<hbm>>) dst(%dma_wait3A_1016 : memref<16x128xf32, #tpu.memory_space<vmem>>)
        %dma_wait3A_1021 = arith.constant 8 : i32
        %dma_wait3A_1022 = arith.constant 0 : i32
        %dma_wait3A_1023 = arith.constant 0 : i32
        %dma_wait3A_1024 = tpu.memref_slice %arg6[%rem3A_869, %dma_wait3A_1021, %dma_wait3A_1022, %dma_wait3A_1023] : memref<3x16x16x128xf32, #tpu.memory_space<vmem>> -> memref<1x1x16x128xf32, #tpu.memory_space<vmem>>
        %dma_wait3A_1025 = tpu.memref_squeeze %dma_wait3A_1024 : memref<1x1x16x128xf32, #tpu.memory_space<vmem>> -> memref<16x128xf32, #tpu.memory_space<vmem>>
        %dma_wait3A_1026 = arith.constant 0 : i32
        %dma_wait3A_1027 = arith.constant 0 : i32
        %dma_wait3A_1028 = tpu.memref_slice %arg2[%add3A_9, %dma_wait3A_1026, %dma_wait3A_1027] : memref<64x16x100000xf32, #tpu.memory_space<hbm>> -> memref<1x16x128xf32, #tpu.memory_space<hbm>>
        %dma_wait3A_1029 = tpu.memref_squeeze %dma_wait3A_1028 : memref<1x16x128xf32, #tpu.memory_space<hbm>> -> memref<16x128xf32, #tpu.memory_space<hbm>>
        %dma_wait3A_1030 = tpu.memref_slice %arg8[%rem3A_869] : memref<3x!tpu.dma_semaphore, #tpu.memory_space<semaphore_mem>> -> memref<1x!tpu.dma_semaphore, #tpu.memory_space<semaphore_mem>>
        %dma_wait3A_1031 = tpu.memref_squeeze %dma_wait3A_1030 : memref<1x!tpu.dma_semaphore, #tpu.memory_space<semaphore_mem>> -> memref<!tpu.dma_semaphore, #tpu.memory_space<semaphore_mem>>
        %dma_wait3A_1032 = arith.constant 0 : i32
        %dma_wait3A_1033 = arith.constant 0 : i32
        %dma_wait3A_1034 = tpu.memref_slice %arg6[%rem3A_869, %dma_wait3A_1021, %dma_wait3A_1032, %dma_wait3A_1033] : memref<3x16x16x128xf32, #tpu.memory_space<vmem>> -> memref<1x1x16x128xf32, #tpu.memory_space<vmem>>
        %dma_wait3A_1035 = tpu.memref_squeeze %dma_wait3A_1034 : memref<1x1x16x128xf32, #tpu.memory_space<vmem>> -> memref<16x128xf32, #tpu.memory_space<vmem>>
        %dma_wait3A_1036 = arith.constant 0 : i32
        %dma_wait3A_1037 = arith.constant 0 : i32
        %dma_wait3A_1038 = tpu.memref_slice %arg2[%add3A_9, %dma_wait3A_1036, %dma_wait3A_1037] : memref<64x16x100000xf32, #tpu.memory_space<hbm>> -> memref<1x16x128xf32, #tpu.memory_space<hbm>>
        %dma_wait3A_1039 = tpu.memref_squeeze %dma_wait3A_1038 : memref<1x16x128xf32, #tpu.memory_space<hbm>> -> memref<16x128xf32, #tpu.memory_space<hbm>>
        tpu.wait_dma2 semaphore(%dma_wait3A_1031 : memref<!tpu.dma_semaphore, #tpu.memory_space<semaphore_mem>>) src(%dma_wait3A_1039 : memref<16x128xf32, #tpu.memory_space<hbm>>) dst(%dma_wait3A_1035 : memref<16x128xf32, #tpu.memory_space<vmem>>)
        %dma_wait3A_1040 = arith.constant 9 : i32
        %dma_wait3A_1041 = arith.constant 0 : i32
        %dma_wait3A_1042 = arith.constant 0 : i32
        %dma_wait3A_1043 = tpu.memref_slice %arg6[%rem3A_869, %dma_wait3A_1040, %dma_wait3A_1041, %dma_wait3A_1042] : memref<3x16x16x128xf32, #tpu.memory_space<vmem>> -> memref<1x1x16x128xf32, #tpu.memory_space<vmem>>
        %dma_wait3A_1044 = tpu.memref_squeeze %dma_wait3A_1043 : memref<1x1x16x128xf32, #tpu.memory_space<vmem>> -> memref<16x128xf32, #tpu.memory_space<vmem>>
        %dma_wait3A_1045 = arith.constant 0 : i32
        %dma_wait3A_1046 = arith.constant 0 : i32
        %dma_wait3A_1047 = tpu.memref_slice %arg2[%add3A_9, %dma_wait3A_1045, %dma_wait3A_1046] : memref<64x16x100000xf32, #tpu.memory_space<hbm>> -> memref<1x16x128xf32, #tpu.memory_space<hbm>>
        %dma_wait3A_1048 = tpu.memref_squeeze %dma_wait3A_1047 : memref<1x16x128xf32, #tpu.memory_space<hbm>> -> memref<16x128xf32, #tpu.memory_space<hbm>>
        %dma_wait3A_1049 = tpu.memref_slice %arg8[%rem3A_869] : memref<3x!tpu.dma_semaphore, #tpu.memory_space<semaphore_mem>> -> memref<1x!tpu.dma_semaphore, #tpu.memory_space<semaphore_mem>>
        %dma_wait3A_1050 = tpu.memref_squeeze %dma_wait3A_1049 : memref<1x!tpu.dma_semaphore, #tpu.memory_space<semaphore_mem>> -> memref<!tpu.dma_semaphore, #tpu.memory_space<semaphore_mem>>
        %dma_wait3A_1051 = arith.constant 0 : i32
        %dma_wait3A_1052 = arith.constant 0 : i32
        %dma_wait3A_1053 = tpu.memref_slice %arg6[%rem3A_869, %dma_wait3A_1040, %dma_wait3A_1051, %dma_wait3A_1052] : memref<3x16x16x128xf32, #tpu.memory_space<vmem>> -> memref<1x1x16x128xf32, #tpu.memory_space<vmem>>
        %dma_wait3A_1054 = tpu.memref_squeeze %dma_wait3A_1053 : memref<1x1x16x128xf32, #tpu.memory_space<vmem>> -> memref<16x128xf32, #tpu.memory_space<vmem>>
        %dma_wait3A_1055 = arith.constant 0 : i32
        %dma_wait3A_1056 = arith.constant 0 : i32
        %dma_wait3A_1057 = tpu.memref_slice %arg2[%add3A_9, %dma_wait3A_1055, %dma_wait3A_1056] : memref<64x16x100000xf32, #tpu.memory_space<hbm>> -> memref<1x16x128xf32, #tpu.memory_space<hbm>>
        %dma_wait3A_1058 = tpu.memref_squeeze %dma_wait3A_1057 : memref<1x16x128xf32, #tpu.memory_space<hbm>> -> memref<16x128xf32, #tpu.memory_space<hbm>>
        tpu.wait_dma2 semaphore(%dma_wait3A_1050 : memref<!tpu.dma_semaphore, #tpu.memory_space<semaphore_mem>>) src(%dma_wait3A_1058 : memref<16x128xf32, #tpu.memory_space<hbm>>) dst(%dma_wait3A_1054 : memref<16x128xf32, #tpu.memory_space<vmem>>)
        %dma_wait3A_1059 = arith.constant 10 : i32
        %dma_wait3A_1060 = arith.constant 0 : i32
        %dma_wait3A_1061 = arith.constant 0 : i32
        %dma_wait3A_1062 = tpu.memref_slice %arg6[%rem3A_869, %dma_wait3A_1059, %dma_wait3A_1060, %dma_wait3A_1061] : memref<3x16x16x128xf32, #tpu.memory_space<vmem>> -> memref<1x1x16x128xf32, #tpu.memory_space<vmem>>
        %dma_wait3A_1063 = tpu.memref_squeeze %dma_wait3A_1062 : memref<1x1x16x128xf32, #tpu.memory_space<vmem>> -> memref<16x128xf32, #tpu.memory_space<vmem>>
        %dma_wait3A_1064 = arith.constant 0 : i32
        %dma_wait3A_1065 = arith.constant 0 : i32
        %dma_wait3A_1066 = tpu.memref_slice %arg2[%add3A_9, %dma_wait3A_1064, %dma_wait3A_1065] : memref<64x16x100000xf32, #tpu.memory_space<hbm>> -> memref<1x16x128xf32, #tpu.memory_space<hbm>>
        %dma_wait3A_1067 = tpu.memref_squeeze %dma_wait3A_1066 : memref<1x16x128xf32, #tpu.memory_space<hbm>> -> memref<16x128xf32, #tpu.memory_space<hbm>>
        %dma_wait3A_1068 = tpu.memref_slice %arg8[%rem3A_869] : memref<3x!tpu.dma_semaphore, #tpu.memory_space<semaphore_mem>> -> memref<1x!tpu.dma_semaphore, #tpu.memory_space<semaphore_mem>>
        %dma_wait3A_1069 = tpu.memref_squeeze %dma_wait3A_1068 : memref<1x!tpu.dma_semaphore, #tpu.memory_space<semaphore_mem>> -> memref<!tpu.dma_semaphore, #tpu.memory_space<semaphore_mem>>
        %dma_wait3A_1070 = arith.constant 0 : i32
        %dma_wait3A_1071 = arith.constant 0 : i32
        %dma_wait3A_1072 = tpu.memref_slice %arg6[%rem3A_869, %dma_wait3A_1059, %dma_wait3A_1070, %dma_wait3A_1071] : memref<3x16x16x128xf32, #tpu.memory_space<vmem>> -> memref<1x1x16x128xf32, #tpu.memory_space<vmem>>
        %dma_wait3A_1073 = tpu.memref_squeeze %dma_wait3A_1072 : memref<1x1x16x128xf32, #tpu.memory_space<vmem>> -> memref<16x128xf32, #tpu.memory_space<vmem>>
        %dma_wait3A_1074 = arith.constant 0 : i32
        %dma_wait3A_1075 = arith.constant 0 : i32
        %dma_wait3A_1076 = tpu.memref_slice %arg2[%add3A_9, %dma_wait3A_1074, %dma_wait3A_1075] : memref<64x16x100000xf32, #tpu.memory_space<hbm>> -> memref<1x16x128xf32, #tpu.memory_space<hbm>>
        %dma_wait3A_1077 = tpu.memref_squeeze %dma_wait3A_1076 : memref<1x16x128xf32, #tpu.memory_space<hbm>> -> memref<16x128xf32, #tpu.memory_space<hbm>>
        tpu.wait_dma2 semaphore(%dma_wait3A_1069 : memref<!tpu.dma_semaphore, #tpu.memory_space<semaphore_mem>>) src(%dma_wait3A_1077 : memref<16x128xf32, #tpu.memory_space<hbm>>) dst(%dma_wait3A_1073 : memref<16x128xf32, #tpu.memory_space<vmem>>)
        %dma_wait3A_1078 = arith.constant 11 : i32
        %dma_wait3A_1079 = arith.constant 0 : i32
        %dma_wait3A_1080 = arith.constant 0 : i32
        %dma_wait3A_1081 = tpu.memref_slice %arg6[%rem3A_869, %dma_wait3A_1078, %dma_wait3A_1079, %dma_wait3A_1080] : memref<3x16x16x128xf32, #tpu.memory_space<vmem>> -> memref<1x1x16x128xf32, #tpu.memory_space<vmem>>
        %dma_wait3A_1082 = tpu.memref_squeeze %dma_wait3A_1081 : memref<1x1x16x128xf32, #tpu.memory_space<vmem>> -> memref<16x128xf32, #tpu.memory_space<vmem>>
        %dma_wait3A_1083 = arith.constant 0 : i32
        %dma_wait3A_1084 = arith.constant 0 : i32
        %dma_wait3A_1085 = tpu.memref_slice %arg2[%add3A_9, %dma_wait3A_1083, %dma_wait3A_1084] : memref<64x16x100000xf32, #tpu.memory_space<hbm>> -> memref<1x16x128xf32, #tpu.memory_space<hbm>>
        %dma_wait3A_1086 = tpu.memref_squeeze %dma_wait3A_1085 : memref<1x16x128xf32, #tpu.memory_space<hbm>> -> memref<16x128xf32, #tpu.memory_space<hbm>>
        %dma_wait3A_1087 = tpu.memref_slice %arg8[%rem3A_869] : memref<3x!tpu.dma_semaphore, #tpu.memory_space<semaphore_mem>> -> memref<1x!tpu.dma_semaphore, #tpu.memory_space<semaphore_mem>>
        %dma_wait3A_1088 = tpu.memref_squeeze %dma_wait3A_1087 : memref<1x!tpu.dma_semaphore, #tpu.memory_space<semaphore_mem>> -> memref<!tpu.dma_semaphore, #tpu.memory_space<semaphore_mem>>
        %dma_wait3A_1089 = arith.constant 0 : i32
        %dma_wait3A_1090 = arith.constant 0 : i32
        %dma_wait3A_1091 = tpu.memref_slice %arg6[%rem3A_869, %dma_wait3A_1078, %dma_wait3A_1089, %dma_wait3A_1090] : memref<3x16x16x128xf32, #tpu.memory_space<vmem>> -> memref<1x1x16x128xf32, #tpu.memory_space<vmem>>
        %dma_wait3A_1092 = tpu.memref_squeeze %dma_wait3A_1091 : memref<1x1x16x128xf32, #tpu.memory_space<vmem>> -> memref<16x128xf32, #tpu.memory_space<vmem>>
        %dma_wait3A_1093 = arith.constant 0 : i32
        %dma_wait3A_1094 = arith.constant 0 : i32
        %dma_wait3A_1095 = tpu.memref_slice %arg2[%add3A_9, %dma_wait3A_1093, %dma_wait3A_1094] : memref<64x16x100000xf32, #tpu.memory_space<hbm>> -> memref<1x16x128xf32, #tpu.memory_space<hbm>>
        %dma_wait3A_1096 = tpu.memref_squeeze %dma_wait3A_1095 : memref<1x16x128xf32, #tpu.memory_space<hbm>> -> memref<16x128xf32, #tpu.memory_space<hbm>>
        tpu.wait_dma2 semaphore(%dma_wait3A_1088 : memref<!tpu.dma_semaphore, #tpu.memory_space<semaphore_mem>>) src(%dma_wait3A_1096 : memref<16x128xf32, #tpu.memory_space<hbm>>) dst(%dma_wait3A_1092 : memref<16x128xf32, #tpu.memory_space<vmem>>)
        %dma_wait3A_1097 = arith.constant 12 : i32
        %dma_wait3A_1098 = arith.constant 0 : i32
        %dma_wait3A_1099 = arith.constant 0 : i32
        %dma_wait3A_1100 = tpu.memref_slice %arg6[%rem3A_869, %dma_wait3A_1097, %dma_wait3A_1098, %dma_wait3A_1099] : memref<3x16x16x128xf32, #tpu.memory_space<vmem>> -> memref<1x1x16x128xf32, #tpu.memory_space<vmem>>
        %dma_wait3A_1101 = tpu.memref_squeeze %dma_wait3A_1100 : memref<1x1x16x128xf32, #tpu.memory_space<vmem>> -> memref<16x128xf32, #tpu.memory_space<vmem>>
        %dma_wait3A_1102 = arith.constant 0 : i32
        %dma_wait3A_1103 = arith.constant 0 : i32
        %dma_wait3A_1104 = tpu.memref_slice %arg2[%add3A_9, %dma_wait3A_1102, %dma_wait3A_1103] : memref<64x16x100000xf32, #tpu.memory_space<hbm>> -> memref<1x16x128xf32, #tpu.memory_space<hbm>>
        %dma_wait3A_1105 = tpu.memref_squeeze %dma_wait3A_1104 : memref<1x16x128xf32, #tpu.memory_space<hbm>> -> memref<16x128xf32, #tpu.memory_space<hbm>>
        %dma_wait3A_1106 = tpu.memref_slice %arg8[%rem3A_869] : memref<3x!tpu.dma_semaphore, #tpu.memory_space<semaphore_mem>> -> memref<1x!tpu.dma_semaphore, #tpu.memory_space<semaphore_mem>>
        %dma_wait3A_1107 = tpu.memref_squeeze %dma_wait3A_1106 : memref<1x!tpu.dma_semaphore, #tpu.memory_space<semaphore_mem>> -> memref<!tpu.dma_semaphore, #tpu.memory_space<semaphore_mem>>
        %dma_wait3A_1108 = arith.constant 0 : i32
        %dma_wait3A_1109 = arith.constant 0 : i32
        %dma_wait3A_1110 = tpu.memref_slice %arg6[%rem3A_869, %dma_wait3A_1097, %dma_wait3A_1108, %dma_wait3A_1109] : memref<3x16x16x128xf32, #tpu.memory_space<vmem>> -> memref<1x1x16x128xf32, #tpu.memory_space<vmem>>
        %dma_wait3A_1111 = tpu.memref_squeeze %dma_wait3A_1110 : memref<1x1x16x128xf32, #tpu.memory_space<vmem>> -> memref<16x128xf32, #tpu.memory_space<vmem>>
        %dma_wait3A_1112 = arith.constant 0 : i32
        %dma_wait3A_1113 = arith.constant 0 : i32
        %dma_wait3A_1114 = tpu.memref_slice %arg2[%add3A_9, %dma_wait3A_1112, %dma_wait3A_1113] : memref<64x16x100000xf32, #tpu.memory_space<hbm>> -> memref<1x16x128xf32, #tpu.memory_space<hbm>>
        %dma_wait3A_1115 = tpu.memref_squeeze %dma_wait3A_1114 : memref<1x16x128xf32, #tpu.memory_space<hbm>> -> memref<16x128xf32, #tpu.memory_space<hbm>>
        tpu.wait_dma2 semaphore(%dma_wait3A_1107 : memref<!tpu.dma_semaphore, #tpu.memory_space<semaphore_mem>>) src(%dma_wait3A_1115 : memref<16x128xf32, #tpu.memory_space<hbm>>) dst(%dma_wait3A_1111 : memref<16x128xf32, #tpu.memory_space<vmem>>)
        %dma_wait3A_1116 = arith.constant 13 : i32
        %dma_wait3A_1117 = arith.constant 0 : i32
        %dma_wait3A_1118 = arith.constant 0 : i32
        %dma_wait3A_1119 = tpu.memref_slice %arg6[%rem3A_869, %dma_wait3A_1116, %dma_wait3A_1117, %dma_wait3A_1118] : memref<3x16x16x128xf32, #tpu.memory_space<vmem>> -> memref<1x1x16x128xf32, #tpu.memory_space<vmem>>
        %dma_wait3A_1120 = tpu.memref_squeeze %dma_wait3A_1119 : memref<1x1x16x128xf32, #tpu.memory_space<vmem>> -> memref<16x128xf32, #tpu.memory_space<vmem>>
        %dma_wait3A_1121 = arith.constant 0 : i32
        %dma_wait3A_1122 = arith.constant 0 : i32
        %dma_wait3A_1123 = tpu.memref_slice %arg2[%add3A_9, %dma_wait3A_1121, %dma_wait3A_1122] : memref<64x16x100000xf32, #tpu.memory_space<hbm>> -> memref<1x16x128xf32, #tpu.memory_space<hbm>>
        %dma_wait3A_1124 = tpu.memref_squeeze %dma_wait3A_1123 : memref<1x16x128xf32, #tpu.memory_space<hbm>> -> memref<16x128xf32, #tpu.memory_space<hbm>>
        %dma_wait3A_1125 = tpu.memref_slice %arg8[%rem3A_869] : memref<3x!tpu.dma_semaphore, #tpu.memory_space<semaphore_mem>> -> memref<1x!tpu.dma_semaphore, #tpu.memory_space<semaphore_mem>>
        %dma_wait3A_1126 = tpu.memref_squeeze %dma_wait3A_1125 : memref<1x!tpu.dma_semaphore, #tpu.memory_space<semaphore_mem>> -> memref<!tpu.dma_semaphore, #tpu.memory_space<semaphore_mem>>
        %dma_wait3A_1127 = arith.constant 0 : i32
        %dma_wait3A_1128 = arith.constant 0 : i32
        %dma_wait3A_1129 = tpu.memref_slice %arg6[%rem3A_869, %dma_wait3A_1116, %dma_wait3A_1127, %dma_wait3A_1128] : memref<3x16x16x128xf32, #tpu.memory_space<vmem>> -> memref<1x1x16x128xf32, #tpu.memory_space<vmem>>
        %dma_wait3A_1130 = tpu.memref_squeeze %dma_wait3A_1129 : memref<1x1x16x128xf32, #tpu.memory_space<vmem>> -> memref<16x128xf32, #tpu.memory_space<vmem>>
        %dma_wait3A_1131 = arith.constant 0 : i32
        %dma_wait3A_1132 = arith.constant 0 : i32
        %dma_wait3A_1133 = tpu.memref_slice %arg2[%add3A_9, %dma_wait3A_1131, %dma_wait3A_1132] : memref<64x16x100000xf32, #tpu.memory_space<hbm>> -> memref<1x16x128xf32, #tpu.memory_space<hbm>>
        %dma_wait3A_1134 = tpu.memref_squeeze %dma_wait3A_1133 : memref<1x16x128xf32, #tpu.memory_space<hbm>> -> memref<16x128xf32, #tpu.memory_space<hbm>>
        tpu.wait_dma2 semaphore(%dma_wait3A_1126 : memref<!tpu.dma_semaphore, #tpu.memory_space<semaphore_mem>>) src(%dma_wait3A_1134 : memref<16x128xf32, #tpu.memory_space<hbm>>) dst(%dma_wait3A_1130 : memref<16x128xf32, #tpu.memory_space<vmem>>)
        %dma_wait3A_1135 = arith.constant 14 : i32
        %dma_wait3A_1136 = arith.constant 0 : i32
        %dma_wait3A_1137 = arith.constant 0 : i32
        %dma_wait3A_1138 = tpu.memref_slice %arg6[%rem3A_869, %dma_wait3A_1135, %dma_wait3A_1136, %dma_wait3A_1137] : memref<3x16x16x128xf32, #tpu.memory_space<vmem>> -> memref<1x1x16x128xf32, #tpu.memory_space<vmem>>
        %dma_wait3A_1139 = tpu.memref_squeeze %dma_wait3A_1138 : memref<1x1x16x128xf32, #tpu.memory_space<vmem>> -> memref<16x128xf32, #tpu.memory_space<vmem>>
        %dma_wait3A_1140 = arith.constant 0 : i32
        %dma_wait3A_1141 = arith.constant 0 : i32
        %dma_wait3A_1142 = tpu.memref_slice %arg2[%add3A_9, %dma_wait3A_1140, %dma_wait3A_1141] : memref<64x16x100000xf32, #tpu.memory_space<hbm>> -> memref<1x16x128xf32, #tpu.memory_space<hbm>>
        %dma_wait3A_1143 = tpu.memref_squeeze %dma_wait3A_1142 : memref<1x16x128xf32, #tpu.memory_space<hbm>> -> memref<16x128xf32, #tpu.memory_space<hbm>>
        %dma_wait3A_1144 = tpu.memref_slice %arg8[%rem3A_869] : memref<3x!tpu.dma_semaphore, #tpu.memory_space<semaphore_mem>> -> memref<1x!tpu.dma_semaphore, #tpu.memory_space<semaphore_mem>>
        %dma_wait3A_1145 = tpu.memref_squeeze %dma_wait3A_1144 : memref<1x!tpu.dma_semaphore, #tpu.memory_space<semaphore_mem>> -> memref<!tpu.dma_semaphore, #tpu.memory_space<semaphore_mem>>
        %dma_wait3A_1146 = arith.constant 0 : i32
        %dma_wait3A_1147 = arith.constant 0 : i32
        %dma_wait3A_1148 = tpu.memref_slice %arg6[%rem3A_869, %dma_wait3A_1135, %dma_wait3A_1146, %dma_wait3A_1147] : memref<3x16x16x128xf32, #tpu.memory_space<vmem>> -> memref<1x1x16x128xf32, #tpu.memory_space<vmem>>
        %dma_wait3A_1149 = tpu.memref_squeeze %dma_wait3A_1148 : memref<1x1x16x128xf32, #tpu.memory_space<vmem>> -> memref<16x128xf32, #tpu.memory_space<vmem>>
        %dma_wait3A_1150 = arith.constant 0 : i32
        %dma_wait3A_1151 = arith.constant 0 : i32
        %dma_wait3A_1152 = tpu.memref_slice %arg2[%add3A_9, %dma_wait3A_1150, %dma_wait3A_1151] : memref<64x16x100000xf32, #tpu.memory_space<hbm>> -> memref<1x16x128xf32, #tpu.memory_space<hbm>>
        %dma_wait3A_1153 = tpu.memref_squeeze %dma_wait3A_1152 : memref<1x16x128xf32, #tpu.memory_space<hbm>> -> memref<16x128xf32, #tpu.memory_space<hbm>>
        tpu.wait_dma2 semaphore(%dma_wait3A_1145 : memref<!tpu.dma_semaphore, #tpu.memory_space<semaphore_mem>>) src(%dma_wait3A_1153 : memref<16x128xf32, #tpu.memory_space<hbm>>) dst(%dma_wait3A_1149 : memref<16x128xf32, #tpu.memory_space<vmem>>)
        %dma_wait3A_1154 = arith.constant 15 : i32
        %dma_wait3A_1155 = arith.constant 0 : i32
        %dma_wait3A_1156 = arith.constant 0 : i32
        %dma_wait3A_1157 = tpu.memref_slice %arg6[%rem3A_869, %dma_wait3A_1154, %dma_wait3A_1155, %dma_wait3A_1156] : memref<3x16x16x128xf32, #tpu.memory_space<vmem>> -> memref<1x1x16x128xf32, #tpu.memory_space<vmem>>
        %dma_wait3A_1158 = tpu.memref_squeeze %dma_wait3A_1157 : memref<1x1x16x128xf32, #tpu.memory_space<vmem>> -> memref<16x128xf32, #tpu.memory_space<vmem>>
        %dma_wait3A_1159 = arith.constant 0 : i32
        %dma_wait3A_1160 = arith.constant 0 : i32
        %dma_wait3A_1161 = tpu.memref_slice %arg2[%add3A_9, %dma_wait3A_1159, %dma_wait3A_1160] : memref<64x16x100000xf32, #tpu.memory_space<hbm>> -> memref<1x16x128xf32, #tpu.memory_space<hbm>>
        %dma_wait3A_1162 = tpu.memref_squeeze %dma_wait3A_1161 : memref<1x16x128xf32, #tpu.memory_space<hbm>> -> memref<16x128xf32, #tpu.memory_space<hbm>>
        %dma_wait3A_1163 = tpu.memref_slice %arg8[%rem3A_869] : memref<3x!tpu.dma_semaphore, #tpu.memory_space<semaphore_mem>> -> memref<1x!tpu.dma_semaphore, #tpu.memory_space<semaphore_mem>>
        %dma_wait3A_1164 = tpu.memref_squeeze %dma_wait3A_1163 : memref<1x!tpu.dma_semaphore, #tpu.memory_space<semaphore_mem>> -> memref<!tpu.dma_semaphore, #tpu.memory_space<semaphore_mem>>
        %dma_wait3A_1165 = arith.constant 0 : i32
        %dma_wait3A_1166 = arith.constant 0 : i32
        %dma_wait3A_1167 = tpu.memref_slice %arg6[%rem3A_869, %dma_wait3A_1154, %dma_wait3A_1165, %dma_wait3A_1166] : memref<3x16x16x128xf32, #tpu.memory_space<vmem>> -> memref<1x1x16x128xf32, #tpu.memory_space<vmem>>
        %dma_wait3A_1168 = tpu.memref_squeeze %dma_wait3A_1167 : memref<1x1x16x128xf32, #tpu.memory_space<vmem>> -> memref<16x128xf32, #tpu.memory_space<vmem>>
        %dma_wait3A_1169 = arith.constant 0 : i32
        %dma_wait3A_1170 = arith.constant 0 : i32
        %dma_wait3A_1171 = tpu.memref_slice %arg2[%add3A_9, %dma_wait3A_1169, %dma_wait3A_1170] : memref<64x16x100000xf32, #tpu.memory_space<hbm>> -> memref<1x16x128xf32, #tpu.memory_space<hbm>>
        %dma_wait3A_1172 = tpu.memref_squeeze %dma_wait3A_1171 : memref<1x16x128xf32, #tpu.memory_space<hbm>> -> memref<16x128xf32, #tpu.memory_space<hbm>>
        tpu.wait_dma2 semaphore(%dma_wait3A_1164 : memref<!tpu.dma_semaphore, #tpu.memory_space<semaphore_mem>>) src(%dma_wait3A_1172 : memref<16x128xf32, #tpu.memory_space<hbm>>) dst(%dma_wait3A_1168 : memref<16x128xf32, #tpu.memory_space<vmem>>)
        %rem3A_1173 = arith.constant 65 : i32
        %rem3A_1174 = arith.constant 3 : i32
        %rem3A_1175 = arith.remsi %rem3A_1173, %rem3A_1174 : i32
        %dma_wait3A_1176 = arith.constant 0 : i32
        %dma_wait3A_1177 = arith.constant 0 : i32
        %dma_wait3A_1178 = arith.constant 0 : i32
        %dma_wait3A_1179 = tpu.memref_slice %arg6[%rem3A_1175, %dma_wait3A_1176, %dma_wait3A_1177, %dma_wait3A_1178] : memref<3x16x16x128xf32, #tpu.memory_space<vmem>> -> memref<1x1x16x128xf32, #tpu.memory_space<vmem>>
        %dma_wait3A_1180 = tpu.memref_squeeze %dma_wait3A_1179 : memref<1x1x16x128xf32, #tpu.memory_space<vmem>> -> memref<16x128xf32, #tpu.memory_space<vmem>>
        %dma_wait3A_1181 = arith.constant 0 : i32
        %dma_wait3A_1182 = arith.constant 0 : i32
        %dma_wait3A_1183 = tpu.memref_slice %arg2[%add3A_9, %dma_wait3A_1181, %dma_wait3A_1182] : memref<64x16x100000xf32, #tpu.memory_space<hbm>> -> memref<1x16x128xf32, #tpu.memory_space<hbm>>
        %dma_wait3A_1184 = tpu.memref_squeeze %dma_wait3A_1183 : memref<1x16x128xf32, #tpu.memory_space<hbm>> -> memref<16x128xf32, #tpu.memory_space<hbm>>
        %dma_wait3A_1185 = tpu.memref_slice %arg8[%rem3A_1175] : memref<3x!tpu.dma_semaphore, #tpu.memory_space<semaphore_mem>> -> memref<1x!tpu.dma_semaphore, #tpu.memory_space<semaphore_mem>>
        %dma_wait3A_1186 = tpu.memref_squeeze %dma_wait3A_1185 : memref<1x!tpu.dma_semaphore, #tpu.memory_space<semaphore_mem>> -> memref<!tpu.dma_semaphore, #tpu.memory_space<semaphore_mem>>
        %dma_wait3A_1187 = arith.constant 0 : i32
        %dma_wait3A_1188 = arith.constant 0 : i32
        %dma_wait3A_1189 = tpu.memref_slice %arg6[%rem3A_1175, %dma_wait3A_1176, %dma_wait3A_1187, %dma_wait3A_1188] : memref<3x16x16x128xf32, #tpu.memory_space<vmem>> -> memref<1x1x16x128xf32, #tpu.memory_space<vmem>>
        %dma_wait3A_1190 = tpu.memref_squeeze %dma_wait3A_1189 : memref<1x1x16x128xf32, #tpu.memory_space<vmem>> -> memref<16x128xf32, #tpu.memory_space<vmem>>
        %dma_wait3A_1191 = arith.constant 0 : i32
        %dma_wait3A_1192 = arith.constant 0 : i32
        %dma_wait3A_1193 = tpu.memref_slice %arg2[%add3A_9, %dma_wait3A_1191, %dma_wait3A_1192] : memref<64x16x100000xf32, #tpu.memory_space<hbm>> -> memref<1x16x128xf32, #tpu.memory_space<hbm>>
        %dma_wait3A_1194 = tpu.memref_squeeze %dma_wait3A_1193 : memref<1x16x128xf32, #tpu.memory_space<hbm>> -> memref<16x128xf32, #tpu.memory_space<hbm>>
        tpu.wait_dma2 semaphore(%dma_wait3A_1186 : memref<!tpu.dma_semaphore, #tpu.memory_space<semaphore_mem>>) src(%dma_wait3A_1194 : memref<16x128xf32, #tpu.memory_space<hbm>>) dst(%dma_wait3A_1190 : memref<16x128xf32, #tpu.memory_space<vmem>>)
        %dma_wait3A_1195 = arith.constant 1 : i32
        %dma_wait3A_1196 = arith.constant 0 : i32
        %dma_wait3A_1197 = arith.constant 0 : i32
        %dma_wait3A_1198 = tpu.memref_slice %arg6[%rem3A_1175, %dma_wait3A_1195, %dma_wait3A_1196, %dma_wait3A_1197] : memref<3x16x16x128xf32, #tpu.memory_space<vmem>> -> memref<1x1x16x128xf32, #tpu.memory_space<vmem>>
        %dma_wait3A_1199 = tpu.memref_squeeze %dma_wait3A_1198 : memref<1x1x16x128xf32, #tpu.memory_space<vmem>> -> memref<16x128xf32, #tpu.memory_space<vmem>>
        %dma_wait3A_1200 = arith.constant 0 : i32
        %dma_wait3A_1201 = arith.constant 0 : i32
        %dma_wait3A_1202 = tpu.memref_slice %arg2[%add3A_9, %dma_wait3A_1200, %dma_wait3A_1201] : memref<64x16x100000xf32, #tpu.memory_space<hbm>> -> memref<1x16x128xf32, #tpu.memory_space<hbm>>
        %dma_wait3A_1203 = tpu.memref_squeeze %dma_wait3A_1202 : memref<1x16x128xf32, #tpu.memory_space<hbm>> -> memref<16x128xf32, #tpu.memory_space<hbm>>
        %dma_wait3A_1204 = tpu.memref_slice %arg8[%rem3A_1175] : memref<3x!tpu.dma_semaphore, #tpu.memory_space<semaphore_mem>> -> memref<1x!tpu.dma_semaphore, #tpu.memory_space<semaphore_mem>>
        %dma_wait3A_1205 = tpu.memref_squeeze %dma_wait3A_1204 : memref<1x!tpu.dma_semaphore, #tpu.memory_space<semaphore_mem>> -> memref<!tpu.dma_semaphore, #tpu.memory_space<semaphore_mem>>
        %dma_wait3A_1206 = arith.constant 0 : i32
        %dma_wait3A_1207 = arith.constant 0 : i32
        %dma_wait3A_1208 = tpu.memref_slice %arg6[%rem3A_1175, %dma_wait3A_1195, %dma_wait3A_1206, %dma_wait3A_1207] : memref<3x16x16x128xf32, #tpu.memory_space<vmem>> -> memref<1x1x16x128xf32, #tpu.memory_space<vmem>>
        %dma_wait3A_1209 = tpu.memref_squeeze %dma_wait3A_1208 : memref<1x1x16x128xf32, #tpu.memory_space<vmem>> -> memref<16x128xf32, #tpu.memory_space<vmem>>
        %dma_wait3A_1210 = arith.constant 0 : i32
        %dma_wait3A_1211 = arith.constant 0 : i32
        %dma_wait3A_1212 = tpu.memref_slice %arg2[%add3A_9, %dma_wait3A_1210, %dma_wait3A_1211] : memref<64x16x100000xf32, #tpu.memory_space<hbm>> -> memref<1x16x128xf32, #tpu.memory_space<hbm>>
        %dma_wait3A_1213 = tpu.memref_squeeze %dma_wait3A_1212 : memref<1x16x128xf32, #tpu.memory_space<hbm>> -> memref<16x128xf32, #tpu.memory_space<hbm>>
        tpu.wait_dma2 semaphore(%dma_wait3A_1205 : memref<!tpu.dma_semaphore, #tpu.memory_space<semaphore_mem>>) src(%dma_wait3A_1213 : memref<16x128xf32, #tpu.memory_space<hbm>>) dst(%dma_wait3A_1209 : memref<16x128xf32, #tpu.memory_space<vmem>>)
        %dma_wait3A_1214 = arith.constant 2 : i32
        %dma_wait3A_1215 = arith.constant 0 : i32
        %dma_wait3A_1216 = arith.constant 0 : i32
        %dma_wait3A_1217 = tpu.memref_slice %arg6[%rem3A_1175, %dma_wait3A_1214, %dma_wait3A_1215, %dma_wait3A_1216] : memref<3x16x16x128xf32, #tpu.memory_space<vmem>> -> memref<1x1x16x128xf32, #tpu.memory_space<vmem>>
        %dma_wait3A_1218 = tpu.memref_squeeze %dma_wait3A_1217 : memref<1x1x16x128xf32, #tpu.memory_space<vmem>> -> memref<16x128xf32, #tpu.memory_space<vmem>>
        %dma_wait3A_1219 = arith.constant 0 : i32
        %dma_wait3A_1220 = arith.constant 0 : i32
        %dma_wait3A_1221 = tpu.memref_slice %arg2[%add3A_9, %dma_wait3A_1219, %dma_wait3A_1220] : memref<64x16x100000xf32, #tpu.memory_space<hbm>> -> memref<1x16x128xf32, #tpu.memory_space<hbm>>
        %dma_wait3A_1222 = tpu.memref_squeeze %dma_wait3A_1221 : memref<1x16x128xf32, #tpu.memory_space<hbm>> -> memref<16x128xf32, #tpu.memory_space<hbm>>
        %dma_wait3A_1223 = tpu.memref_slice %arg8[%rem3A_1175] : memref<3x!tpu.dma_semaphore, #tpu.memory_space<semaphore_mem>> -> memref<1x!tpu.dma_semaphore, #tpu.memory_space<semaphore_mem>>
        %dma_wait3A_1224 = tpu.memref_squeeze %dma_wait3A_1223 : memref<1x!tpu.dma_semaphore, #tpu.memory_space<semaphore_mem>> -> memref<!tpu.dma_semaphore, #tpu.memory_space<semaphore_mem>>
        %dma_wait3A_1225 = arith.constant 0 : i32
        %dma_wait3A_1226 = arith.constant 0 : i32
        %dma_wait3A_1227 = tpu.memref_slice %arg6[%rem3A_1175, %dma_wait3A_1214, %dma_wait3A_1225, %dma_wait3A_1226] : memref<3x16x16x128xf32, #tpu.memory_space<vmem>> -> memref<1x1x16x128xf32, #tpu.memory_space<vmem>>
        %dma_wait3A_1228 = tpu.memref_squeeze %dma_wait3A_1227 : memref<1x1x16x128xf32, #tpu.memory_space<vmem>> -> memref<16x128xf32, #tpu.memory_space<vmem>>
        %dma_wait3A_1229 = arith.constant 0 : i32
        %dma_wait3A_1230 = arith.constant 0 : i32
        %dma_wait3A_1231 = tpu.memref_slice %arg2[%add3A_9, %dma_wait3A_1229, %dma_wait3A_1230] : memref<64x16x100000xf32, #tpu.memory_space<hbm>> -> memref<1x16x128xf32, #tpu.memory_space<hbm>>
        %dma_wait3A_1232 = tpu.memref_squeeze %dma_wait3A_1231 : memref<1x16x128xf32, #tpu.memory_space<hbm>> -> memref<16x128xf32, #tpu.memory_space<hbm>>
        tpu.wait_dma2 semaphore(%dma_wait3A_1224 : memref<!tpu.dma_semaphore, #tpu.memory_space<semaphore_mem>>) src(%dma_wait3A_1232 : memref<16x128xf32, #tpu.memory_space<hbm>>) dst(%dma_wait3A_1228 : memref<16x128xf32, #tpu.memory_space<vmem>>)
        %dma_wait3A_1233 = arith.constant 3 : i32
        %dma_wait3A_1234 = arith.constant 0 : i32
        %dma_wait3A_1235 = arith.constant 0 : i32
        %dma_wait3A_1236 = tpu.memref_slice %arg6[%rem3A_1175, %dma_wait3A_1233, %dma_wait3A_1234, %dma_wait3A_1235] : memref<3x16x16x128xf32, #tpu.memory_space<vmem>> -> memref<1x1x16x128xf32, #tpu.memory_space<vmem>>
        %dma_wait3A_1237 = tpu.memref_squeeze %dma_wait3A_1236 : memref<1x1x16x128xf32, #tpu.memory_space<vmem>> -> memref<16x128xf32, #tpu.memory_space<vmem>>
        %dma_wait3A_1238 = arith.constant 0 : i32
        %dma_wait3A_1239 = arith.constant 0 : i32
        %dma_wait3A_1240 = tpu.memref_slice %arg2[%add3A_9, %dma_wait3A_1238, %dma_wait3A_1239] : memref<64x16x100000xf32, #tpu.memory_space<hbm>> -> memref<1x16x128xf32, #tpu.memory_space<hbm>>
        %dma_wait3A_1241 = tpu.memref_squeeze %dma_wait3A_1240 : memref<1x16x128xf32, #tpu.memory_space<hbm>> -> memref<16x128xf32, #tpu.memory_space<hbm>>
        %dma_wait3A_1242 = tpu.memref_slice %arg8[%rem3A_1175] : memref<3x!tpu.dma_semaphore, #tpu.memory_space<semaphore_mem>> -> memref<1x!tpu.dma_semaphore, #tpu.memory_space<semaphore_mem>>
        %dma_wait3A_1243 = tpu.memref_squeeze %dma_wait3A_1242 : memref<1x!tpu.dma_semaphore, #tpu.memory_space<semaphore_mem>> -> memref<!tpu.dma_semaphore, #tpu.memory_space<semaphore_mem>>
        %dma_wait3A_1244 = arith.constant 0 : i32
        %dma_wait3A_1245 = arith.constant 0 : i32
        %dma_wait3A_1246 = tpu.memref_slice %arg6[%rem3A_1175, %dma_wait3A_1233, %dma_wait3A_1244, %dma_wait3A_1245] : memref<3x16x16x128xf32, #tpu.memory_space<vmem>> -> memref<1x1x16x128xf32, #tpu.memory_space<vmem>>
        %dma_wait3A_1247 = tpu.memref_squeeze %dma_wait3A_1246 : memref<1x1x16x128xf32, #tpu.memory_space<vmem>> -> memref<16x128xf32, #tpu.memory_space<vmem>>
        %dma_wait3A_1248 = arith.constant 0 : i32
        %dma_wait3A_1249 = arith.constant 0 : i32
        %dma_wait3A_1250 = tpu.memref_slice %arg2[%add3A_9, %dma_wait3A_1248, %dma_wait3A_1249] : memref<64x16x100000xf32, #tpu.memory_space<hbm>> -> memref<1x16x128xf32, #tpu.memory_space<hbm>>
        %dma_wait3A_1251 = tpu.memref_squeeze %dma_wait3A_1250 : memref<1x16x128xf32, #tpu.memory_space<hbm>> -> memref<16x128xf32, #tpu.memory_space<hbm>>
        tpu.wait_dma2 semaphore(%dma_wait3A_1243 : memref<!tpu.dma_semaphore, #tpu.memory_space<semaphore_mem>>) src(%dma_wait3A_1251 : memref<16x128xf32, #tpu.memory_space<hbm>>) dst(%dma_wait3A_1247 : memref<16x128xf32, #tpu.memory_space<vmem>>)
        %dma_wait3A_1252 = arith.constant 4 : i32
        %dma_wait3A_1253 = arith.constant 0 : i32
        %dma_wait3A_1254 = arith.constant 0 : i32
        %dma_wait3A_1255 = tpu.memref_slice %arg6[%rem3A_1175, %dma_wait3A_1252, %dma_wait3A_1253, %dma_wait3A_1254] : memref<3x16x16x128xf32, #tpu.memory_space<vmem>> -> memref<1x1x16x128xf32, #tpu.memory_space<vmem>>
        %dma_wait3A_1256 = tpu.memref_squeeze %dma_wait3A_1255 : memref<1x1x16x128xf32, #tpu.memory_space<vmem>> -> memref<16x128xf32, #tpu.memory_space<vmem>>
        %dma_wait3A_1257 = arith.constant 0 : i32
        %dma_wait3A_1258 = arith.constant 0 : i32
        %dma_wait3A_1259 = tpu.memref_slice %arg2[%add3A_9, %dma_wait3A_1257, %dma_wait3A_1258] : memref<64x16x100000xf32, #tpu.memory_space<hbm>> -> memref<1x16x128xf32, #tpu.memory_space<hbm>>
        %dma_wait3A_1260 = tpu.memref_squeeze %dma_wait3A_1259 : memref<1x16x128xf32, #tpu.memory_space<hbm>> -> memref<16x128xf32, #tpu.memory_space<hbm>>
        %dma_wait3A_1261 = tpu.memref_slice %arg8[%rem3A_1175] : memref<3x!tpu.dma_semaphore, #tpu.memory_space<semaphore_mem>> -> memref<1x!tpu.dma_semaphore, #tpu.memory_space<semaphore_mem>>
        %dma_wait3A_1262 = tpu.memref_squeeze %dma_wait3A_1261 : memref<1x!tpu.dma_semaphore, #tpu.memory_space<semaphore_mem>> -> memref<!tpu.dma_semaphore, #tpu.memory_space<semaphore_mem>>
        %dma_wait3A_1263 = arith.constant 0 : i32
        %dma_wait3A_1264 = arith.constant 0 : i32
        %dma_wait3A_1265 = tpu.memref_slice %arg6[%rem3A_1175, %dma_wait3A_1252, %dma_wait3A_1263, %dma_wait3A_1264] : memref<3x16x16x128xf32, #tpu.memory_space<vmem>> -> memref<1x1x16x128xf32, #tpu.memory_space<vmem>>
        %dma_wait3A_1266 = tpu.memref_squeeze %dma_wait3A_1265 : memref<1x1x16x128xf32, #tpu.memory_space<vmem>> -> memref<16x128xf32, #tpu.memory_space<vmem>>
        %dma_wait3A_1267 = arith.constant 0 : i32
        %dma_wait3A_1268 = arith.constant 0 : i32
        %dma_wait3A_1269 = tpu.memref_slice %arg2[%add3A_9, %dma_wait3A_1267, %dma_wait3A_1268] : memref<64x16x100000xf32, #tpu.memory_space<hbm>> -> memref<1x16x128xf32, #tpu.memory_space<hbm>>
        %dma_wait3A_1270 = tpu.memref_squeeze %dma_wait3A_1269 : memref<1x16x128xf32, #tpu.memory_space<hbm>> -> memref<16x128xf32, #tpu.memory_space<hbm>>
        tpu.wait_dma2 semaphore(%dma_wait3A_1262 : memref<!tpu.dma_semaphore, #tpu.memory_space<semaphore_mem>>) src(%dma_wait3A_1270 : memref<16x128xf32, #tpu.memory_space<hbm>>) dst(%dma_wait3A_1266 : memref<16x128xf32, #tpu.memory_space<vmem>>)
        %dma_wait3A_1271 = arith.constant 5 : i32
        %dma_wait3A_1272 = arith.constant 0 : i32
        %dma_wait3A_1273 = arith.constant 0 : i32
        %dma_wait3A_1274 = tpu.memref_slice %arg6[%rem3A_1175, %dma_wait3A_1271, %dma_wait3A_1272, %dma_wait3A_1273] : memref<3x16x16x128xf32, #tpu.memory_space<vmem>> -> memref<1x1x16x128xf32, #tpu.memory_space<vmem>>
        %dma_wait3A_1275 = tpu.memref_squeeze %dma_wait3A_1274 : memref<1x1x16x128xf32, #tpu.memory_space<vmem>> -> memref<16x128xf32, #tpu.memory_space<vmem>>
        %dma_wait3A_1276 = arith.constant 0 : i32
        %dma_wait3A_1277 = arith.constant 0 : i32
        %dma_wait3A_1278 = tpu.memref_slice %arg2[%add3A_9, %dma_wait3A_1276, %dma_wait3A_1277] : memref<64x16x100000xf32, #tpu.memory_space<hbm>> -> memref<1x16x128xf32, #tpu.memory_space<hbm>>
        %dma_wait3A_1279 = tpu.memref_squeeze %dma_wait3A_1278 : memref<1x16x128xf32, #tpu.memory_space<hbm>> -> memref<16x128xf32, #tpu.memory_space<hbm>>
        %dma_wait3A_1280 = tpu.memref_slice %arg8[%rem3A_1175] : memref<3x!tpu.dma_semaphore, #tpu.memory_space<semaphore_mem>> -> memref<1x!tpu.dma_semaphore, #tpu.memory_space<semaphore_mem>>
        %dma_wait3A_1281 = tpu.memref_squeeze %dma_wait3A_1280 : memref<1x!tpu.dma_semaphore, #tpu.memory_space<semaphore_mem>> -> memref<!tpu.dma_semaphore, #tpu.memory_space<semaphore_mem>>
        %dma_wait3A_1282 = arith.constant 0 : i32
        %dma_wait3A_1283 = arith.constant 0 : i32
        %dma_wait3A_1284 = tpu.memref_slice %arg6[%rem3A_1175, %dma_wait3A_1271, %dma_wait3A_1282, %dma_wait3A_1283] : memref<3x16x16x128xf32, #tpu.memory_space<vmem>> -> memref<1x1x16x128xf32, #tpu.memory_space<vmem>>
        %dma_wait3A_1285 = tpu.memref_squeeze %dma_wait3A_1284 : memref<1x1x16x128xf32, #tpu.memory_space<vmem>> -> memref<16x128xf32, #tpu.memory_space<vmem>>
        %dma_wait3A_1286 = arith.constant 0 : i32
        %dma_wait3A_1287 = arith.constant 0 : i32
        %dma_wait3A_1288 = tpu.memref_slice %arg2[%add3A_9, %dma_wait3A_1286, %dma_wait3A_1287] : memref<64x16x100000xf32, #tpu.memory_space<hbm>> -> memref<1x16x128xf32, #tpu.memory_space<hbm>>
        %dma_wait3A_1289 = tpu.memref_squeeze %dma_wait3A_1288 : memref<1x16x128xf32, #tpu.memory_space<hbm>> -> memref<16x128xf32, #tpu.memory_space<hbm>>
        tpu.wait_dma2 semaphore(%dma_wait3A_1281 : memref<!tpu.dma_semaphore, #tpu.memory_space<semaphore_mem>>) src(%dma_wait3A_1289 : memref<16x128xf32, #tpu.memory_space<hbm>>) dst(%dma_wait3A_1285 : memref<16x128xf32, #tpu.memory_space<vmem>>)
        %dma_wait3A_1290 = arith.constant 6 : i32
        %dma_wait3A_1291 = arith.constant 0 : i32
        %dma_wait3A_1292 = arith.constant 0 : i32
        %dma_wait3A_1293 = tpu.memref_slice %arg6[%rem3A_1175, %dma_wait3A_1290, %dma_wait3A_1291, %dma_wait3A_1292] : memref<3x16x16x128xf32, #tpu.memory_space<vmem>> -> memref<1x1x16x128xf32, #tpu.memory_space<vmem>>
        %dma_wait3A_1294 = tpu.memref_squeeze %dma_wait3A_1293 : memref<1x1x16x128xf32, #tpu.memory_space<vmem>> -> memref<16x128xf32, #tpu.memory_space<vmem>>
        %dma_wait3A_1295 = arith.constant 0 : i32
        %dma_wait3A_1296 = arith.constant 0 : i32
        %dma_wait3A_1297 = tpu.memref_slice %arg2[%add3A_9, %dma_wait3A_1295, %dma_wait3A_1296] : memref<64x16x100000xf32, #tpu.memory_space<hbm>> -> memref<1x16x128xf32, #tpu.memory_space<hbm>>
        %dma_wait3A_1298 = tpu.memref_squeeze %dma_wait3A_1297 : memref<1x16x128xf32, #tpu.memory_space<hbm>> -> memref<16x128xf32, #tpu.memory_space<hbm>>
        %dma_wait3A_1299 = tpu.memref_slice %arg8[%rem3A_1175] : memref<3x!tpu.dma_semaphore, #tpu.memory_space<semaphore_mem>> -> memref<1x!tpu.dma_semaphore, #tpu.memory_space<semaphore_mem>>
        %dma_wait3A_1300 = tpu.memref_squeeze %dma_wait3A_1299 : memref<1x!tpu.dma_semaphore, #tpu.memory_space<semaphore_mem>> -> memref<!tpu.dma_semaphore, #tpu.memory_space<semaphore_mem>>
        %dma_wait3A_1301 = arith.constant 0 : i32
        %dma_wait3A_1302 = arith.constant 0 : i32
        %dma_wait3A_1303 = tpu.memref_slice %arg6[%rem3A_1175, %dma_wait3A_1290, %dma_wait3A_1301, %dma_wait3A_1302] : memref<3x16x16x128xf32, #tpu.memory_space<vmem>> -> memref<1x1x16x128xf32, #tpu.memory_space<vmem>>
        %dma_wait3A_1304 = tpu.memref_squeeze %dma_wait3A_1303 : memref<1x1x16x128xf32, #tpu.memory_space<vmem>> -> memref<16x128xf32, #tpu.memory_space<vmem>>
        %dma_wait3A_1305 = arith.constant 0 : i32
        %dma_wait3A_1306 = arith.constant 0 : i32
        %dma_wait3A_1307 = tpu.memref_slice %arg2[%add3A_9, %dma_wait3A_1305, %dma_wait3A_1306] : memref<64x16x100000xf32, #tpu.memory_space<hbm>> -> memref<1x16x128xf32, #tpu.memory_space<hbm>>
        %dma_wait3A_1308 = tpu.memref_squeeze %dma_wait3A_1307 : memref<1x16x128xf32, #tpu.memory_space<hbm>> -> memref<16x128xf32, #tpu.memory_space<hbm>>
        tpu.wait_dma2 semaphore(%dma_wait3A_1300 : memref<!tpu.dma_semaphore, #tpu.memory_space<semaphore_mem>>) src(%dma_wait3A_1308 : memref<16x128xf32, #tpu.memory_space<hbm>>) dst(%dma_wait3A_1304 : memref<16x128xf32, #tpu.memory_space<vmem>>)
        %dma_wait3A_1309 = arith.constant 7 : i32
        %dma_wait3A_1310 = arith.constant 0 : i32
        %dma_wait3A_1311 = arith.constant 0 : i32
        %dma_wait3A_1312 = tpu.memref_slice %arg6[%rem3A_1175, %dma_wait3A_1309, %dma_wait3A_1310, %dma_wait3A_1311] : memref<3x16x16x128xf32, #tpu.memory_space<vmem>> -> memref<1x1x16x128xf32, #tpu.memory_space<vmem>>
        %dma_wait3A_1313 = tpu.memref_squeeze %dma_wait3A_1312 : memref<1x1x16x128xf32, #tpu.memory_space<vmem>> -> memref<16x128xf32, #tpu.memory_space<vmem>>
        %dma_wait3A_1314 = arith.constant 0 : i32
        %dma_wait3A_1315 = arith.constant 0 : i32
        %dma_wait3A_1316 = tpu.memref_slice %arg2[%add3A_9, %dma_wait3A_1314, %dma_wait3A_1315] : memref<64x16x100000xf32, #tpu.memory_space<hbm>> -> memref<1x16x128xf32, #tpu.memory_space<hbm>>
        %dma_wait3A_1317 = tpu.memref_squeeze %dma_wait3A_1316 : memref<1x16x128xf32, #tpu.memory_space<hbm>> -> memref<16x128xf32, #tpu.memory_space<hbm>>
        %dma_wait3A_1318 = tpu.memref_slice %arg8[%rem3A_1175] : memref<3x!tpu.dma_semaphore, #tpu.memory_space<semaphore_mem>> -> memref<1x!tpu.dma_semaphore, #tpu.memory_space<semaphore_mem>>
        %dma_wait3A_1319 = tpu.memref_squeeze %dma_wait3A_1318 : memref<1x!tpu.dma_semaphore, #tpu.memory_space<semaphore_mem>> -> memref<!tpu.dma_semaphore, #tpu.memory_space<semaphore_mem>>
        %dma_wait3A_1320 = arith.constant 0 : i32
        %dma_wait3A_1321 = arith.constant 0 : i32
        %dma_wait3A_1322 = tpu.memref_slice %arg6[%rem3A_1175, %dma_wait3A_1309, %dma_wait3A_1320, %dma_wait3A_1321] : memref<3x16x16x128xf32, #tpu.memory_space<vmem>> -> memref<1x1x16x128xf32, #tpu.memory_space<vmem>>
        %dma_wait3A_1323 = tpu.memref_squeeze %dma_wait3A_1322 : memref<1x1x16x128xf32, #tpu.memory_space<vmem>> -> memref<16x128xf32, #tpu.memory_space<vmem>>
        %dma_wait3A_1324 = arith.constant 0 : i32
        %dma_wait3A_1325 = arith.constant 0 : i32
        %dma_wait3A_1326 = tpu.memref_slice %arg2[%add3A_9, %dma_wait3A_1324, %dma_wait3A_1325] : memref<64x16x100000xf32, #tpu.memory_space<hbm>> -> memref<1x16x128xf32, #tpu.memory_space<hbm>>
        %dma_wait3A_1327 = tpu.memref_squeeze %dma_wait3A_1326 : memref<1x16x128xf32, #tpu.memory_space<hbm>> -> memref<16x128xf32, #tpu.memory_space<hbm>>
        tpu.wait_dma2 semaphore(%dma_wait3A_1319 : memref<!tpu.dma_semaphore, #tpu.memory_space<semaphore_mem>>) src(%dma_wait3A_1327 : memref<16x128xf32, #tpu.memory_space<hbm>>) dst(%dma_wait3A_1323 : memref<16x128xf32, #tpu.memory_space<vmem>>)
        %dma_wait3A_1328 = arith.constant 8 : i32
        %dma_wait3A_1329 = arith.constant 0 : i32
        %dma_wait3A_1330 = arith.constant 0 : i32
        %dma_wait3A_1331 = tpu.memref_slice %arg6[%rem3A_1175, %dma_wait3A_1328, %dma_wait3A_1329, %dma_wait3A_1330] : memref<3x16x16x128xf32, #tpu.memory_space<vmem>> -> memref<1x1x16x128xf32, #tpu.memory_space<vmem>>
        %dma_wait3A_1332 = tpu.memref_squeeze %dma_wait3A_1331 : memref<1x1x16x128xf32, #tpu.memory_space<vmem>> -> memref<16x128xf32, #tpu.memory_space<vmem>>
        %dma_wait3A_1333 = arith.constant 0 : i32
        %dma_wait3A_1334 = arith.constant 0 : i32
        %dma_wait3A_1335 = tpu.memref_slice %arg2[%add3A_9, %dma_wait3A_1333, %dma_wait3A_1334] : memref<64x16x100000xf32, #tpu.memory_space<hbm>> -> memref<1x16x128xf32, #tpu.memory_space<hbm>>
        %dma_wait3A_1336 = tpu.memref_squeeze %dma_wait3A_1335 : memref<1x16x128xf32, #tpu.memory_space<hbm>> -> memref<16x128xf32, #tpu.memory_space<hbm>>
        %dma_wait3A_1337 = tpu.memref_slice %arg8[%rem3A_1175] : memref<3x!tpu.dma_semaphore, #tpu.memory_space<semaphore_mem>> -> memref<1x!tpu.dma_semaphore, #tpu.memory_space<semaphore_mem>>
        %dma_wait3A_1338 = tpu.memref_squeeze %dma_wait3A_1337 : memref<1x!tpu.dma_semaphore, #tpu.memory_space<semaphore_mem>> -> memref<!tpu.dma_semaphore, #tpu.memory_space<semaphore_mem>>
        %dma_wait3A_1339 = arith.constant 0 : i32
        %dma_wait3A_1340 = arith.constant 0 : i32
        %dma_wait3A_1341 = tpu.memref_slice %arg6[%rem3A_1175, %dma_wait3A_1328, %dma_wait3A_1339, %dma_wait3A_1340] : memref<3x16x16x128xf32, #tpu.memory_space<vmem>> -> memref<1x1x16x128xf32, #tpu.memory_space<vmem>>
        %dma_wait3A_1342 = tpu.memref_squeeze %dma_wait3A_1341 : memref<1x1x16x128xf32, #tpu.memory_space<vmem>> -> memref<16x128xf32, #tpu.memory_space<vmem>>
        %dma_wait3A_1343 = arith.constant 0 : i32
        %dma_wait3A_1344 = arith.constant 0 : i32
        %dma_wait3A_1345 = tpu.memref_slice %arg2[%add3A_9, %dma_wait3A_1343, %dma_wait3A_1344] : memref<64x16x100000xf32, #tpu.memory_space<hbm>> -> memref<1x16x128xf32, #tpu.memory_space<hbm>>
        %dma_wait3A_1346 = tpu.memref_squeeze %dma_wait3A_1345 : memref<1x16x128xf32, #tpu.memory_space<hbm>> -> memref<16x128xf32, #tpu.memory_space<hbm>>
        tpu.wait_dma2 semaphore(%dma_wait3A_1338 : memref<!tpu.dma_semaphore, #tpu.memory_space<semaphore_mem>>) src(%dma_wait3A_1346 : memref<16x128xf32, #tpu.memory_space<hbm>>) dst(%dma_wait3A_1342 : memref<16x128xf32, #tpu.memory_space<vmem>>)
        %dma_wait3A_1347 = arith.constant 9 : i32
        %dma_wait3A_1348 = arith.constant 0 : i32
        %dma_wait3A_1349 = arith.constant 0 : i32
        %dma_wait3A_1350 = tpu.memref_slice %arg6[%rem3A_1175, %dma_wait3A_1347, %dma_wait3A_1348, %dma_wait3A_1349] : memref<3x16x16x128xf32, #tpu.memory_space<vmem>> -> memref<1x1x16x128xf32, #tpu.memory_space<vmem>>
        %dma_wait3A_1351 = tpu.memref_squeeze %dma_wait3A_1350 : memref<1x1x16x128xf32, #tpu.memory_space<vmem>> -> memref<16x128xf32, #tpu.memory_space<vmem>>
        %dma_wait3A_1352 = arith.constant 0 : i32
        %dma_wait3A_1353 = arith.constant 0 : i32
        %dma_wait3A_1354 = tpu.memref_slice %arg2[%add3A_9, %dma_wait3A_1352, %dma_wait3A_1353] : memref<64x16x100000xf32, #tpu.memory_space<hbm>> -> memref<1x16x128xf32, #tpu.memory_space<hbm>>
        %dma_wait3A_1355 = tpu.memref_squeeze %dma_wait3A_1354 : memref<1x16x128xf32, #tpu.memory_space<hbm>> -> memref<16x128xf32, #tpu.memory_space<hbm>>
        %dma_wait3A_1356 = tpu.memref_slice %arg8[%rem3A_1175] : memref<3x!tpu.dma_semaphore, #tpu.memory_space<semaphore_mem>> -> memref<1x!tpu.dma_semaphore, #tpu.memory_space<semaphore_mem>>
        %dma_wait3A_1357 = tpu.memref_squeeze %dma_wait3A_1356 : memref<1x!tpu.dma_semaphore, #tpu.memory_space<semaphore_mem>> -> memref<!tpu.dma_semaphore, #tpu.memory_space<semaphore_mem>>
        %dma_wait3A_1358 = arith.constant 0 : i32
        %dma_wait3A_1359 = arith.constant 0 : i32
        %dma_wait3A_1360 = tpu.memref_slice %arg6[%rem3A_1175, %dma_wait3A_1347, %dma_wait3A_1358, %dma_wait3A_1359] : memref<3x16x16x128xf32, #tpu.memory_space<vmem>> -> memref<1x1x16x128xf32, #tpu.memory_space<vmem>>
        %dma_wait3A_1361 = tpu.memref_squeeze %dma_wait3A_1360 : memref<1x1x16x128xf32, #tpu.memory_space<vmem>> -> memref<16x128xf32, #tpu.memory_space<vmem>>
        %dma_wait3A_1362 = arith.constant 0 : i32
        %dma_wait3A_1363 = arith.constant 0 : i32
        %dma_wait3A_1364 = tpu.memref_slice %arg2[%add3A_9, %dma_wait3A_1362, %dma_wait3A_1363] : memref<64x16x100000xf32, #tpu.memory_space<hbm>> -> memref<1x16x128xf32, #tpu.memory_space<hbm>>
        %dma_wait3A_1365 = tpu.memref_squeeze %dma_wait3A_1364 : memref<1x16x128xf32, #tpu.memory_space<hbm>> -> memref<16x128xf32, #tpu.memory_space<hbm>>
        tpu.wait_dma2 semaphore(%dma_wait3A_1357 : memref<!tpu.dma_semaphore, #tpu.memory_space<semaphore_mem>>) src(%dma_wait3A_1365 : memref<16x128xf32, #tpu.memory_space<hbm>>) dst(%dma_wait3A_1361 : memref<16x128xf32, #tpu.memory_space<vmem>>)
        %dma_wait3A_1366 = arith.constant 10 : i32
        %dma_wait3A_1367 = arith.constant 0 : i32
        %dma_wait3A_1368 = arith.constant 0 : i32
        %dma_wait3A_1369 = tpu.memref_slice %arg6[%rem3A_1175, %dma_wait3A_1366, %dma_wait3A_1367, %dma_wait3A_1368] : memref<3x16x16x128xf32, #tpu.memory_space<vmem>> -> memref<1x1x16x128xf32, #tpu.memory_space<vmem>>
        %dma_wait3A_1370 = tpu.memref_squeeze %dma_wait3A_1369 : memref<1x1x16x128xf32, #tpu.memory_space<vmem>> -> memref<16x128xf32, #tpu.memory_space<vmem>>
        %dma_wait3A_1371 = arith.constant 0 : i32
        %dma_wait3A_1372 = arith.constant 0 : i32
        %dma_wait3A_1373 = tpu.memref_slice %arg2[%add3A_9, %dma_wait3A_1371, %dma_wait3A_1372] : memref<64x16x100000xf32, #tpu.memory_space<hbm>> -> memref<1x16x128xf32, #tpu.memory_space<hbm>>
        %dma_wait3A_1374 = tpu.memref_squeeze %dma_wait3A_1373 : memref<1x16x128xf32, #tpu.memory_space<hbm>> -> memref<16x128xf32, #tpu.memory_space<hbm>>
        %dma_wait3A_1375 = tpu.memref_slice %arg8[%rem3A_1175] : memref<3x!tpu.dma_semaphore, #tpu.memory_space<semaphore_mem>> -> memref<1x!tpu.dma_semaphore, #tpu.memory_space<semaphore_mem>>
        %dma_wait3A_1376 = tpu.memref_squeeze %dma_wait3A_1375 : memref<1x!tpu.dma_semaphore, #tpu.memory_space<semaphore_mem>> -> memref<!tpu.dma_semaphore, #tpu.memory_space<semaphore_mem>>
        %dma_wait3A_1377 = arith.constant 0 : i32
        %dma_wait3A_1378 = arith.constant 0 : i32
        %dma_wait3A_1379 = tpu.memref_slice %arg6[%rem3A_1175, %dma_wait3A_1366, %dma_wait3A_1377, %dma_wait3A_1378] : memref<3x16x16x128xf32, #tpu.memory_space<vmem>> -> memref<1x1x16x128xf32, #tpu.memory_space<vmem>>
        %dma_wait3A_1380 = tpu.memref_squeeze %dma_wait3A_1379 : memref<1x1x16x128xf32, #tpu.memory_space<vmem>> -> memref<16x128xf32, #tpu.memory_space<vmem>>
        %dma_wait3A_1381 = arith.constant 0 : i32
        %dma_wait3A_1382 = arith.constant 0 : i32
        %dma_wait3A_1383 = tpu.memref_slice %arg2[%add3A_9, %dma_wait3A_1381, %dma_wait3A_1382] : memref<64x16x100000xf32, #tpu.memory_space<hbm>> -> memref<1x16x128xf32, #tpu.memory_space<hbm>>
        %dma_wait3A_1384 = tpu.memref_squeeze %dma_wait3A_1383 : memref<1x16x128xf32, #tpu.memory_space<hbm>> -> memref<16x128xf32, #tpu.memory_space<hbm>>
        tpu.wait_dma2 semaphore(%dma_wait3A_1376 : memref<!tpu.dma_semaphore, #tpu.memory_space<semaphore_mem>>) src(%dma_wait3A_1384 : memref<16x128xf32, #tpu.memory_space<hbm>>) dst(%dma_wait3A_1380 : memref<16x128xf32, #tpu.memory_space<vmem>>)
        %dma_wait3A_1385 = arith.constant 11 : i32
        %dma_wait3A_1386 = arith.constant 0 : i32
        %dma_wait3A_1387 = arith.constant 0 : i32
        %dma_wait3A_1388 = tpu.memref_slice %arg6[%rem3A_1175, %dma_wait3A_1385, %dma_wait3A_1386, %dma_wait3A_1387] : memref<3x16x16x128xf32, #tpu.memory_space<vmem>> -> memref<1x1x16x128xf32, #tpu.memory_space<vmem>>
        %dma_wait3A_1389 = tpu.memref_squeeze %dma_wait3A_1388 : memref<1x1x16x128xf32, #tpu.memory_space<vmem>> -> memref<16x128xf32, #tpu.memory_space<vmem>>
        %dma_wait3A_1390 = arith.constant 0 : i32
        %dma_wait3A_1391 = arith.constant 0 : i32
        %dma_wait3A_1392 = tpu.memref_slice %arg2[%add3A_9, %dma_wait3A_1390, %dma_wait3A_1391] : memref<64x16x100000xf32, #tpu.memory_space<hbm>> -> memref<1x16x128xf32, #tpu.memory_space<hbm>>
        %dma_wait3A_1393 = tpu.memref_squeeze %dma_wait3A_1392 : memref<1x16x128xf32, #tpu.memory_space<hbm>> -> memref<16x128xf32, #tpu.memory_space<hbm>>
        %dma_wait3A_1394 = tpu.memref_slice %arg8[%rem3A_1175] : memref<3x!tpu.dma_semaphore, #tpu.memory_space<semaphore_mem>> -> memref<1x!tpu.dma_semaphore, #tpu.memory_space<semaphore_mem>>
        %dma_wait3A_1395 = tpu.memref_squeeze %dma_wait3A_1394 : memref<1x!tpu.dma_semaphore, #tpu.memory_space<semaphore_mem>> -> memref<!tpu.dma_semaphore, #tpu.memory_space<semaphore_mem>>
        %dma_wait3A_1396 = arith.constant 0 : i32
        %dma_wait3A_1397 = arith.constant 0 : i32
        %dma_wait3A_1398 = tpu.memref_slice %arg6[%rem3A_1175, %dma_wait3A_1385, %dma_wait3A_1396, %dma_wait3A_1397] : memref<3x16x16x128xf32, #tpu.memory_space<vmem>> -> memref<1x1x16x128xf32, #tpu.memory_space<vmem>>
        %dma_wait3A_1399 = tpu.memref_squeeze %dma_wait3A_1398 : memref<1x1x16x128xf32, #tpu.memory_space<vmem>> -> memref<16x128xf32, #tpu.memory_space<vmem>>
        %dma_wait3A_1400 = arith.constant 0 : i32
        %dma_wait3A_1401 = arith.constant 0 : i32
        %dma_wait3A_1402 = tpu.memref_slice %arg2[%add3A_9, %dma_wait3A_1400, %dma_wait3A_1401] : memref<64x16x100000xf32, #tpu.memory_space<hbm>> -> memref<1x16x128xf32, #tpu.memory_space<hbm>>
        %dma_wait3A_1403 = tpu.memref_squeeze %dma_wait3A_1402 : memref<1x16x128xf32, #tpu.memory_space<hbm>> -> memref<16x128xf32, #tpu.memory_space<hbm>>
        tpu.wait_dma2 semaphore(%dma_wait3A_1395 : memref<!tpu.dma_semaphore, #tpu.memory_space<semaphore_mem>>) src(%dma_wait3A_1403 : memref<16x128xf32, #tpu.memory_space<hbm>>) dst(%dma_wait3A_1399 : memref<16x128xf32, #tpu.memory_space<vmem>>)
        %dma_wait3A_1404 = arith.constant 12 : i32
        %dma_wait3A_1405 = arith.constant 0 : i32
        %dma_wait3A_1406 = arith.constant 0 : i32
        %dma_wait3A_1407 = tpu.memref_slice %arg6[%rem3A_1175, %dma_wait3A_1404, %dma_wait3A_1405, %dma_wait3A_1406] : memref<3x16x16x128xf32, #tpu.memory_space<vmem>> -> memref<1x1x16x128xf32, #tpu.memory_space<vmem>>
        %dma_wait3A_1408 = tpu.memref_squeeze %dma_wait3A_1407 : memref<1x1x16x128xf32, #tpu.memory_space<vmem>> -> memref<16x128xf32, #tpu.memory_space<vmem>>
        %dma_wait3A_1409 = arith.constant 0 : i32
        %dma_wait3A_1410 = arith.constant 0 : i32
        %dma_wait3A_1411 = tpu.memref_slice %arg2[%add3A_9, %dma_wait3A_1409, %dma_wait3A_1410] : memref<64x16x100000xf32, #tpu.memory_space<hbm>> -> memref<1x16x128xf32, #tpu.memory_space<hbm>>
        %dma_wait3A_1412 = tpu.memref_squeeze %dma_wait3A_1411 : memref<1x16x128xf32, #tpu.memory_space<hbm>> -> memref<16x128xf32, #tpu.memory_space<hbm>>
        %dma_wait3A_1413 = tpu.memref_slice %arg8[%rem3A_1175] : memref<3x!tpu.dma_semaphore, #tpu.memory_space<semaphore_mem>> -> memref<1x!tpu.dma_semaphore, #tpu.memory_space<semaphore_mem>>
        %dma_wait3A_1414 = tpu.memref_squeeze %dma_wait3A_1413 : memref<1x!tpu.dma_semaphore, #tpu.memory_space<semaphore_mem>> -> memref<!tpu.dma_semaphore, #tpu.memory_space<semaphore_mem>>
        %dma_wait3A_1415 = arith.constant 0 : i32
        %dma_wait3A_1416 = arith.constant 0 : i32
        %dma_wait3A_1417 = tpu.memref_slice %arg6[%rem3A_1175, %dma_wait3A_1404, %dma_wait3A_1415, %dma_wait3A_1416] : memref<3x16x16x128xf32, #tpu.memory_space<vmem>> -> memref<1x1x16x128xf32, #tpu.memory_space<vmem>>
        %dma_wait3A_1418 = tpu.memref_squeeze %dma_wait3A_1417 : memref<1x1x16x128xf32, #tpu.memory_space<vmem>> -> memref<16x128xf32, #tpu.memory_space<vmem>>
        %dma_wait3A_1419 = arith.constant 0 : i32
        %dma_wait3A_1420 = arith.constant 0 : i32
        %dma_wait3A_1421 = tpu.memref_slice %arg2[%add3A_9, %dma_wait3A_1419, %dma_wait3A_1420] : memref<64x16x100000xf32, #tpu.memory_space<hbm>> -> memref<1x16x128xf32, #tpu.memory_space<hbm>>
        %dma_wait3A_1422 = tpu.memref_squeeze %dma_wait3A_1421 : memref<1x16x128xf32, #tpu.memory_space<hbm>> -> memref<16x128xf32, #tpu.memory_space<hbm>>
        tpu.wait_dma2 semaphore(%dma_wait3A_1414 : memref<!tpu.dma_semaphore, #tpu.memory_space<semaphore_mem>>) src(%dma_wait3A_1422 : memref<16x128xf32, #tpu.memory_space<hbm>>) dst(%dma_wait3A_1418 : memref<16x128xf32, #tpu.memory_space<vmem>>)
        %dma_wait3A_1423 = arith.constant 13 : i32
        %dma_wait3A_1424 = arith.constant 0 : i32
        %dma_wait3A_1425 = arith.constant 0 : i32
        %dma_wait3A_1426 = tpu.memref_slice %arg6[%rem3A_1175, %dma_wait3A_1423, %dma_wait3A_1424, %dma_wait3A_1425] : memref<3x16x16x128xf32, #tpu.memory_space<vmem>> -> memref<1x1x16x128xf32, #tpu.memory_space<vmem>>
        %dma_wait3A_1427 = tpu.memref_squeeze %dma_wait3A_1426 : memref<1x1x16x128xf32, #tpu.memory_space<vmem>> -> memref<16x128xf32, #tpu.memory_space<vmem>>
        %dma_wait3A_1428 = arith.constant 0 : i32
        %dma_wait3A_1429 = arith.constant 0 : i32
        %dma_wait3A_1430 = tpu.memref_slice %arg2[%add3A_9, %dma_wait3A_1428, %dma_wait3A_1429] : memref<64x16x100000xf32, #tpu.memory_space<hbm>> -> memref<1x16x128xf32, #tpu.memory_space<hbm>>
        %dma_wait3A_1431 = tpu.memref_squeeze %dma_wait3A_1430 : memref<1x16x128xf32, #tpu.memory_space<hbm>> -> memref<16x128xf32, #tpu.memory_space<hbm>>
        %dma_wait3A_1432 = tpu.memref_slice %arg8[%rem3A_1175] : memref<3x!tpu.dma_semaphore, #tpu.memory_space<semaphore_mem>> -> memref<1x!tpu.dma_semaphore, #tpu.memory_space<semaphore_mem>>
        %dma_wait3A_1433 = tpu.memref_squeeze %dma_wait3A_1432 : memref<1x!tpu.dma_semaphore, #tpu.memory_space<semaphore_mem>> -> memref<!tpu.dma_semaphore, #tpu.memory_space<semaphore_mem>>
        %dma_wait3A_1434 = arith.constant 0 : i32
        %dma_wait3A_1435 = arith.constant 0 : i32
        %dma_wait3A_1436 = tpu.memref_slice %arg6[%rem3A_1175, %dma_wait3A_1423, %dma_wait3A_1434, %dma_wait3A_1435] : memref<3x16x16x128xf32, #tpu.memory_space<vmem>> -> memref<1x1x16x128xf32, #tpu.memory_space<vmem>>
        %dma_wait3A_1437 = tpu.memref_squeeze %dma_wait3A_1436 : memref<1x1x16x128xf32, #tpu.memory_space<vmem>> -> memref<16x128xf32, #tpu.memory_space<vmem>>
        %dma_wait3A_1438 = arith.constant 0 : i32
        %dma_wait3A_1439 = arith.constant 0 : i32
        %dma_wait3A_1440 = tpu.memref_slice %arg2[%add3A_9, %dma_wait3A_1438, %dma_wait3A_1439] : memref<64x16x100000xf32, #tpu.memory_space<hbm>> -> memref<1x16x128xf32, #tpu.memory_space<hbm>>
        %dma_wait3A_1441 = tpu.memref_squeeze %dma_wait3A_1440 : memref<1x16x128xf32, #tpu.memory_space<hbm>> -> memref<16x128xf32, #tpu.memory_space<hbm>>
        tpu.wait_dma2 semaphore(%dma_wait3A_1433 : memref<!tpu.dma_semaphore, #tpu.memory_space<semaphore_mem>>) src(%dma_wait3A_1441 : memref<16x128xf32, #tpu.memory_space<hbm>>) dst(%dma_wait3A_1437 : memref<16x128xf32, #tpu.memory_space<vmem>>)
        %dma_wait3A_1442 = arith.constant 14 : i32
        %dma_wait3A_1443 = arith.constant 0 : i32
        %dma_wait3A_1444 = arith.constant 0 : i32
        %dma_wait3A_1445 = tpu.memref_slice %arg6[%rem3A_1175, %dma_wait3A_1442, %dma_wait3A_1443, %dma_wait3A_1444] : memref<3x16x16x128xf32, #tpu.memory_space<vmem>> -> memref<1x1x16x128xf32, #tpu.memory_space<vmem>>
        %dma_wait3A_1446 = tpu.memref_squeeze %dma_wait3A_1445 : memref<1x1x16x128xf32, #tpu.memory_space<vmem>> -> memref<16x128xf32, #tpu.memory_space<vmem>>
        %dma_wait3A_1447 = arith.constant 0 : i32
        %dma_wait3A_1448 = arith.constant 0 : i32
        %dma_wait3A_1449 = tpu.memref_slice %arg2[%add3A_9, %dma_wait3A_1447, %dma_wait3A_1448] : memref<64x16x100000xf32, #tpu.memory_space<hbm>> -> memref<1x16x128xf32, #tpu.memory_space<hbm>>
        %dma_wait3A_1450 = tpu.memref_squeeze %dma_wait3A_1449 : memref<1x16x128xf32, #tpu.memory_space<hbm>> -> memref<16x128xf32, #tpu.memory_space<hbm>>
        %dma_wait3A_1451 = tpu.memref_slice %arg8[%rem3A_1175] : memref<3x!tpu.dma_semaphore, #tpu.memory_space<semaphore_mem>> -> memref<1x!tpu.dma_semaphore, #tpu.memory_space<semaphore_mem>>
        %dma_wait3A_1452 = tpu.memref_squeeze %dma_wait3A_1451 : memref<1x!tpu.dma_semaphore, #tpu.memory_space<semaphore_mem>> -> memref<!tpu.dma_semaphore, #tpu.memory_space<semaphore_mem>>
        %dma_wait3A_1453 = arith.constant 0 : i32
        %dma_wait3A_1454 = arith.constant 0 : i32
        %dma_wait3A_1455 = tpu.memref_slice %arg6[%rem3A_1175, %dma_wait3A_1442, %dma_wait3A_1453, %dma_wait3A_1454] : memref<3x16x16x128xf32, #tpu.memory_space<vmem>> -> memref<1x1x16x128xf32, #tpu.memory_space<vmem>>
        %dma_wait3A_1456 = tpu.memref_squeeze %dma_wait3A_1455 : memref<1x1x16x128xf32, #tpu.memory_space<vmem>> -> memref<16x128xf32, #tpu.memory_space<vmem>>
        %dma_wait3A_1457 = arith.constant 0 : i32
        %dma_wait3A_1458 = arith.constant 0 : i32
        %dma_wait3A_1459 = tpu.memref_slice %arg2[%add3A_9, %dma_wait3A_1457, %dma_wait3A_1458] : memref<64x16x100000xf32, #tpu.memory_space<hbm>> -> memref<1x16x128xf32, #tpu.memory_space<hbm>>
        %dma_wait3A_1460 = tpu.memref_squeeze %dma_wait3A_1459 : memref<1x16x128xf32, #tpu.memory_space<hbm>> -> memref<16x128xf32, #tpu.memory_space<hbm>>
        tpu.wait_dma2 semaphore(%dma_wait3A_1452 : memref<!tpu.dma_semaphore, #tpu.memory_space<semaphore_mem>>) src(%dma_wait3A_1460 : memref<16x128xf32, #tpu.memory_space<hbm>>) dst(%dma_wait3A_1456 : memref<16x128xf32, #tpu.memory_space<vmem>>)
        %dma_wait3A_1461 = arith.constant 15 : i32
        %dma_wait3A_1462 = arith.constant 0 : i32
        %dma_wait3A_1463 = arith.constant 0 : i32
        %dma_wait3A_1464 = tpu.memref_slice %arg6[%rem3A_1175, %dma_wait3A_1461, %dma_wait3A_1462, %dma_wait3A_1463] : memref<3x16x16x128xf32, #tpu.memory_space<vmem>> -> memref<1x1x16x128xf32, #tpu.memory_space<vmem>>
        %dma_wait3A_1465 = tpu.memref_squeeze %dma_wait3A_1464 : memref<1x1x16x128xf32, #tpu.memory_space<vmem>> -> memref<16x128xf32, #tpu.memory_space<vmem>>
        %dma_wait3A_1466 = arith.constant 0 : i32
        %dma_wait3A_1467 = arith.constant 0 : i32
        %dma_wait3A_1468 = tpu.memref_slice %arg2[%add3A_9, %dma_wait3A_1466, %dma_wait3A_1467] : memref<64x16x100000xf32, #tpu.memory_space<hbm>> -> memref<1x16x128xf32, #tpu.memory_space<hbm>>
        %dma_wait3A_1469 = tpu.memref_squeeze %dma_wait3A_1468 : memref<1x16x128xf32, #tpu.memory_space<hbm>> -> memref<16x128xf32, #tpu.memory_space<hbm>>
        %dma_wait3A_1470 = tpu.memref_slice %arg8[%rem3A_1175] : memref<3x!tpu.dma_semaphore, #tpu.memory_space<semaphore_mem>> -> memref<1x!tpu.dma_semaphore, #tpu.memory_space<semaphore_mem>>
        %dma_wait3A_1471 = tpu.memref_squeeze %dma_wait3A_1470 : memref<1x!tpu.dma_semaphore, #tpu.memory_space<semaphore_mem>> -> memref<!tpu.dma_semaphore, #tpu.memory_space<semaphore_mem>>
        %dma_wait3A_1472 = arith.constant 0 : i32
        %dma_wait3A_1473 = arith.constant 0 : i32
        %dma_wait3A_1474 = tpu.memref_slice %arg6[%rem3A_1175, %dma_wait3A_1461, %dma_wait3A_1472, %dma_wait3A_1473] : memref<3x16x16x128xf32, #tpu.memory_space<vmem>> -> memref<1x1x16x128xf32, #tpu.memory_space<vmem>>
        %dma_wait3A_1475 = tpu.memref_squeeze %dma_wait3A_1474 : memref<1x1x16x128xf32, #tpu.memory_space<vmem>> -> memref<16x128xf32, #tpu.memory_space<vmem>>
        %dma_wait3A_1476 = arith.constant 0 : i32
        %dma_wait3A_1477 = arith.constant 0 : i32
        %dma_wait3A_1478 = tpu.memref_slice %arg2[%add3A_9, %dma_wait3A_1476, %dma_wait3A_1477] : memref<64x16x100000xf32, #tpu.memory_space<hbm>> -> memref<1x16x128xf32, #tpu.memory_space<hbm>>
        %dma_wait3A_1479 = tpu.memref_squeeze %dma_wait3A_1478 : memref<1x16x128xf32, #tpu.memory_space<hbm>> -> memref<16x128xf32, #tpu.memory_space<hbm>>
        tpu.wait_dma2 semaphore(%dma_wait3A_1471 : memref<!tpu.dma_semaphore, #tpu.memory_space<semaphore_mem>>) src(%dma_wait3A_1479 : memref<16x128xf32, #tpu.memory_space<hbm>>) dst(%dma_wait3A_1475 : memref<16x128xf32, #tpu.memory_space<vmem>>)
        %mul3A_1480 = arith.constant 1024 : i32
        %mul3A_1481 = arith.muli %scan3A_16, %mul3A_1480 : i32
        "tpu.region"() ({
          %run_scoped3A = tpu.sem_alloc : memref<!tpu.dma_semaphore, #tpu.memory_space<semaphore_mem>>
          %dma_start3A_1482 = arith.constant 0 : i32
          %dma_start3A_1483 = tpu.memref_slice %arg4[%add3A_9, %dma_start3A_1482, %mul3A_1481] : memref<64x16x4096xf32, #tpu.memory_space<hbm>> -> memref<1x16x1024xf32, #tpu.memory_space<hbm>>
          %dma_start3A_1484 = tpu.memref_squeeze %dma_start3A_1483 : memref<1x16x1024xf32, #tpu.memory_space<hbm>> -> memref<16x1024xf32, #tpu.memory_space<hbm>>
          %dma_start3A_1485 = arith.constant 0 : i32
          %dma_start3A_1486 = tpu.memref_slice %arg4[%add3A_9, %dma_start3A_1485, %mul3A_1481] : memref<64x16x4096xf32, #tpu.memory_space<hbm>> -> memref<1x16x1024xf32, #tpu.memory_space<hbm>>
          %dma_start3A_1487 = tpu.memref_squeeze %dma_start3A_1486 : memref<1x16x1024xf32, #tpu.memory_space<hbm>> -> memref<16x1024xf32, #tpu.memory_space<hbm>>
          tpu.enqueue_dma source(%arg7 : memref<16x1024xf32, #tpu.memory_space<vmem>>) target(%dma_start3A_1487 : memref<16x1024xf32, #tpu.memory_space<hbm>>) target_semaphore(%run_scoped3A : memref<!tpu.dma_semaphore, #tpu.memory_space<semaphore_mem>>)
          %dma_wait3A_1488 = arith.constant 0 : i32
          %dma_wait3A_1489 = tpu.memref_slice %arg4[%add3A_9, %dma_wait3A_1488, %mul3A_1481] : memref<64x16x4096xf32, #tpu.memory_space<hbm>> -> memref<1x16x1024xf32, #tpu.memory_space<hbm>>
          %dma_wait3A_1490 = tpu.memref_squeeze %dma_wait3A_1489 : memref<1x16x1024xf32, #tpu.memory_space<hbm>> -> memref<16x1024xf32, #tpu.memory_space<hbm>>
          %dma_wait3A_1491 = arith.constant 0 : i32
          %dma_wait3A_1492 = tpu.memref_slice %arg4[%add3A_9, %dma_wait3A_1491, %mul3A_1481] : memref<64x16x4096xf32, #tpu.memory_space<hbm>> -> memref<1x16x1024xf32, #tpu.memory_space<hbm>>
          %dma_wait3A_1493 = tpu.memref_squeeze %dma_wait3A_1492 : memref<1x16x1024xf32, #tpu.memory_space<hbm>> -> memref<16x1024xf32, #tpu.memory_space<hbm>>
          tpu.wait_dma2 semaphore(%run_scoped3A : memref<!tpu.dma_semaphore, #tpu.memory_space<semaphore_mem>>) src(%arg7 : memref<16x1024xf32, #tpu.memory_space<vmem>>) dst(%dma_wait3A_1493 : memref<16x1024xf32, #tpu.memory_space<hbm>>)
          tpu.yield
        }) : () -> ()
      }
      %scan3A_15 = arith.constant 4 : i32
    }
    %scan3A_5 = arith.constant 2 : i32
    return
  }
}

</mosaic_0001>

<sc_bundles>
// kernel: kernel.3.cloned.1.call-start
scs
__scs_entry_jumppad:
0x0: {  	(pc) =	sbr.rel $0x88, $3  }
0x1: {  	(tag) =	ssettag $0x0;
	lr =	simm.s32 $0x1  }
0x2: {  	[smem:$0x3F9F] =	sst lr;
	_ =	strace $0xD0000000  }
0x3: {  	_ = 	snop  }
0x4: {  	_ = 	snop  }
0x5: {  	_ = 	snop  }
0x6: {  	_ = 	snop  }
0x7: {  	_ = 	snop  }
__scs_overlays_trampoline_lowered:
0x8: {  	[smem:$0x3FAE] =	sst s0  }
0x9: {  	[smem:$0x3FAF] =	sst s1  }
0xa: {  	[smem:$0x3FB0] =	sst s2  }
0xb: {  	[smem:$0x3FB1] =	sst s3  }
0xc: {  	[smem:$0x3FB2] =	sst s4  }
0xd: {  	[smem:$0x3FB3] =	sst s5  }
0xe: {  	[smem:$0x3FB4] =	sst s6  }
0xf: {  	[smem:$0x3FB5] =	sst s7  }
0x10: {  	[smem:$0x3FB6] =	sst s8  }
0x11: {  	[smem:$0x3FB7] =	sst s9;
	s0 =	simm.s32 @!p0 $0x0  }
0x12: {  	s1 =	sld [smem:$0x3F9D];
	s0 =	simm.s32 @p0 $0x1  }
0x13: {  	[smem:$0x3FB8] =	sst s0;
	s0 =	simm.s32 @!p1 $0x0  }
0x14: {  	s2 =	sld [smem:$0x3F9C];
	s0 =	simm.s32 @p1 $0x1  }
0x15: {  	[smem:$0x3FB9] =	sst s0;
	s0 =	simm.s32 @!p2 $0x0  }
0x16: {  	s3 =	sld [smem:$0x3FDB];
	s0 =	simm.s32 @p2 $0x1  }
0x17: {  	s4 =	simm.s32 $0x1BF5;
	[smem:$0x3FBB] =	sst s0  }
0x18: {  	s0 =	sld [smem:$0x3F9E];
	_ =	swait.ge [sflag:s4], $0x0  }
0x19: {  	s7 =	sld [smem:$0x3F9F]  }
0x1a: {  	s8 =	sadd.s32 $0xFFFFE003, lr  }
0x1b: {  	s9 =	sadd.s32 $0xFFFFFEF7, lr;
	s5 =	simm.s32 $0xFFFFFFFF;
	p2 =	slt.u32 s8, $0xFFFFF086  }
0x1c: {  	p1 =	slt.u32 s9, $0xF7A;
	s5 =	simm.s32 @!p2 $0x0  }
0x1d: {  	s5 =	simm.s32 @p1 $0x1;
	p0 =	seq.s32 s7, s2  }
0x1e: {  	s7 =	smul.u32 @!p0 $0xF7A, s2;
	p2 =	seq.s32 @!p0 s5, $0x0  }
0x1f: {  	s9 =	smul.u32 $0xF7A, s1;
	s8 =	simm.s32 @!p0 $0x1BF5;
	p2 =	por !p2, p0  }
0x20: {  	[sflag:s8] =	ssyncset.s32 @!p0 $0xFFFFF086;
	s6 =	sadd.s32 @!p0 s3, s7;
	s7 =	simm.s32 @!p0 $0x108  }
0x21: {  	s3 =	sadd.s32 s3, s9;
	s6 =	sadd.s32 @!p0 $0x88, s6;
	s7 =	simm.s32 @p2 $0x1082  }
0x22: {  	[simem:s7], [sflag:s8] =	dma.local @!p0 [hbm:s6], $0xF7A  }
0x23: {  	s9 =	sor.u32 $0xD0000000, s2;
	s6 =	simm.s32 $0x108;
	_ =	swait.ge @!p0 [sflag:s8], $0x0  }
0x24: {  	s3 =	sadd.s32 $0x88, s3;
	s6 =	simm.s32 @!p1 $0x1082;
	[sflag:s4] =	ssyncset.s32 $0xFFFFF086  }
0x25: {  	[simem:s6], [sflag:s4] =	dma.local [hbm:s3], $0xF7A  }
0x26: {  	[smem:$0x3F9F] =	sst s1;
	(tag) =	ssettag s2;
	_ =	strace s9  }
0x27: {  	s1 =	sld [smem:$0x3FAF]  }
0x28: {  	s2 =	sld [smem:$0x3FB0]  }
0x29: {  	s4 =	sld [smem:$0x3FB2]  }
0x2a: {  	p0 =	seq.s32 s5, $0x0;
	s5 =	sld [smem:$0x3FB3]  }
0x2b: {  	s6 =	sld [smem:$0x3FB4]  }
0x2c: {  	s7 =	sld [smem:$0x3FB5]  }
0x2d: {  	s3 =	simm.s32 $0x108;
	s8 =	sld [smem:$0x3FB6]  }
0x2e: {  	s3 =	simm.s32 @!p0 $0x1082;
	s9 =	sld [smem:$0x3FB7]  }
0x2f: {  	lr =	sadd.s32 s0, s3;
	s0 =	sld [smem:$0x3FAE]  }
0x30: {  	s3 =	sld [smem:$0x3FB1]  }
0x31: {  	[smem:$0x3FBA] =	sst s10  }
0x32: {  	s10 =	sld [smem:$0x3FB8];
	_ =	sdelay $0x3  }
0x33: {  	p0 =	seq.s32 s10, $0x1;
	s10 =	sld [smem:$0x3FBA];
	_ =	sdelay $0x3  }
0x34: {  	[smem:$0x3FBA] =	sst s10  }
0x35: {  	s10 =	sld [smem:$0x3FB9];
	_ =	sdelay $0x3  }
0x36: {  	p1 =	seq.s32 s10, $0x1;
	s10 =	sld [smem:$0x3FBA];
	_ =	sdelay $0x3  }
0x37: {  	[smem:$0x3FBA] =	sst s10  }
0x38: {  	s10 =	sld [smem:$0x3FBB]  }
0x39: {  	_ = 	snop;
	(pc) =	sbr.ind lr, $3  }
0x3a: {  	_ = 	snop  }
0x3b: {  	_ = 	snop  }
0x3c: {  	p2 =	seq.s32 s10, $0x1;
	s10 =	sld [smem:$0x3FBA]  }
0x3d: {  	_ =	shalt  }
0x3e: {  	_ =	shalt  }
0x3f: {  	_ =	shalt  }
0x40: {  	_ =	shalt  }
0x41: {  	_ =	shalt  }
0x42: {  	_ =	shalt  }
0x43: {  	_ =	shalt  }
0x44: {  	_ =	shalt  }
0x45: {  	_ =	shalt  }
0x46: {  	_ =	shalt  }
0x47: {  	_ =	shalt  }
0x48: {  	_ =	shalt  }
0x49: {  	_ =	shalt  }
0x4a: {  	_ =	shalt  }
0x4b: {  	_ =	shalt  }
0x4c: {  	_ =	shalt  }
0x4d: {  	_ =	shalt  }
0x4e: {  	_ =	shalt  }
0x4f: {  	_ =	shalt  }
0x50: {  	_ =	shalt  }
0x51: {  	_ =	shalt  }
0x52: {  	_ =	shalt  }
0x53: {  	_ =	shalt  }
0x54: {  	_ =	shalt  }
0x55: {  	_ =	shalt  }
0x56: {  	_ =	shalt  }
0x57: {  	_ =	shalt  }
0x58: {  	_ =	shalt  }
0x59: {  	_ =	shalt  }
0x5a: {  	_ =	shalt  }
0x5b: {  	_ =	shalt  }
0x5c: {  	_ =	shalt  }
0x5d: {  	_ =	shalt  }
0x5e: {  	_ =	shalt  }
0x5f: {  	_ =	shalt  }
0x60: {  	_ =	shalt  }
0x61: {  	_ =	shalt  }
0x62: {  	_ =	shalt  }
0x63: {  	_ =	shalt  }
0x64: {  	_ =	shalt  }
0x65: {  	_ =	shalt  }
0x66: {  	_ =	shalt  }
0x67: {  	_ =	shalt  }
0x68: {  	_ =	shalt  }
0x69: {  	_ =	shalt  }
0x6a: {  	_ =	shalt  }
0x6b: {  	_ =	shalt  }
0x6c: {  	_ =	shalt  }
0x6d: {  	_ =	shalt  }
0x6e: {  	_ =	shalt  }
0x6f: {  	_ =	shalt  }
0x70: {  	_ =	shalt  }
0x71: {  	_ =	shalt  }
0x72: {  	_ =	shalt  }
0x73: {  	_ =	shalt  }
0x74: {  	_ =	shalt  }
0x75: {  	_ =	shalt  }
0x76: {  	_ =	shalt  }
0x77: {  	_ =	shalt  }
0x78: {  	_ =	shalt  }
0x79: {  	_ =	shalt  }
0x7a: {  	_ =	shalt  }
0x7b: {  	_ =	shalt  }
0x7c: {  	_ =	shalt  }
0x7d: {  	_ =	shalt  }
0x7e: {  	_ =	shalt  }
0x7f: {  	_ =	shalt  }
0x80: {  	_ =	shalt  }
0x81: {  	_ =	shalt  }
0x82: {  	_ =	shalt  }
0x83: {  	_ =	shalt  }
0x84: {  	_ =	shalt  }
0x85: {  	_ =	shalt  }
0x86: {  	_ =	shalt  }
0x87: {  	_ =	shalt  }
.Lfunc_end0:
.L_simem_size_0:
called_computation_lowered:
.L_overlay_start_0:
0x88: {  	s2 =	sld [smem:$0x3FD9]  }
0x89: {  	s3 =	sld [smem:$0x3FFE];
	_ =	sdelay $0x1  }
0x8a: {  	s1 =	srdreg.scid  }
0x8b: {  	s0 =	sand.u32 $0x1, s1  }
0x8c: {  	s18 =	sshll.u32 s0, $0xA;
	s2 =	sadd.s32 s3, s2  }
0x8d: {  	s2 =	sadd.s32 s2, s18  }
0x8e: {  	[smem:$0x3FC6] =	sst s2  }
0x8f: {  	_ = 	snop  }
0x90: {  	s2 =	sld [smem:$0x3FC9]  }
0x91: {  	s19 =	sld [smem:$0x3FC8]  }
0x92: {  	s4 =	sld [smem:$0x3FD0];
	(tm) =	ssettm $0x1  }
0x93: {  	s5 =	sld [smem:$0x3FFB];
	_ =	sdelay $0x3  }
0x94: {  	_ =	strace s5  }
0x95: {  	s5 =	sld [smem:$0x3FFC];
	_ =	sdelay $0x3  }
0x96: {  	_ =	strace s5  }
0x97: {  	s5 =	sld [smem:$0x3FFD];
	_ =	sdelay $0x3  }
0x98: {  	_ =	strace s5  }
0x99: {  	_ =	strace $0x8FFFFFFF  }
0x9a: {  	s20 =	sld [smem:$0x3FDB];
	_ =	sdelay $0x1  }
0x9b: {  	s6 =	simm.s32 $_scs_section_size  }
0x9c: {  	s7 =	simm.s32 $_size__tile_overlayer_lowered;
	s8 =	simm.s32 $_tile_overlayer_lowered  }
0x9d: {  	s23 =	simm.s32 $0x1BFF;
	s22 =	sshll.u32 s8, $0x1;
	s5 =	sadd.s32 s6, s20  }
0x9e: {  	s9 =	simm.s32 $0x0;
	s21 =	sshll.u32 s7, $0x1;
	s7 =	sadd.s32 s22, s5  }
0x9f: {  	[timem:s9], [sflag:s23] =	dma.local [hbm:s7], s21  }
0xa0: {  	_ =	swait.ge [sflag:s23], s21  }
0xa1: {  	s6 =	ssub.s32 $0x0, s21;
	[sflag:s23] =	ssyncset.done $0x0  }
0xa2: {  	[sflag:s23] =	ssyncadd.s32 s6;
	_ =	sdelay $0x1  }
0xa3: {  	s24 =	simm.s32 $0x1B8B  }
0xa4: {  	_ =	swait.ge [sflag:s24], $0x1  }
0xa5: {  	[sflag:s24] =	ssyncset.done $0x0  }
0xa6: {  	s25 =	simm.s32 $0x1B8E;
	[sflag:s24] =	ssyncadd.s32 $0xFFFFFFFF  }
0xa7: {  	s26 =	simm.s32 $execute0_lowered;
	[smem:$0x3FD2] =	sst s25  }
0xa8: {  	s6 =	sshll.u32 s26, $0x1;
	_ =	strace $0x80000046;
	[dreg:$0x1] =	wrdreg $0xFFFFFFFF  }
0xa9: {  	s28 =	simm.s32 $_size_execute0_lowered;
	s5 =	sadd.s32 s5, s6;
	[dreg:$0x0] =	wrdreg $0x0  }
0xaa: {  	s6 =	sshll.u32 s28, $0x1;
	[dreg:$0x2] =	wrdreg s5  }
0xab: {  	[dreg:$0x3] =	wrdreg s6  }
0xac: {  	[dreg:$0x4] =	wrdreg $0xC0  }
0xad: {  	_ =	task [dreg:s9], $0x5FFFF  }
0xae: {  	[dreg:$0x1] =	wrdreg $0xFFFFFFFF  }
0xaf: {  	[dreg:$0x0] =	wrdreg $0x60  }
0xb0: {  	[dreg:$0x2] =	wrdreg s19  }
0xb1: {  	[dreg:$0x3] =	wrdreg s2  }
0xb2: {  	[dreg:$0x4] =	wrdreg s4  }
0xb3: {  	[dreg:$0x5] =	wrdreg $0x9  }
0xb4: {  	_ =	task.clear_ibuf [dreg:s9], $0x6FFFF;
	_ =	strace $0x90000046  }
0xb5: {  	s29 =	simm.s32 $0x9;
	_ =	strace $0x80000048  }
0xb6: {  	_ =	swait.ge [sflag:s29], $0x1  }
0xb7: {  	[sflag:s29] =	ssyncadd.s32 $0xFFFFFFFF  }
0xb8: {  	_ =	strace $0x90000048  }
0xb9: {  	_ =	sfence  }
0xba: {  	s30 =	sld [smem:$0x0];
	_ =	sdelay $0x2  }
0xbb: {  	s31 =	sshll.u32 s1, $0xD;
	s1 =	sshrl.u32 s1, $0x2  }
0xbc: {  	s3 =	sand.u32 $0x4000, s31;
	s1 =	sadd.s32 s1, s30  }
0xbd: {  	s0 =	sor.u32 s3, s0;
	s1 =	sshll.u32 s1, $0x11  }
0xbe: {  	s0 =	sor.u32 s1, s0  }
0xbf: {  	s0 =	sadd.s32 $0x8F2B, s0  }
0xc0: {  	[sflag:s0] =	ssyncadd.remote.s32 $0x1  }
0xc1: {  	_ =	sfence.sel $0xFFFF  }
0xc2: {  	[dreg:$0x0] =	wrdreg $0xFFFFFFFF;
	(pc) =	sbr.abs _section_cstart, $3  }
0xc3: {  	[dreg:$0x1] =	wrdreg $0xFFFFFFFF  }
0xc4: {  	_ =	task.clear_ibuf [dreg:s9], $0x2FFFF;
	_ =	strace $0x9FFFFFFF  }
0xc5: {  	(tm) =	ssettm $0x7FFFFFFF  }
tec
execute0_lowered:
.L_overlay_start_1:
0x0: {  	(tag) =	ssettag $0x1  }
0x1: {  	v0 =	vimm.s32 $0x2380;
	vm0 =	vcmask $0x300  }
0x2: {  	vm14 =	vcmask $0x704;
	v0 =	vsel vm0, $0x0, v0  }
0x3: {  	vm15 =	vcmask $0xB08;
	v0 =	vsel vm14, $0x80, v0  }
0x4: {  	vm4 =	vcmask $0xF0C;
	v0 =	vsel vm15, $0x100, v0  }
0x5: {  	vm5 =	vcmask $0x1310;
	v0 =	vsel vm4, $0x180, v0  }
0x6: {  	vm6 =	vcmask $0x1714;
	v0 =	vsel vm5, $0x200, v0  }
0x7: {  	vm7 =	vcmask $0x1B18;
	v0 =	vsel vm6, $0x280, v0  }
0x8: {  	s0 =	rddreg [dreg:$0x0];
	vm8 =	vcmask $0x1F1C;
	v0 =	vsel vm7, $0x300, v0  }
0x9: {  	s1 =	rddreg [dreg:$0x1];
	vm9 =	vcmask $0x2320;
	v0 =	vsel vm8, $0x380, v0  }
0xa: {  	s2 =	srdreg.scid;
	s7 =	simm.s32 $0x0;
	s5 =	stileid.u32;
	vm10 =	vcmask $0x2724;
	v0 =	vsel vm9, $0x2000, v0  }
0xb: {  	s9 =	simm.s32 $0x400;
	s10 =	simm.s32 $0x4;
	s11 =	simm.s32 $0xC3800;
	vm11 =	vcmask $0x2B28;
	v0 =	vsel vm10, $0x2080, v0  }
0xc: {  	s12 =	simm.s32 $0x1000;
	s14 =	simm.s32 $0x2000;
	vm12 =	vcmask $0x2F2C;
	s26 =	simm.s32 $0x8000;
	v0 =	vsel vm11, $0x2100, v0  }
0xd: {  	vm13 =	vcmask $0x3330;
	s8 =	simm.s32 $0xD000;
	s6 =	simm.s32 $0xE000;
	s13 =	simm.s32 $0xE800;
	v0 =	vsel vm12, $0x2180, v0  }
0xe: {  	v1 =	vlaneseq.u32;
	s15 =	simm.s32 $0xF000;
	s16 =	simm.s32 $0xF800;
	s17 =	simm.s32 $0x10000;
	vm14 =	vcmask $0x3734;
	v2 =	vsel vm13, $0x2200, v0  }
0xf: {  	s18 =	simm.s32 $0x10800;
	s19 =	simm.s32 $0x19000;
	s2 =	sand.u32 $0x1, s2;
	vm15 =	vcmask $0x3B38;
	v0 =	vmul.u32 $0x80, v1;
	v1 =	vsel vm14, $0x2280, v2  }
0x10: {  	[smem:$0x7FF] =	sst s7;
	s30 =	sshll.u32 s5, $0xB;
	s3 =	ssub.s32 $0x2, s2;
	v1 =	vsel vm15, $0x2300, v1  }
0x11: {  	s5 =	sshll.u32 s5, $0x2;
	s2 =	sshll.u32 s2, $0x1;
	s4 =	sshrl.u32 s3, $0x1;
	v2 =	vor.u32 $0x800, v0;
	v3 =	vor.u32 $0x1000, v0;
	v4 =	vor.u32 $0x1800, v0  }
0x12: {  	s2 =	sor.u32 s2, s5;
	s3 =	ssub.s32 s3, s4;
	s4 =	sand.u32 $0x7000, s30;
	v5 =	vor.u32 $0x2000, v0;
	v6 =	vor.u32 $0x2800, v0;
	v7 =	vor.u32 $0x3000, v0  }
0x13: {  	_ =	strace $0x80000047;
	[dreg:$0x5] =	wrdreg s2;
	s1 =	sadd.s32 s1, s4;
	v8 =	vor.u32 $0x3800, v0;
	v9 =	vor.u32 $0x4000, v0;
	v10 =	vor.u32 $0x4800, v0  }
0x14: {  	s20 =	simm.s32 $0x2;
	s31 =	smax.u32 s3, $0x1;
	[dreg:$0x6] =	wrdreg s1;
	v11 =	vor.u32 $0x5000, v0;
	v12 =	vor.u32 $0x5800, v0;
	v13 =	vor.u32 $0x6000, v0  }
0x15: {  	s21 =	simm.s32 $0x3;
	s5 =	simm.s32 $0xD800;
	[dreg:$0x7] =	wrdreg s31;
	v14 =	vor.u32 $0x6800, v0;
	v15 =	vor.u32 $0x7000, v0;
	v16 =	vor.u32 $0x7800, v0  }
.LBB2_1:
0x16: {  	[dreg:$0x4] =	wrdreg s7;
	p1 =	por $0x1, $0x1;
	s1 =	simm.s32 $0x0  }
.LBB2_2:
0x17: {  	s2 =	rddreg [dreg:$0x5]  }
0x18: {  	s1 =	sor.u32 s2, s1  }
0x19: {  	s4 =	sshll.u32 s1, $0x4  }
0x1a: {  	s28 =	rddreg [dreg:$0x6];
	s4 =	sand.u32 $0x70, s4  }
0x1b: {  	s22 =	simm.s32 $0x0;
	s29 =	simm.s32 $0x80;
	s4 =	sadd.s32 s4, s28  }
0x1c: {  	[tilespmem:s22], [sflag:$0x4] =	stream.strided.gather [hbm4b:s4+s29], $0x1000, s9, s29, $0x38;
	[tilespmem:$0x1D000] =	vst v63  }
0x1d: {  	_ =	swait.ge [sflag:s10], $0x1000  }
0x1e: {  	[sflag:s10] =	ssyncset.done $0x0  }
0x1f: {  	[sflag:s10] =	ssyncadd.s32 $0xFFFFF000  }
0x20: {  	p0 =	por p1, p1;
	s30 =	sshll.u32 s1, $0xD;
	s31 =	rddreg [dreg:$0x2]  }
0x21: {  	s25 =	simm.s32 $0x2;
	s23 =	smul.u32 $0x187000, s1;
	s24 =	sadd.s32 s31, s30  }
.LBB2_3:
0x22: {  	s28 =	sshll.u32 s22, $0xA  }
0x23: {  	s1 =	sand.u32 $0x3FFFFC00, s28  }
0x24: {  	v17 =	vld [tilespmem:s1+$0x0];
	_ =	sdelay $0x4  }
0x25: {  	v18 =	vshll.u32 v17, $0x3  }
0x26: {  	(v2sf) =	vpush v18, $0x0;
	_ =	sdelay $0x3  }
0x27: {  	(v2sf) =	vpush v18, $0x1;
	_ =	sdelay $0x4  }
0x28: {  	(v2sf) =	vpush v18, $0x2;
	_ =	sdelay $0x5  }
0x29: {  	s4 =	spop (v2sf)  }
0x2a: {  	(v2sf) =	vpush v18, $0x3;
	s4 =	sand.u32 $0x7FFFFC00, s4  }
0x2b: {  	s4 =	sadd.s32 s23, s4  }
0x2c: {  	s4 =	sshrl.u32 s4, $0x3  }
0x2d: {  	s2 =	spop (v2sf);
	s4 =	sadd.s32 s0, s4  }
0x2e: {  	(v2sf) =	vpush v18, $0x4;
	[tilespmem:s12], [sflag:$0x1] =	stream.strided.gather [hbm4b:s4+s9], $0x800, s11, s9, $0x38;
	[tilespmem:$0x1D000] =	vst v63  }
0x2f: {  	s4 =	sand.u32 $0x7FFFFC00, s2  }
0x30: {  	s4 =	sadd.s32 s23, s4  }
0x31: {  	s4 =	sshrl.u32 s4, $0x3  }
0x32: {  	s3 =	spop (v2sf);
	s2 =	simm.s32 $0x1800;
	s4 =	sadd.s32 s0, s4  }
0x33: {  	(v2sf) =	vpush v18, $0x5;
	[tilespmem:s2], [sflag:$0x1] =	stream.strided.gather [hbm4b:s4+s9], $0x800, s11, s9, $0x38;
	[tilespmem:$0x1D000] =	vst v63  }
0x34: {  	s4 =	sand.u32 $0x7FFFFC00, s3  }
0x35: {  	s4 =	sadd.s32 s23, s4  }
0x36: {  	s4 =	sshrl.u32 s4, $0x3  }
0x37: {  	s4 =	sadd.s32 s0, s4  }
0x38: {  	[tilespmem:s14], [sflag:$0x1] =	stream.strided.gather [hbm4b:s4+s9], $0x800, s11, s9, $0x38;
	[tilespmem:$0x1D000] =	vst v63  }
0x39: {  	s7 =	spop (v2sf)  }
0x3a: {  	(v2sf) =	vpush v18, $0x6;
	s4 =	sand.u32 $0x7FFFFC00, s7  }
0x3b: {  	s4 =	sadd.s32 s23, s4  }
0x3c: {  	s4 =	sshrl.u32 s4, $0x3  }
0x3d: {  	s29 =	simm.s32 $0x2800;
	s2 =	spop (v2sf);
	s4 =	sadd.s32 s0, s4  }
0x3e: {  	(v2sf) =	vpush v18, $0x7;
	[tilespmem:s29], [sflag:$0x1] =	stream.strided.gather [hbm4b:s4+s9], $0x800, s11, s9, $0x38;
	[tilespmem:$0x1D000] =	vst v63  }
0x3f: {  	s4 =	sand.u32 $0x7FFFFC00, s2  }
0x40: {  	s4 =	sadd.s32 s23, s4  }
0x41: {  	s4 =	sshrl.u32 s4, $0x3  }
0x42: {  	s3 =	simm.s32 $0x3000;
	s7 =	spop (v2sf);
	s4 =	sadd.s32 s0, s4  }
0x43: {  	(v2sf) =	vpush v18, $0x8;
	[tilespmem:s3], [sflag:$0x1] =	stream.strided.gather [hbm4b:s4+s9], $0x800, s11, s9, $0x38;
	[tilespmem:$0x1D000] =	vst v63  }
0x44: {  	s4 =	sand.u32 $0x7FFFFC00, s7  }
0x45: {  	s4 =	sadd.s32 s23, s4  }
0x46: {  	s4 =	sshrl.u32 s4, $0x3  }
0x47: {  	s29 =	simm.s32 $0x3800;
	s4 =	sadd.s32 s0, s4  }
0x48: {  	[tilespmem:s29], [sflag:$0x1] =	stream.strided.gather [hbm4b:s4+s9], $0x800, s11, s9, $0x38;
	[tilespmem:$0x1D000] =	vst v63  }
0x49: {  	s2 =	spop (v2sf)  }
0x4a: {  	(v2sf) =	vpush v18, $0x9;
	s4 =	sand.u32 $0x7FFFFC00, s2  }
0x4b: {  	s4 =	sadd.s32 s23, s4  }
0x4c: {  	s4 =	sshrl.u32 s4, $0x3  }
0x4d: {  	s3 =	simm.s32 $0x4000;
	s7 =	spop (v2sf);
	s4 =	sadd.s32 s0, s4  }
0x4e: {  	(v2sf) =	vpush v18, $0xA;
	[tilespmem:s3], [sflag:$0x1] =	stream.strided.gather [hbm4b:s4+s9], $0x800, s11, s9, $0x38;
	[tilespmem:$0x1D000] =	vst v63  }
0x4f: {  	s4 =	sand.u32 $0x7FFFFC00, s7  }
0x50: {  	s4 =	sadd.s32 s23, s4  }
0x51: {  	s4 =	sshrl.u32 s4, $0x3  }
0x52: {  	s29 =	simm.s32 $0x4800;
	s2 =	spop (v2sf);
	s4 =	sadd.s32 s0, s4  }
0x53: {  	(v2sf) =	vpush v18, $0xB;
	[tilespmem:s29], [sflag:$0x1] =	stream.strided.gather [hbm4b:s4+s9], $0x800, s11, s9, $0x38;
	[tilespmem:$0x1D000] =	vst v63  }
0x54: {  	s4 =	sand.u32 $0x7FFFFC00, s2  }
0x55: {  	s4 =	sadd.s32 s23, s4  }
0x56: {  	s4 =	sshrl.u32 s4, $0x3  }
0x57: {  	s3 =	simm.s32 $0x5000;
	s4 =	sadd.s32 s0, s4  }
0x58: {  	[tilespmem:s3], [sflag:$0x1] =	stream.strided.gather [hbm4b:s4+s9], $0x800, s11, s9, $0x38;
	[tilespmem:$0x1D000] =	vst v63  }
0x59: {  	s7 =	spop (v2sf)  }
0x5a: {  	(v2sf) =	vpush v18, $0xC;
	s4 =	sand.u32 $0x7FFFFC00, s7  }
0x5b: {  	s4 =	sadd.s32 s23, s4  }
0x5c: {  	s4 =	sshrl.u32 s4, $0x3  }
0x5d: {  	s29 =	simm.s32 $0x5800;
	s2 =	spop (v2sf);
	s4 =	sadd.s32 s0, s4  }
0x5e: {  	(v2sf) =	vpush v18, $0xD;
	[tilespmem:s29], [sflag:$0x1] =	stream.strided.gather [hbm4b:s4+s9], $0x800, s11, s9, $0x38;
	[tilespmem:$0x1D000] =	vst v63  }
0x5f: {  	s4 =	sand.u32 $0x7FFFFC00, s2  }
0x60: {  	s4 =	sadd.s32 s23, s4  }
0x61: {  	s4 =	sshrl.u32 s4, $0x3  }
0x62: {  	s3 =	simm.s32 $0x6000;
	s7 =	spop (v2sf);
	s4 =	sadd.s32 s0, s4  }
0x63: {  	(v2sf) =	vpush v18, $0xE;
	[tilespmem:s3], [sflag:$0x1] =	stream.strided.gather [hbm4b:s4+s9], $0x800, s11, s9, $0x38;
	[tilespmem:$0x1D000] =	vst v63  }
0x64: {  	s4 =	sand.u32 $0x7FFFFC00, s7  }
0x65: {  	s4 =	sadd.s32 s23, s4  }
0x66: {  	s4 =	sshrl.u32 s4, $0x3  }
0x67: {  	s29 =	simm.s32 $0x6800;
	s4 =	sadd.s32 s0, s4  }
0x68: {  	[tilespmem:s29], [sflag:$0x1] =	stream.strided.gather [hbm4b:s4+s9], $0x800, s11, s9, $0x38;
	[tilespmem:$0x1D000] =	vst v63  }
0x69: {  	s2 =	spop (v2sf)  }
0x6a: {  	(v2sf) =	vpush v18, $0xF;
	s4 =	sand.u32 $0x7FFFFC00, s2  }
0x6b: {  	s4 =	sadd.s32 s23, s4  }
0x6c: {  	s4 =	sshrl.u32 s4, $0x3  }
0x6d: {  	s3 =	simm.s32 $0x7000;
	s7 =	spop (v2sf);
	s4 =	sadd.s32 s0, s4  }
0x6e: {  	[tilespmem:s3], [sflag:$0x1] =	stream.strided.gather [hbm4b:s4+s9], $0x800, s11, s9, $0x38;
	[tilespmem:$0x1D000] =	vst v63  }
0x6f: {  	s4 =	sand.u32 $0x7FFFFC00, s7  }
0x70: {  	s4 =	sadd.s32 s23, s4  }
0x71: {  	s4 =	sshrl.u32 s4, $0x3  }
0x72: {  	s29 =	simm.s32 $0x7800;
	s3 =	spop (v2sf);
	s4 =	sadd.s32 s0, s4  }
0x73: {  	[tilespmem:s29], [sflag:$0x1] =	stream.strided.gather [hbm4b:s4+s9], $0x800, s11, s9, $0x38;
	[tilespmem:$0x1D000] =	vst v63  }
0x74: {  	s4 =	sand.u32 $0x7FFFFC00, s3  }
0x75: {  	s4 =	sadd.s32 s23, s4  }
0x76: {  	s4 =	sshrl.u32 s4, $0x3  }
0x77: {  	s4 =	sadd.s32 s0, s4  }
0x78: {  	[tilespmem:s26], [sflag:$0x1] =	stream.strided.gather [hbm4b:s4+s9], $0x800, s11, s9, $0x38;
	[tilespmem:$0x1D000] =	vst v63  }
0x79: {  	s7 =	spop (v2sf)  }
0x7a: {  	s4 =	sand.u32 $0x7FFFFC00, s7  }
0x7b: {  	s4 =	sadd.s32 s23, s4  }
0x7c: {  	s4 =	sshrl.u32 s4, $0x3  }
0x7d: {  	s29 =	simm.s32 $0x8800;
	s4 =	sadd.s32 s0, s4  }
0x7e: {  	[tilespmem:s29], [sflag:$0x1] =	stream.strided.gather [hbm4b:s4+s9], $0x800, s11, s9, $0x38;
	[tilespmem:$0x1D000] =	vst v63  }
0x7f: {  	v18 =	vld [tilespmem:s1+$0x10];
	_ =	sdelay $0x4  }
0x80: {  	v19 =	vshll.u32 v18, $0x3  }
0x81: {  	(v2sf) =	vpush v19, $0x0;
	_ =	sdelay $0x3  }
0x82: {  	(v2sf) =	vpush v19, $0x1;
	_ =	sdelay $0x3  }
0x83: {  	(v2sf) =	vpush v19, $0x2;
	_ =	sdelay $0x6  }
0x84: {  	s3 =	spop (v2sf);
	(v2sf) =	vpush v19, $0x3;
	_ =	sdelay $0x1  }
0x85: {  	s1 =	sand.u32 $0x7FFFFC00, s3  }
0x86: {  	s1 =	sadd.s32 s23, s1  }
0x87: {  	s7 =	spop (v2sf);
	(v2sf) =	vpush v19, $0x4;
	s1 =	sshrl.u32 s1, $0x3  }
0x88: {  	s4 =	simm.s32 $0x9000;
	s1 =	sadd.s32 s0, s1  }
0x89: {  	[tilespmem:s4], [sflag:$0x2] =	stream.strided.gather [hbm4b:s1+s9], $0x800, s11, s9, $0x38;
	[tilespmem:$0x1D000] =	vst v63  }
0x8a: {  	s1 =	sand.u32 $0x7FFFFC00, s7  }
0x8b: {  	s3 =	spop (v2sf);
	(v2sf) =	vpush v19, $0x5;
	s1 =	sadd.s32 s23, s1  }
0x8c: {  	s1 =	sshrl.u32 s1, $0x3  }
0x8d: {  	s29 =	simm.s32 $0x9800;
	s1 =	sadd.s32 s0, s1  }
0x8e: {  	[tilespmem:s29], [sflag:$0x2] =	stream.strided.gather [hbm4b:s1+s9], $0x800, s11, s9, $0x38;
	[tilespmem:$0x1D000] =	vst v63  }
0x8f: {  	s1 =	sand.u32 $0x7FFFFC00, s3  }
0x90: {  	s1 =	sadd.s32 s23, s1  }
0x91: {  	s1 =	sshrl.u32 s1, $0x3  }
0x92: {  	s4 =	simm.s32 $0xA000;
	s1 =	sadd.s32 s0, s1;
	s7 =	spop (v2sf);
	(v2sf) =	vpush v19, $0x6  }
0x93: {  	[tilespmem:s4], [sflag:$0x2] =	stream.strided.gather [hbm4b:s1+s9], $0x800, s11, s9, $0x38;
	[tilespmem:$0x1D000] =	vst v63  }
0x94: {  	s1 =	sand.u32 $0x7FFFFC00, s7  }
0x95: {  	s1 =	sadd.s32 s23, s1  }
0x96: {  	s3 =	spop (v2sf);
	(v2sf) =	vpush v19, $0x7;
	s1 =	sshrl.u32 s1, $0x3  }
0x97: {  	s29 =	simm.s32 $0xA800;
	s1 =	sadd.s32 s0, s1  }
0x98: {  	[tilespmem:s29], [sflag:$0x2] =	stream.strided.gather [hbm4b:s1+s9], $0x800, s11, s9, $0x38;
	[tilespmem:$0x1D000] =	vst v63  }
0x99: {  	s1 =	sand.u32 $0x7FFFFC00, s3  }
0x9a: {  	s7 =	spop (v2sf);
	(v2sf) =	vpush v19, $0x8;
	s1 =	sadd.s32 s23, s1  }
0x9b: {  	s1 =	sshrl.u32 s1, $0x3  }
0x9c: {  	s4 =	simm.s32 $0xB000;
	s1 =	sadd.s32 s0, s1  }
0x9d: {  	[tilespmem:s4], [sflag:$0x2] =	stream.strided.gather [hbm4b:s1+s9], $0x800, s11, s9, $0x38;
	[tilespmem:$0x1D000] =	vst v63  }
0x9e: {  	s1 =	sand.u32 $0x7FFFFC00, s7  }
0x9f: {  	s1 =	sadd.s32 s23, s1  }
0xa0: {  	s1 =	sshrl.u32 s1, $0x3  }
0xa1: {  	s29 =	simm.s32 $0xB800;
	s1 =	sadd.s32 s0, s1;
	s2 =	spop (v2sf);
	(v2sf) =	vpush v19, $0x9  }
0xa2: {  	[tilespmem:s29], [sflag:$0x2] =	stream.strided.gather [hbm4b:s1+s9], $0x800, s11, s9, $0x38;
	[tilespmem:$0x1D000] =	vst v63  }
0xa3: {  	s1 =	sand.u32 $0x7FFFFC00, s2  }
0xa4: {  	s1 =	sadd.s32 s23, s1  }
0xa5: {  	s4 =	spop (v2sf);
	(v2sf) =	vpush v19, $0xA;
	s1 =	sshrl.u32 s1, $0x3  }
0xa6: {  	s3 =	simm.s32 $0xC000;
	s1 =	sadd.s32 s0, s1  }
0xa7: {  	[tilespmem:s3], [sflag:$0x2] =	stream.strided.gather [hbm4b:s1+s9], $0x800, s11, s9, $0x38;
	[tilespmem:$0x1D000] =	vst v63  }
0xa8: {  	s1 =	sand.u32 $0x7FFFFC00, s4  }
0xa9: {  	s29 =	spop (v2sf);
	(v2sf) =	vpush v19, $0xB;
	s1 =	sadd.s32 s23, s1  }
0xaa: {  	s1 =	sshrl.u32 s1, $0x3  }
0xab: {  	s7 =	simm.s32 $0xC800;
	s1 =	sadd.s32 s0, s1  }
0xac: {  	[tilespmem:s7], [sflag:$0x2] =	stream.strided.gather [hbm4b:s1+s9], $0x800, s11, s9, $0x38;
	[tilespmem:$0x1D000] =	vst v63  }
0xad: {  	s1 =	sand.u32 $0x7FFFFC00, s29  }
0xae: {  	s1 =	sadd.s32 s23, s1  }
0xaf: {  	s1 =	sshrl.u32 s1, $0x3  }
0xb0: {  	s1 =	sadd.s32 s0, s1;
	s2 =	spop (v2sf);
	(v2sf) =	vpush v19, $0xC  }
0xb1: {  	[tilespmem:s8], [sflag:$0x2] =	stream.strided.gather [hbm4b:s1+s9], $0x800, s11, s9, $0x38;
	[tilespmem:$0x1D000] =	vst v63  }
0xb2: {  	s1 =	sand.u32 $0x7FFFFC00, s2  }
0xb3: {  	s1 =	sadd.s32 s23, s1  }
0xb4: {  	s3 =	spop (v2sf);
	(v2sf) =	vpush v19, $0xD;
	s1 =	sshrl.u32 s1, $0x3  }
0xb5: {  	s1 =	sadd.s32 s0, s1  }
0xb6: {  	[tilespmem:s5], [sflag:$0x2] =	stream.strided.gather [hbm4b:s1+s9], $0x800, s11, s9, $0x38;
	[tilespmem:$0x1D000] =	vst v63  }
0xb7: {  	s1 =	sand.u32 $0x7FFFFC00, s3  }
0xb8: {  	s4 =	spop (v2sf);
	(v2sf) =	vpush v19, $0xE;
	s1 =	sadd.s32 s23, s1  }
0xb9: {  	s1 =	sshrl.u32 s1, $0x3  }
0xba: {  	s1 =	sadd.s32 s0, s1  }
0xbb: {  	[tilespmem:s6], [sflag:$0x2] =	stream.strided.gather [hbm4b:s1+s9], $0x800, s11, s9, $0x38;
	[tilespmem:$0x1D000] =	vst v63  }
0xbc: {  	s1 =	sand.u32 $0x7FFFFC00, s4  }
0xbd: {  	s1 =	sadd.s32 s23, s1  }
0xbe: {  	s1 =	sshrl.u32 s1, $0x3  }
0xbf: {  	s1 =	sadd.s32 s0, s1;
	s7 =	spop (v2sf);
	(v2sf) =	vpush v19, $0xF  }
0xc0: {  	[tilespmem:s13], [sflag:$0x2] =	stream.strided.gather [hbm4b:s1+s9], $0x800, s11, s9, $0x38;
	[tilespmem:$0x1D000] =	vst v63  }
0xc1: {  	s1 =	sand.u32 $0x7FFFFC00, s7  }
0xc2: {  	s1 =	sadd.s32 s23, s1  }
0xc3: {  	s29 =	spop (v2sf);
	s1 =	sshrl.u32 s1, $0x3  }
0xc4: {  	s2 =	sand.u32 $0x7FFFFC00, s29;
	s1 =	sadd.s32 s0, s1  }
0xc5: {  	[tilespmem:s15], [sflag:$0x2] =	stream.strided.gather [hbm4b:s1+s9], $0x800, s11, s9, $0x38;
	[tilespmem:$0x1D000] =	vst v63  }
0xc6: {  	s1 =	sadd.s32 s23, s2  }
0xc7: {  	s3 =	spop (v2sf);
	s1 =	sshrl.u32 s1, $0x3  }
0xc8: {  	s7 =	sand.u32 $0x7FFFFC00, s3;
	s1 =	sadd.s32 s0, s1  }
0xc9: {  	[tilespmem:s16], [sflag:$0x2] =	stream.strided.gather [hbm4b:s1+s9], $0x800, s11, s9, $0x38;
	[tilespmem:$0x1D000] =	vst v63  }
0xca: {  	s1 =	sadd.s32 s23, s7  }
0xcb: {  	s1 =	sshrl.u32 s1, $0x3  }
0xcc: {  	s1 =	sadd.s32 s0, s1  }
0xcd: {  	[tilespmem:s17], [sflag:$0x2] =	stream.strided.gather [hbm4b:s1+s9], $0x800, s11, s9, $0x38;
	[tilespmem:$0x1D000] =	vst v63  }
0xce: {  	s29 =	spop (v2sf)  }
0xcf: {  	s1 =	sand.u32 $0x7FFFFC00, s29  }
0xd0: {  	s1 =	sadd.s32 s23, s1  }
0xd1: {  	s30 =	simm.s32 $0xF;
	s1 =	sshrl.u32 s1, $0x3  }
0xd2: {  	s31 =	simm.s32 $0x0;
	s3 =	sshllo.u32 s22, $0x6;
	s1 =	sadd.s32 s0, s1  }
0xd3: {  	[tilespmem:s18], [sflag:$0x2] =	stream.strided.gather [hbm4b:s1+s9], $0x800, s11, s9, $0x38;
	[tilespmem:$0x1D000] =	vst v63  }
.LBB2_4:
0xd4: {  	s1 =	smul.u32 $0xAB, s31;
	_ =	sdelay $0x1  }
0xd5: {  	s1 =	sshrl.u32 s1, $0x9  }
0xd6: {  	s1 =	sand.u32 $0x7F, s1  }
0xd7: {  	s1 =	smul.u32 $0x3, s1;
	_ =	sdelay $0x1  }
0xd8: {  	s1 =	ssub.s32 s31, s1  }
0xd9: {  	s1 =	sand.u32 $0xFF, s1  }
0xda: {  	s4 =	sadd.s32 $0x1, s1  }
0xdb: {  	_ =	swait.ge [sflag:s4], $0x800  }
0xdc: {  	[sflag:s4] =	ssyncset.done $0x0  }
0xdd: {  	[sflag:s4] =	ssyncadd.s32 $0xFFFFF800  }
0xde: {  	_ =	swait.ge [sflag:s4], $0x800  }
0xdf: {  	[sflag:s4] =	ssyncset.done $0x0  }
0xe0: {  	[sflag:s4] =	ssyncadd.s32 $0xFFFFF800  }
0xe1: {  	_ =	swait.ge [sflag:s4], $0x800  }
0xe2: {  	[sflag:s4] =	ssyncset.done $0x0  }
0xe3: {  	[sflag:s4] =	ssyncadd.s32 $0xFFFFF800  }
0xe4: {  	_ =	swait.ge [sflag:s4], $0x800  }
0xe5: {  	[sflag:s4] =	ssyncset.done $0x0  }
0xe6: {  	[sflag:s4] =	ssyncadd.s32 $0xFFFFF800  }
0xe7: {  	_ =	swait.ge [sflag:s4], $0x800  }
0xe8: {  	[sflag:s4] =	ssyncset.done $0x0  }
0xe9: {  	[sflag:s4] =	ssyncadd.s32 $0xFFFFF800  }
0xea: {  	_ =	swait.ge [sflag:s4], $0x800  }
0xeb: {  	[sflag:s4] =	ssyncset.done $0x0  }
0xec: {  	[sflag:s4] =	ssyncadd.s32 $0xFFFFF800  }
0xed: {  	_ =	swait.ge [sflag:s4], $0x800  }
0xee: {  	[sflag:s4] =	ssyncset.done $0x0  }
0xef: {  	[sflag:s4] =	ssyncadd.s32 $0xFFFFF800  }
0xf0: {  	_ =	swait.ge [sflag:s4], $0x800  }
0xf1: {  	[sflag:s4] =	ssyncset.done $0x0  }
0xf2: {  	[sflag:s4] =	ssyncadd.s32 $0xFFFFF800  }
0xf3: {  	_ =	swait.ge [sflag:s4], $0x800  }
0xf4: {  	[sflag:s4] =	ssyncset.done $0x0  }
0xf5: {  	[sflag:s4] =	ssyncadd.s32 $0xFFFFF800  }
0xf6: {  	_ =	swait.ge [sflag:s4], $0x800  }
0xf7: {  	[sflag:s4] =	ssyncset.done $0x0  }
0xf8: {  	[sflag:s4] =	ssyncadd.s32 $0xFFFFF800  }
0xf9: {  	_ =	swait.ge [sflag:s4], $0x800  }
0xfa: {  	[sflag:s4] =	ssyncset.done $0x0  }
0xfb: {  	[sflag:s4] =	ssyncadd.s32 $0xFFFFF800  }
0xfc: {  	_ =	swait.ge [sflag:s4], $0x800  }
0xfd: {  	[sflag:s4] =	ssyncset.done $0x0  }
0xfe: {  	[sflag:s4] =	ssyncadd.s32 $0xFFFFF800  }
0xff: {  	_ =	swait.ge [sflag:s4], $0x800  }
0x100: {  	[sflag:s4] =	ssyncset.done $0x0  }
0x101: {  	[sflag:s4] =	ssyncadd.s32 $0xFFFFF800  }
0x102: {  	_ =	swait.ge [sflag:s4], $0x800  }
0x103: {  	[sflag:s4] =	ssyncset.done $0x0  }
0x104: {  	[sflag:s4] =	ssyncadd.s32 $0xFFFFF800  }
0x105: {  	_ =	swait.ge [sflag:s4], $0x800  }
0x106: {  	s7 =	sadd.s32 s31, s25;
	[sflag:s4] =	ssyncset.done $0x0  }
0x107: {  	s29 =	smov.u32 s3;
	p1 =	slt.s32 s7, s3;
	[sflag:s4] =	ssyncadd.s32 $0xFFFFF800  }
0x108: {  	s29 =	smov.u32 @p1 s7;
	_ =	swait.ge [sflag:s4], $0x800  }
0x109: {  	s7 =	sshll.u32 s29, $0x4;
	[sflag:s4] =	ssyncset.done $0x0  }
0x10a: {  	s7 =	sand.u32 $0x3FFFFFF0, s7;
	[sflag:s4] =	ssyncadd.s32 $0xFFFFF800  }
0x10b: {  	v19 =	vmov v17;
	v17 =	vmov v18;
	v18 =	vld [tilespmem:s7+$0x0];
	_ =	sdelay $0x4  }
0x10c: {  	v20 =	vshll.u32 v18, $0x3  }
0x10d: {  	(v2sf) =	vpush v20, $0x0;
	_ =	sdelay $0x5  }
0x10e: {  	(v2sf) =	vpush v20, $0x1;
	_ =	sdelay $0x2  }
0x10f: {  	s4 =	sadd.s32 $0x2, s31  }
0x110: {  	s29 =	sand.u32 $0xFF, s4  }
0x111: {  	s7 =	smul.u32 $0xAB, s29  }
0x112: {  	(v2sf) =	vpush v20, $0x2  }
0x113: {  	s7 =	sshrl.u32 s7, $0x9  }
0x114: {  	s7 =	smul.u32 $0x3, s7  }
0x115: {  	s2 =	spop (v2sf)  }
0x116: {  	s4 =	ssub.s32 s4, s7;
	s2 =	sand.u32 $0x7FFFFC00, s2  }
0x117: {  	s4 =	sand.u32 $0xFF, s4;
	s29 =	sadd.s32 s23, s2  }
0x118: {  	s7 =	sshll.u32 s4, $0xF;
	(v2sf) =	vpush v20, $0x3;
	s29 =	sshrl.u32 s29, $0x3  }
0x119: {  	s4 =	sadd.s32 $0x1, s4;
	s2 =	sor.u32 $0x1000, s7;
	s29 =	sadd.s32 s0, s29  }
0x11a: {  	[tilespmem:s2], [sflag:s4] =	stream.strided.gather [hbm4b:s29+s9], $0x800, s11, s9, $0x38;
	[tilespmem:$0x1D000] =	vst v63  }
0x11b: {  	s29 =	spop (v2sf)  }
0x11c: {  	s2 =	sand.u32 $0x7FFFFC00, s29  }
0x11d: {  	s2 =	sadd.s32 s23, s2  }
0x11e: {  	(v2sf) =	vpush v20, $0x4;
	s2 =	sshrl.u32 s2, $0x3  }
0x11f: {  	s29 =	sor.u32 $0x1800, s7;
	s2 =	sadd.s32 s0, s2  }
0x120: {  	[tilespmem:s29], [sflag:s4] =	stream.strided.gather [hbm4b:s2+s9], $0x800, s11, s9, $0x38;
	[tilespmem:$0x1D000] =	vst v63  }
0x121: {  	s29 =	spop (v2sf)  }
0x122: {  	s2 =	sand.u32 $0x7FFFFC00, s29  }
0x123: {  	s2 =	sadd.s32 s23, s2  }
0x124: {  	(v2sf) =	vpush v20, $0x5;
	s2 =	sshrl.u32 s2, $0x3  }
0x125: {  	s29 =	sor.u32 $0x2000, s7;
	s2 =	sadd.s32 s0, s2  }
0x126: {  	[tilespmem:s29], [sflag:s4] =	stream.strided.gather [hbm4b:s2+s9], $0x800, s11, s9, $0x38;
	[tilespmem:$0x1D000] =	vst v63  }
0x127: {  	s29 =	spop (v2sf)  }
0x128: {  	s2 =	sand.u32 $0x7FFFFC00, s29  }
0x129: {  	s2 =	sadd.s32 s23, s2  }
0x12a: {  	(v2sf) =	vpush v20, $0x6;
	s2 =	sshrl.u32 s2, $0x3  }
0x12b: {  	s29 =	sor.u32 $0x2800, s7;
	s2 =	sadd.s32 s0, s2  }
0x12c: {  	[tilespmem:s29], [sflag:s4] =	stream.strided.gather [hbm4b:s2+s9], $0x800, s11, s9, $0x38;
	[tilespmem:$0x1D000] =	vst v63  }
0x12d: {  	s29 =	spop (v2sf)  }
0x12e: {  	s2 =	sand.u32 $0x7FFFFC00, s29  }
0x12f: {  	s2 =	sadd.s32 s23, s2  }
0x130: {  	(v2sf) =	vpush v20, $0x7;
	s2 =	sshrl.u32 s2, $0x3  }
0x131: {  	s29 =	sor.u32 $0x3000, s7;
	s2 =	sadd.s32 s0, s2  }
0x132: {  	[tilespmem:s29], [sflag:s4] =	stream.strided.gather [hbm4b:s2+s9], $0x800, s11, s9, $0x38;
	[tilespmem:$0x1D000] =	vst v63  }
0x133: {  	s29 =	spop (v2sf)  }
0x134: {  	s2 =	sand.u32 $0x7FFFFC00, s29  }
0x135: {  	s2 =	sadd.s32 s23, s2  }
0x136: {  	(v2sf) =	vpush v20, $0x8;
	s2 =	sshrl.u32 s2, $0x3  }
0x137: {  	s29 =	sor.u32 $0x3800, s7;
	s2 =	sadd.s32 s0, s2  }
0x138: {  	[tilespmem:s29], [sflag:s4] =	stream.strided.gather [hbm4b:s2+s9], $0x800, s11, s9, $0x38;
	[tilespmem:$0x1D000] =	vst v63  }
0x139: {  	s29 =	spop (v2sf)  }
0x13a: {  	s2 =	sand.u32 $0x7FFFFC00, s29  }
0x13b: {  	s2 =	sadd.s32 s23, s2  }
0x13c: {  	(v2sf) =	vpush v20, $0x9;
	s2 =	sshrl.u32 s2, $0x3  }
0x13d: {  	s29 =	sor.u32 $0x4000, s7;
	s2 =	sadd.s32 s0, s2  }
0x13e: {  	[tilespmem:s29], [sflag:s4] =	stream.strided.gather [hbm4b:s2+s9], $0x800, s11, s9, $0x38;
	[tilespmem:$0x1D000] =	vst v63  }
0x13f: {  	s29 =	spop (v2sf)  }
0x140: {  	s2 =	sand.u32 $0x7FFFFC00, s29  }
0x141: {  	s2 =	sadd.s32 s23, s2  }
0x142: {  	(v2sf) =	vpush v20, $0xA;
	s2 =	sshrl.u32 s2, $0x3  }
0x143: {  	s29 =	sor.u32 $0x4800, s7;
	s2 =	sadd.s32 s0, s2  }
0x144: {  	[tilespmem:s29], [sflag:s4] =	stream.strided.gather [hbm4b:s2+s9], $0x800, s11, s9, $0x38;
	[tilespmem:$0x1D000] =	vst v63  }
0x145: {  	s29 =	spop (v2sf)  }
0x146: {  	s2 =	sand.u32 $0x7FFFFC00, s29  }
0x147: {  	s2 =	sadd.s32 s23, s2  }
0x148: {  	(v2sf) =	vpush v20, $0xB;
	s2 =	sshrl.u32 s2, $0x3  }
0x149: {  	s29 =	sor.u32 $0x5000, s7;
	s2 =	sadd.s32 s0, s2  }
0x14a: {  	[tilespmem:s29], [sflag:s4] =	stream.strided.gather [hbm4b:s2+s9], $0x800, s11, s9, $0x38;
	[tilespmem:$0x1D000] =	vst v63  }
0x14b: {  	s29 =	spop (v2sf)  }
0x14c: {  	s2 =	sand.u32 $0x7FFFFC00, s29  }
0x14d: {  	s2 =	sadd.s32 s23, s2  }
0x14e: {  	(v2sf) =	vpush v20, $0xC;
	s2 =	sshrl.u32 s2, $0x3  }
0x14f: {  	s29 =	sor.u32 $0x5800, s7;
	s2 =	sadd.s32 s0, s2  }
0x150: {  	[tilespmem:s29], [sflag:s4] =	stream.strided.gather [hbm4b:s2+s9], $0x800, s11, s9, $0x38;
	[tilespmem:$0x1D000] =	vst v63  }
0x151: {  	s29 =	spop (v2sf)  }
0x152: {  	s2 =	sand.u32 $0x7FFFFC00, s29  }
0x153: {  	s2 =	sadd.s32 s23, s2  }
0x154: {  	(v2sf) =	vpush v20, $0xD;
	s2 =	sshrl.u32 s2, $0x3  }
0x155: {  	s29 =	sor.u32 $0x6000, s7;
	s2 =	sadd.s32 s0, s2  }
0x156: {  	[tilespmem:s29], [sflag:s4] =	stream.strided.gather [hbm4b:s2+s9], $0x800, s11, s9, $0x38;
	[tilespmem:$0x1D000] =	vst v63  }
0x157: {  	s29 =	spop (v2sf)  }
0x158: {  	s2 =	sand.u32 $0x7FFFFC00, s29  }
0x159: {  	s2 =	sadd.s32 s23, s2  }
0x15a: {  	(v2sf) =	vpush v20, $0xE;
	s2 =	sshrl.u32 s2, $0x3  }
0x15b: {  	s29 =	sor.u32 $0x6800, s7;
	s2 =	sadd.s32 s0, s2  }
0x15c: {  	[tilespmem:s29], [sflag:s4] =	stream.strided.gather [hbm4b:s2+s9], $0x800, s11, s9, $0x38;
	[tilespmem:$0x1D000] =	vst v63  }
0x15d: {  	s29 =	spop (v2sf)  }
0x15e: {  	s2 =	sand.u32 $0x7FFFFC00, s29  }
0x15f: {  	s2 =	sadd.s32 s23, s2  }
0x160: {  	(v2sf) =	vpush v20, $0xF;
	s2 =	sshrl.u32 s2, $0x3  }
0x161: {  	s29 =	sor.u32 $0x7000, s7;
	s2 =	sadd.s32 s0, s2  }
0x162: {  	[tilespmem:s29], [sflag:s4] =	stream.strided.gather [hbm4b:s2+s9], $0x800, s11, s9, $0x38;
	[tilespmem:$0x1D000] =	vst v63  }
0x163: {  	s29 =	spop (v2sf)  }
0x164: {  	s2 =	sand.u32 $0x7FFFFC00, s29  }
0x165: {  	s2 =	sadd.s32 s23, s2  }
0x166: {  	s2 =	sshrl.u32 s2, $0x3  }
0x167: {  	s29 =	sor.u32 $0x7800, s7;
	s2 =	sadd.s32 s0, s2  }
0x168: {  	[tilespmem:s29], [sflag:s4] =	stream.strided.gather [hbm4b:s2+s9], $0x800, s11, s9, $0x38;
	[tilespmem:$0x1D000] =	vst v63  }
0x169: {  	s29 =	spop (v2sf)  }
0x16a: {  	s2 =	sand.u32 $0x7FFFFC00, s29  }
0x16b: {  	s2 =	sadd.s32 s23, s2  }
0x16c: {  	v19 =	vand.u32 $0x7F, v19;
	s1 =	sshll.u32 s1, $0xF;
	s2 =	sshrl.u32 s2, $0x3  }
0x16d: {  	v20 =	vor.u32 s1, v19;
	s29 =	sadd.s32 $0x8000, s7;
	s2 =	sadd.s32 s0, s2  }
0x16e: {  	v20 =	vbroadcast v20, $0x0;
	[tilespmem:s29], [sflag:s4] =	stream.strided.gather [hbm4b:s2+s9], $0x800, s11, s9, $0x38;
	[tilespmem:$0x1D000] =	vst v63  }
0x16f: {  	s29 =	spop (v2sf)  }
0x170: {  	v20 =	vor.u32 v0, v20;
	s2 =	sand.u32 $0x7FFFFC00, s29;
	s29 =	sadd.s32 $0xFFFFFFF1, s30  }
0x171: {  	s2 =	sadd.s32 s23, s2;
	v21 =	vmov s29  }
0x172: {  	s2 =	sshrl.u32 s2, $0x3;
	v22 =	vshll.u32 v21, $0x3  }
0x173: {  	v23 =	vbroadcast v19, $0x1;
	s7 =	sadd.s32 $0x8800, s7;
	v21 =	vand.u32 $0x70, v21;
	s2 =	sadd.s32 s0, s2;
	v22 =	vand.u32 $0x1C00, v22  }
0x174: {  	[tilespmem:s7], [sflag:s4] =	stream.strided.gather [hbm4b:s2+s9], $0x800, s11, s9, $0x38;
	v21 =	vor.u32 v22, v21;
	[tilespmem:$0x1D000] =	vst v63  }
0x175: {  	v46 =	vor.u32 s1, v23;
	v20 =	vld.idx.msk [tilespmem:v20+s12+$0x0], $0xffff;
	v21 =	vor.u32 v1, v21  }
0x176: {  	v22 =	vor.u32 v2, v46;
	s7 =	sadd.s32 $0xFFFFFFF2, s30  }
0x177: {  	v47 =	vmov s7  }
0x178: {  	v24 =	vshll.u32 v47, $0x3  }
0x179: {  	v25 =	vbroadcast v19, $0x2;
	v23 =	vand.u32 $0x71, v47;
	v24 =	vand.u32 $0x1C00, v24  }
0x17a: {  	[tilespmem:v21+s19+$0x0] =	vst.idx.msk $0xffff, v20;
	v20 =	vor.u32 v24, v23  }
0x17b: {  	v48 =	vor.u32 s1, v25;
	v21 =	vld.idx.msk [tilespmem:v22+s12+$0x0], $0xffff;
	v20 =	vor.u32 v1, v20  }
0x17c: {  	s29 =	sadd.s32 $0xFFFFFFF3, s30;
	v22 =	vor.u32 v3, v48  }
0x17d: {  	v49 =	vmov s29  }
0x17e: {  	v50 =	vshll.u32 v49, $0x3  }
0x17f: {  	v51 =	vbroadcast v19, $0x3;
	v23 =	vand.u32 $0x72, v49;
	v24 =	vand.u32 $0x1C00, v50  }
0x180: {  	[tilespmem:v20+s19+$0x0] =	vst.idx.msk $0xffff, v21;
	v20 =	vor.u32 v24, v23  }
0x181: {  	v52 =	vor.u32 s1, v51;
	v21 =	vld.idx.msk [tilespmem:v22+s12+$0x0], $0xffff;
	v20 =	vor.u32 v1, v20  }
0x182: {  	s4 =	sadd.s32 $0xFFFFFFF4, s30;
	v22 =	vor.u32 v4, v52  }
0x183: {  	v53 =	vmov s4  }
0x184: {  	v54 =	vshll.u32 v53, $0x3  }
0x185: {  	v55 =	vbroadcast v19, $0x4;
	v23 =	vand.u32 $0x73, v53;
	v24 =	vand.u32 $0x1C00, v54  }
0x186: {  	[tilespmem:v20+s19+$0x0] =	vst.idx.msk $0xffff, v21;
	v20 =	vor.u32 v24, v23  }
0x187: {  	v56 =	vor.u32 s1, v55;
	v21 =	vld.idx.msk [tilespmem:v22+s12+$0x0], $0xffff;
	v20 =	vor.u32 v1, v20  }
0x188: {  	s7 =	sadd.s32 $0xFFFFFFF5, s30;
	v22 =	vor.u32 v5, v56  }
0x189: {  	v57 =	vmov s7  }
0x18a: {  	v58 =	vshll.u32 v57, $0x3  }
0x18b: {  	v59 =	vbroadcast v19, $0x5;
	v23 =	vand.u32 $0x74, v57;
	v24 =	vand.u32 $0x1C00, v58  }
0x18c: {  	[tilespmem:v20+s19+$0x0] =	vst.idx.msk $0xffff, v21;
	v20 =	vor.u32 v24, v23  }
0x18d: {  	v60 =	vor.u32 s1, v59;
	v21 =	vld.idx.msk [tilespmem:v22+s12+$0x0], $0xffff;
	v20 =	vor.u32 v1, v20  }
0x18e: {  	s29 =	sadd.s32 $0xFFFFFFF6, s30;
	v22 =	vor.u32 v6, v60  }
0x18f: {  	v61 =	vmov s29  }
0x190: {  	v62 =	vshll.u32 v61, $0x3  }
0x191: {  	v63 =	vbroadcast v19, $0x6;
	v23 =	vand.u32 $0x75, v61;
	v24 =	vand.u32 $0x1C00, v62  }
0x192: {  	[tilespmem:v20+s19+$0x0] =	vst.idx.msk $0xffff, v21;
	v20 =	vor.u32 v24, v23  }
0x193: {  	v27 =	vor.u32 s1, v63;
	v21 =	vld.idx.msk [tilespmem:v22+s12+$0x0], $0xffff;
	v20 =	vor.u32 v1, v20  }
0x194: {  	s4 =	sadd.s32 $0xFFFFFFF7, s30;
	v22 =	vor.u32 v7, v27  }
0x195: {  	v28 =	vmov s4  }
0x196: {  	v29 =	vshll.u32 v28, $0x3  }
0x197: {  	v30 =	vbroadcast v19, $0x7;
	v23 =	vand.u32 $0x76, v28;
	v24 =	vand.u32 $0x1C00, v29  }
0x198: {  	[tilespmem:v20+s19+$0x0] =	vst.idx.msk $0xffff, v21;
	v20 =	vor.u32 v24, v23  }
0x199: {  	v31 =	vor.u32 s1, v30;
	v21 =	vld.idx.msk [tilespmem:v22+s12+$0x0], $0xffff;
	v20 =	vor.u32 v1, v20  }
0x19a: {  	s7 =	sadd.s32 $0xFFFFFFF8, s30;
	v22 =	vor.u32 v8, v31  }
0x19b: {  	v32 =	vmov s7  }
0x19c: {  	v33 =	vshll.u32 v32, $0x3  }
0x19d: {  	v34 =	vbroadcast v19, $0x8;
	v23 =	vand.u32 $0x77, v32;
	v24 =	vand.u32 $0x1C00, v33  }
0x19e: {  	[tilespmem:v20+s19+$0x0] =	vst.idx.msk $0xffff, v21;
	v20 =	vor.u32 v24, v23  }
0x19f: {  	v35 =	vor.u32 s1, v34;
	v21 =	vld.idx.msk [tilespmem:v22+s12+$0x0], $0xffff;
	v20 =	vor.u32 v1, v20  }
0x1a0: {  	s29 =	sadd.s32 $0xFFFFFFF9, s30;
	v22 =	vor.u32 v9, v35  }
0x1a1: {  	v36 =	vmov s29  }
0x1a2: {  	v37 =	vshll.u32 v36, $0x3  }
0x1a3: {  	v38 =	vbroadcast v19, $0x9;
	v23 =	vand.u32 $0x78, v36;
	v24 =	vand.u32 $0x1C00, v37  }
0x1a4: {  	[tilespmem:v20+s19+$0x0] =	vst.idx.msk $0xffff, v21;
	v20 =	vor.u32 v24, v23  }
0x1a5: {  	v39 =	vor.u32 s1, v38;
	v21 =	vld.idx.msk [tilespmem:v22+s12+$0x0], $0xffff;
	v20 =	vor.u32 v1, v20  }
0x1a6: {  	s4 =	sadd.s32 $0xFFFFFFFA, s30;
	v22 =	vor.u32 v10, v39  }
0x1a7: {  	v40 =	vmov s4  }
0x1a8: {  	v41 =	vshll.u32 v40, $0x3  }
0x1a9: {  	v42 =	vbroadcast v19, $0xA;
	v23 =	vand.u32 $0x79, v40;
	v24 =	vand.u32 $0x1C00, v41  }
0x1aa: {  	[tilespmem:v20+s19+$0x0] =	vst.idx.msk $0xffff, v21;
	v20 =	vor.u32 v24, v23  }
0x1ab: {  	v43 =	vor.u32 s1, v42;
	v21 =	vld.idx.msk [tilespmem:v22+s12+$0x0], $0xffff;
	v20 =	vor.u32 v1, v20  }
0x1ac: {  	s7 =	sadd.s32 $0xFFFFFFFB, s30;
	v22 =	vor.u32 v11, v43  }
0x1ad: {  	v44 =	vmov s7  }
0x1ae: {  	v45 =	vshll.u32 v44, $0x3  }
0x1af: {  	v46 =	vbroadcast v19, $0xB;
	v23 =	vand.u32 $0x7A, v44;
	v24 =	vand.u32 $0x1C00, v45  }
0x1b0: {  	[tilespmem:v20+s19+$0x0] =	vst.idx.msk $0xffff, v21;
	v20 =	vor.u32 v24, v23  }
0x1b1: {  	v47 =	vor.u32 s1, v46;
	v21 =	vld.idx.msk [tilespmem:v22+s12+$0x0], $0xffff;
	v20 =	vor.u32 v1, v20  }
0x1b2: {  	s29 =	sadd.s32 $0xFFFFFFFC, s30;
	v22 =	vor.u32 v12, v47  }
0x1b3: {  	v48 =	vmov s29  }
0x1b4: {  	v49 =	vshll.u32 v48, $0x3  }
0x1b5: {  	v50 =	vbroadcast v19, $0xC;
	v23 =	vand.u32 $0x7B, v48;
	v24 =	vand.u32 $0x1C00, v49  }
0x1b6: {  	[tilespmem:v20+s19+$0x0] =	vst.idx.msk $0xffff, v21;
	v20 =	vor.u32 v24, v23  }
0x1b7: {  	v51 =	vor.u32 s1, v50;
	v21 =	vld.idx.msk [tilespmem:v22+s12+$0x0], $0xffff;
	v20 =	vor.u32 v1, v20  }
0x1b8: {  	s4 =	sadd.s32 $0xFFFFFFFD, s30;
	v22 =	vor.u32 v13, v51  }
0x1b9: {  	v52 =	vmov s4  }
0x1ba: {  	v53 =	vshll.u32 v52, $0x3  }
0x1bb: {  	v54 =	vbroadcast v19, $0xD;
	v23 =	vand.u32 $0x7C, v52;
	v24 =	vand.u32 $0x1C00, v53  }
0x1bc: {  	[tilespmem:v20+s19+$0x0] =	vst.idx.msk $0xffff, v21;
	v20 =	vor.u32 v24, v23  }
0x1bd: {  	v55 =	vor.u32 s1, v54;
	v21 =	vld.idx.msk [tilespmem:v22+s12+$0x0], $0xffff;
	v20 =	vor.u32 v1, v20  }
0x1be: {  	s7 =	sadd.s32 $0xFFFFFFFE, s30;
	v22 =	vor.u32 v14, v55  }
0x1bf: {  	v56 =	vmov s7  }
0x1c0: {  	v57 =	vshll.u32 v56, $0x3  }
0x1c1: {  	v58 =	vbroadcast v19, $0xE;
	v23 =	vand.u32 $0x7D, v56;
	v24 =	vand.u32 $0x1C00, v57  }
0x1c2: {  	[tilespmem:v20+s19+$0x0] =	vst.idx.msk $0xffff, v21;
	v20 =	vor.u32 v24, v23  }
0x1c3: {  	v59 =	vor.u32 s1, v58;
	v21 =	vld.idx.msk [tilespmem:v22+s12+$0x0], $0xffff;
	v20 =	vor.u32 v1, v20  }
0x1c4: {  	s29 =	sadd.s32 $0xFFFFFFFF, s30;
	v22 =	vor.u32 v15, v59  }
0x1c5: {  	v60 =	vmov s29  }
0x1c6: {  	v61 =	vshll.u32 v60, $0x3  }
0x1c7: {  	v19 =	vbroadcast v19, $0xF;
	v23 =	vand.u32 $0x7E, v60;
	v24 =	vand.u32 $0x1C00, v61  }
0x1c8: {  	[tilespmem:v20+s19+$0x0] =	vst.idx.msk $0xffff, v21;
	v20 =	vor.u32 v24, v23  }
0x1c9: {  	v19 =	vor.u32 s1, v19;
	v21 =	vld.idx.msk [tilespmem:v22+s12+$0x0], $0xffff;
	v20 =	vor.u32 v1, v20  }
0x1ca: {  	v19 =	vor.u32 v16, v19  }
0x1cb: {  	v62 =	vmov s30  }
0x1cc: {  	v63 =	vshll.u32 v62, $0x3  }
0x1cd: {  	v23 =	vand.u32 $0x1C00, v63;
	v22 =	vand.u32 $0x7F, v62  }
0x1ce: {  	[tilespmem:v20+s19+$0x0] =	vst.idx.msk $0xffff, v21;
	v20 =	vor.u32 v23, v22  }
0x1cf: {  	p1 =	sne.s32 s30, $0x3FF;
	v19 =	vld.idx.msk [tilespmem:v19+s12+$0x0], $0xffff;
	v20 =	vor.u32 v1, v20  }
.Ltmp0:
0x1d0: {  	_ = 	snop;
	(pc) =	sbr.rel @p1 .LBB2_4-.Ltmp0, $2  }
0x1d1: {  	_ =	sdelay $0x2  }
0x1d2: {  	s31 =	sadd.s32 $0x1, s31;
	s30 =	sadd.s32 $0x10, s30;
	[tilespmem:v20+s19+$0x0] =	vst.idx.msk $0xffff, v19  }
0x1d3: {  	_ =	swait.ge [sflag:s20], $0x800  }
0x1d4: {  	[sflag:s20] =	ssyncset.done $0x0  }
0x1d5: {  	[sflag:s20] =	ssyncadd.s32 $0xFFFFF800  }
0x1d6: {  	_ =	swait.ge [sflag:s20], $0x800  }
0x1d7: {  	[sflag:s20] =	ssyncset.done $0x0  }
0x1d8: {  	[sflag:s20] =	ssyncadd.s32 $0xFFFFF800  }
0x1d9: {  	_ =	swait.ge [sflag:s20], $0x800  }
0x1da: {  	[sflag:s20] =	ssyncset.done $0x0  }
0x1db: {  	[sflag:s20] =	ssyncadd.s32 $0xFFFFF800  }
0x1dc: {  	_ =	swait.ge [sflag:s20], $0x800  }
0x1dd: {  	[sflag:s20] =	ssyncset.done $0x0  }
0x1de: {  	[sflag:s20] =	ssyncadd.s32 $0xFFFFF800  }
0x1df: {  	_ =	swait.ge [sflag:s20], $0x800  }
0x1e0: {  	[sflag:s20] =	ssyncset.done $0x0  }
0x1e1: {  	[sflag:s20] =	ssyncadd.s32 $0xFFFFF800  }
0x1e2: {  	_ =	swait.ge [sflag:s20], $0x800  }
0x1e3: {  	[sflag:s20] =	ssyncset.done $0x0  }
0x1e4: {  	[sflag:s20] =	ssyncadd.s32 $0xFFFFF800  }
0x1e5: {  	_ =	swait.ge [sflag:s20], $0x800  }
0x1e6: {  	[sflag:s20] =	ssyncset.done $0x0  }
0x1e7: {  	[sflag:s20] =	ssyncadd.s32 $0xFFFFF800  }
0x1e8: {  	_ =	swait.ge [sflag:s20], $0x800  }
0x1e9: {  	[sflag:s20] =	ssyncset.done $0x0  }
0x1ea: {  	[sflag:s20] =	ssyncadd.s32 $0xFFFFF800  }
0x1eb: {  	_ =	swait.ge [sflag:s20], $0x800  }
0x1ec: {  	[sflag:s20] =	ssyncset.done $0x0  }
0x1ed: {  	[sflag:s20] =	ssyncadd.s32 $0xFFFFF800  }
0x1ee: {  	_ =	swait.ge [sflag:s20], $0x800  }
0x1ef: {  	[sflag:s20] =	ssyncset.done $0x0  }
0x1f0: {  	[sflag:s20] =	ssyncadd.s32 $0xFFFFF800  }
0x1f1: {  	_ =	swait.ge [sflag:s20], $0x800  }
0x1f2: {  	[sflag:s20] =	ssyncset.done $0x0  }
0x1f3: {  	[sflag:s20] =	ssyncadd.s32 $0xFFFFF800  }
0x1f4: {  	_ =	swait.ge [sflag:s20], $0x800  }
0x1f5: {  	[sflag:s20] =	ssyncset.done $0x0  }
0x1f6: {  	[sflag:s20] =	ssyncadd.s32 $0xFFFFF800  }
0x1f7: {  	_ =	swait.ge [sflag:s20], $0x800  }
0x1f8: {  	[sflag:s20] =	ssyncset.done $0x0  }
0x1f9: {  	[sflag:s20] =	ssyncadd.s32 $0xFFFFF800  }
0x1fa: {  	_ =	swait.ge [sflag:s20], $0x800  }
0x1fb: {  	[sflag:s20] =	ssyncset.done $0x0  }
0x1fc: {  	[sflag:s20] =	ssyncadd.s32 $0xFFFFF800  }
0x1fd: {  	_ =	swait.ge [sflag:s20], $0x800  }
0x1fe: {  	[sflag:s20] =	ssyncset.done $0x0  }
0x1ff: {  	[sflag:s20] =	ssyncadd.s32 $0xFFFFF800  }
0x200: {  	_ =	swait.ge [sflag:s20], $0x800  }
0x201: {  	[sflag:s20] =	ssyncset.done $0x0  }
0x202: {  	[sflag:s20] =	ssyncadd.s32 $0xFFFFF800  }
0x203: {  	_ =	swait.ge [sflag:s21], $0x800  }
0x204: {  	[sflag:s21] =	ssyncset.done $0x0  }
0x205: {  	[sflag:s21] =	ssyncadd.s32 $0xFFFFF800  }
0x206: {  	_ =	swait.ge [sflag:s21], $0x800  }
0x207: {  	[sflag:s21] =	ssyncset.done $0x0  }
0x208: {  	[sflag:s21] =	ssyncadd.s32 $0xFFFFF800  }
0x209: {  	_ =	swait.ge [sflag:s21], $0x800  }
0x20a: {  	[sflag:s21] =	ssyncset.done $0x0  }
0x20b: {  	[sflag:s21] =	ssyncadd.s32 $0xFFFFF800  }
0x20c: {  	_ =	swait.ge [sflag:s21], $0x800  }
0x20d: {  	[sflag:s21] =	ssyncset.done $0x0  }
0x20e: {  	[sflag:s21] =	ssyncadd.s32 $0xFFFFF800  }
0x20f: {  	_ =	swait.ge [sflag:s21], $0x800  }
0x210: {  	[sflag:s21] =	ssyncset.done $0x0  }
0x211: {  	[sflag:s21] =	ssyncadd.s32 $0xFFFFF800  }
0x212: {  	_ =	swait.ge [sflag:s21], $0x800  }
0x213: {  	[sflag:s21] =	ssyncset.done $0x0  }
0x214: {  	[sflag:s21] =	ssyncadd.s32 $0xFFFFF800  }
0x215: {  	_ =	swait.ge [sflag:s21], $0x800  }
0x216: {  	[sflag:s21] =	ssyncset.done $0x0  }
0x217: {  	[sflag:s21] =	ssyncadd.s32 $0xFFFFF800  }
0x218: {  	_ =	swait.ge [sflag:s21], $0x800  }
0x219: {  	[sflag:s21] =	ssyncset.done $0x0  }
0x21a: {  	[sflag:s21] =	ssyncadd.s32 $0xFFFFF800  }
0x21b: {  	_ =	swait.ge [sflag:s21], $0x800  }
0x21c: {  	[sflag:s21] =	ssyncset.done $0x0  }
0x21d: {  	[sflag:s21] =	ssyncadd.s32 $0xFFFFF800  }
0x21e: {  	_ =	swait.ge [sflag:s21], $0x800  }
0x21f: {  	[sflag:s21] =	ssyncset.done $0x0  }
0x220: {  	[sflag:s21] =	ssyncadd.s32 $0xFFFFF800  }
0x221: {  	_ =	swait.ge [sflag:s21], $0x800  }
0x222: {  	[sflag:s21] =	ssyncset.done $0x0  }
0x223: {  	[sflag:s21] =	ssyncadd.s32 $0xFFFFF800  }
0x224: {  	_ =	swait.ge [sflag:s21], $0x800  }
0x225: {  	[sflag:s21] =	ssyncset.done $0x0  }
0x226: {  	[sflag:s21] =	ssyncadd.s32 $0xFFFFF800  }
0x227: {  	_ =	swait.ge [sflag:s21], $0x800  }
0x228: {  	[sflag:s21] =	ssyncset.done $0x0  }
0x229: {  	[sflag:s21] =	ssyncadd.s32 $0xFFFFF800  }
0x22a: {  	_ =	swait.ge [sflag:s21], $0x800  }
0x22b: {  	[sflag:s21] =	ssyncset.done $0x0  }
0x22c: {  	[sflag:s21] =	ssyncadd.s32 $0xFFFFF800  }
0x22d: {  	_ =	swait.ge [sflag:s21], $0x800  }
0x22e: {  	[sflag:s21] =	ssyncset.done $0x0  }
0x22f: {  	[sflag:s21] =	ssyncadd.s32 $0xFFFFF800  }
0x230: {  	s22 =	sadd.s32 $0x1, s22;
	_ =	swait.ge [sflag:s21], $0x800  }
0x231: {  	p1 =	sne.s32 s22, $0x4;
	[sflag:s21] =	ssyncset.done $0x0  }
.Ltmp1:
0x232: {  	s1 =	sadd.s32 s28, s24;
	[sflag:s21] =	ssyncadd.s32 $0xFFFFF800;
	(pc) =	sbr.rel @p1 .LBB2_3-.Ltmp1, $4  }
0x233: {  	[hbm4b:s1+s14] =	stream.strided.scatter [tilespmem:s19], [sflag:$0x4], $0x4000, s26, s14, $0x38;
	[tilespmem:$0x1D000] =	vst v63  }
0x234: {  	_ =	swait.ge [sflag:s10], $0x4000  }
0x235: {  	[sflag:s10] =	ssyncset.done $0x0  }
0x236: {  	s25 =	sadd.s32 $0x40, s25;
	[sflag:s10] =	ssyncadd.s32 $0xFFFFC000  }
.Ltmp2:
0x237: {  	(pc) =	sbr.rel @p0 .LBB2_2-.Ltmp2, $2  }
0x238: {  	_ =	sdelay $0x2  }
0x239: {  	s1 =	simm.s32 $0x1;
	p1 =	por $0x0, $0x0  }
0x23a: {  	s7 =	rddreg [dreg:$0x4]  }
0x23b: {  	s1 =	rddreg [dreg:$0x7];
	s7 =	sadd.s32 $0x1, s7  }
0x23c: {  	p0 =	sne.s32 s7, s1  }
.Ltmp3:
0x23d: {  	_ = 	snop;
	(pc) =	sbr.rel @p0 .LBB2_1-.Ltmp3, $1  }
0x23e: {  	_ =	sdelay $0x3  }
0x23f: {  	_ =	sfence.sel $0x180000  }
0x240: {  	[bflag:$0x0] =	sbarrier.arrive $0xFFFF  }
0x241: {  	_ =	strace $0x90000047  }
0x242: {  	s0 =	stileid.u32;
	[bflag:$0x2] =	sbarrier.arrive $0xFFFF  }
0x243: {  	p0 =	sne.s32 s0, $0x0;
	s0 =	rddreg [dreg:$0x3]  }
0x244: {  	s0 =	sadd.s32 @!p0 $0x100000, s0  }
0x245: {  	[sflag:s0] =	ssyncadd.tile.s32 @!p0 $0x1;
	_ =	shalt  }
.Lfunc_end2:
_tile_overlayer_lowered:
.L_overlay_start_2:
0x246: {  	(tag) =	ssettag $0x2  }
0x247: {  	s0 =	rddreg [dreg:$0x0];
	s2 =	stileid.u32  }
0x248: {  	s1 =	rddreg [dreg:$0x1];
	p0 =	sne.s32 s2, $0x0  }
0x249: {  	s3 =	rddreg [dreg:$0x2];
	[bflag:$0x3] =	sbarrier.arrive $0xFFFF;
	s2 =	simm.s32 @!p0 $0x1C04  }
0x24a: {  	[timem:s3], [sflag:s2] =	dma.local @!p0 [hbm:s0], s1  }
0x24b: {  	s0 =	simm.s32 @!p0 $0x4  }
0x24c: {  	_ =	swait.ge @!p0 [sflag:s0], s1  }
0x24d: {  	s1 =	ssub.s32 @!p0 $0x0, s1;
	[sflag:s0] =	ssyncset.done @!p0 $0x0  }
0x24e: {  	[sflag:s0] =	ssyncadd.s32 @!p0 s1  }
0x24f: {  	[bflag:$0x3] =	sbarrier.arrive $0xFFFF  }
0x250: {  	_ =	shalt  }

</sc_bundles>
